<compile_context>
chip_gen: v7x
topology: tpu7x:2x2x1
jax: 0.10.2.dev20260603
libtpu: 0.0.44.dev20260713+nightly
codegen_flags: <defaults>
</compile_context>

<pallas_src>
import functools

import jax
import jax.numpy as jnp
from jax import lax
from jax.experimental import pallas as pl
from jax.experimental.pallas import tpu as pltpu
from jax.experimental.pallas import tpu_sc as plsc

N = 10000
E = 320000
EL = 20000
C = 128
NC, NS, L = 2, 16, 16
NW = NC * NS
EPW = E // NW
K = 125
NCHUNK = EPW // K
SB = 8
RING = 2
NP = 10240
HR = NP // L
RPT = NP // NS
K2 = 80
NCH2 = EL // K2

_mesh = functools.partial(
    plsc.VectorSubcoreMesh, core_axis_name="c", subcore_axis_name="s",
    num_cores=NC, num_subcores=NS)


def _worker_id():
  return lax.axis_index("s") * NC + lax.axis_index("c")


def _deg_body(dst_hbm, degp_hbm, idx_v, hist_v, buf_v, res_v, shared_v):
  cid = lax.axis_index("c")
  sid = lax.axis_index("s")
  wid = _worker_id()
  CW = NP // NS

  @pl.loop(0, NP // L)
  def _zero(i):
    hist_v[pl.ds(i * L, L)] = jnp.zeros((L,), jnp.float32)

  pltpu.sync_copy(dst_hbm.at[pl.ds(wid * EPW, EPW)], idx_v)

  @pl.loop(0, EPW // L, unroll=8)
  def _acc(i):
    idx = idx_v[pl.ds(i * L, L)]
    plsc.addupdate_scatter(hist_v, [idx], jnp.ones((L,), jnp.float32))

  pltpu.sync_copy(hist_v, shared_v.at[sid])
  plsc.subcore_barrier()
  for r in range(NS):
    pltpu.sync_copy(shared_v.at[r, pl.ds(sid * CW, CW)], buf_v.at[r])

  @pl.loop(0, CW // L, unroll=4)
  def _sum(i):
    acc = jnp.zeros((L,), jnp.float32)
    for r in range(NS):
      acc += buf_v[r, pl.ds(i * L, L)]
    res_v[pl.ds(i * L, L)] = acc

  pltpu.sync_copy(res_v, degp_hbm.at[cid, pl.ds(sid * CW, CW)])


def _sc_degree(dst_flat):
  return pl.kernel(
      _deg_body,
      out_type=jax.ShapeDtypeStruct((NC, NP), jnp.float32),
      mesh=_mesh(),
      compiler_params=pltpu.CompilerParams(needs_layout_passes=False),
      scratch_types=[
          pltpu.VMEM((EPW,), jnp.int32),
          pltpu.VMEM((NP,), jnp.float32),
          pltpu.VMEM((NS, NP // NS), jnp.float32),
          pltpu.VMEM((NP // NS,), jnp.float32),
          pltpu.VMEM_SHARED((NS, NP), jnp.float32),
      ],
  )(dst_flat)


def _edge_body(y_hbm, src_hbm, dst_hbm, z0_hbm, accp_hbm,
               src_v, dst_v, rows_v, acc_sh, sg, ss):
  cid = lax.axis_index("c")
  sid = lax.axis_index("s")
  wid = _worker_id()

  pltpu.sync_copy(z0_hbm.at[pl.ds(sid * RPT, RPT)],
                  acc_sh.at[pl.ds(sid * RPT, RPT)])
  plsc.subcore_barrier()

  def stage(ob):
    slot = lax.rem(ob, 2)
    pltpu.sync_copy(src_hbm.at[wid, pl.ds(ob * SB, SB)], src_v.at[slot])
    pltpu.sync_copy(dst_hbm.at[wid, pl.ds(ob * SB, SB)], dst_v.at[slot])

  def g_desc(j, b):
    return pltpu.make_async_copy(
        y_hbm.at[src_v.at[lax.rem(j // SB, 2), lax.rem(j, SB)]],
        rows_v.at[b], sg.at[b])

  def s_start(j, b):
    pltpu.async_copy(
        rows_v.at[b],
        acc_sh.at[dst_v.at[lax.rem(j // SB, 2), lax.rem(j, SB)]],
        ss.at[b], add=True)

  def s_wait(b):
    pltpu.make_async_copy(rows_v.at[b], acc_sh.at[pl.ds(0, K)],
                          ss.at[b]).wait()

  AH = RING // 2

  stage(0)
  for b in range(AH):
    g_desc(b, b).start()

  @pl.loop(0, NCHUNK // RING)
  def _group(q):
    for u in range(RING):
      j = q * RING + u
      g_desc(j, u).wait()
      s_start(j, u)
      jn = j + AH
      bn = (u + AH) % RING

      @pl.when(jn < NCHUNK)
      def _next():
        @pl.when(lax.rem(jn, SB) == 0)
        def _stage():
          stage(jn // SB)

        @pl.when(j >= AH)
        def _free():
          s_wait(bn)

        g_desc(jn, bn).start()

  for u in range(RING):
    s_wait((NCHUNK - RING + u) % RING)

  plsc.subcore_barrier()
  pltpu.sync_copy(acc_sh.at[pl.ds(sid * RPT, RPT)],
                  accp_hbm.at[cid, pl.ds(sid * RPT, RPT)])


def _sc_edge(y, src3, dst3, z0):
  return pl.kernel(
      _edge_body,
      out_type=jax.ShapeDtypeStruct((NC, NP, C), jnp.float32),
      mesh=_mesh(),
      compiler_params=pltpu.CompilerParams(needs_layout_passes=False),
      scratch_types=[
          pltpu.VMEM((2, SB, K), jnp.int32),
          pltpu.VMEM((2, SB, K), jnp.int32),
          pltpu.VMEM((RING, K, C), jnp.float32),
          pltpu.VMEM_SHARED((NP, C), jnp.float32),
          pltpu.SemaphoreType.DMA((RING,)),
          pltpu.SemaphoreType.DMA((RING,)),
      ],
  )(y, src3, dst3, z0)


def _decode_body(z_hbm, la_hbm, lb_hbm, za_hbm, zb_hbm,
                 ia_v, ib_v, ra_v, rb_v, sg):
  wid = _worker_id()
  NI = (NCH2 + NW - 1) // NW

  def stage_and_gather(i, slot):
    c = wid + i * NW

    @pl.when(c < NCH2)
    def _do():
      pltpu.sync_copy(la_hbm.at[c], ia_v.at[slot])
      pltpu.sync_copy(lb_hbm.at[c], ib_v.at[slot])
      pltpu.async_copy(z_hbm.at[ia_v.at[slot]], ra_v.at[slot], sg.at[slot])
      pltpu.async_copy(z_hbm.at[ib_v.at[slot]], rb_v.at[slot], sg.at[slot])

  def wait_rows(slot):
    pltpu.make_async_copy(z_hbm.at[pl.ds(0, K2)], ra_v.at[slot],
                          sg.at[slot]).wait()
    pltpu.make_async_copy(z_hbm.at[pl.ds(0, K2)], rb_v.at[slot],
                          sg.at[slot]).wait()

  stage_and_gather(0, 0)

  @pl.loop(0, NI)
  def _chunk(i):
    c = wid + i * NW
    slot = lax.rem(i, 2)
    stage_and_gather(i + 1, 1 - slot)

    @pl.when(c < NCH2)
    def _do():
      wait_rows(slot)
      pltpu.sync_copy(ra_v.at[slot], za_hbm.at[pl.ds(c * K2, K2)])
      pltpu.sync_copy(rb_v.at[slot], zb_hbm.at[pl.ds(c * K2, K2)])


def _sc_decode_gather(z, la2, lb2):
  return pl.kernel(
      _decode_body,
      out_type=(jax.ShapeDtypeStruct((EL, C), jnp.float32),
                jax.ShapeDtypeStruct((EL, C), jnp.float32)),
      mesh=_mesh(),
      compiler_params=pltpu.CompilerParams(needs_layout_passes=False),
      scratch_types=[
          pltpu.VMEM((2, K2), jnp.int32),
          pltpu.VMEM((2, K2), jnp.int32),
          pltpu.VMEM((2, K2, C), jnp.float32),
          pltpu.VMEM((2, K2, C), jnp.float32),
          pltpu.SemaphoreType.DMA((2,)),
      ],
  )(z, la2, lb2)


B = 1000


def _dinv(degp_blk):
  deg = degp_blk[:, 0] + degp_blk[:, 1] + 1.0
  return lax.rsqrt(deg)


def _tc1_body(x_ref, w_ref, degp_ref, y_ref):
  dinv = _dinv(degp_ref[...])
  xw = jnp.dot(x_ref[...], w_ref[...], preferred_element_type=jnp.float32,
               precision=lax.Precision.HIGHEST)
  y_ref[...] = xw * dinv[:, None]


def _tc1(x, W1, degp):
  return pl.pallas_call(
      _tc1_body,
      grid=(N // B,),
      in_specs=[
          pl.BlockSpec((B, C), lambda i: (i, 0)),
          pl.BlockSpec((C, C), lambda i: (0, 0)),
          pl.BlockSpec((B, 2), lambda i: (i, 0)),
      ],
      out_specs=pl.BlockSpec((B, C), lambda i: (i, 0)),
      out_shape=jax.ShapeDtypeStruct((N, C), jnp.float32),
  )(x, W1, degp)


def _tc2_body(accp_ref, y1_ref, degp_ref, b1_ref, w_ref, y2_ref):
  dinv = _dinv(degp_ref[...])
  pre = (accp_ref[0] + accp_ref[1] + y1_ref[...]) * dinv[:, None] + b1_ref[0, :]
  h = jnp.maximum(pre, 0.0)
  xw = jnp.dot(h, w_ref[...], preferred_element_type=jnp.float32,
               precision=lax.Precision.HIGHEST)
  y2_ref[...] = xw * dinv[:, None]


def _tc2(accp, y1, degp, b1, W2):
  return pl.pallas_call(
      _tc2_body,
      grid=(N // B,),
      in_specs=[
          pl.BlockSpec((2, B, C), lambda i: (0, i, 0)),
          pl.BlockSpec((B, C), lambda i: (i, 0)),
          pl.BlockSpec((B, 2), lambda i: (i, 0)),
          pl.BlockSpec((1, C), lambda i: (0, 0)),
          pl.BlockSpec((C, C), lambda i: (0, 0)),
      ],
      out_specs=pl.BlockSpec((B, C), lambda i: (i, 0)),
      out_shape=jax.ShapeDtypeStruct((N, C), jnp.float32),
  )(accp, y1, degp, b1, W2)


def _tc3_body(accp_ref, y2_ref, degp_ref, b2_ref, z_ref):
  dinv = _dinv(degp_ref[...])
  z_ref[...] = ((accp_ref[0] + accp_ref[1] + y2_ref[...]) * dinv[:, None]
                + b2_ref[0, :])


def _tc3(accp, y2, degp, b2):
  return pl.pallas_call(
      _tc3_body,
      grid=(N // B,),
      in_specs=[
          pl.BlockSpec((2, B, C), lambda i: (0, i, 0)),
          pl.BlockSpec((B, C), lambda i: (i, 0)),
          pl.BlockSpec((B, 2), lambda i: (i, 0)),
          pl.BlockSpec((1, C), lambda i: (0, 0)),
      ],
      out_specs=pl.BlockSpec((B, C), lambda i: (i, 0)),
      out_shape=jax.ShapeDtypeStruct((N, C), jnp.float32),
  )(accp, y2, degp, b2)


def _tc4_body(za_ref, zb_ref, s_ref):
  s_ref[...] = jnp.sum(za_ref[...] * zb_ref[...], axis=1, keepdims=True)


def _tc4(za, zb):
  BD = 2000
  return pl.pallas_call(
      _tc4_body,
      grid=(EL // BD,),
      in_specs=[
          pl.BlockSpec((BD, C), lambda i: (i, 0)),
          pl.BlockSpec((BD, C), lambda i: (i, 0)),
      ],
      out_specs=pl.BlockSpec((BD, 1), lambda i: (i, 0)),
      out_shape=jax.ShapeDtypeStruct((EL, 1), jnp.float32),
  )(za, zb)


def kernel(x, edge_index, edge_label_index, W1, b1, W2, b2):
  ei = edge_index.astype(jnp.int32)
  el = edge_label_index.astype(jnp.int32)
  src3 = ei[0].reshape(NW, NCHUNK, K)
  dst3 = ei[1].reshape(NW, NCHUNK, K)
  dst_flat = ei[1]
  la2 = el[0].reshape(NCH2, K2)
  lb2 = el[1].reshape(NCH2, K2)
  b1r = b1.reshape(1, C)
  b2r = b2.reshape(1, C)

  degp = _sc_degree(dst_flat).T
  y1 = _tc1(x, W1, degp)
  z0 = jnp.zeros((NP, C), jnp.float32)
  accp1 = _sc_edge(y1, src3, dst3, z0)
  y2 = _tc2(accp1, y1, degp, b1r, W2)
  accp2 = _sc_edge(y2, src3, dst3, z0)
  z = _tc3(accp2, y2, degp, b2r)
  za, zb = _sc_decode_gather(z, la2, lb2)
  scores = _tc4(za, zb).reshape(EL)
  return scores

# --- scband reference (transcript-rebuilt; emitter-appended) ---
"""Pipeline reference for scband-net-51960514347273 (READ-ONLY COPY).

The authoritative reference and input builder live on the scoring server;
editing this copy changes nothing except your own understanding.
"""

import jax, jax.numpy as jnp
import numpy as np

N_NODES = 10000
N_EDGES = 320000
N_LABEL_EDGES = 20000
IN_CH = 128
HID_CH = 128
OUT_CH = 128


def gcn_conv(x, edge_index, W, b):
    # GCNConv with added self-loops and symmetric normalization, faithful to PyG defaults
    N = x.shape[0]
    loop = jnp.arange(N, dtype=edge_index.dtype)
    src = jnp.concatenate([edge_index[0], loop])
    dst = jnp.concatenate([edge_index[1], loop])
    deg = jax.ops.segment_sum(jnp.ones(src.shape[0], dtype=x.dtype), dst, num_segments=N)
    deg_inv_sqrt = jnp.where(deg > 0, jax.lax.rsqrt(jnp.maximum(deg, 1e-12)), 0.0)
    norm = deg_inv_sqrt[src] * deg_inv_sqrt[dst]
    xw = x @ W
    msg = jnp.take(xw, src, axis=0) * norm[:, None]
    out = jax.ops.segment_sum(msg, dst, num_segments=N)
    return out + b


def setup_inputs(seed: int = 0) -> dict:
    key = jax.random.key(seed)
    k_x, k_e, k_el, k_w1, k_w2 = jax.random.split(key, 5)
    x = jax.random.normal(k_x, (N_NODES, IN_CH), dtype=jnp.float32)
    edge_index = jax.random.randint(k_e, (2, N_EDGES), 0, N_NODES, dtype=jnp.int64)
    edge_label_index = jax.random.randint(k_el, (2, N_LABEL_EDGES), 0, N_NODES, dtype=jnp.int64)
    # Glorot-style init for GCN weights, zeros for bias (PyG default)
    W1 = jax.random.normal(k_w1, (IN_CH, HID_CH), dtype=jnp.float32) * (1.0 / np.sqrt(IN_CH))
    b1 = jnp.zeros((HID_CH,), dtype=jnp.float32)
    W2 = jax.random.normal(k_w2, (HID_CH, OUT_CH), dtype=jnp.float32) * (1.0 / np.sqrt(HID_CH))
    b2 = jnp.zeros((OUT_CH,), dtype=jnp.float32)
    return {"x": x, "edge_index": edge_index, "edge_label_index": edge_label_index,
            "W1": W1, "b1": b1, "W2": W2, "b2": b2}


def reference(x, edge_index, edge_label_index, W1, b1, W2, b2):
    # encode
    h = jax.nn.relu(gcn_conv(x, edge_index, W1, b1))
    z = gcn_conv(h, edge_index, W2, b2)
    # decode: dot-product link scores for labeled edge pairs
    scores = (jnp.take(z, edge_label_index[0], axis=0) * jnp.take(z, edge_label_index[1], axis=0)).sum(axis=-1)
    return scores

if __name__ == "__main__":
    import jax
    _d = setup_inputs()
    print(jax.jit(kernel)(*tuple(_d.values())))

</pallas_src>

<mosaic_0001>
#map = affine_map<(d0, d1) -> (0)>
#map1 = affine_map<(d0, d1) -> (0, 0)>
module attributes {stable_mosaic.version = 14 : i64} {
  func.func @_deg_body(%arg0: i32, %arg1: i32, %arg2: memref<320000xi32, #tpu.memory_space<hbm>>, %arg3: memref<2x10240xf32, #tpu.memory_space<hbm>>, %arg4: memref<10000xi32, #tpu.memory_space<vmem>>, %arg5: memref<10240xf32, #tpu.memory_space<vmem>>, %arg6: memref<16x640xf32, #tpu.memory_space<vmem>>, %arg7: memref<640xf32, #tpu.memory_space<vmem>>, %arg8: memref<16x10240xf32, #tpu.memory_space<vmem_shared>>) attributes {dimension_semantics = [#tpu.dimension_semantics<core_parallel>, #tpu.dimension_semantics<subcore_parallel>], iteration_bounds = array<i64: 2, 16>, scalar_prefetch = 0 : i64, scratch_operands = 5 : i64, tpu.core_type = #tpu.core_type<sc_vector_subcore>, window_params = [{transform_indices = #map}, {transform_indices = #map1}]} {
    %mul3A = arith.constant 2 : i32
    %mul3A_0 = arith.muli %arg1, %mul3A : i32
    %add3A = arith.addi %mul3A_0, %arg0 : i32
    %scan3A = arith.constant 0 : i32
    %scan3A_1 = arith.constant 640 : i32
    %scan3A_2 = arith.addi %scan3A, %scan3A_1 : i32
    %scan3A_3 = arith.constant 1 : i32
    scf.for %scan3A_92 = %scan3A to %scan3A_2 step %scan3A_3  : i32 {
      %mul3A_93 = arith.constant 1 : i32
      %mul3A_94 = arith.muli %scan3A_92, %mul3A_93 : i32
      %add3A_95 = arith.constant 0 : i32
      %add3A_96 = arith.addi %add3A_95, %mul3A_94 : i32
      %broadcast_in_dim3A_97 = arith.constant 0.000000e+00 : f32
      %broadcast_in_dim3A_98 = vector.broadcast %broadcast_in_dim3A_97 : f32 to vector<16xf32>
      %mul3A_99 = arith.constant 16 : i32
      %mul3A_100 = arith.muli %add3A_96, %mul3A_99 : i32
      %swap3A = arith.index_cast %mul3A_100 : i32 to index
      %swap3A_101 = tpu.vector_load %arg5[%swap3A] {strides = array<i32>} : memref<10240xf32, #tpu.memory_space<vmem>>, vector<16xf32>,
      tpu.vector_store %arg5[%swap3A], %broadcast_in_dim3A_98 {strides = array<i32>} : memref<10240xf32, #tpu.memory_space<vmem>>, vector<16xf32>,
    }
    %scan3A_4 = arith.constant 640 : i32
    %mul3A_5 = arith.constant 10000 : i32
    %mul3A_6 = arith.muli %add3A, %mul3A_5 : i32
    "tpu.region"() ({
      %run_scoped3A_92 = tpu.sem_alloc : memref<!tpu.dma_semaphore, #tpu.memory_space<semaphore_mem>>
      %dma_start3A = tpu.memref_slice %arg2[%mul3A_6] : memref<320000xi32, #tpu.memory_space<hbm>> -> memref<10000xi32, #tpu.memory_space<hbm>>
      %dma_start3A_93 = tpu.memref_slice %arg2[%mul3A_6] : memref<320000xi32, #tpu.memory_space<hbm>> -> memref<10000xi32, #tpu.memory_space<hbm>>
      tpu.enqueue_dma source(%dma_start3A_93 : memref<10000xi32, #tpu.memory_space<hbm>>) target(%arg4 : memref<10000xi32, #tpu.memory_space<vmem>>) target_semaphore(%run_scoped3A_92 : memref<!tpu.dma_semaphore, #tpu.memory_space<semaphore_mem>>)
      %dma_wait3A = tpu.memref_slice %arg2[%mul3A_6] : memref<320000xi32, #tpu.memory_space<hbm>> -> memref<10000xi32, #tpu.memory_space<hbm>>
      %dma_wait3A_94 = tpu.memref_slice %arg2[%mul3A_6] : memref<320000xi32, #tpu.memory_space<hbm>> -> memref<10000xi32, #tpu.memory_space<hbm>>
      tpu.wait_dma2 semaphore(%run_scoped3A_92 : memref<!tpu.dma_semaphore, #tpu.memory_space<semaphore_mem>>) src(%dma_wait3A_94 : memref<10000xi32, #tpu.memory_space<hbm>>) dst(%arg4 : memref<10000xi32, #tpu.memory_space<vmem>>)
      tpu.yield
    }) : () -> ()
    %scan3A_7 = arith.constant 0 : i32
    %scan3A_8 = arith.constant 624 : i32
    %scan3A_9 = arith.addi %scan3A_7, %scan3A_8 : i32
    %scan3A_10 = arith.constant 8 : i32
    scf.for %scan3A_92 = %scan3A_7 to %scan3A_9 step %scan3A_10  : i32 {
      %mul3A_93 = arith.constant 1 : i32
      %mul3A_94 = arith.muli %scan3A_92, %mul3A_93 : i32
      %add3A_95 = arith.constant 0 : i32
      %add3A_96 = arith.addi %add3A_95, %mul3A_94 : i32
      %mul3A_97 = arith.constant 16 : i32
      %mul3A_98 = arith.muli %add3A_96, %mul3A_97 : i32
      %get3A_99 = arith.index_cast %mul3A_98 : i32 to index
      %get3A_100 = tpu.vector_load %arg4[%get3A_99] {strides = array<i32>} : memref<10000xi32, #tpu.memory_space<vmem>>, vector<16xi32>,
      %broadcast_in_dim3A_101 = arith.constant 1.000000e+00 : f32
      %broadcast_in_dim3A_102 = vector.broadcast %broadcast_in_dim3A_101 : f32 to vector<16xf32>
      tpu.vector_store_idx %arg5[%get3A_100], %broadcast_in_dim3A_102 {add = true} : memref<10240xf32, #tpu.memory_space<vmem>>[vector<16xi32>], vector<16xf32>,
      %scan3A_103 = arith.constant 1 : i32
      %scan3A_104 = arith.addi %scan3A_92, %scan3A_103 : i32
      %mul3A_105 = arith.constant 1 : i32
      %mul3A_106 = arith.muli %scan3A_104, %mul3A_105 : i32
      %add3A_107 = arith.constant 0 : i32
      %add3A_108 = arith.addi %add3A_107, %mul3A_106 : i32
      %mul3A_109 = arith.constant 16 : i32
      %mul3A_110 = arith.muli %add3A_108, %mul3A_109 : i32
      %get3A_111 = arith.index_cast %mul3A_110 : i32 to index
      %get3A_112 = tpu.vector_load %arg4[%get3A_111] {strides = array<i32>} : memref<10000xi32, #tpu.memory_space<vmem>>, vector<16xi32>,
      %broadcast_in_dim3A_113 = arith.constant 1.000000e+00 : f32
      %broadcast_in_dim3A_114 = vector.broadcast %broadcast_in_dim3A_113 : f32 to vector<16xf32>
      tpu.vector_store_idx %arg5[%get3A_112], %broadcast_in_dim3A_114 {add = true} : memref<10240xf32, #tpu.memory_space<vmem>>[vector<16xi32>], vector<16xf32>,
      %scan3A_115 = arith.constant 2 : i32
      %scan3A_116 = arith.addi %scan3A_92, %scan3A_115 : i32
      %mul3A_117 = arith.constant 1 : i32
      %mul3A_118 = arith.muli %scan3A_116, %mul3A_117 : i32
      %add3A_119 = arith.constant 0 : i32
      %add3A_120 = arith.addi %add3A_119, %mul3A_118 : i32
      %mul3A_121 = arith.constant 16 : i32
      %mul3A_122 = arith.muli %add3A_120, %mul3A_121 : i32
      %get3A_123 = arith.index_cast %mul3A_122 : i32 to index
      %get3A_124 = tpu.vector_load %arg4[%get3A_123] {strides = array<i32>} : memref<10000xi32, #tpu.memory_space<vmem>>, vector<16xi32>,
      %broadcast_in_dim3A_125 = arith.constant 1.000000e+00 : f32
      %broadcast_in_dim3A_126 = vector.broadcast %broadcast_in_dim3A_125 : f32 to vector<16xf32>
      tpu.vector_store_idx %arg5[%get3A_124], %broadcast_in_dim3A_126 {add = true} : memref<10240xf32, #tpu.memory_space<vmem>>[vector<16xi32>], vector<16xf32>,
      %scan3A_127 = arith.constant 3 : i32
      %scan3A_128 = arith.addi %scan3A_92, %scan3A_127 : i32
      %mul3A_129 = arith.constant 1 : i32
      %mul3A_130 = arith.muli %scan3A_128, %mul3A_129 : i32
      %add3A_131 = arith.constant 0 : i32
      %add3A_132 = arith.addi %add3A_131, %mul3A_130 : i32
      %mul3A_133 = arith.constant 16 : i32
      %mul3A_134 = arith.muli %add3A_132, %mul3A_133 : i32
      %get3A_135 = arith.index_cast %mul3A_134 : i32 to index
      %get3A_136 = tpu.vector_load %arg4[%get3A_135] {strides = array<i32>} : memref<10000xi32, #tpu.memory_space<vmem>>, vector<16xi32>,
      %broadcast_in_dim3A_137 = arith.constant 1.000000e+00 : f32
      %broadcast_in_dim3A_138 = vector.broadcast %broadcast_in_dim3A_137 : f32 to vector<16xf32>
      tpu.vector_store_idx %arg5[%get3A_136], %broadcast_in_dim3A_138 {add = true} : memref<10240xf32, #tpu.memory_space<vmem>>[vector<16xi32>], vector<16xf32>,
      %scan3A_139 = arith.constant 4 : i32
      %scan3A_140 = arith.addi %scan3A_92, %scan3A_139 : i32
      %mul3A_141 = arith.constant 1 : i32
      %mul3A_142 = arith.muli %scan3A_140, %mul3A_141 : i32
      %add3A_143 = arith.constant 0 : i32
      %add3A_144 = arith.addi %add3A_143, %mul3A_142 : i32
      %mul3A_145 = arith.constant 16 : i32
      %mul3A_146 = arith.muli %add3A_144, %mul3A_145 : i32
      %get3A_147 = arith.index_cast %mul3A_146 : i32 to index
      %get3A_148 = tpu.vector_load %arg4[%get3A_147] {strides = array<i32>} : memref<10000xi32, #tpu.memory_space<vmem>>, vector<16xi32>,
      %broadcast_in_dim3A_149 = arith.constant 1.000000e+00 : f32
      %broadcast_in_dim3A_150 = vector.broadcast %broadcast_in_dim3A_149 : f32 to vector<16xf32>
      tpu.vector_store_idx %arg5[%get3A_148], %broadcast_in_dim3A_150 {add = true} : memref<10240xf32, #tpu.memory_space<vmem>>[vector<16xi32>], vector<16xf32>,
      %scan3A_151 = arith.constant 5 : i32
      %scan3A_152 = arith.addi %scan3A_92, %scan3A_151 : i32
      %mul3A_153 = arith.constant 1 : i32
      %mul3A_154 = arith.muli %scan3A_152, %mul3A_153 : i32
      %add3A_155 = arith.constant 0 : i32
      %add3A_156 = arith.addi %add3A_155, %mul3A_154 : i32
      %mul3A_157 = arith.constant 16 : i32
      %mul3A_158 = arith.muli %add3A_156, %mul3A_157 : i32
      %get3A_159 = arith.index_cast %mul3A_158 : i32 to index
      %get3A_160 = tpu.vector_load %arg4[%get3A_159] {strides = array<i32>} : memref<10000xi32, #tpu.memory_space<vmem>>, vector<16xi32>,
      %broadcast_in_dim3A_161 = arith.constant 1.000000e+00 : f32
      %broadcast_in_dim3A_162 = vector.broadcast %broadcast_in_dim3A_161 : f32 to vector<16xf32>
      tpu.vector_store_idx %arg5[%get3A_160], %broadcast_in_dim3A_162 {add = true} : memref<10240xf32, #tpu.memory_space<vmem>>[vector<16xi32>], vector<16xf32>,
      %scan3A_163 = arith.constant 6 : i32
      %scan3A_164 = arith.addi %scan3A_92, %scan3A_163 : i32
      %mul3A_165 = arith.constant 1 : i32
      %mul3A_166 = arith.muli %scan3A_164, %mul3A_165 : i32
      %add3A_167 = arith.constant 0 : i32
      %add3A_168 = arith.addi %add3A_167, %mul3A_166 : i32
      %mul3A_169 = arith.constant 16 : i32
      %mul3A_170 = arith.muli %add3A_168, %mul3A_169 : i32
      %get3A_171 = arith.index_cast %mul3A_170 : i32 to index
      %get3A_172 = tpu.vector_load %arg4[%get3A_171] {strides = array<i32>} : memref<10000xi32, #tpu.memory_space<vmem>>, vector<16xi32>,
      %broadcast_in_dim3A_173 = arith.constant 1.000000e+00 : f32
      %broadcast_in_dim3A_174 = vector.broadcast %broadcast_in_dim3A_173 : f32 to vector<16xf32>
      tpu.vector_store_idx %arg5[%get3A_172], %broadcast_in_dim3A_174 {add = true} : memref<10240xf32, #tpu.memory_space<vmem>>[vector<16xi32>], vector<16xf32>,
      %scan3A_175 = arith.constant 7 : i32
      %scan3A_176 = arith.addi %scan3A_92, %scan3A_175 : i32
      %mul3A_177 = arith.constant 1 : i32
      %mul3A_178 = arith.muli %scan3A_176, %mul3A_177 : i32
      %add3A_179 = arith.constant 0 : i32
      %add3A_180 = arith.addi %add3A_179, %mul3A_178 : i32
      %mul3A_181 = arith.constant 16 : i32
      %mul3A_182 = arith.muli %add3A_180, %mul3A_181 : i32
      %get3A_183 = arith.index_cast %mul3A_182 : i32 to index
      %get3A_184 = tpu.vector_load %arg4[%get3A_183] {strides = array<i32>} : memref<10000xi32, #tpu.memory_space<vmem>>, vector<16xi32>,
      %broadcast_in_dim3A_185 = arith.constant 1.000000e+00 : f32
      %broadcast_in_dim3A_186 = vector.broadcast %broadcast_in_dim3A_185 : f32 to vector<16xf32>
      tpu.vector_store_idx %arg5[%get3A_184], %broadcast_in_dim3A_186 {add = true} : memref<10240xf32, #tpu.memory_space<vmem>>[vector<16xi32>], vector<16xf32>,
    }
    %scan3A_11 = arith.constant 624 : i32
    %scan3A_12 = arith.addi %scan3A_7, %scan3A_11 : i32
    %mul3A_13 = arith.constant 1 : i32
    %mul3A_14 = arith.muli %scan3A_12, %mul3A_13 : i32
    %add3A_15 = arith.constant 0 : i32
    %add3A_16 = arith.addi %add3A_15, %mul3A_14 : i32
    %mul3A_17 = arith.constant 16 : i32
    %mul3A_18 = arith.muli %add3A_16, %mul3A_17 : i32
    %get3A = arith.index_cast %mul3A_18 : i32 to index
    %get3A_19 = tpu.vector_load %arg4[%get3A] {strides = array<i32>} : memref<10000xi32, #tpu.memory_space<vmem>>, vector<16xi32>,
    %broadcast_in_dim3A = arith.constant 1.000000e+00 : f32
    %broadcast_in_dim3A_20 = vector.broadcast %broadcast_in_dim3A : f32 to vector<16xf32>
    tpu.vector_store_idx %arg5[%get3A_19], %broadcast_in_dim3A_20 {add = true} : memref<10240xf32, #tpu.memory_space<vmem>>[vector<16xi32>], vector<16xf32>,
    %scan3A_21 = arith.constant 625 : i32
    "tpu.region"() ({
      %run_scoped3A_92 = tpu.sem_alloc : memref<!tpu.dma_semaphore, #tpu.memory_space<semaphore_mem>>
      %dma_start3A = arith.constant 0 : i32
      %dma_start3A_93 = tpu.memref_slice %arg8[%arg1, %dma_start3A] : memref<16x10240xf32, #tpu.memory_space<vmem_shared>> -> memref<1x10240xf32, #tpu.memory_space<vmem_shared>>
      %dma_start3A_94 = tpu.memref_squeeze %dma_start3A_93 : memref<1x10240xf32, #tpu.memory_space<vmem_shared>> -> memref<10240xf32, #tpu.memory_space<vmem_shared>>
      %dma_start3A_95 = arith.constant 0 : i32
      %dma_start3A_96 = tpu.memref_slice %arg8[%arg1, %dma_start3A_95] : memref<16x10240xf32, #tpu.memory_space<vmem_shared>> -> memref<1x10240xf32, #tpu.memory_space<vmem_shared>>
      %dma_start3A_97 = tpu.memref_squeeze %dma_start3A_96 : memref<1x10240xf32, #tpu.memory_space<vmem_shared>> -> memref<10240xf32, #tpu.memory_space<vmem_shared>>
      tpu.enqueue_dma source(%arg5 : memref<10240xf32, #tpu.memory_space<vmem>>) target(%dma_start3A_97 : memref<10240xf32, #tpu.memory_space<vmem_shared>>) target_semaphore(%run_scoped3A_92 : memref<!tpu.dma_semaphore, #tpu.memory_space<semaphore_mem>>)
      %dma_wait3A = arith.constant 0 : i32
      %dma_wait3A_98 = tpu.memref_slice %arg8[%arg1, %dma_wait3A] : memref<16x10240xf32, #tpu.memory_space<vmem_shared>> -> memref<1x10240xf32, #tpu.memory_space<vmem_shared>>
      %dma_wait3A_99 = tpu.memref_squeeze %dma_wait3A_98 : memref<1x10240xf32, #tpu.memory_space<vmem_shared>> -> memref<10240xf32, #tpu.memory_space<vmem_shared>>
      %dma_wait3A_100 = arith.constant 0 : i32
      %dma_wait3A_101 = tpu.memref_slice %arg8[%arg1, %dma_wait3A_100] : memref<16x10240xf32, #tpu.memory_space<vmem_shared>> -> memref<1x10240xf32, #tpu.memory_space<vmem_shared>>
      %dma_wait3A_102 = tpu.memref_squeeze %dma_wait3A_101 : memref<1x10240xf32, #tpu.memory_space<vmem_shared>> -> memref<10240xf32, #tpu.memory_space<vmem_shared>>
      tpu.wait_dma2 semaphore(%run_scoped3A_92 : memref<!tpu.dma_semaphore, #tpu.memory_space<semaphore_mem>>) src(%arg5 : memref<10240xf32, #tpu.memory_space<vmem>>) dst(%dma_wait3A_102 : memref<10240xf32, #tpu.memory_space<vmem_shared>>)
      tpu.yield
    }) : () -> ()
    %barrier3A = arith.constant 0 : index
    tpu.barrier barrier_id(%barrier3A)
    %mul3A_22 = arith.constant 640 : i32
    %mul3A_23 = arith.muli %arg1, %mul3A_22 : i32
    %run_scoped3A = arith.constant 0 : i32
    %run_scoped3A_24 = arith.constant 0 : i32
    "tpu.region"() ({
      %run_scoped3A_92 = tpu.sem_alloc : memref<!tpu.dma_semaphore, #tpu.memory_space<semaphore_mem>>
      %dma_start3A = arith.constant 0 : i32
      %dma_start3A_93 = tpu.memref_slice %arg6[%run_scoped3A_24, %dma_start3A] : memref<16x640xf32, #tpu.memory_space<vmem>> -> memref<1x640xf32, #tpu.memory_space<vmem>>
      %dma_start3A_94 = tpu.memref_squeeze %dma_start3A_93 : memref<1x640xf32, #tpu.memory_space<vmem>> -> memref<640xf32, #tpu.memory_space<vmem>>
      %dma_start3A_95 = tpu.memref_slice %arg8[%run_scoped3A, %mul3A_23] : memref<16x10240xf32, #tpu.memory_space<vmem_shared>> -> memref<1x640xf32, #tpu.memory_space<vmem_shared>>
      %dma_start3A_96 = tpu.memref_squeeze %dma_start3A_95 : memref<1x640xf32, #tpu.memory_space<vmem_shared>> -> memref<640xf32, #tpu.memory_space<vmem_shared>>
      %dma_start3A_97 = arith.constant 0 : i32
      %dma_start3A_98 = tpu.memref_slice %arg6[%run_scoped3A_24, %dma_start3A_97] : memref<16x640xf32, #tpu.memory_space<vmem>> -> memref<1x640xf32, #tpu.memory_space<vmem>>
      %dma_start3A_99 = tpu.memref_squeeze %dma_start3A_98 : memref<1x640xf32, #tpu.memory_space<vmem>> -> memref<640xf32, #tpu.memory_space<vmem>>
      %dma_start3A_100 = tpu.memref_slice %arg8[%run_scoped3A, %mul3A_23] : memref<16x10240xf32, #tpu.memory_space<vmem_shared>> -> memref<1x640xf32, #tpu.memory_space<vmem_shared>>
      %dma_start3A_101 = tpu.memref_squeeze %dma_start3A_100 : memref<1x640xf32, #tpu.memory_space<vmem_shared>> -> memref<640xf32, #tpu.memory_space<vmem_shared>>
      tpu.enqueue_dma source(%dma_start3A_101 : memref<640xf32, #tpu.memory_space<vmem_shared>>) target(%dma_start3A_99 : memref<640xf32, #tpu.memory_space<vmem>>) target_semaphore(%run_scoped3A_92 : memref<!tpu.dma_semaphore, #tpu.memory_space<semaphore_mem>>)
      %dma_wait3A = arith.constant 0 : i32
      %dma_wait3A_102 = tpu.memref_slice %arg6[%run_scoped3A_24, %dma_wait3A] : memref<16x640xf32, #tpu.memory_space<vmem>> -> memref<1x640xf32, #tpu.memory_space<vmem>>
      %dma_wait3A_103 = tpu.memref_squeeze %dma_wait3A_102 : memref<1x640xf32, #tpu.memory_space<vmem>> -> memref<640xf32, #tpu.memory_space<vmem>>
      %dma_wait3A_104 = tpu.memref_slice %arg8[%run_scoped3A, %mul3A_23] : memref<16x10240xf32, #tpu.memory_space<vmem_shared>> -> memref<1x640xf32, #tpu.memory_space<vmem_shared>>
      %dma_wait3A_105 = tpu.memref_squeeze %dma_wait3A_104 : memref<1x640xf32, #tpu.memory_space<vmem_shared>> -> memref<640xf32, #tpu.memory_space<vmem_shared>>
      %dma_wait3A_106 = arith.constant 0 : i32
      %dma_wait3A_107 = tpu.memref_slice %arg6[%run_scoped3A_24, %dma_wait3A_106] : memref<16x640xf32, #tpu.memory_space<vmem>> -> memref<1x640xf32, #tpu.memory_space<vmem>>
      %dma_wait3A_108 = tpu.memref_squeeze %dma_wait3A_107 : memref<1x640xf32, #tpu.memory_space<vmem>> -> memref<640xf32, #tpu.memory_space<vmem>>
      %dma_wait3A_109 = tpu.memref_slice %arg8[%run_scoped3A, %mul3A_23] : memref<16x10240xf32, #tpu.memory_space<vmem_shared>> -> memref<1x640xf32, #tpu.memory_space<vmem_shared>>
      %dma_wait3A_110 = tpu.memref_squeeze %dma_wait3A_109 : memref<1x640xf32, #tpu.memory_space<vmem_shared>> -> memref<640xf32, #tpu.memory_space<vmem_shared>>
      tpu.wait_dma2 semaphore(%run_scoped3A_92 : memref<!tpu.dma_semaphore, #tpu.memory_space<semaphore_mem>>) src(%dma_wait3A_110 : memref<640xf32, #tpu.memory_space<vmem_shared>>) dst(%dma_wait3A_108 : memref<640xf32, #tpu.memory_space<vmem>>)
      tpu.yield
    }) : () -> ()
    %mul3A_25 = arith.constant 640 : i32
    %mul3A_26 = arith.muli %arg1, %mul3A_25 : i32
    %run_scoped3A_27 = arith.constant 1 : i32
    %run_scoped3A_28 = arith.constant 1 : i32
    "tpu.region"() ({
      %run_scoped3A_92 = tpu.sem_alloc : memref<!tpu.dma_semaphore, #tpu.memory_space<semaphore_mem>>
      %dma_start3A = arith.constant 0 : i32
      %dma_start3A_93 = tpu.memref_slice %arg6[%run_scoped3A_28, %dma_start3A] : memref<16x640xf32, #tpu.memory_space<vmem>> -> memref<1x640xf32, #tpu.memory_space<vmem>>
      %dma_start3A_94 = tpu.memref_squeeze %dma_start3A_93 : memref<1x640xf32, #tpu.memory_space<vmem>> -> memref<640xf32, #tpu.memory_space<vmem>>
      %dma_start3A_95 = tpu.memref_slice %arg8[%run_scoped3A_27, %mul3A_26] : memref<16x10240xf32, #tpu.memory_space<vmem_shared>> -> memref<1x640xf32, #tpu.memory_space<vmem_shared>>
      %dma_start3A_96 = tpu.memref_squeeze %dma_start3A_95 : memref<1x640xf32, #tpu.memory_space<vmem_shared>> -> memref<640xf32, #tpu.memory_space<vmem_shared>>
      %dma_start3A_97 = arith.constant 0 : i32
      %dma_start3A_98 = tpu.memref_slice %arg6[%run_scoped3A_28, %dma_start3A_97] : memref<16x640xf32, #tpu.memory_space<vmem>> -> memref<1x640xf32, #tpu.memory_space<vmem>>
      %dma_start3A_99 = tpu.memref_squeeze %dma_start3A_98 : memref<1x640xf32, #tpu.memory_space<vmem>> -> memref<640xf32, #tpu.memory_space<vmem>>
      %dma_start3A_100 = tpu.memref_slice %arg8[%run_scoped3A_27, %mul3A_26] : memref<16x10240xf32, #tpu.memory_space<vmem_shared>> -> memref<1x640xf32, #tpu.memory_space<vmem_shared>>
      %dma_start3A_101 = tpu.memref_squeeze %dma_start3A_100 : memref<1x640xf32, #tpu.memory_space<vmem_shared>> -> memref<640xf32, #tpu.memory_space<vmem_shared>>
      tpu.enqueue_dma source(%dma_start3A_101 : memref<640xf32, #tpu.memory_space<vmem_shared>>) target(%dma_start3A_99 : memref<640xf32, #tpu.memory_space<vmem>>) target_semaphore(%run_scoped3A_92 : memref<!tpu.dma_semaphore, #tpu.memory_space<semaphore_mem>>)
      %dma_wait3A = arith.constant 0 : i32
      %dma_wait3A_102 = tpu.memref_slice %arg6[%run_scoped3A_28, %dma_wait3A] : memref<16x640xf32, #tpu.memory_space<vmem>> -> memref<1x640xf32, #tpu.memory_space<vmem>>
      %dma_wait3A_103 = tpu.memref_squeeze %dma_wait3A_102 : memref<1x640xf32, #tpu.memory_space<vmem>> -> memref<640xf32, #tpu.memory_space<vmem>>
      %dma_wait3A_104 = tpu.memref_slice %arg8[%run_scoped3A_27, %mul3A_26] : memref<16x10240xf32, #tpu.memory_space<vmem_shared>> -> memref<1x640xf32, #tpu.memory_space<vmem_shared>>
      %dma_wait3A_105 = tpu.memref_squeeze %dma_wait3A_104 : memref<1x640xf32, #tpu.memory_space<vmem_shared>> -> memref<640xf32, #tpu.memory_space<vmem_shared>>
      %dma_wait3A_106 = arith.constant 0 : i32
      %dma_wait3A_107 = tpu.memref_slice %arg6[%run_scoped3A_28, %dma_wait3A_106] : memref<16x640xf32, #tpu.memory_space<vmem>> -> memref<1x640xf32, #tpu.memory_space<vmem>>
      %dma_wait3A_108 = tpu.memref_squeeze %dma_wait3A_107 : memref<1x640xf32, #tpu.memory_space<vmem>> -> memref<640xf32, #tpu.memory_space<vmem>>
      %dma_wait3A_109 = tpu.memref_slice %arg8[%run_scoped3A_27, %mul3A_26] : memref<16x10240xf32, #tpu.memory_space<vmem_shared>> -> memref<1x640xf32, #tpu.memory_space<vmem_shared>>
      %dma_wait3A_110 = tpu.memref_squeeze %dma_wait3A_109 : memref<1x640xf32, #tpu.memory_space<vmem_shared>> -> memref<640xf32, #tpu.memory_space<vmem_shared>>
      tpu.wait_dma2 semaphore(%run_scoped3A_92 : memref<!tpu.dma_semaphore, #tpu.memory_space<semaphore_mem>>) src(%dma_wait3A_110 : memref<640xf32, #tpu.memory_space<vmem_shared>>) dst(%dma_wait3A_108 : memref<640xf32, #tpu.memory_space<vmem>>)
      tpu.yield
    }) : () -> ()
    %mul3A_29 = arith.constant 640 : i32
    %mul3A_30 = arith.muli %arg1, %mul3A_29 : i32
    %run_scoped3A_31 = arith.constant 2 : i32
    %run_scoped3A_32 = arith.constant 2 : i32
    "tpu.region"() ({
      %run_scoped3A_92 = tpu.sem_alloc : memref<!tpu.dma_semaphore, #tpu.memory_space<semaphore_mem>>
      %dma_start3A = arith.constant 0 : i32
      %dma_start3A_93 = tpu.memref_slice %arg6[%run_scoped3A_32, %dma_start3A] : memref<16x640xf32, #tpu.memory_space<vmem>> -> memref<1x640xf32, #tpu.memory_space<vmem>>
      %dma_start3A_94 = tpu.memref_squeeze %dma_start3A_93 : memref<1x640xf32, #tpu.memory_space<vmem>> -> memref<640xf32, #tpu.memory_space<vmem>>
      %dma_start3A_95 = tpu.memref_slice %arg8[%run_scoped3A_31, %mul3A_30] : memref<16x10240xf32, #tpu.memory_space<vmem_shared>> -> memref<1x640xf32, #tpu.memory_space<vmem_shared>>
      %dma_start3A_96 = tpu.memref_squeeze %dma_start3A_95 : memref<1x640xf32, #tpu.memory_space<vmem_shared>> -> memref<640xf32, #tpu.memory_space<vmem_shared>>
      %dma_start3A_97 = arith.constant 0 : i32
      %dma_start3A_98 = tpu.memref_slice %arg6[%run_scoped3A_32, %dma_start3A_97] : memref<16x640xf32, #tpu.memory_space<vmem>> -> memref<1x640xf32, #tpu.memory_space<vmem>>
      %dma_start3A_99 = tpu.memref_squeeze %dma_start3A_98 : memref<1x640xf32, #tpu.memory_space<vmem>> -> memref<640xf32, #tpu.memory_space<vmem>>
      %dma_start3A_100 = tpu.memref_slice %arg8[%run_scoped3A_31, %mul3A_30] : memref<16x10240xf32, #tpu.memory_space<vmem_shared>> -> memref<1x640xf32, #tpu.memory_space<vmem_shared>>
      %dma_start3A_101 = tpu.memref_squeeze %dma_start3A_100 : memref<1x640xf32, #tpu.memory_space<vmem_shared>> -> memref<640xf32, #tpu.memory_space<vmem_shared>>
      tpu.enqueue_dma source(%dma_start3A_101 : memref<640xf32, #tpu.memory_space<vmem_shared>>) target(%dma_start3A_99 : memref<640xf32, #tpu.memory_space<vmem>>) target_semaphore(%run_scoped3A_92 : memref<!tpu.dma_semaphore, #tpu.memory_space<semaphore_mem>>)
      %dma_wait3A = arith.constant 0 : i32
      %dma_wait3A_102 = tpu.memref_slice %arg6[%run_scoped3A_32, %dma_wait3A] : memref<16x640xf32, #tpu.memory_space<vmem>> -> memref<1x640xf32, #tpu.memory_space<vmem>>
      %dma_wait3A_103 = tpu.memref_squeeze %dma_wait3A_102 : memref<1x640xf32, #tpu.memory_space<vmem>> -> memref<640xf32, #tpu.memory_space<vmem>>
      %dma_wait3A_104 = tpu.memref_slice %arg8[%run_scoped3A_31, %mul3A_30] : memref<16x10240xf32, #tpu.memory_space<vmem_shared>> -> memref<1x640xf32, #tpu.memory_space<vmem_shared>>
      %dma_wait3A_105 = tpu.memref_squeeze %dma_wait3A_104 : memref<1x640xf32, #tpu.memory_space<vmem_shared>> -> memref<640xf32, #tpu.memory_space<vmem_shared>>
      %dma_wait3A_106 = arith.constant 0 : i32
      %dma_wait3A_107 = tpu.memref_slice %arg6[%run_scoped3A_32, %dma_wait3A_106] : memref<16x640xf32, #tpu.memory_space<vmem>> -> memref<1x640xf32, #tpu.memory_space<vmem>>
      %dma_wait3A_108 = tpu.memref_squeeze %dma_wait3A_107 : memref<1x640xf32, #tpu.memory_space<vmem>> -> memref<640xf32, #tpu.memory_space<vmem>>
      %dma_wait3A_109 = tpu.memref_slice %arg8[%run_scoped3A_31, %mul3A_30] : memref<16x10240xf32, #tpu.memory_space<vmem_shared>> -> memref<1x640xf32, #tpu.memory_space<vmem_shared>>
      %dma_wait3A_110 = tpu.memref_squeeze %dma_wait3A_109 : memref<1x640xf32, #tpu.memory_space<vmem_shared>> -> memref<640xf32, #tpu.memory_space<vmem_shared>>
      tpu.wait_dma2 semaphore(%run_scoped3A_92 : memref<!tpu.dma_semaphore, #tpu.memory_space<semaphore_mem>>) src(%dma_wait3A_110 : memref<640xf32, #tpu.memory_space<vmem_shared>>) dst(%dma_wait3A_108 : memref<640xf32, #tpu.memory_space<vmem>>)
      tpu.yield
    }) : () -> ()
    %mul3A_33 = arith.constant 640 : i32
    %mul3A_34 = arith.muli %arg1, %mul3A_33 : i32
    %run_scoped3A_35 = arith.constant 3 : i32
    %run_scoped3A_36 = arith.constant 3 : i32
    "tpu.region"() ({
      %run_scoped3A_92 = tpu.sem_alloc : memref<!tpu.dma_semaphore, #tpu.memory_space<semaphore_mem>>
      %dma_start3A = arith.constant 0 : i32
      %dma_start3A_93 = tpu.memref_slice %arg6[%run_scoped3A_36, %dma_start3A] : memref<16x640xf32, #tpu.memory_space<vmem>> -> memref<1x640xf32, #tpu.memory_space<vmem>>
      %dma_start3A_94 = tpu.memref_squeeze %dma_start3A_93 : memref<1x640xf32, #tpu.memory_space<vmem>> -> memref<640xf32, #tpu.memory_space<vmem>>
      %dma_start3A_95 = tpu.memref_slice %arg8[%run_scoped3A_35, %mul3A_34] : memref<16x10240xf32, #tpu.memory_space<vmem_shared>> -> memref<1x640xf32, #tpu.memory_space<vmem_shared>>
      %dma_start3A_96 = tpu.memref_squeeze %dma_start3A_95 : memref<1x640xf32, #tpu.memory_space<vmem_shared>> -> memref<640xf32, #tpu.memory_space<vmem_shared>>
      %dma_start3A_97 = arith.constant 0 : i32
      %dma_start3A_98 = tpu.memref_slice %arg6[%run_scoped3A_36, %dma_start3A_97] : memref<16x640xf32, #tpu.memory_space<vmem>> -> memref<1x640xf32, #tpu.memory_space<vmem>>
      %dma_start3A_99 = tpu.memref_squeeze %dma_start3A_98 : memref<1x640xf32, #tpu.memory_space<vmem>> -> memref<640xf32, #tpu.memory_space<vmem>>
      %dma_start3A_100 = tpu.memref_slice %arg8[%run_scoped3A_35, %mul3A_34] : memref<16x10240xf32, #tpu.memory_space<vmem_shared>> -> memref<1x640xf32, #tpu.memory_space<vmem_shared>>
      %dma_start3A_101 = tpu.memref_squeeze %dma_start3A_100 : memref<1x640xf32, #tpu.memory_space<vmem_shared>> -> memref<640xf32, #tpu.memory_space<vmem_shared>>
      tpu.enqueue_dma source(%dma_start3A_101 : memref<640xf32, #tpu.memory_space<vmem_shared>>) target(%dma_start3A_99 : memref<640xf32, #tpu.memory_space<vmem>>) target_semaphore(%run_scoped3A_92 : memref<!tpu.dma_semaphore, #tpu.memory_space<semaphore_mem>>)
      %dma_wait3A = arith.constant 0 : i32
      %dma_wait3A_102 = tpu.memref_slice %arg6[%run_scoped3A_36, %dma_wait3A] : memref<16x640xf32, #tpu.memory_space<vmem>> -> memref<1x640xf32, #tpu.memory_space<vmem>>
      %dma_wait3A_103 = tpu.memref_squeeze %dma_wait3A_102 : memref<1x640xf32, #tpu.memory_space<vmem>> -> memref<640xf32, #tpu.memory_space<vmem>>
      %dma_wait3A_104 = tpu.memref_slice %arg8[%run_scoped3A_35, %mul3A_34] : memref<16x10240xf32, #tpu.memory_space<vmem_shared>> -> memref<1x640xf32, #tpu.memory_space<vmem_shared>>
      %dma_wait3A_105 = tpu.memref_squeeze %dma_wait3A_104 : memref<1x640xf32, #tpu.memory_space<vmem_shared>> -> memref<640xf32, #tpu.memory_space<vmem_shared>>
      %dma_wait3A_106 = arith.constant 0 : i32
      %dma_wait3A_107 = tpu.memref_slice %arg6[%run_scoped3A_36, %dma_wait3A_106] : memref<16x640xf32, #tpu.memory_space<vmem>> -> memref<1x640xf32, #tpu.memory_space<vmem>>
      %dma_wait3A_108 = tpu.memref_squeeze %dma_wait3A_107 : memref<1x640xf32, #tpu.memory_space<vmem>> -> memref<640xf32, #tpu.memory_space<vmem>>
      %dma_wait3A_109 = tpu.memref_slice %arg8[%run_scoped3A_35, %mul3A_34] : memref<16x10240xf32, #tpu.memory_space<vmem_shared>> -> memref<1x640xf32, #tpu.memory_space<vmem_shared>>
      %dma_wait3A_110 = tpu.memref_squeeze %dma_wait3A_109 : memref<1x640xf32, #tpu.memory_space<vmem_shared>> -> memref<640xf32, #tpu.memory_space<vmem_shared>>
      tpu.wait_dma2 semaphore(%run_scoped3A_92 : memref<!tpu.dma_semaphore, #tpu.memory_space<semaphore_mem>>) src(%dma_wait3A_110 : memref<640xf32, #tpu.memory_space<vmem_shared>>) dst(%dma_wait3A_108 : memref<640xf32, #tpu.memory_space<vmem>>)
      tpu.yield
    }) : () -> ()
    %mul3A_37 = arith.constant 640 : i32
    %mul3A_38 = arith.muli %arg1, %mul3A_37 : i32
    %run_scoped3A_39 = arith.constant 4 : i32
    %run_scoped3A_40 = arith.constant 4 : i32
    "tpu.region"() ({
      %run_scoped3A_92 = tpu.sem_alloc : memref<!tpu.dma_semaphore, #tpu.memory_space<semaphore_mem>>
      %dma_start3A = arith.constant 0 : i32
      %dma_start3A_93 = tpu.memref_slice %arg6[%run_scoped3A_40, %dma_start3A] : memref<16x640xf32, #tpu.memory_space<vmem>> -> memref<1x640xf32, #tpu.memory_space<vmem>>
      %dma_start3A_94 = tpu.memref_squeeze %dma_start3A_93 : memref<1x640xf32, #tpu.memory_space<vmem>> -> memref<640xf32, #tpu.memory_space<vmem>>
      %dma_start3A_95 = tpu.memref_slice %arg8[%run_scoped3A_39, %mul3A_38] : memref<16x10240xf32, #tpu.memory_space<vmem_shared>> -> memref<1x640xf32, #tpu.memory_space<vmem_shared>>
      %dma_start3A_96 = tpu.memref_squeeze %dma_start3A_95 : memref<1x640xf32, #tpu.memory_space<vmem_shared>> -> memref<640xf32, #tpu.memory_space<vmem_shared>>
      %dma_start3A_97 = arith.constant 0 : i32
      %dma_start3A_98 = tpu.memref_slice %arg6[%run_scoped3A_40, %dma_start3A_97] : memref<16x640xf32, #tpu.memory_space<vmem>> -> memref<1x640xf32, #tpu.memory_space<vmem>>
      %dma_start3A_99 = tpu.memref_squeeze %dma_start3A_98 : memref<1x640xf32, #tpu.memory_space<vmem>> -> memref<640xf32, #tpu.memory_space<vmem>>
      %dma_start3A_100 = tpu.memref_slice %arg8[%run_scoped3A_39, %mul3A_38] : memref<16x10240xf32, #tpu.memory_space<vmem_shared>> -> memref<1x640xf32, #tpu.memory_space<vmem_shared>>
      %dma_start3A_101 = tpu.memref_squeeze %dma_start3A_100 : memref<1x640xf32, #tpu.memory_space<vmem_shared>> -> memref<640xf32, #tpu.memory_space<vmem_shared>>
      tpu.enqueue_dma source(%dma_start3A_101 : memref<640xf32, #tpu.memory_space<vmem_shared>>) target(%dma_start3A_99 : memref<640xf32, #tpu.memory_space<vmem>>) target_semaphore(%run_scoped3A_92 : memref<!tpu.dma_semaphore, #tpu.memory_space<semaphore_mem>>)
      %dma_wait3A = arith.constant 0 : i32
      %dma_wait3A_102 = tpu.memref_slice %arg6[%run_scoped3A_40, %dma_wait3A] : memref<16x640xf32, #tpu.memory_space<vmem>> -> memref<1x640xf32, #tpu.memory_space<vmem>>
      %dma_wait3A_103 = tpu.memref_squeeze %dma_wait3A_102 : memref<1x640xf32, #tpu.memory_space<vmem>> -> memref<640xf32, #tpu.memory_space<vmem>>
      %dma_wait3A_104 = tpu.memref_slice %arg8[%run_scoped3A_39, %mul3A_38] : memref<16x10240xf32, #tpu.memory_space<vmem_shared>> -> memref<1x640xf32, #tpu.memory_space<vmem_shared>>
      %dma_wait3A_105 = tpu.memref_squeeze %dma_wait3A_104 : memref<1x640xf32, #tpu.memory_space<vmem_shared>> -> memref<640xf32, #tpu.memory_space<vmem_shared>>
      %dma_wait3A_106 = arith.constant 0 : i32
      %dma_wait3A_107 = tpu.memref_slice %arg6[%run_scoped3A_40, %dma_wait3A_106] : memref<16x640xf32, #tpu.memory_space<vmem>> -> memref<1x640xf32, #tpu.memory_space<vmem>>
      %dma_wait3A_108 = tpu.memref_squeeze %dma_wait3A_107 : memref<1x640xf32, #tpu.memory_space<vmem>> -> memref<640xf32, #tpu.memory_space<vmem>>
      %dma_wait3A_109 = tpu.memref_slice %arg8[%run_scoped3A_39, %mul3A_38] : memref<16x10240xf32, #tpu.memory_space<vmem_shared>> -> memref<1x640xf32, #tpu.memory_space<vmem_shared>>
      %dma_wait3A_110 = tpu.memref_squeeze %dma_wait3A_109 : memref<1x640xf32, #tpu.memory_space<vmem_shared>> -> memref<640xf32, #tpu.memory_space<vmem_shared>>
      tpu.wait_dma2 semaphore(%run_scoped3A_92 : memref<!tpu.dma_semaphore, #tpu.memory_space<semaphore_mem>>) src(%dma_wait3A_110 : memref<640xf32, #tpu.memory_space<vmem_shared>>) dst(%dma_wait3A_108 : memref<640xf32, #tpu.memory_space<vmem>>)
      tpu.yield
    }) : () -> ()
    %mul3A_41 = arith.constant 640 : i32
    %mul3A_42 = arith.muli %arg1, %mul3A_41 : i32
    %run_scoped3A_43 = arith.constant 5 : i32
    %run_scoped3A_44 = arith.constant 5 : i32
    "tpu.region"() ({
      %run_scoped3A_92 = tpu.sem_alloc : memref<!tpu.dma_semaphore, #tpu.memory_space<semaphore_mem>>
      %dma_start3A = arith.constant 0 : i32
      %dma_start3A_93 = tpu.memref_slice %arg6[%run_scoped3A_44, %dma_start3A] : memref<16x640xf32, #tpu.memory_space<vmem>> -> memref<1x640xf32, #tpu.memory_space<vmem>>
      %dma_start3A_94 = tpu.memref_squeeze %dma_start3A_93 : memref<1x640xf32, #tpu.memory_space<vmem>> -> memref<640xf32, #tpu.memory_space<vmem>>
      %dma_start3A_95 = tpu.memref_slice %arg8[%run_scoped3A_43, %mul3A_42] : memref<16x10240xf32, #tpu.memory_space<vmem_shared>> -> memref<1x640xf32, #tpu.memory_space<vmem_shared>>
      %dma_start3A_96 = tpu.memref_squeeze %dma_start3A_95 : memref<1x640xf32, #tpu.memory_space<vmem_shared>> -> memref<640xf32, #tpu.memory_space<vmem_shared>>
      %dma_start3A_97 = arith.constant 0 : i32
      %dma_start3A_98 = tpu.memref_slice %arg6[%run_scoped3A_44, %dma_start3A_97] : memref<16x640xf32, #tpu.memory_space<vmem>> -> memref<1x640xf32, #tpu.memory_space<vmem>>
      %dma_start3A_99 = tpu.memref_squeeze %dma_start3A_98 : memref<1x640xf32, #tpu.memory_space<vmem>> -> memref<640xf32, #tpu.memory_space<vmem>>
      %dma_start3A_100 = tpu.memref_slice %arg8[%run_scoped3A_43, %mul3A_42] : memref<16x10240xf32, #tpu.memory_space<vmem_shared>> -> memref<1x640xf32, #tpu.memory_space<vmem_shared>>
      %dma_start3A_101 = tpu.memref_squeeze %dma_start3A_100 : memref<1x640xf32, #tpu.memory_space<vmem_shared>> -> memref<640xf32, #tpu.memory_space<vmem_shared>>
      tpu.enqueue_dma source(%dma_start3A_101 : memref<640xf32, #tpu.memory_space<vmem_shared>>) target(%dma_start3A_99 : memref<640xf32, #tpu.memory_space<vmem>>) target_semaphore(%run_scoped3A_92 : memref<!tpu.dma_semaphore, #tpu.memory_space<semaphore_mem>>)
      %dma_wait3A = arith.constant 0 : i32
      %dma_wait3A_102 = tpu.memref_slice %arg6[%run_scoped3A_44, %dma_wait3A] : memref<16x640xf32, #tpu.memory_space<vmem>> -> memref<1x640xf32, #tpu.memory_space<vmem>>
      %dma_wait3A_103 = tpu.memref_squeeze %dma_wait3A_102 : memref<1x640xf32, #tpu.memory_space<vmem>> -> memref<640xf32, #tpu.memory_space<vmem>>
      %dma_wait3A_104 = tpu.memref_slice %arg8[%run_scoped3A_43, %mul3A_42] : memref<16x10240xf32, #tpu.memory_space<vmem_shared>> -> memref<1x640xf32, #tpu.memory_space<vmem_shared>>
      %dma_wait3A_105 = tpu.memref_squeeze %dma_wait3A_104 : memref<1x640xf32, #tpu.memory_space<vmem_shared>> -> memref<640xf32, #tpu.memory_space<vmem_shared>>
      %dma_wait3A_106 = arith.constant 0 : i32
      %dma_wait3A_107 = tpu.memref_slice %arg6[%run_scoped3A_44, %dma_wait3A_106] : memref<16x640xf32, #tpu.memory_space<vmem>> -> memref<1x640xf32, #tpu.memory_space<vmem>>
      %dma_wait3A_108 = tpu.memref_squeeze %dma_wait3A_107 : memref<1x640xf32, #tpu.memory_space<vmem>> -> memref<640xf32, #tpu.memory_space<vmem>>
      %dma_wait3A_109 = tpu.memref_slice %arg8[%run_scoped3A_43, %mul3A_42] : memref<16x10240xf32, #tpu.memory_space<vmem_shared>> -> memref<1x640xf32, #tpu.memory_space<vmem_shared>>
      %dma_wait3A_110 = tpu.memref_squeeze %dma_wait3A_109 : memref<1x640xf32, #tpu.memory_space<vmem_shared>> -> memref<640xf32, #tpu.memory_space<vmem_shared>>
      tpu.wait_dma2 semaphore(%run_scoped3A_92 : memref<!tpu.dma_semaphore, #tpu.memory_space<semaphore_mem>>) src(%dma_wait3A_110 : memref<640xf32, #tpu.memory_space<vmem_shared>>) dst(%dma_wait3A_108 : memref<640xf32, #tpu.memory_space<vmem>>)
      tpu.yield
    }) : () -> ()
    %mul3A_45 = arith.constant 640 : i32
    %mul3A_46 = arith.muli %arg1, %mul3A_45 : i32
    %run_scoped3A_47 = arith.constant 6 : i32
    %run_scoped3A_48 = arith.constant 6 : i32
    "tpu.region"() ({
      %run_scoped3A_92 = tpu.sem_alloc : memref<!tpu.dma_semaphore, #tpu.memory_space<semaphore_mem>>
      %dma_start3A = arith.constant 0 : i32
      %dma_start3A_93 = tpu.memref_slice %arg6[%run_scoped3A_48, %dma_start3A] : memref<16x640xf32, #tpu.memory_space<vmem>> -> memref<1x640xf32, #tpu.memory_space<vmem>>
      %dma_start3A_94 = tpu.memref_squeeze %dma_start3A_93 : memref<1x640xf32, #tpu.memory_space<vmem>> -> memref<640xf32, #tpu.memory_space<vmem>>
      %dma_start3A_95 = tpu.memref_slice %arg8[%run_scoped3A_47, %mul3A_46] : memref<16x10240xf32, #tpu.memory_space<vmem_shared>> -> memref<1x640xf32, #tpu.memory_space<vmem_shared>>
      %dma_start3A_96 = tpu.memref_squeeze %dma_start3A_95 : memref<1x640xf32, #tpu.memory_space<vmem_shared>> -> memref<640xf32, #tpu.memory_space<vmem_shared>>
      %dma_start3A_97 = arith.constant 0 : i32
      %dma_start3A_98 = tpu.memref_slice %arg6[%run_scoped3A_48, %dma_start3A_97] : memref<16x640xf32, #tpu.memory_space<vmem>> -> memref<1x640xf32, #tpu.memory_space<vmem>>
      %dma_start3A_99 = tpu.memref_squeeze %dma_start3A_98 : memref<1x640xf32, #tpu.memory_space<vmem>> -> memref<640xf32, #tpu.memory_space<vmem>>
      %dma_start3A_100 = tpu.memref_slice %arg8[%run_scoped3A_47, %mul3A_46] : memref<16x10240xf32, #tpu.memory_space<vmem_shared>> -> memref<1x640xf32, #tpu.memory_space<vmem_shared>>
      %dma_start3A_101 = tpu.memref_squeeze %dma_start3A_100 : memref<1x640xf32, #tpu.memory_space<vmem_shared>> -> memref<640xf32, #tpu.memory_space<vmem_shared>>
      tpu.enqueue_dma source(%dma_start3A_101 : memref<640xf32, #tpu.memory_space<vmem_shared>>) target(%dma_start3A_99 : memref<640xf32, #tpu.memory_space<vmem>>) target_semaphore(%run_scoped3A_92 : memref<!tpu.dma_semaphore, #tpu.memory_space<semaphore_mem>>)
      %dma_wait3A = arith.constant 0 : i32
      %dma_wait3A_102 = tpu.memref_slice %arg6[%run_scoped3A_48, %dma_wait3A] : memref<16x640xf32, #tpu.memory_space<vmem>> -> memref<1x640xf32, #tpu.memory_space<vmem>>
      %dma_wait3A_103 = tpu.memref_squeeze %dma_wait3A_102 : memref<1x640xf32, #tpu.memory_space<vmem>> -> memref<640xf32, #tpu.memory_space<vmem>>
      %dma_wait3A_104 = tpu.memref_slice %arg8[%run_scoped3A_47, %mul3A_46] : memref<16x10240xf32, #tpu.memory_space<vmem_shared>> -> memref<1x640xf32, #tpu.memory_space<vmem_shared>>
      %dma_wait3A_105 = tpu.memref_squeeze %dma_wait3A_104 : memref<1x640xf32, #tpu.memory_space<vmem_shared>> -> memref<640xf32, #tpu.memory_space<vmem_shared>>
      %dma_wait3A_106 = arith.constant 0 : i32
      %dma_wait3A_107 = tpu.memref_slice %arg6[%run_scoped3A_48, %dma_wait3A_106] : memref<16x640xf32, #tpu.memory_space<vmem>> -> memref<1x640xf32, #tpu.memory_space<vmem>>
      %dma_wait3A_108 = tpu.memref_squeeze %dma_wait3A_107 : memref<1x640xf32, #tpu.memory_space<vmem>> -> memref<640xf32, #tpu.memory_space<vmem>>
      %dma_wait3A_109 = tpu.memref_slice %arg8[%run_scoped3A_47, %mul3A_46] : memref<16x10240xf32, #tpu.memory_space<vmem_shared>> -> memref<1x640xf32, #tpu.memory_space<vmem_shared>>
      %dma_wait3A_110 = tpu.memref_squeeze %dma_wait3A_109 : memref<1x640xf32, #tpu.memory_space<vmem_shared>> -> memref<640xf32, #tpu.memory_space<vmem_shared>>
      tpu.wait_dma2 semaphore(%run_scoped3A_92 : memref<!tpu.dma_semaphore, #tpu.memory_space<semaphore_mem>>) src(%dma_wait3A_110 : memref<640xf32, #tpu.memory_space<vmem_shared>>) dst(%dma_wait3A_108 : memref<640xf32, #tpu.memory_space<vmem>>)
      tpu.yield
    }) : () -> ()
    %mul3A_49 = arith.constant 640 : i32
    %mul3A_50 = arith.muli %arg1, %mul3A_49 : i32
    %run_scoped3A_51 = arith.constant 7 : i32
    %run_scoped3A_52 = arith.constant 7 : i32
    "tpu.region"() ({
      %run_scoped3A_92 = tpu.sem_alloc : memref<!tpu.dma_semaphore, #tpu.memory_space<semaphore_mem>>
      %dma_start3A = arith.constant 0 : i32
      %dma_start3A_93 = tpu.memref_slice %arg6[%run_scoped3A_52, %dma_start3A] : memref<16x640xf32, #tpu.memory_space<vmem>> -> memref<1x640xf32, #tpu.memory_space<vmem>>
      %dma_start3A_94 = tpu.memref_squeeze %dma_start3A_93 : memref<1x640xf32, #tpu.memory_space<vmem>> -> memref<640xf32, #tpu.memory_space<vmem>>
      %dma_start3A_95 = tpu.memref_slice %arg8[%run_scoped3A_51, %mul3A_50] : memref<16x10240xf32, #tpu.memory_space<vmem_shared>> -> memref<1x640xf32, #tpu.memory_space<vmem_shared>>
      %dma_start3A_96 = tpu.memref_squeeze %dma_start3A_95 : memref<1x640xf32, #tpu.memory_space<vmem_shared>> -> memref<640xf32, #tpu.memory_space<vmem_shared>>
      %dma_start3A_97 = arith.constant 0 : i32
      %dma_start3A_98 = tpu.memref_slice %arg6[%run_scoped3A_52, %dma_start3A_97] : memref<16x640xf32, #tpu.memory_space<vmem>> -> memref<1x640xf32, #tpu.memory_space<vmem>>
      %dma_start3A_99 = tpu.memref_squeeze %dma_start3A_98 : memref<1x640xf32, #tpu.memory_space<vmem>> -> memref<640xf32, #tpu.memory_space<vmem>>
      %dma_start3A_100 = tpu.memref_slice %arg8[%run_scoped3A_51, %mul3A_50] : memref<16x10240xf32, #tpu.memory_space<vmem_shared>> -> memref<1x640xf32, #tpu.memory_space<vmem_shared>>
      %dma_start3A_101 = tpu.memref_squeeze %dma_start3A_100 : memref<1x640xf32, #tpu.memory_space<vmem_shared>> -> memref<640xf32, #tpu.memory_space<vmem_shared>>
      tpu.enqueue_dma source(%dma_start3A_101 : memref<640xf32, #tpu.memory_space<vmem_shared>>) target(%dma_start3A_99 : memref<640xf32, #tpu.memory_space<vmem>>) target_semaphore(%run_scoped3A_92 : memref<!tpu.dma_semaphore, #tpu.memory_space<semaphore_mem>>)
      %dma_wait3A = arith.constant 0 : i32
      %dma_wait3A_102 = tpu.memref_slice %arg6[%run_scoped3A_52, %dma_wait3A] : memref<16x640xf32, #tpu.memory_space<vmem>> -> memref<1x640xf32, #tpu.memory_space<vmem>>
      %dma_wait3A_103 = tpu.memref_squeeze %dma_wait3A_102 : memref<1x640xf32, #tpu.memory_space<vmem>> -> memref<640xf32, #tpu.memory_space<vmem>>
      %dma_wait3A_104 = tpu.memref_slice %arg8[%run_scoped3A_51, %mul3A_50] : memref<16x10240xf32, #tpu.memory_space<vmem_shared>> -> memref<1x640xf32, #tpu.memory_space<vmem_shared>>
      %dma_wait3A_105 = tpu.memref_squeeze %dma_wait3A_104 : memref<1x640xf32, #tpu.memory_space<vmem_shared>> -> memref<640xf32, #tpu.memory_space<vmem_shared>>
      %dma_wait3A_106 = arith.constant 0 : i32
      %dma_wait3A_107 = tpu.memref_slice %arg6[%run_scoped3A_52, %dma_wait3A_106] : memref<16x640xf32, #tpu.memory_space<vmem>> -> memref<1x640xf32, #tpu.memory_space<vmem>>
      %dma_wait3A_108 = tpu.memref_squeeze %dma_wait3A_107 : memref<1x640xf32, #tpu.memory_space<vmem>> -> memref<640xf32, #tpu.memory_space<vmem>>
      %dma_wait3A_109 = tpu.memref_slice %arg8[%run_scoped3A_51, %mul3A_50] : memref<16x10240xf32, #tpu.memory_space<vmem_shared>> -> memref<1x640xf32, #tpu.memory_space<vmem_shared>>
      %dma_wait3A_110 = tpu.memref_squeeze %dma_wait3A_109 : memref<1x640xf32, #tpu.memory_space<vmem_shared>> -> memref<640xf32, #tpu.memory_space<vmem_shared>>
      tpu.wait_dma2 semaphore(%run_scoped3A_92 : memref<!tpu.dma_semaphore, #tpu.memory_space<semaphore_mem>>) src(%dma_wait3A_110 : memref<640xf32, #tpu.memory_space<vmem_shared>>) dst(%dma_wait3A_108 : memref<640xf32, #tpu.memory_space<vmem>>)
      tpu.yield
    }) : () -> ()
    %mul3A_53 = arith.constant 640 : i32
    %mul3A_54 = arith.muli %arg1, %mul3A_53 : i32
    %run_scoped3A_55 = arith.constant 8 : i32
    %run_scoped3A_56 = arith.constant 8 : i32
    "tpu.region"() ({
      %run_scoped3A_92 = tpu.sem_alloc : memref<!tpu.dma_semaphore, #tpu.memory_space<semaphore_mem>>
      %dma_start3A = arith.constant 0 : i32
      %dma_start3A_93 = tpu.memref_slice %arg6[%run_scoped3A_56, %dma_start3A] : memref<16x640xf32, #tpu.memory_space<vmem>> -> memref<1x640xf32, #tpu.memory_space<vmem>>
      %dma_start3A_94 = tpu.memref_squeeze %dma_start3A_93 : memref<1x640xf32, #tpu.memory_space<vmem>> -> memref<640xf32, #tpu.memory_space<vmem>>
      %dma_start3A_95 = tpu.memref_slice %arg8[%run_scoped3A_55, %mul3A_54] : memref<16x10240xf32, #tpu.memory_space<vmem_shared>> -> memref<1x640xf32, #tpu.memory_space<vmem_shared>>
      %dma_start3A_96 = tpu.memref_squeeze %dma_start3A_95 : memref<1x640xf32, #tpu.memory_space<vmem_shared>> -> memref<640xf32, #tpu.memory_space<vmem_shared>>
      %dma_start3A_97 = arith.constant 0 : i32
      %dma_start3A_98 = tpu.memref_slice %arg6[%run_scoped3A_56, %dma_start3A_97] : memref<16x640xf32, #tpu.memory_space<vmem>> -> memref<1x640xf32, #tpu.memory_space<vmem>>
      %dma_start3A_99 = tpu.memref_squeeze %dma_start3A_98 : memref<1x640xf32, #tpu.memory_space<vmem>> -> memref<640xf32, #tpu.memory_space<vmem>>
      %dma_start3A_100 = tpu.memref_slice %arg8[%run_scoped3A_55, %mul3A_54] : memref<16x10240xf32, #tpu.memory_space<vmem_shared>> -> memref<1x640xf32, #tpu.memory_space<vmem_shared>>
      %dma_start3A_101 = tpu.memref_squeeze %dma_start3A_100 : memref<1x640xf32, #tpu.memory_space<vmem_shared>> -> memref<640xf32, #tpu.memory_space<vmem_shared>>
      tpu.enqueue_dma source(%dma_start3A_101 : memref<640xf32, #tpu.memory_space<vmem_shared>>) target(%dma_start3A_99 : memref<640xf32, #tpu.memory_space<vmem>>) target_semaphore(%run_scoped3A_92 : memref<!tpu.dma_semaphore, #tpu.memory_space<semaphore_mem>>)
      %dma_wait3A = arith.constant 0 : i32
      %dma_wait3A_102 = tpu.memref_slice %arg6[%run_scoped3A_56, %dma_wait3A] : memref<16x640xf32, #tpu.memory_space<vmem>> -> memref<1x640xf32, #tpu.memory_space<vmem>>
      %dma_wait3A_103 = tpu.memref_squeeze %dma_wait3A_102 : memref<1x640xf32, #tpu.memory_space<vmem>> -> memref<640xf32, #tpu.memory_space<vmem>>
      %dma_wait3A_104 = tpu.memref_slice %arg8[%run_scoped3A_55, %mul3A_54] : memref<16x10240xf32, #tpu.memory_space<vmem_shared>> -> memref<1x640xf32, #tpu.memory_space<vmem_shared>>
      %dma_wait3A_105 = tpu.memref_squeeze %dma_wait3A_104 : memref<1x640xf32, #tpu.memory_space<vmem_shared>> -> memref<640xf32, #tpu.memory_space<vmem_shared>>
      %dma_wait3A_106 = arith.constant 0 : i32
      %dma_wait3A_107 = tpu.memref_slice %arg6[%run_scoped3A_56, %dma_wait3A_106] : memref<16x640xf32, #tpu.memory_space<vmem>> -> memref<1x640xf32, #tpu.memory_space<vmem>>
      %dma_wait3A_108 = tpu.memref_squeeze %dma_wait3A_107 : memref<1x640xf32, #tpu.memory_space<vmem>> -> memref<640xf32, #tpu.memory_space<vmem>>
      %dma_wait3A_109 = tpu.memref_slice %arg8[%run_scoped3A_55, %mul3A_54] : memref<16x10240xf32, #tpu.memory_space<vmem_shared>> -> memref<1x640xf32, #tpu.memory_space<vmem_shared>>
      %dma_wait3A_110 = tpu.memref_squeeze %dma_wait3A_109 : memref<1x640xf32, #tpu.memory_space<vmem_shared>> -> memref<640xf32, #tpu.memory_space<vmem_shared>>
      tpu.wait_dma2 semaphore(%run_scoped3A_92 : memref<!tpu.dma_semaphore, #tpu.memory_space<semaphore_mem>>) src(%dma_wait3A_110 : memref<640xf32, #tpu.memory_space<vmem_shared>>) dst(%dma_wait3A_108 : memref<640xf32, #tpu.memory_space<vmem>>)
      tpu.yield
    }) : () -> ()
    %mul3A_57 = arith.constant 640 : i32
    %mul3A_58 = arith.muli %arg1, %mul3A_57 : i32
    %run_scoped3A_59 = arith.constant 9 : i32
    %run_scoped3A_60 = arith.constant 9 : i32
    "tpu.region"() ({
      %run_scoped3A_92 = tpu.sem_alloc : memref<!tpu.dma_semaphore, #tpu.memory_space<semaphore_mem>>
      %dma_start3A = arith.constant 0 : i32
      %dma_start3A_93 = tpu.memref_slice %arg6[%run_scoped3A_60, %dma_start3A] : memref<16x640xf32, #tpu.memory_space<vmem>> -> memref<1x640xf32, #tpu.memory_space<vmem>>
      %dma_start3A_94 = tpu.memref_squeeze %dma_start3A_93 : memref<1x640xf32, #tpu.memory_space<vmem>> -> memref<640xf32, #tpu.memory_space<vmem>>
      %dma_start3A_95 = tpu.memref_slice %arg8[%run_scoped3A_59, %mul3A_58] : memref<16x10240xf32, #tpu.memory_space<vmem_shared>> -> memref<1x640xf32, #tpu.memory_space<vmem_shared>>
      %dma_start3A_96 = tpu.memref_squeeze %dma_start3A_95 : memref<1x640xf32, #tpu.memory_space<vmem_shared>> -> memref<640xf32, #tpu.memory_space<vmem_shared>>
      %dma_start3A_97 = arith.constant 0 : i32
      %dma_start3A_98 = tpu.memref_slice %arg6[%run_scoped3A_60, %dma_start3A_97] : memref<16x640xf32, #tpu.memory_space<vmem>> -> memref<1x640xf32, #tpu.memory_space<vmem>>
      %dma_start3A_99 = tpu.memref_squeeze %dma_start3A_98 : memref<1x640xf32, #tpu.memory_space<vmem>> -> memref<640xf32, #tpu.memory_space<vmem>>
      %dma_start3A_100 = tpu.memref_slice %arg8[%run_scoped3A_59, %mul3A_58] : memref<16x10240xf32, #tpu.memory_space<vmem_shared>> -> memref<1x640xf32, #tpu.memory_space<vmem_shared>>
      %dma_start3A_101 = tpu.memref_squeeze %dma_start3A_100 : memref<1x640xf32, #tpu.memory_space<vmem_shared>> -> memref<640xf32, #tpu.memory_space<vmem_shared>>
      tpu.enqueue_dma source(%dma_start3A_101 : memref<640xf32, #tpu.memory_space<vmem_shared>>) target(%dma_start3A_99 : memref<640xf32, #tpu.memory_space<vmem>>) target_semaphore(%run_scoped3A_92 : memref<!tpu.dma_semaphore, #tpu.memory_space<semaphore_mem>>)
      %dma_wait3A = arith.constant 0 : i32
      %dma_wait3A_102 = tpu.memref_slice %arg6[%run_scoped3A_60, %dma_wait3A] : memref<16x640xf32, #tpu.memory_space<vmem>> -> memref<1x640xf32, #tpu.memory_space<vmem>>
      %dma_wait3A_103 = tpu.memref_squeeze %dma_wait3A_102 : memref<1x640xf32, #tpu.memory_space<vmem>> -> memref<640xf32, #tpu.memory_space<vmem>>
      %dma_wait3A_104 = tpu.memref_slice %arg8[%run_scoped3A_59, %mul3A_58] : memref<16x10240xf32, #tpu.memory_space<vmem_shared>> -> memref<1x640xf32, #tpu.memory_space<vmem_shared>>
      %dma_wait3A_105 = tpu.memref_squeeze %dma_wait3A_104 : memref<1x640xf32, #tpu.memory_space<vmem_shared>> -> memref<640xf32, #tpu.memory_space<vmem_shared>>
      %dma_wait3A_106 = arith.constant 0 : i32
      %dma_wait3A_107 = tpu.memref_slice %arg6[%run_scoped3A_60, %dma_wait3A_106] : memref<16x640xf32, #tpu.memory_space<vmem>> -> memref<1x640xf32, #tpu.memory_space<vmem>>
      %dma_wait3A_108 = tpu.memref_squeeze %dma_wait3A_107 : memref<1x640xf32, #tpu.memory_space<vmem>> -> memref<640xf32, #tpu.memory_space<vmem>>
      %dma_wait3A_109 = tpu.memref_slice %arg8[%run_scoped3A_59, %mul3A_58] : memref<16x10240xf32, #tpu.memory_space<vmem_shared>> -> memref<1x640xf32, #tpu.memory_space<vmem_shared>>
      %dma_wait3A_110 = tpu.memref_squeeze %dma_wait3A_109 : memref<1x640xf32, #tpu.memory_space<vmem_shared>> -> memref<640xf32, #tpu.memory_space<vmem_shared>>
      tpu.wait_dma2 semaphore(%run_scoped3A_92 : memref<!tpu.dma_semaphore, #tpu.memory_space<semaphore_mem>>) src(%dma_wait3A_110 : memref<640xf32, #tpu.memory_space<vmem_shared>>) dst(%dma_wait3A_108 : memref<640xf32, #tpu.memory_space<vmem>>)
      tpu.yield
    }) : () -> ()
    %mul3A_61 = arith.constant 640 : i32
    %mul3A_62 = arith.muli %arg1, %mul3A_61 : i32
    %run_scoped3A_63 = arith.constant 10 : i32
    %run_scoped3A_64 = arith.constant 10 : i32
    "tpu.region"() ({
      %run_scoped3A_92 = tpu.sem_alloc : memref<!tpu.dma_semaphore, #tpu.memory_space<semaphore_mem>>
      %dma_start3A = arith.constant 0 : i32
      %dma_start3A_93 = tpu.memref_slice %arg6[%run_scoped3A_64, %dma_start3A] : memref<16x640xf32, #tpu.memory_space<vmem>> -> memref<1x640xf32, #tpu.memory_space<vmem>>
      %dma_start3A_94 = tpu.memref_squeeze %dma_start3A_93 : memref<1x640xf32, #tpu.memory_space<vmem>> -> memref<640xf32, #tpu.memory_space<vmem>>
      %dma_start3A_95 = tpu.memref_slice %arg8[%run_scoped3A_63, %mul3A_62] : memref<16x10240xf32, #tpu.memory_space<vmem_shared>> -> memref<1x640xf32, #tpu.memory_space<vmem_shared>>
      %dma_start3A_96 = tpu.memref_squeeze %dma_start3A_95 : memref<1x640xf32, #tpu.memory_space<vmem_shared>> -> memref<640xf32, #tpu.memory_space<vmem_shared>>
      %dma_start3A_97 = arith.constant 0 : i32
      %dma_start3A_98 = tpu.memref_slice %arg6[%run_scoped3A_64, %dma_start3A_97] : memref<16x640xf32, #tpu.memory_space<vmem>> -> memref<1x640xf32, #tpu.memory_space<vmem>>
      %dma_start3A_99 = tpu.memref_squeeze %dma_start3A_98 : memref<1x640xf32, #tpu.memory_space<vmem>> -> memref<640xf32, #tpu.memory_space<vmem>>
      %dma_start3A_100 = tpu.memref_slice %arg8[%run_scoped3A_63, %mul3A_62] : memref<16x10240xf32, #tpu.memory_space<vmem_shared>> -> memref<1x640xf32, #tpu.memory_space<vmem_shared>>
      %dma_start3A_101 = tpu.memref_squeeze %dma_start3A_100 : memref<1x640xf32, #tpu.memory_space<vmem_shared>> -> memref<640xf32, #tpu.memory_space<vmem_shared>>
      tpu.enqueue_dma source(%dma_start3A_101 : memref<640xf32, #tpu.memory_space<vmem_shared>>) target(%dma_start3A_99 : memref<640xf32, #tpu.memory_space<vmem>>) target_semaphore(%run_scoped3A_92 : memref<!tpu.dma_semaphore, #tpu.memory_space<semaphore_mem>>)
      %dma_wait3A = arith.constant 0 : i32
      %dma_wait3A_102 = tpu.memref_slice %arg6[%run_scoped3A_64, %dma_wait3A] : memref<16x640xf32, #tpu.memory_space<vmem>> -> memref<1x640xf32, #tpu.memory_space<vmem>>
      %dma_wait3A_103 = tpu.memref_squeeze %dma_wait3A_102 : memref<1x640xf32, #tpu.memory_space<vmem>> -> memref<640xf32, #tpu.memory_space<vmem>>
      %dma_wait3A_104 = tpu.memref_slice %arg8[%run_scoped3A_63, %mul3A_62] : memref<16x10240xf32, #tpu.memory_space<vmem_shared>> -> memref<1x640xf32, #tpu.memory_space<vmem_shared>>
      %dma_wait3A_105 = tpu.memref_squeeze %dma_wait3A_104 : memref<1x640xf32, #tpu.memory_space<vmem_shared>> -> memref<640xf32, #tpu.memory_space<vmem_shared>>
      %dma_wait3A_106 = arith.constant 0 : i32
      %dma_wait3A_107 = tpu.memref_slice %arg6[%run_scoped3A_64, %dma_wait3A_106] : memref<16x640xf32, #tpu.memory_space<vmem>> -> memref<1x640xf32, #tpu.memory_space<vmem>>
      %dma_wait3A_108 = tpu.memref_squeeze %dma_wait3A_107 : memref<1x640xf32, #tpu.memory_space<vmem>> -> memref<640xf32, #tpu.memory_space<vmem>>
      %dma_wait3A_109 = tpu.memref_slice %arg8[%run_scoped3A_63, %mul3A_62] : memref<16x10240xf32, #tpu.memory_space<vmem_shared>> -> memref<1x640xf32, #tpu.memory_space<vmem_shared>>
      %dma_wait3A_110 = tpu.memref_squeeze %dma_wait3A_109 : memref<1x640xf32, #tpu.memory_space<vmem_shared>> -> memref<640xf32, #tpu.memory_space<vmem_shared>>
      tpu.wait_dma2 semaphore(%run_scoped3A_92 : memref<!tpu.dma_semaphore, #tpu.memory_space<semaphore_mem>>) src(%dma_wait3A_110 : memref<640xf32, #tpu.memory_space<vmem_shared>>) dst(%dma_wait3A_108 : memref<640xf32, #tpu.memory_space<vmem>>)
      tpu.yield
    }) : () -> ()
    %mul3A_65 = arith.constant 640 : i32
    %mul3A_66 = arith.muli %arg1, %mul3A_65 : i32
    %run_scoped3A_67 = arith.constant 11 : i32
    %run_scoped3A_68 = arith.constant 11 : i32
    "tpu.region"() ({
      %run_scoped3A_92 = tpu.sem_alloc : memref<!tpu.dma_semaphore, #tpu.memory_space<semaphore_mem>>
      %dma_start3A = arith.constant 0 : i32
      %dma_start3A_93 = tpu.memref_slice %arg6[%run_scoped3A_68, %dma_start3A] : memref<16x640xf32, #tpu.memory_space<vmem>> -> memref<1x640xf32, #tpu.memory_space<vmem>>
      %dma_start3A_94 = tpu.memref_squeeze %dma_start3A_93 : memref<1x640xf32, #tpu.memory_space<vmem>> -> memref<640xf32, #tpu.memory_space<vmem>>
      %dma_start3A_95 = tpu.memref_slice %arg8[%run_scoped3A_67, %mul3A_66] : memref<16x10240xf32, #tpu.memory_space<vmem_shared>> -> memref<1x640xf32, #tpu.memory_space<vmem_shared>>
      %dma_start3A_96 = tpu.memref_squeeze %dma_start3A_95 : memref<1x640xf32, #tpu.memory_space<vmem_shared>> -> memref<640xf32, #tpu.memory_space<vmem_shared>>
      %dma_start3A_97 = arith.constant 0 : i32
      %dma_start3A_98 = tpu.memref_slice %arg6[%run_scoped3A_68, %dma_start3A_97] : memref<16x640xf32, #tpu.memory_space<vmem>> -> memref<1x640xf32, #tpu.memory_space<vmem>>
      %dma_start3A_99 = tpu.memref_squeeze %dma_start3A_98 : memref<1x640xf32, #tpu.memory_space<vmem>> -> memref<640xf32, #tpu.memory_space<vmem>>
      %dma_start3A_100 = tpu.memref_slice %arg8[%run_scoped3A_67, %mul3A_66] : memref<16x10240xf32, #tpu.memory_space<vmem_shared>> -> memref<1x640xf32, #tpu.memory_space<vmem_shared>>
      %dma_start3A_101 = tpu.memref_squeeze %dma_start3A_100 : memref<1x640xf32, #tpu.memory_space<vmem_shared>> -> memref<640xf32, #tpu.memory_space<vmem_shared>>
      tpu.enqueue_dma source(%dma_start3A_101 : memref<640xf32, #tpu.memory_space<vmem_shared>>) target(%dma_start3A_99 : memref<640xf32, #tpu.memory_space<vmem>>) target_semaphore(%run_scoped3A_92 : memref<!tpu.dma_semaphore, #tpu.memory_space<semaphore_mem>>)
      %dma_wait3A = arith.constant 0 : i32
      %dma_wait3A_102 = tpu.memref_slice %arg6[%run_scoped3A_68, %dma_wait3A] : memref<16x640xf32, #tpu.memory_space<vmem>> -> memref<1x640xf32, #tpu.memory_space<vmem>>
      %dma_wait3A_103 = tpu.memref_squeeze %dma_wait3A_102 : memref<1x640xf32, #tpu.memory_space<vmem>> -> memref<640xf32, #tpu.memory_space<vmem>>
      %dma_wait3A_104 = tpu.memref_slice %arg8[%run_scoped3A_67, %mul3A_66] : memref<16x10240xf32, #tpu.memory_space<vmem_shared>> -> memref<1x640xf32, #tpu.memory_space<vmem_shared>>
      %dma_wait3A_105 = tpu.memref_squeeze %dma_wait3A_104 : memref<1x640xf32, #tpu.memory_space<vmem_shared>> -> memref<640xf32, #tpu.memory_space<vmem_shared>>
      %dma_wait3A_106 = arith.constant 0 : i32
      %dma_wait3A_107 = tpu.memref_slice %arg6[%run_scoped3A_68, %dma_wait3A_106] : memref<16x640xf32, #tpu.memory_space<vmem>> -> memref<1x640xf32, #tpu.memory_space<vmem>>
      %dma_wait3A_108 = tpu.memref_squeeze %dma_wait3A_107 : memref<1x640xf32, #tpu.memory_space<vmem>> -> memref<640xf32, #tpu.memory_space<vmem>>
      %dma_wait3A_109 = tpu.memref_slice %arg8[%run_scoped3A_67, %mul3A_66] : memref<16x10240xf32, #tpu.memory_space<vmem_shared>> -> memref<1x640xf32, #tpu.memory_space<vmem_shared>>
      %dma_wait3A_110 = tpu.memref_squeeze %dma_wait3A_109 : memref<1x640xf32, #tpu.memory_space<vmem_shared>> -> memref<640xf32, #tpu.memory_space<vmem_shared>>
      tpu.wait_dma2 semaphore(%run_scoped3A_92 : memref<!tpu.dma_semaphore, #tpu.memory_space<semaphore_mem>>) src(%dma_wait3A_110 : memref<640xf32, #tpu.memory_space<vmem_shared>>) dst(%dma_wait3A_108 : memref<640xf32, #tpu.memory_space<vmem>>)
      tpu.yield
    }) : () -> ()
    %mul3A_69 = arith.constant 640 : i32
    %mul3A_70 = arith.muli %arg1, %mul3A_69 : i32
    %run_scoped3A_71 = arith.constant 12 : i32
    %run_scoped3A_72 = arith.constant 12 : i32
    "tpu.region"() ({
      %run_scoped3A_92 = tpu.sem_alloc : memref<!tpu.dma_semaphore, #tpu.memory_space<semaphore_mem>>
      %dma_start3A = arith.constant 0 : i32
      %dma_start3A_93 = tpu.memref_slice %arg6[%run_scoped3A_72, %dma_start3A] : memref<16x640xf32, #tpu.memory_space<vmem>> -> memref<1x640xf32, #tpu.memory_space<vmem>>
      %dma_start3A_94 = tpu.memref_squeeze %dma_start3A_93 : memref<1x640xf32, #tpu.memory_space<vmem>> -> memref<640xf32, #tpu.memory_space<vmem>>
      %dma_start3A_95 = tpu.memref_slice %arg8[%run_scoped3A_71, %mul3A_70] : memref<16x10240xf32, #tpu.memory_space<vmem_shared>> -> memref<1x640xf32, #tpu.memory_space<vmem_shared>>
      %dma_start3A_96 = tpu.memref_squeeze %dma_start3A_95 : memref<1x640xf32, #tpu.memory_space<vmem_shared>> -> memref<640xf32, #tpu.memory_space<vmem_shared>>
      %dma_start3A_97 = arith.constant 0 : i32
      %dma_start3A_98 = tpu.memref_slice %arg6[%run_scoped3A_72, %dma_start3A_97] : memref<16x640xf32, #tpu.memory_space<vmem>> -> memref<1x640xf32, #tpu.memory_space<vmem>>
      %dma_start3A_99 = tpu.memref_squeeze %dma_start3A_98 : memref<1x640xf32, #tpu.memory_space<vmem>> -> memref<640xf32, #tpu.memory_space<vmem>>
      %dma_start3A_100 = tpu.memref_slice %arg8[%run_scoped3A_71, %mul3A_70] : memref<16x10240xf32, #tpu.memory_space<vmem_shared>> -> memref<1x640xf32, #tpu.memory_space<vmem_shared>>
      %dma_start3A_101 = tpu.memref_squeeze %dma_start3A_100 : memref<1x640xf32, #tpu.memory_space<vmem_shared>> -> memref<640xf32, #tpu.memory_space<vmem_shared>>
      tpu.enqueue_dma source(%dma_start3A_101 : memref<640xf32, #tpu.memory_space<vmem_shared>>) target(%dma_start3A_99 : memref<640xf32, #tpu.memory_space<vmem>>) target_semaphore(%run_scoped3A_92 : memref<!tpu.dma_semaphore, #tpu.memory_space<semaphore_mem>>)
      %dma_wait3A = arith.constant 0 : i32
      %dma_wait3A_102 = tpu.memref_slice %arg6[%run_scoped3A_72, %dma_wait3A] : memref<16x640xf32, #tpu.memory_space<vmem>> -> memref<1x640xf32, #tpu.memory_space<vmem>>
      %dma_wait3A_103 = tpu.memref_squeeze %dma_wait3A_102 : memref<1x640xf32, #tpu.memory_space<vmem>> -> memref<640xf32, #tpu.memory_space<vmem>>
      %dma_wait3A_104 = tpu.memref_slice %arg8[%run_scoped3A_71, %mul3A_70] : memref<16x10240xf32, #tpu.memory_space<vmem_shared>> -> memref<1x640xf32, #tpu.memory_space<vmem_shared>>
      %dma_wait3A_105 = tpu.memref_squeeze %dma_wait3A_104 : memref<1x640xf32, #tpu.memory_space<vmem_shared>> -> memref<640xf32, #tpu.memory_space<vmem_shared>>
      %dma_wait3A_106 = arith.constant 0 : i32
      %dma_wait3A_107 = tpu.memref_slice %arg6[%run_scoped3A_72, %dma_wait3A_106] : memref<16x640xf32, #tpu.memory_space<vmem>> -> memref<1x640xf32, #tpu.memory_space<vmem>>
      %dma_wait3A_108 = tpu.memref_squeeze %dma_wait3A_107 : memref<1x640xf32, #tpu.memory_space<vmem>> -> memref<640xf32, #tpu.memory_space<vmem>>
      %dma_wait3A_109 = tpu.memref_slice %arg8[%run_scoped3A_71, %mul3A_70] : memref<16x10240xf32, #tpu.memory_space<vmem_shared>> -> memref<1x640xf32, #tpu.memory_space<vmem_shared>>
      %dma_wait3A_110 = tpu.memref_squeeze %dma_wait3A_109 : memref<1x640xf32, #tpu.memory_space<vmem_shared>> -> memref<640xf32, #tpu.memory_space<vmem_shared>>
      tpu.wait_dma2 semaphore(%run_scoped3A_92 : memref<!tpu.dma_semaphore, #tpu.memory_space<semaphore_mem>>) src(%dma_wait3A_110 : memref<640xf32, #tpu.memory_space<vmem_shared>>) dst(%dma_wait3A_108 : memref<640xf32, #tpu.memory_space<vmem>>)
      tpu.yield
    }) : () -> ()
    %mul3A_73 = arith.constant 640 : i32
    %mul3A_74 = arith.muli %arg1, %mul3A_73 : i32
    %run_scoped3A_75 = arith.constant 13 : i32
    %run_scoped3A_76 = arith.constant 13 : i32
    "tpu.region"() ({
      %run_scoped3A_92 = tpu.sem_alloc : memref<!tpu.dma_semaphore, #tpu.memory_space<semaphore_mem>>
      %dma_start3A = arith.constant 0 : i32
      %dma_start3A_93 = tpu.memref_slice %arg6[%run_scoped3A_76, %dma_start3A] : memref<16x640xf32, #tpu.memory_space<vmem>> -> memref<1x640xf32, #tpu.memory_space<vmem>>
      %dma_start3A_94 = tpu.memref_squeeze %dma_start3A_93 : memref<1x640xf32, #tpu.memory_space<vmem>> -> memref<640xf32, #tpu.memory_space<vmem>>
      %dma_start3A_95 = tpu.memref_slice %arg8[%run_scoped3A_75, %mul3A_74] : memref<16x10240xf32, #tpu.memory_space<vmem_shared>> -> memref<1x640xf32, #tpu.memory_space<vmem_shared>>
      %dma_start3A_96 = tpu.memref_squeeze %dma_start3A_95 : memref<1x640xf32, #tpu.memory_space<vmem_shared>> -> memref<640xf32, #tpu.memory_space<vmem_shared>>
      %dma_start3A_97 = arith.constant 0 : i32
      %dma_start3A_98 = tpu.memref_slice %arg6[%run_scoped3A_76, %dma_start3A_97] : memref<16x640xf32, #tpu.memory_space<vmem>> -> memref<1x640xf32, #tpu.memory_space<vmem>>
      %dma_start3A_99 = tpu.memref_squeeze %dma_start3A_98 : memref<1x640xf32, #tpu.memory_space<vmem>> -> memref<640xf32, #tpu.memory_space<vmem>>
      %dma_start3A_100 = tpu.memref_slice %arg8[%run_scoped3A_75, %mul3A_74] : memref<16x10240xf32, #tpu.memory_space<vmem_shared>> -> memref<1x640xf32, #tpu.memory_space<vmem_shared>>
      %dma_start3A_101 = tpu.memref_squeeze %dma_start3A_100 : memref<1x640xf32, #tpu.memory_space<vmem_shared>> -> memref<640xf32, #tpu.memory_space<vmem_shared>>
      tpu.enqueue_dma source(%dma_start3A_101 : memref<640xf32, #tpu.memory_space<vmem_shared>>) target(%dma_start3A_99 : memref<640xf32, #tpu.memory_space<vmem>>) target_semaphore(%run_scoped3A_92 : memref<!tpu.dma_semaphore, #tpu.memory_space<semaphore_mem>>)
      %dma_wait3A = arith.constant 0 : i32
      %dma_wait3A_102 = tpu.memref_slice %arg6[%run_scoped3A_76, %dma_wait3A] : memref<16x640xf32, #tpu.memory_space<vmem>> -> memref<1x640xf32, #tpu.memory_space<vmem>>
      %dma_wait3A_103 = tpu.memref_squeeze %dma_wait3A_102 : memref<1x640xf32, #tpu.memory_space<vmem>> -> memref<640xf32, #tpu.memory_space<vmem>>
      %dma_wait3A_104 = tpu.memref_slice %arg8[%run_scoped3A_75, %mul3A_74] : memref<16x10240xf32, #tpu.memory_space<vmem_shared>> -> memref<1x640xf32, #tpu.memory_space<vmem_shared>>
      %dma_wait3A_105 = tpu.memref_squeeze %dma_wait3A_104 : memref<1x640xf32, #tpu.memory_space<vmem_shared>> -> memref<640xf32, #tpu.memory_space<vmem_shared>>
      %dma_wait3A_106 = arith.constant 0 : i32
      %dma_wait3A_107 = tpu.memref_slice %arg6[%run_scoped3A_76, %dma_wait3A_106] : memref<16x640xf32, #tpu.memory_space<vmem>> -> memref<1x640xf32, #tpu.memory_space<vmem>>
      %dma_wait3A_108 = tpu.memref_squeeze %dma_wait3A_107 : memref<1x640xf32, #tpu.memory_space<vmem>> -> memref<640xf32, #tpu.memory_space<vmem>>
      %dma_wait3A_109 = tpu.memref_slice %arg8[%run_scoped3A_75, %mul3A_74] : memref<16x10240xf32, #tpu.memory_space<vmem_shared>> -> memref<1x640xf32, #tpu.memory_space<vmem_shared>>
      %dma_wait3A_110 = tpu.memref_squeeze %dma_wait3A_109 : memref<1x640xf32, #tpu.memory_space<vmem_shared>> -> memref<640xf32, #tpu.memory_space<vmem_shared>>
      tpu.wait_dma2 semaphore(%run_scoped3A_92 : memref<!tpu.dma_semaphore, #tpu.memory_space<semaphore_mem>>) src(%dma_wait3A_110 : memref<640xf32, #tpu.memory_space<vmem_shared>>) dst(%dma_wait3A_108 : memref<640xf32, #tpu.memory_space<vmem>>)
      tpu.yield
    }) : () -> ()
    %mul3A_77 = arith.constant 640 : i32
    %mul3A_78 = arith.muli %arg1, %mul3A_77 : i32
    %run_scoped3A_79 = arith.constant 14 : i32
    %run_scoped3A_80 = arith.constant 14 : i32
    "tpu.region"() ({
      %run_scoped3A_92 = tpu.sem_alloc : memref<!tpu.dma_semaphore, #tpu.memory_space<semaphore_mem>>
      %dma_start3A = arith.constant 0 : i32
      %dma_start3A_93 = tpu.memref_slice %arg6[%run_scoped3A_80, %dma_start3A] : memref<16x640xf32, #tpu.memory_space<vmem>> -> memref<1x640xf32, #tpu.memory_space<vmem>>
      %dma_start3A_94 = tpu.memref_squeeze %dma_start3A_93 : memref<1x640xf32, #tpu.memory_space<vmem>> -> memref<640xf32, #tpu.memory_space<vmem>>
      %dma_start3A_95 = tpu.memref_slice %arg8[%run_scoped3A_79, %mul3A_78] : memref<16x10240xf32, #tpu.memory_space<vmem_shared>> -> memref<1x640xf32, #tpu.memory_space<vmem_shared>>
      %dma_start3A_96 = tpu.memref_squeeze %dma_start3A_95 : memref<1x640xf32, #tpu.memory_space<vmem_shared>> -> memref<640xf32, #tpu.memory_space<vmem_shared>>
      %dma_start3A_97 = arith.constant 0 : i32
      %dma_start3A_98 = tpu.memref_slice %arg6[%run_scoped3A_80, %dma_start3A_97] : memref<16x640xf32, #tpu.memory_space<vmem>> -> memref<1x640xf32, #tpu.memory_space<vmem>>
      %dma_start3A_99 = tpu.memref_squeeze %dma_start3A_98 : memref<1x640xf32, #tpu.memory_space<vmem>> -> memref<640xf32, #tpu.memory_space<vmem>>
      %dma_start3A_100 = tpu.memref_slice %arg8[%run_scoped3A_79, %mul3A_78] : memref<16x10240xf32, #tpu.memory_space<vmem_shared>> -> memref<1x640xf32, #tpu.memory_space<vmem_shared>>
      %dma_start3A_101 = tpu.memref_squeeze %dma_start3A_100 : memref<1x640xf32, #tpu.memory_space<vmem_shared>> -> memref<640xf32, #tpu.memory_space<vmem_shared>>
      tpu.enqueue_dma source(%dma_start3A_101 : memref<640xf32, #tpu.memory_space<vmem_shared>>) target(%dma_start3A_99 : memref<640xf32, #tpu.memory_space<vmem>>) target_semaphore(%run_scoped3A_92 : memref<!tpu.dma_semaphore, #tpu.memory_space<semaphore_mem>>)
      %dma_wait3A = arith.constant 0 : i32
      %dma_wait3A_102 = tpu.memref_slice %arg6[%run_scoped3A_80, %dma_wait3A] : memref<16x640xf32, #tpu.memory_space<vmem>> -> memref<1x640xf32, #tpu.memory_space<vmem>>
      %dma_wait3A_103 = tpu.memref_squeeze %dma_wait3A_102 : memref<1x640xf32, #tpu.memory_space<vmem>> -> memref<640xf32, #tpu.memory_space<vmem>>
      %dma_wait3A_104 = tpu.memref_slice %arg8[%run_scoped3A_79, %mul3A_78] : memref<16x10240xf32, #tpu.memory_space<vmem_shared>> -> memref<1x640xf32, #tpu.memory_space<vmem_shared>>
      %dma_wait3A_105 = tpu.memref_squeeze %dma_wait3A_104 : memref<1x640xf32, #tpu.memory_space<vmem_shared>> -> memref<640xf32, #tpu.memory_space<vmem_shared>>
      %dma_wait3A_106 = arith.constant 0 : i32
      %dma_wait3A_107 = tpu.memref_slice %arg6[%run_scoped3A_80, %dma_wait3A_106] : memref<16x640xf32, #tpu.memory_space<vmem>> -> memref<1x640xf32, #tpu.memory_space<vmem>>
      %dma_wait3A_108 = tpu.memref_squeeze %dma_wait3A_107 : memref<1x640xf32, #tpu.memory_space<vmem>> -> memref<640xf32, #tpu.memory_space<vmem>>
      %dma_wait3A_109 = tpu.memref_slice %arg8[%run_scoped3A_79, %mul3A_78] : memref<16x10240xf32, #tpu.memory_space<vmem_shared>> -> memref<1x640xf32, #tpu.memory_space<vmem_shared>>
      %dma_wait3A_110 = tpu.memref_squeeze %dma_wait3A_109 : memref<1x640xf32, #tpu.memory_space<vmem_shared>> -> memref<640xf32, #tpu.memory_space<vmem_shared>>
      tpu.wait_dma2 semaphore(%run_scoped3A_92 : memref<!tpu.dma_semaphore, #tpu.memory_space<semaphore_mem>>) src(%dma_wait3A_110 : memref<640xf32, #tpu.memory_space<vmem_shared>>) dst(%dma_wait3A_108 : memref<640xf32, #tpu.memory_space<vmem>>)
      tpu.yield
    }) : () -> ()
    %mul3A_81 = arith.constant 640 : i32
    %mul3A_82 = arith.muli %arg1, %mul3A_81 : i32
    %run_scoped3A_83 = arith.constant 15 : i32
    %run_scoped3A_84 = arith.constant 15 : i32
    "tpu.region"() ({
      %run_scoped3A_92 = tpu.sem_alloc : memref<!tpu.dma_semaphore, #tpu.memory_space<semaphore_mem>>
      %dma_start3A = arith.constant 0 : i32
      %dma_start3A_93 = tpu.memref_slice %arg6[%run_scoped3A_84, %dma_start3A] : memref<16x640xf32, #tpu.memory_space<vmem>> -> memref<1x640xf32, #tpu.memory_space<vmem>>
      %dma_start3A_94 = tpu.memref_squeeze %dma_start3A_93 : memref<1x640xf32, #tpu.memory_space<vmem>> -> memref<640xf32, #tpu.memory_space<vmem>>
      %dma_start3A_95 = tpu.memref_slice %arg8[%run_scoped3A_83, %mul3A_82] : memref<16x10240xf32, #tpu.memory_space<vmem_shared>> -> memref<1x640xf32, #tpu.memory_space<vmem_shared>>
      %dma_start3A_96 = tpu.memref_squeeze %dma_start3A_95 : memref<1x640xf32, #tpu.memory_space<vmem_shared>> -> memref<640xf32, #tpu.memory_space<vmem_shared>>
      %dma_start3A_97 = arith.constant 0 : i32
      %dma_start3A_98 = tpu.memref_slice %arg6[%run_scoped3A_84, %dma_start3A_97] : memref<16x640xf32, #tpu.memory_space<vmem>> -> memref<1x640xf32, #tpu.memory_space<vmem>>
      %dma_start3A_99 = tpu.memref_squeeze %dma_start3A_98 : memref<1x640xf32, #tpu.memory_space<vmem>> -> memref<640xf32, #tpu.memory_space<vmem>>
      %dma_start3A_100 = tpu.memref_slice %arg8[%run_scoped3A_83, %mul3A_82] : memref<16x10240xf32, #tpu.memory_space<vmem_shared>> -> memref<1x640xf32, #tpu.memory_space<vmem_shared>>
      %dma_start3A_101 = tpu.memref_squeeze %dma_start3A_100 : memref<1x640xf32, #tpu.memory_space<vmem_shared>> -> memref<640xf32, #tpu.memory_space<vmem_shared>>
      tpu.enqueue_dma source(%dma_start3A_101 : memref<640xf32, #tpu.memory_space<vmem_shared>>) target(%dma_start3A_99 : memref<640xf32, #tpu.memory_space<vmem>>) target_semaphore(%run_scoped3A_92 : memref<!tpu.dma_semaphore, #tpu.memory_space<semaphore_mem>>)
      %dma_wait3A = arith.constant 0 : i32
      %dma_wait3A_102 = tpu.memref_slice %arg6[%run_scoped3A_84, %dma_wait3A] : memref<16x640xf32, #tpu.memory_space<vmem>> -> memref<1x640xf32, #tpu.memory_space<vmem>>
      %dma_wait3A_103 = tpu.memref_squeeze %dma_wait3A_102 : memref<1x640xf32, #tpu.memory_space<vmem>> -> memref<640xf32, #tpu.memory_space<vmem>>
      %dma_wait3A_104 = tpu.memref_slice %arg8[%run_scoped3A_83, %mul3A_82] : memref<16x10240xf32, #tpu.memory_space<vmem_shared>> -> memref<1x640xf32, #tpu.memory_space<vmem_shared>>
      %dma_wait3A_105 = tpu.memref_squeeze %dma_wait3A_104 : memref<1x640xf32, #tpu.memory_space<vmem_shared>> -> memref<640xf32, #tpu.memory_space<vmem_shared>>
      %dma_wait3A_106 = arith.constant 0 : i32
      %dma_wait3A_107 = tpu.memref_slice %arg6[%run_scoped3A_84, %dma_wait3A_106] : memref<16x640xf32, #tpu.memory_space<vmem>> -> memref<1x640xf32, #tpu.memory_space<vmem>>
      %dma_wait3A_108 = tpu.memref_squeeze %dma_wait3A_107 : memref<1x640xf32, #tpu.memory_space<vmem>> -> memref<640xf32, #tpu.memory_space<vmem>>
      %dma_wait3A_109 = tpu.memref_slice %arg8[%run_scoped3A_83, %mul3A_82] : memref<16x10240xf32, #tpu.memory_space<vmem_shared>> -> memref<1x640xf32, #tpu.memory_space<vmem_shared>>
      %dma_wait3A_110 = tpu.memref_squeeze %dma_wait3A_109 : memref<1x640xf32, #tpu.memory_space<vmem_shared>> -> memref<640xf32, #tpu.memory_space<vmem_shared>>
      tpu.wait_dma2 semaphore(%run_scoped3A_92 : memref<!tpu.dma_semaphore, #tpu.memory_space<semaphore_mem>>) src(%dma_wait3A_110 : memref<640xf32, #tpu.memory_space<vmem_shared>>) dst(%dma_wait3A_108 : memref<640xf32, #tpu.memory_space<vmem>>)
      tpu.yield
    }) : () -> ()
    %scan3A_85 = arith.constant 0 : i32
    %scan3A_86 = arith.constant 40 : i32
    %scan3A_87 = arith.addi %scan3A_85, %scan3A_86 : i32
    %scan3A_88 = arith.constant 4 : i32
    scf.for %scan3A_92 = %scan3A_85 to %scan3A_87 step %scan3A_88  : i32 {
      %mul3A_93 = arith.constant 1 : i32
      %mul3A_94 = arith.muli %scan3A_92, %mul3A_93 : i32
      %add3A_95 = arith.constant 0 : i32
      %add3A_96 = arith.addi %add3A_95, %mul3A_94 : i32
      %broadcast_in_dim3A_97 = arith.constant 0.000000e+00 : f32
      %broadcast_in_dim3A_98 = vector.broadcast %broadcast_in_dim3A_97 : f32 to vector<16xf32>
      %mul3A_99 = arith.constant 16 : i32
      %mul3A_100 = arith.muli %add3A_96, %mul3A_99 : i32
      %get3A_101 = arith.constant 0 : i32
      %get3A_102 = arith.index_cast %get3A_101 : i32 to index
      %get3A_103 = arith.index_cast %mul3A_100 : i32 to index
      %get3A_104 = tpu.vector_load %arg6[%get3A_102, %get3A_103] {strides = array<i32>} : memref<16x640xf32, #tpu.memory_space<vmem>>, vector<16xf32>,
      %add3A_105 = arith.addf %broadcast_in_dim3A_98, %get3A_104 : vector<16xf32>
      %mul3A_106 = arith.constant 16 : i32
      %mul3A_107 = arith.muli %add3A_96, %mul3A_106 : i32
      %get3A_108 = arith.constant 1 : i32
      %get3A_109 = arith.index_cast %get3A_108 : i32 to index
      %get3A_110 = arith.index_cast %mul3A_107 : i32 to index
      %get3A_111 = tpu.vector_load %arg6[%get3A_109, %get3A_110] {strides = array<i32>} : memref<16x640xf32, #tpu.memory_space<vmem>>, vector<16xf32>,
      %add3A_112 = arith.addf %add3A_105, %get3A_111 : vector<16xf32>
      %mul3A_113 = arith.constant 16 : i32
      %mul3A_114 = arith.muli %add3A_96, %mul3A_113 : i32
      %get3A_115 = arith.constant 2 : i32
      %get3A_116 = arith.index_cast %get3A_115 : i32 to index
      %get3A_117 = arith.index_cast %mul3A_114 : i32 to index
      %get3A_118 = tpu.vector_load %arg6[%get3A_116, %get3A_117] {strides = array<i32>} : memref<16x640xf32, #tpu.memory_space<vmem>>, vector<16xf32>,
      %add3A_119 = arith.addf %add3A_112, %get3A_118 : vector<16xf32>
      %mul3A_120 = arith.constant 16 : i32
      %mul3A_121 = arith.muli %add3A_96, %mul3A_120 : i32
      %get3A_122 = arith.constant 3 : i32
      %get3A_123 = arith.index_cast %get3A_122 : i32 to index
      %get3A_124 = arith.index_cast %mul3A_121 : i32 to index
      %get3A_125 = tpu.vector_load %arg6[%get3A_123, %get3A_124] {strides = array<i32>} : memref<16x640xf32, #tpu.memory_space<vmem>>, vector<16xf32>,
      %add3A_126 = arith.addf %add3A_119, %get3A_125 : vector<16xf32>
      %mul3A_127 = arith.constant 16 : i32
      %mul3A_128 = arith.muli %add3A_96, %mul3A_127 : i32
      %get3A_129 = arith.constant 4 : i32
      %get3A_130 = arith.index_cast %get3A_129 : i32 to index
      %get3A_131 = arith.index_cast %mul3A_128 : i32 to index
      %get3A_132 = tpu.vector_load %arg6[%get3A_130, %get3A_131] {strides = array<i32>} : memref<16x640xf32, #tpu.memory_space<vmem>>, vector<16xf32>,
      %add3A_133 = arith.addf %add3A_126, %get3A_132 : vector<16xf32>
      %mul3A_134 = arith.constant 16 : i32
      %mul3A_135 = arith.muli %add3A_96, %mul3A_134 : i32
      %get3A_136 = arith.constant 5 : i32
      %get3A_137 = arith.index_cast %get3A_136 : i32 to index
      %get3A_138 = arith.index_cast %mul3A_135 : i32 to index
      %get3A_139 = tpu.vector_load %arg6[%get3A_137, %get3A_138] {strides = array<i32>} : memref<16x640xf32, #tpu.memory_space<vmem>>, vector<16xf32>,
      %add3A_140 = arith.addf %add3A_133, %get3A_139 : vector<16xf32>
      %mul3A_141 = arith.constant 16 : i32
      %mul3A_142 = arith.muli %add3A_96, %mul3A_141 : i32
      %get3A_143 = arith.constant 6 : i32
      %get3A_144 = arith.index_cast %get3A_143 : i32 to index
      %get3A_145 = arith.index_cast %mul3A_142 : i32 to index
      %get3A_146 = tpu.vector_load %arg6[%get3A_144, %get3A_145] {strides = array<i32>} : memref<16x640xf32, #tpu.memory_space<vmem>>, vector<16xf32>,
      %add3A_147 = arith.addf %add3A_140, %get3A_146 : vector<16xf32>
      %mul3A_148 = arith.constant 16 : i32
      %mul3A_149 = arith.muli %add3A_96, %mul3A_148 : i32
      %get3A_150 = arith.constant 7 : i32
      %get3A_151 = arith.index_cast %get3A_150 : i32 to index
      %get3A_152 = arith.index_cast %mul3A_149 : i32 to index
      %get3A_153 = tpu.vector_load %arg6[%get3A_151, %get3A_152] {strides = array<i32>} : memref<16x640xf32, #tpu.memory_space<vmem>>, vector<16xf32>,
      %add3A_154 = arith.addf %add3A_147, %get3A_153 : vector<16xf32>
      %mul3A_155 = arith.constant 16 : i32
      %mul3A_156 = arith.muli %add3A_96, %mul3A_155 : i32
      %get3A_157 = arith.constant 8 : i32
      %get3A_158 = arith.index_cast %get3A_157 : i32 to index
      %get3A_159 = arith.index_cast %mul3A_156 : i32 to index
      %get3A_160 = tpu.vector_load %arg6[%get3A_158, %get3A_159] {strides = array<i32>} : memref<16x640xf32, #tpu.memory_space<vmem>>, vector<16xf32>,
      %add3A_161 = arith.addf %add3A_154, %get3A_160 : vector<16xf32>
      %mul3A_162 = arith.constant 16 : i32
      %mul3A_163 = arith.muli %add3A_96, %mul3A_162 : i32
      %get3A_164 = arith.constant 9 : i32
      %get3A_165 = arith.index_cast %get3A_164 : i32 to index
      %get3A_166 = arith.index_cast %mul3A_163 : i32 to index
      %get3A_167 = tpu.vector_load %arg6[%get3A_165, %get3A_166] {strides = array<i32>} : memref<16x640xf32, #tpu.memory_space<vmem>>, vector<16xf32>,
      %add3A_168 = arith.addf %add3A_161, %get3A_167 : vector<16xf32>
      %mul3A_169 = arith.constant 16 : i32
      %mul3A_170 = arith.muli %add3A_96, %mul3A_169 : i32
      %get3A_171 = arith.constant 10 : i32
      %get3A_172 = arith.index_cast %get3A_171 : i32 to index
      %get3A_173 = arith.index_cast %mul3A_170 : i32 to index
      %get3A_174 = tpu.vector_load %arg6[%get3A_172, %get3A_173] {strides = array<i32>} : memref<16x640xf32, #tpu.memory_space<vmem>>, vector<16xf32>,
      %add3A_175 = arith.addf %add3A_168, %get3A_174 : vector<16xf32>
      %mul3A_176 = arith.constant 16 : i32
      %mul3A_177 = arith.muli %add3A_96, %mul3A_176 : i32
      %get3A_178 = arith.constant 11 : i32
      %get3A_179 = arith.index_cast %get3A_178 : i32 to index
      %get3A_180 = arith.index_cast %mul3A_177 : i32 to index
      %get3A_181 = tpu.vector_load %arg6[%get3A_179, %get3A_180] {strides = array<i32>} : memref<16x640xf32, #tpu.memory_space<vmem>>, vector<16xf32>,
      %add3A_182 = arith.addf %add3A_175, %get3A_181 : vector<16xf32>
      %mul3A_183 = arith.constant 16 : i32
      %mul3A_184 = arith.muli %add3A_96, %mul3A_183 : i32
      %get3A_185 = arith.constant 12 : i32
      %get3A_186 = arith.index_cast %get3A_185 : i32 to index
      %get3A_187 = arith.index_cast %mul3A_184 : i32 to index
      %get3A_188 = tpu.vector_load %arg6[%get3A_186, %get3A_187] {strides = array<i32>} : memref<16x640xf32, #tpu.memory_space<vmem>>, vector<16xf32>,
      %add3A_189 = arith.addf %add3A_182, %get3A_188 : vector<16xf32>
      %mul3A_190 = arith.constant 16 : i32
      %mul3A_191 = arith.muli %add3A_96, %mul3A_190 : i32
      %get3A_192 = arith.constant 13 : i32
      %get3A_193 = arith.index_cast %get3A_192 : i32 to index
      %get3A_194 = arith.index_cast %mul3A_191 : i32 to index
      %get3A_195 = tpu.vector_load %arg6[%get3A_193, %get3A_194] {strides = array<i32>} : memref<16x640xf32, #tpu.memory_space<vmem>>, vector<16xf32>,
      %add3A_196 = arith.addf %add3A_189, %get3A_195 : vector<16xf32>
      %mul3A_197 = arith.constant 16 : i32
      %mul3A_198 = arith.muli %add3A_96, %mul3A_197 : i32
      %get3A_199 = arith.constant 14 : i32
      %get3A_200 = arith.index_cast %get3A_199 : i32 to index
      %get3A_201 = arith.index_cast %mul3A_198 : i32 to index
      %get3A_202 = tpu.vector_load %arg6[%get3A_200, %get3A_201] {strides = array<i32>} : memref<16x640xf32, #tpu.memory_space<vmem>>, vector<16xf32>,
      %add3A_203 = arith.addf %add3A_196, %get3A_202 : vector<16xf32>
      %mul3A_204 = arith.constant 16 : i32
      %mul3A_205 = arith.muli %add3A_96, %mul3A_204 : i32
      %get3A_206 = arith.constant 15 : i32
      %get3A_207 = arith.index_cast %get3A_206 : i32 to index
      %get3A_208 = arith.index_cast %mul3A_205 : i32 to index
      %get3A_209 = tpu.vector_load %arg6[%get3A_207, %get3A_208] {strides = array<i32>} : memref<16x640xf32, #tpu.memory_space<vmem>>, vector<16xf32>,
      %add3A_210 = arith.addf %add3A_203, %get3A_209 : vector<16xf32>
      %mul3A_211 = arith.constant 16 : i32
      %mul3A_212 = arith.muli %add3A_96, %mul3A_211 : i32
      %swap3A = arith.index_cast %mul3A_212 : i32 to index
      %swap3A_213 = tpu.vector_load %arg7[%swap3A] {strides = array<i32>} : memref<640xf32, #tpu.memory_space<vmem>>, vector<16xf32>,
      tpu.vector_store %arg7[%swap3A], %add3A_210 {strides = array<i32>} : memref<640xf32, #tpu.memory_space<vmem>>, vector<16xf32>,
      %scan3A_214 = arith.constant 1 : i32
      %scan3A_215 = arith.addi %scan3A_92, %scan3A_214 : i32
      %mul3A_216 = arith.constant 1 : i32
      %mul3A_217 = arith.muli %scan3A_215, %mul3A_216 : i32
      %add3A_218 = arith.constant 0 : i32
      %add3A_219 = arith.addi %add3A_218, %mul3A_217 : i32
      %broadcast_in_dim3A_220 = arith.constant 0.000000e+00 : f32
      %broadcast_in_dim3A_221 = vector.broadcast %broadcast_in_dim3A_220 : f32 to vector<16xf32>
      %mul3A_222 = arith.constant 16 : i32
      %mul3A_223 = arith.muli %add3A_219, %mul3A_222 : i32
      %get3A_224 = arith.constant 0 : i32
      %get3A_225 = arith.index_cast %get3A_224 : i32 to index
      %get3A_226 = arith.index_cast %mul3A_223 : i32 to index
      %get3A_227 = tpu.vector_load %arg6[%get3A_225, %get3A_226] {strides = array<i32>} : memref<16x640xf32, #tpu.memory_space<vmem>>, vector<16xf32>,
      %add3A_228 = arith.addf %broadcast_in_dim3A_221, %get3A_227 : vector<16xf32>
      %mul3A_229 = arith.constant 16 : i32
      %mul3A_230 = arith.muli %add3A_219, %mul3A_229 : i32
      %get3A_231 = arith.constant 1 : i32
      %get3A_232 = arith.index_cast %get3A_231 : i32 to index
      %get3A_233 = arith.index_cast %mul3A_230 : i32 to index
      %get3A_234 = tpu.vector_load %arg6[%get3A_232, %get3A_233] {strides = array<i32>} : memref<16x640xf32, #tpu.memory_space<vmem>>, vector<16xf32>,
      %add3A_235 = arith.addf %add3A_228, %get3A_234 : vector<16xf32>
      %mul3A_236 = arith.constant 16 : i32
      %mul3A_237 = arith.muli %add3A_219, %mul3A_236 : i32
      %get3A_238 = arith.constant 2 : i32
      %get3A_239 = arith.index_cast %get3A_238 : i32 to index
      %get3A_240 = arith.index_cast %mul3A_237 : i32 to index
      %get3A_241 = tpu.vector_load %arg6[%get3A_239, %get3A_240] {strides = array<i32>} : memref<16x640xf32, #tpu.memory_space<vmem>>, vector<16xf32>,
      %add3A_242 = arith.addf %add3A_235, %get3A_241 : vector<16xf32>
      %mul3A_243 = arith.constant 16 : i32
      %mul3A_244 = arith.muli %add3A_219, %mul3A_243 : i32
      %get3A_245 = arith.constant 3 : i32
      %get3A_246 = arith.index_cast %get3A_245 : i32 to index
      %get3A_247 = arith.index_cast %mul3A_244 : i32 to index
      %get3A_248 = tpu.vector_load %arg6[%get3A_246, %get3A_247] {strides = array<i32>} : memref<16x640xf32, #tpu.memory_space<vmem>>, vector<16xf32>,
      %add3A_249 = arith.addf %add3A_242, %get3A_248 : vector<16xf32>
      %mul3A_250 = arith.constant 16 : i32
      %mul3A_251 = arith.muli %add3A_219, %mul3A_250 : i32
      %get3A_252 = arith.constant 4 : i32
      %get3A_253 = arith.index_cast %get3A_252 : i32 to index
      %get3A_254 = arith.index_cast %mul3A_251 : i32 to index
      %get3A_255 = tpu.vector_load %arg6[%get3A_253, %get3A_254] {strides = array<i32>} : memref<16x640xf32, #tpu.memory_space<vmem>>, vector<16xf32>,
      %add3A_256 = arith.addf %add3A_249, %get3A_255 : vector<16xf32>
      %mul3A_257 = arith.constant 16 : i32
      %mul3A_258 = arith.muli %add3A_219, %mul3A_257 : i32
      %get3A_259 = arith.constant 5 : i32
      %get3A_260 = arith.index_cast %get3A_259 : i32 to index
      %get3A_261 = arith.index_cast %mul3A_258 : i32 to index
      %get3A_262 = tpu.vector_load %arg6[%get3A_260, %get3A_261] {strides = array<i32>} : memref<16x640xf32, #tpu.memory_space<vmem>>, vector<16xf32>,
      %add3A_263 = arith.addf %add3A_256, %get3A_262 : vector<16xf32>
      %mul3A_264 = arith.constant 16 : i32
      %mul3A_265 = arith.muli %add3A_219, %mul3A_264 : i32
      %get3A_266 = arith.constant 6 : i32
      %get3A_267 = arith.index_cast %get3A_266 : i32 to index
      %get3A_268 = arith.index_cast %mul3A_265 : i32 to index
      %get3A_269 = tpu.vector_load %arg6[%get3A_267, %get3A_268] {strides = array<i32>} : memref<16x640xf32, #tpu.memory_space<vmem>>, vector<16xf32>,
      %add3A_270 = arith.addf %add3A_263, %get3A_269 : vector<16xf32>
      %mul3A_271 = arith.constant 16 : i32
      %mul3A_272 = arith.muli %add3A_219, %mul3A_271 : i32
      %get3A_273 = arith.constant 7 : i32
      %get3A_274 = arith.index_cast %get3A_273 : i32 to index
      %get3A_275 = arith.index_cast %mul3A_272 : i32 to index
      %get3A_276 = tpu.vector_load %arg6[%get3A_274, %get3A_275] {strides = array<i32>} : memref<16x640xf32, #tpu.memory_space<vmem>>, vector<16xf32>,
      %add3A_277 = arith.addf %add3A_270, %get3A_276 : vector<16xf32>
      %mul3A_278 = arith.constant 16 : i32
      %mul3A_279 = arith.muli %add3A_219, %mul3A_278 : i32
      %get3A_280 = arith.constant 8 : i32
      %get3A_281 = arith.index_cast %get3A_280 : i32 to index
      %get3A_282 = arith.index_cast %mul3A_279 : i32 to index
      %get3A_283 = tpu.vector_load %arg6[%get3A_281, %get3A_282] {strides = array<i32>} : memref<16x640xf32, #tpu.memory_space<vmem>>, vector<16xf32>,
      %add3A_284 = arith.addf %add3A_277, %get3A_283 : vector<16xf32>
      %mul3A_285 = arith.constant 16 : i32
      %mul3A_286 = arith.muli %add3A_219, %mul3A_285 : i32
      %get3A_287 = arith.constant 9 : i32
      %get3A_288 = arith.index_cast %get3A_287 : i32 to index
      %get3A_289 = arith.index_cast %mul3A_286 : i32 to index
      %get3A_290 = tpu.vector_load %arg6[%get3A_288, %get3A_289] {strides = array<i32>} : memref<16x640xf32, #tpu.memory_space<vmem>>, vector<16xf32>,
      %add3A_291 = arith.addf %add3A_284, %get3A_290 : vector<16xf32>
      %mul3A_292 = arith.constant 16 : i32
      %mul3A_293 = arith.muli %add3A_219, %mul3A_292 : i32
      %get3A_294 = arith.constant 10 : i32
      %get3A_295 = arith.index_cast %get3A_294 : i32 to index
      %get3A_296 = arith.index_cast %mul3A_293 : i32 to index
      %get3A_297 = tpu.vector_load %arg6[%get3A_295, %get3A_296] {strides = array<i32>} : memref<16x640xf32, #tpu.memory_space<vmem>>, vector<16xf32>,
      %add3A_298 = arith.addf %add3A_291, %get3A_297 : vector<16xf32>
      %mul3A_299 = arith.constant 16 : i32
      %mul3A_300 = arith.muli %add3A_219, %mul3A_299 : i32
      %get3A_301 = arith.constant 11 : i32
      %get3A_302 = arith.index_cast %get3A_301 : i32 to index
      %get3A_303 = arith.index_cast %mul3A_300 : i32 to index
      %get3A_304 = tpu.vector_load %arg6[%get3A_302, %get3A_303] {strides = array<i32>} : memref<16x640xf32, #tpu.memory_space<vmem>>, vector<16xf32>,
      %add3A_305 = arith.addf %add3A_298, %get3A_304 : vector<16xf32>
      %mul3A_306 = arith.constant 16 : i32
      %mul3A_307 = arith.muli %add3A_219, %mul3A_306 : i32
      %get3A_308 = arith.constant 12 : i32
      %get3A_309 = arith.index_cast %get3A_308 : i32 to index
      %get3A_310 = arith.index_cast %mul3A_307 : i32 to index
      %get3A_311 = tpu.vector_load %arg6[%get3A_309, %get3A_310] {strides = array<i32>} : memref<16x640xf32, #tpu.memory_space<vmem>>, vector<16xf32>,
      %add3A_312 = arith.addf %add3A_305, %get3A_311 : vector<16xf32>
      %mul3A_313 = arith.constant 16 : i32
      %mul3A_314 = arith.muli %add3A_219, %mul3A_313 : i32
      %get3A_315 = arith.constant 13 : i32
      %get3A_316 = arith.index_cast %get3A_315 : i32 to index
      %get3A_317 = arith.index_cast %mul3A_314 : i32 to index
      %get3A_318 = tpu.vector_load %arg6[%get3A_316, %get3A_317] {strides = array<i32>} : memref<16x640xf32, #tpu.memory_space<vmem>>, vector<16xf32>,
      %add3A_319 = arith.addf %add3A_312, %get3A_318 : vector<16xf32>
      %mul3A_320 = arith.constant 16 : i32
      %mul3A_321 = arith.muli %add3A_219, %mul3A_320 : i32
      %get3A_322 = arith.constant 14 : i32
      %get3A_323 = arith.index_cast %get3A_322 : i32 to index
      %get3A_324 = arith.index_cast %mul3A_321 : i32 to index
      %get3A_325 = tpu.vector_load %arg6[%get3A_323, %get3A_324] {strides = array<i32>} : memref<16x640xf32, #tpu.memory_space<vmem>>, vector<16xf32>,
      %add3A_326 = arith.addf %add3A_319, %get3A_325 : vector<16xf32>
      %mul3A_327 = arith.constant 16 : i32
      %mul3A_328 = arith.muli %add3A_219, %mul3A_327 : i32
      %get3A_329 = arith.constant 15 : i32
      %get3A_330 = arith.index_cast %get3A_329 : i32 to index
      %get3A_331 = arith.index_cast %mul3A_328 : i32 to index
      %get3A_332 = tpu.vector_load %arg6[%get3A_330, %get3A_331] {strides = array<i32>} : memref<16x640xf32, #tpu.memory_space<vmem>>, vector<16xf32>,
      %add3A_333 = arith.addf %add3A_326, %get3A_332 : vector<16xf32>
      %mul3A_334 = arith.constant 16 : i32
      %mul3A_335 = arith.muli %add3A_219, %mul3A_334 : i32
      %swap3A_336 = arith.index_cast %mul3A_335 : i32 to index
      %swap3A_337 = tpu.vector_load %arg7[%swap3A_336] {strides = array<i32>} : memref<640xf32, #tpu.memory_space<vmem>>, vector<16xf32>,
      tpu.vector_store %arg7[%swap3A_336], %add3A_333 {strides = array<i32>} : memref<640xf32, #tpu.memory_space<vmem>>, vector<16xf32>,
      %scan3A_338 = arith.constant 2 : i32
      %scan3A_339 = arith.addi %scan3A_92, %scan3A_338 : i32
      %mul3A_340 = arith.constant 1 : i32
      %mul3A_341 = arith.muli %scan3A_339, %mul3A_340 : i32
      %add3A_342 = arith.constant 0 : i32
      %add3A_343 = arith.addi %add3A_342, %mul3A_341 : i32
      %broadcast_in_dim3A_344 = arith.constant 0.000000e+00 : f32
      %broadcast_in_dim3A_345 = vector.broadcast %broadcast_in_dim3A_344 : f32 to vector<16xf32>
      %mul3A_346 = arith.constant 16 : i32
      %mul3A_347 = arith.muli %add3A_343, %mul3A_346 : i32
      %get3A_348 = arith.constant 0 : i32
      %get3A_349 = arith.index_cast %get3A_348 : i32 to index
      %get3A_350 = arith.index_cast %mul3A_347 : i32 to index
      %get3A_351 = tpu.vector_load %arg6[%get3A_349, %get3A_350] {strides = array<i32>} : memref<16x640xf32, #tpu.memory_space<vmem>>, vector<16xf32>,
      %add3A_352 = arith.addf %broadcast_in_dim3A_345, %get3A_351 : vector<16xf32>
      %mul3A_353 = arith.constant 16 : i32
      %mul3A_354 = arith.muli %add3A_343, %mul3A_353 : i32
      %get3A_355 = arith.constant 1 : i32
      %get3A_356 = arith.index_cast %get3A_355 : i32 to index
      %get3A_357 = arith.index_cast %mul3A_354 : i32 to index
      %get3A_358 = tpu.vector_load %arg6[%get3A_356, %get3A_357] {strides = array<i32>} : memref<16x640xf32, #tpu.memory_space<vmem>>, vector<16xf32>,
      %add3A_359 = arith.addf %add3A_352, %get3A_358 : vector<16xf32>
      %mul3A_360 = arith.constant 16 : i32
      %mul3A_361 = arith.muli %add3A_343, %mul3A_360 : i32
      %get3A_362 = arith.constant 2 : i32
      %get3A_363 = arith.index_cast %get3A_362 : i32 to index
      %get3A_364 = arith.index_cast %mul3A_361 : i32 to index
      %get3A_365 = tpu.vector_load %arg6[%get3A_363, %get3A_364] {strides = array<i32>} : memref<16x640xf32, #tpu.memory_space<vmem>>, vector<16xf32>,
      %add3A_366 = arith.addf %add3A_359, %get3A_365 : vector<16xf32>
      %mul3A_367 = arith.constant 16 : i32
      %mul3A_368 = arith.muli %add3A_343, %mul3A_367 : i32
      %get3A_369 = arith.constant 3 : i32
      %get3A_370 = arith.index_cast %get3A_369 : i32 to index
      %get3A_371 = arith.index_cast %mul3A_368 : i32 to index
      %get3A_372 = tpu.vector_load %arg6[%get3A_370, %get3A_371] {strides = array<i32>} : memref<16x640xf32, #tpu.memory_space<vmem>>, vector<16xf32>,
      %add3A_373 = arith.addf %add3A_366, %get3A_372 : vector<16xf32>
      %mul3A_374 = arith.constant 16 : i32
      %mul3A_375 = arith.muli %add3A_343, %mul3A_374 : i32
      %get3A_376 = arith.constant 4 : i32
      %get3A_377 = arith.index_cast %get3A_376 : i32 to index
      %get3A_378 = arith.index_cast %mul3A_375 : i32 to index
      %get3A_379 = tpu.vector_load %arg6[%get3A_377, %get3A_378] {strides = array<i32>} : memref<16x640xf32, #tpu.memory_space<vmem>>, vector<16xf32>,
      %add3A_380 = arith.addf %add3A_373, %get3A_379 : vector<16xf32>
      %mul3A_381 = arith.constant 16 : i32
      %mul3A_382 = arith.muli %add3A_343, %mul3A_381 : i32
      %get3A_383 = arith.constant 5 : i32
      %get3A_384 = arith.index_cast %get3A_383 : i32 to index
      %get3A_385 = arith.index_cast %mul3A_382 : i32 to index
      %get3A_386 = tpu.vector_load %arg6[%get3A_384, %get3A_385] {strides = array<i32>} : memref<16x640xf32, #tpu.memory_space<vmem>>, vector<16xf32>,
      %add3A_387 = arith.addf %add3A_380, %get3A_386 : vector<16xf32>
      %mul3A_388 = arith.constant 16 : i32
      %mul3A_389 = arith.muli %add3A_343, %mul3A_388 : i32
      %get3A_390 = arith.constant 6 : i32
      %get3A_391 = arith.index_cast %get3A_390 : i32 to index
      %get3A_392 = arith.index_cast %mul3A_389 : i32 to index
      %get3A_393 = tpu.vector_load %arg6[%get3A_391, %get3A_392] {strides = array<i32>} : memref<16x640xf32, #tpu.memory_space<vmem>>, vector<16xf32>,
      %add3A_394 = arith.addf %add3A_387, %get3A_393 : vector<16xf32>
      %mul3A_395 = arith.constant 16 : i32
      %mul3A_396 = arith.muli %add3A_343, %mul3A_395 : i32
      %get3A_397 = arith.constant 7 : i32
      %get3A_398 = arith.index_cast %get3A_397 : i32 to index
      %get3A_399 = arith.index_cast %mul3A_396 : i32 to index
      %get3A_400 = tpu.vector_load %arg6[%get3A_398, %get3A_399] {strides = array<i32>} : memref<16x640xf32, #tpu.memory_space<vmem>>, vector<16xf32>,
      %add3A_401 = arith.addf %add3A_394, %get3A_400 : vector<16xf32>
      %mul3A_402 = arith.constant 16 : i32
      %mul3A_403 = arith.muli %add3A_343, %mul3A_402 : i32
      %get3A_404 = arith.constant 8 : i32
      %get3A_405 = arith.index_cast %get3A_404 : i32 to index
      %get3A_406 = arith.index_cast %mul3A_403 : i32 to index
      %get3A_407 = tpu.vector_load %arg6[%get3A_405, %get3A_406] {strides = array<i32>} : memref<16x640xf32, #tpu.memory_space<vmem>>, vector<16xf32>,
      %add3A_408 = arith.addf %add3A_401, %get3A_407 : vector<16xf32>
      %mul3A_409 = arith.constant 16 : i32
      %mul3A_410 = arith.muli %add3A_343, %mul3A_409 : i32
      %get3A_411 = arith.constant 9 : i32
      %get3A_412 = arith.index_cast %get3A_411 : i32 to index
      %get3A_413 = arith.index_cast %mul3A_410 : i32 to index
      %get3A_414 = tpu.vector_load %arg6[%get3A_412, %get3A_413] {strides = array<i32>} : memref<16x640xf32, #tpu.memory_space<vmem>>, vector<16xf32>,
      %add3A_415 = arith.addf %add3A_408, %get3A_414 : vector<16xf32>
      %mul3A_416 = arith.constant 16 : i32
      %mul3A_417 = arith.muli %add3A_343, %mul3A_416 : i32
      %get3A_418 = arith.constant 10 : i32
      %get3A_419 = arith.index_cast %get3A_418 : i32 to index
      %get3A_420 = arith.index_cast %mul3A_417 : i32 to index
      %get3A_421 = tpu.vector_load %arg6[%get3A_419, %get3A_420] {strides = array<i32>} : memref<16x640xf32, #tpu.memory_space<vmem>>, vector<16xf32>,
      %add3A_422 = arith.addf %add3A_415, %get3A_421 : vector<16xf32>
      %mul3A_423 = arith.constant 16 : i32
      %mul3A_424 = arith.muli %add3A_343, %mul3A_423 : i32
      %get3A_425 = arith.constant 11 : i32
      %get3A_426 = arith.index_cast %get3A_425 : i32 to index
      %get3A_427 = arith.index_cast %mul3A_424 : i32 to index
      %get3A_428 = tpu.vector_load %arg6[%get3A_426, %get3A_427] {strides = array<i32>} : memref<16x640xf32, #tpu.memory_space<vmem>>, vector<16xf32>,
      %add3A_429 = arith.addf %add3A_422, %get3A_428 : vector<16xf32>
      %mul3A_430 = arith.constant 16 : i32
      %mul3A_431 = arith.muli %add3A_343, %mul3A_430 : i32
      %get3A_432 = arith.constant 12 : i32
      %get3A_433 = arith.index_cast %get3A_432 : i32 to index
      %get3A_434 = arith.index_cast %mul3A_431 : i32 to index
      %get3A_435 = tpu.vector_load %arg6[%get3A_433, %get3A_434] {strides = array<i32>} : memref<16x640xf32, #tpu.memory_space<vmem>>, vector<16xf32>,
      %add3A_436 = arith.addf %add3A_429, %get3A_435 : vector<16xf32>
      %mul3A_437 = arith.constant 16 : i32
      %mul3A_438 = arith.muli %add3A_343, %mul3A_437 : i32
      %get3A_439 = arith.constant 13 : i32
      %get3A_440 = arith.index_cast %get3A_439 : i32 to index
      %get3A_441 = arith.index_cast %mul3A_438 : i32 to index
      %get3A_442 = tpu.vector_load %arg6[%get3A_440, %get3A_441] {strides = array<i32>} : memref<16x640xf32, #tpu.memory_space<vmem>>, vector<16xf32>,
      %add3A_443 = arith.addf %add3A_436, %get3A_442 : vector<16xf32>
      %mul3A_444 = arith.constant 16 : i32
      %mul3A_445 = arith.muli %add3A_343, %mul3A_444 : i32
      %get3A_446 = arith.constant 14 : i32
      %get3A_447 = arith.index_cast %get3A_446 : i32 to index
      %get3A_448 = arith.index_cast %mul3A_445 : i32 to index
      %get3A_449 = tpu.vector_load %arg6[%get3A_447, %get3A_448] {strides = array<i32>} : memref<16x640xf32, #tpu.memory_space<vmem>>, vector<16xf32>,
      %add3A_450 = arith.addf %add3A_443, %get3A_449 : vector<16xf32>
      %mul3A_451 = arith.constant 16 : i32
      %mul3A_452 = arith.muli %add3A_343, %mul3A_451 : i32
      %get3A_453 = arith.constant 15 : i32
      %get3A_454 = arith.index_cast %get3A_453 : i32 to index
      %get3A_455 = arith.index_cast %mul3A_452 : i32 to index
      %get3A_456 = tpu.vector_load %arg6[%get3A_454, %get3A_455] {strides = array<i32>} : memref<16x640xf32, #tpu.memory_space<vmem>>, vector<16xf32>,
      %add3A_457 = arith.addf %add3A_450, %get3A_456 : vector<16xf32>
      %mul3A_458 = arith.constant 16 : i32
      %mul3A_459 = arith.muli %add3A_343, %mul3A_458 : i32
      %swap3A_460 = arith.index_cast %mul3A_459 : i32 to index
      %swap3A_461 = tpu.vector_load %arg7[%swap3A_460] {strides = array<i32>} : memref<640xf32, #tpu.memory_space<vmem>>, vector<16xf32>,
      tpu.vector_store %arg7[%swap3A_460], %add3A_457 {strides = array<i32>} : memref<640xf32, #tpu.memory_space<vmem>>, vector<16xf32>,
      %scan3A_462 = arith.constant 3 : i32
      %scan3A_463 = arith.addi %scan3A_92, %scan3A_462 : i32
      %mul3A_464 = arith.constant 1 : i32
      %mul3A_465 = arith.muli %scan3A_463, %mul3A_464 : i32
      %add3A_466 = arith.constant 0 : i32
      %add3A_467 = arith.addi %add3A_466, %mul3A_465 : i32
      %broadcast_in_dim3A_468 = arith.constant 0.000000e+00 : f32
      %broadcast_in_dim3A_469 = vector.broadcast %broadcast_in_dim3A_468 : f32 to vector<16xf32>
      %mul3A_470 = arith.constant 16 : i32
      %mul3A_471 = arith.muli %add3A_467, %mul3A_470 : i32
      %get3A_472 = arith.constant 0 : i32
      %get3A_473 = arith.index_cast %get3A_472 : i32 to index
      %get3A_474 = arith.index_cast %mul3A_471 : i32 to index
      %get3A_475 = tpu.vector_load %arg6[%get3A_473, %get3A_474] {strides = array<i32>} : memref<16x640xf32, #tpu.memory_space<vmem>>, vector<16xf32>,
      %add3A_476 = arith.addf %broadcast_in_dim3A_469, %get3A_475 : vector<16xf32>
      %mul3A_477 = arith.constant 16 : i32
      %mul3A_478 = arith.muli %add3A_467, %mul3A_477 : i32
      %get3A_479 = arith.constant 1 : i32
      %get3A_480 = arith.index_cast %get3A_479 : i32 to index
      %get3A_481 = arith.index_cast %mul3A_478 : i32 to index
      %get3A_482 = tpu.vector_load %arg6[%get3A_480, %get3A_481] {strides = array<i32>} : memref<16x640xf32, #tpu.memory_space<vmem>>, vector<16xf32>,
      %add3A_483 = arith.addf %add3A_476, %get3A_482 : vector<16xf32>
      %mul3A_484 = arith.constant 16 : i32
      %mul3A_485 = arith.muli %add3A_467, %mul3A_484 : i32
      %get3A_486 = arith.constant 2 : i32
      %get3A_487 = arith.index_cast %get3A_486 : i32 to index
      %get3A_488 = arith.index_cast %mul3A_485 : i32 to index
      %get3A_489 = tpu.vector_load %arg6[%get3A_487, %get3A_488] {strides = array<i32>} : memref<16x640xf32, #tpu.memory_space<vmem>>, vector<16xf32>,
      %add3A_490 = arith.addf %add3A_483, %get3A_489 : vector<16xf32>
      %mul3A_491 = arith.constant 16 : i32
      %mul3A_492 = arith.muli %add3A_467, %mul3A_491 : i32
      %get3A_493 = arith.constant 3 : i32
      %get3A_494 = arith.index_cast %get3A_493 : i32 to index
      %get3A_495 = arith.index_cast %mul3A_492 : i32 to index
      %get3A_496 = tpu.vector_load %arg6[%get3A_494, %get3A_495] {strides = array<i32>} : memref<16x640xf32, #tpu.memory_space<vmem>>, vector<16xf32>,
      %add3A_497 = arith.addf %add3A_490, %get3A_496 : vector<16xf32>
      %mul3A_498 = arith.constant 16 : i32
      %mul3A_499 = arith.muli %add3A_467, %mul3A_498 : i32
      %get3A_500 = arith.constant 4 : i32
      %get3A_501 = arith.index_cast %get3A_500 : i32 to index
      %get3A_502 = arith.index_cast %mul3A_499 : i32 to index
      %get3A_503 = tpu.vector_load %arg6[%get3A_501, %get3A_502] {strides = array<i32>} : memref<16x640xf32, #tpu.memory_space<vmem>>, vector<16xf32>,
      %add3A_504 = arith.addf %add3A_497, %get3A_503 : vector<16xf32>
      %mul3A_505 = arith.constant 16 : i32
      %mul3A_506 = arith.muli %add3A_467, %mul3A_505 : i32
      %get3A_507 = arith.constant 5 : i32
      %get3A_508 = arith.index_cast %get3A_507 : i32 to index
      %get3A_509 = arith.index_cast %mul3A_506 : i32 to index
      %get3A_510 = tpu.vector_load %arg6[%get3A_508, %get3A_509] {strides = array<i32>} : memref<16x640xf32, #tpu.memory_space<vmem>>, vector<16xf32>,
      %add3A_511 = arith.addf %add3A_504, %get3A_510 : vector<16xf32>
      %mul3A_512 = arith.constant 16 : i32
      %mul3A_513 = arith.muli %add3A_467, %mul3A_512 : i32
      %get3A_514 = arith.constant 6 : i32
      %get3A_515 = arith.index_cast %get3A_514 : i32 to index
      %get3A_516 = arith.index_cast %mul3A_513 : i32 to index
      %get3A_517 = tpu.vector_load %arg6[%get3A_515, %get3A_516] {strides = array<i32>} : memref<16x640xf32, #tpu.memory_space<vmem>>, vector<16xf32>,
      %add3A_518 = arith.addf %add3A_511, %get3A_517 : vector<16xf32>
      %mul3A_519 = arith.constant 16 : i32
      %mul3A_520 = arith.muli %add3A_467, %mul3A_519 : i32
      %get3A_521 = arith.constant 7 : i32
      %get3A_522 = arith.index_cast %get3A_521 : i32 to index
      %get3A_523 = arith.index_cast %mul3A_520 : i32 to index
      %get3A_524 = tpu.vector_load %arg6[%get3A_522, %get3A_523] {strides = array<i32>} : memref<16x640xf32, #tpu.memory_space<vmem>>, vector<16xf32>,
      %add3A_525 = arith.addf %add3A_518, %get3A_524 : vector<16xf32>
      %mul3A_526 = arith.constant 16 : i32
      %mul3A_527 = arith.muli %add3A_467, %mul3A_526 : i32
      %get3A_528 = arith.constant 8 : i32
      %get3A_529 = arith.index_cast %get3A_528 : i32 to index
      %get3A_530 = arith.index_cast %mul3A_527 : i32 to index
      %get3A_531 = tpu.vector_load %arg6[%get3A_529, %get3A_530] {strides = array<i32>} : memref<16x640xf32, #tpu.memory_space<vmem>>, vector<16xf32>,
      %add3A_532 = arith.addf %add3A_525, %get3A_531 : vector<16xf32>
      %mul3A_533 = arith.constant 16 : i32
      %mul3A_534 = arith.muli %add3A_467, %mul3A_533 : i32
      %get3A_535 = arith.constant 9 : i32
      %get3A_536 = arith.index_cast %get3A_535 : i32 to index
      %get3A_537 = arith.index_cast %mul3A_534 : i32 to index
      %get3A_538 = tpu.vector_load %arg6[%get3A_536, %get3A_537] {strides = array<i32>} : memref<16x640xf32, #tpu.memory_space<vmem>>, vector<16xf32>,
      %add3A_539 = arith.addf %add3A_532, %get3A_538 : vector<16xf32>
      %mul3A_540 = arith.constant 16 : i32
      %mul3A_541 = arith.muli %add3A_467, %mul3A_540 : i32
      %get3A_542 = arith.constant 10 : i32
      %get3A_543 = arith.index_cast %get3A_542 : i32 to index
      %get3A_544 = arith.index_cast %mul3A_541 : i32 to index
      %get3A_545 = tpu.vector_load %arg6[%get3A_543, %get3A_544] {strides = array<i32>} : memref<16x640xf32, #tpu.memory_space<vmem>>, vector<16xf32>,
      %add3A_546 = arith.addf %add3A_539, %get3A_545 : vector<16xf32>
      %mul3A_547 = arith.constant 16 : i32
      %mul3A_548 = arith.muli %add3A_467, %mul3A_547 : i32
      %get3A_549 = arith.constant 11 : i32
      %get3A_550 = arith.index_cast %get3A_549 : i32 to index
      %get3A_551 = arith.index_cast %mul3A_548 : i32 to index
      %get3A_552 = tpu.vector_load %arg6[%get3A_550, %get3A_551] {strides = array<i32>} : memref<16x640xf32, #tpu.memory_space<vmem>>, vector<16xf32>,
      %add3A_553 = arith.addf %add3A_546, %get3A_552 : vector<16xf32>
      %mul3A_554 = arith.constant 16 : i32
      %mul3A_555 = arith.muli %add3A_467, %mul3A_554 : i32
      %get3A_556 = arith.constant 12 : i32
      %get3A_557 = arith.index_cast %get3A_556 : i32 to index
      %get3A_558 = arith.index_cast %mul3A_555 : i32 to index
      %get3A_559 = tpu.vector_load %arg6[%get3A_557, %get3A_558] {strides = array<i32>} : memref<16x640xf32, #tpu.memory_space<vmem>>, vector<16xf32>,
      %add3A_560 = arith.addf %add3A_553, %get3A_559 : vector<16xf32>
      %mul3A_561 = arith.constant 16 : i32
      %mul3A_562 = arith.muli %add3A_467, %mul3A_561 : i32
      %get3A_563 = arith.constant 13 : i32
      %get3A_564 = arith.index_cast %get3A_563 : i32 to index
      %get3A_565 = arith.index_cast %mul3A_562 : i32 to index
      %get3A_566 = tpu.vector_load %arg6[%get3A_564, %get3A_565] {strides = array<i32>} : memref<16x640xf32, #tpu.memory_space<vmem>>, vector<16xf32>,
      %add3A_567 = arith.addf %add3A_560, %get3A_566 : vector<16xf32>
      %mul3A_568 = arith.constant 16 : i32
      %mul3A_569 = arith.muli %add3A_467, %mul3A_568 : i32
      %get3A_570 = arith.constant 14 : i32
      %get3A_571 = arith.index_cast %get3A_570 : i32 to index
      %get3A_572 = arith.index_cast %mul3A_569 : i32 to index
      %get3A_573 = tpu.vector_load %arg6[%get3A_571, %get3A_572] {strides = array<i32>} : memref<16x640xf32, #tpu.memory_space<vmem>>, vector<16xf32>,
      %add3A_574 = arith.addf %add3A_567, %get3A_573 : vector<16xf32>
      %mul3A_575 = arith.constant 16 : i32
      %mul3A_576 = arith.muli %add3A_467, %mul3A_575 : i32
      %get3A_577 = arith.constant 15 : i32
      %get3A_578 = arith.index_cast %get3A_577 : i32 to index
      %get3A_579 = arith.index_cast %mul3A_576 : i32 to index
      %get3A_580 = tpu.vector_load %arg6[%get3A_578, %get3A_579] {strides = array<i32>} : memref<16x640xf32, #tpu.memory_space<vmem>>, vector<16xf32>,
      %add3A_581 = arith.addf %add3A_574, %get3A_580 : vector<16xf32>
      %mul3A_582 = arith.constant 16 : i32
      %mul3A_583 = arith.muli %add3A_467, %mul3A_582 : i32
      %swap3A_584 = arith.index_cast %mul3A_583 : i32 to index
      %swap3A_585 = tpu.vector_load %arg7[%swap3A_584] {strides = array<i32>} : memref<640xf32, #tpu.memory_space<vmem>>, vector<16xf32>,
      tpu.vector_store %arg7[%swap3A_584], %add3A_581 {strides = array<i32>} : memref<640xf32, #tpu.memory_space<vmem>>, vector<16xf32>,
    }
    %scan3A_89 = arith.constant 40 : i32
    %mul3A_90 = arith.constant 640 : i32
    %mul3A_91 = arith.muli %arg1, %mul3A_90 : i32
    "tpu.region"() ({
      %run_scoped3A_92 = tpu.sem_alloc : memref<!tpu.dma_semaphore, #tpu.memory_space<semaphore_mem>>
      %dma_start3A = tpu.memref_slice %arg3[%arg0, %mul3A_91] : memref<2x10240xf32, #tpu.memory_space<hbm>> -> memref<1x640xf32, #tpu.memory_space<hbm>>
      %dma_start3A_93 = tpu.memref_squeeze %dma_start3A : memref<1x640xf32, #tpu.memory_space<hbm>> -> memref<640xf32, #tpu.memory_space<hbm>>
      %dma_start3A_94 = tpu.memref_slice %arg3[%arg0, %mul3A_91] : memref<2x10240xf32, #tpu.memory_space<hbm>> -> memref<1x640xf32, #tpu.memory_space<hbm>>
      %dma_start3A_95 = tpu.memref_squeeze %dma_start3A_94 : memref<1x640xf32, #tpu.memory_space<hbm>> -> memref<640xf32, #tpu.memory_space<hbm>>
      tpu.enqueue_dma source(%arg7 : memref<640xf32, #tpu.memory_space<vmem>>) target(%dma_start3A_95 : memref<640xf32, #tpu.memory_space<hbm>>) target_semaphore(%run_scoped3A_92 : memref<!tpu.dma_semaphore, #tpu.memory_space<semaphore_mem>>)
      %dma_wait3A = tpu.memref_slice %arg3[%arg0, %mul3A_91] : memref<2x10240xf32, #tpu.memory_space<hbm>> -> memref<1x640xf32, #tpu.memory_space<hbm>>
      %dma_wait3A_96 = tpu.memref_squeeze %dma_wait3A : memref<1x640xf32, #tpu.memory_space<hbm>> -> memref<640xf32, #tpu.memory_space<hbm>>
      %dma_wait3A_97 = tpu.memref_slice %arg3[%arg0, %mul3A_91] : memref<2x10240xf32, #tpu.memory_space<hbm>> -> memref<1x640xf32, #tpu.memory_space<hbm>>
      %dma_wait3A_98 = tpu.memref_squeeze %dma_wait3A_97 : memref<1x640xf32, #tpu.memory_space<hbm>> -> memref<640xf32, #tpu.memory_space<hbm>>
      tpu.wait_dma2 semaphore(%run_scoped3A_92 : memref<!tpu.dma_semaphore, #tpu.memory_space<semaphore_mem>>) src(%arg7 : memref<640xf32, #tpu.memory_space<vmem>>) dst(%dma_wait3A_98 : memref<640xf32, #tpu.memory_space<hbm>>)
      tpu.yield
    }) : () -> ()
    return
  }
}

#map = affine_map<(d0, d1) -> (0, 0)>
#map1 = affine_map<(d0, d1) -> (0, 0, 0)>
module attributes {stable_mosaic.version = 14 : i64} {
  func.func @_edge_body(%arg0: i32, %arg1: i32, %arg2: memref<10000x128xf32, #tpu.memory_space<hbm>>, %arg3: memref<32x80x125xi32, #tpu.memory_space<hbm>>, %arg4: memref<32x80x125xi32, #tpu.memory_space<hbm>>, %arg5: memref<10240x128xf32, #tpu.memory_space<hbm>>, %arg6: memref<2x10240x128xf32, #tpu.memory_space<hbm>>, %arg7: memref<2x8x125xi32, #tpu.memory_space<vmem>>, %arg8: memref<2x8x125xi32, #tpu.memory_space<vmem>>, %arg9: memref<2x125x128xf32, #tpu.memory_space<vmem>>, %arg10: memref<10240x128xf32, #tpu.memory_space<vmem_shared>>, %arg11: memref<2x!tpu.dma_semaphore, #tpu.memory_space<semaphore_mem>>, %arg12: memref<2x!tpu.dma_semaphore, #tpu.memory_space<semaphore_mem>>) attributes {dimension_semantics = [#tpu.dimension_semantics<core_parallel>, #tpu.dimension_semantics<subcore_parallel>], iteration_bounds = array<i64: 2, 16>, scalar_prefetch = 0 : i64, scratch_operands = 6 : i64, tpu.core_type = #tpu.core_type<sc_vector_subcore>, window_params = [{transform_indices = #map}, {transform_indices = #map1}, {transform_indices = #map1}, {transform_indices = #map}, {transform_indices = #map1}]} {
    %mul3A = arith.constant 2 : i32
    %mul3A_0 = arith.muli %arg1, %mul3A : i32
    %add3A = arith.addi %mul3A_0, %arg0 : i32
    %mul3A_1 = arith.constant 640 : i32
    %mul3A_2 = arith.muli %arg1, %mul3A_1 : i32
    %mul3A_3 = arith.constant 640 : i32
    %mul3A_4 = arith.muli %arg1, %mul3A_3 : i32
    "tpu.region"() ({
      %run_scoped3A = tpu.sem_alloc : memref<!tpu.dma_semaphore, #tpu.memory_space<semaphore_mem>>
      %dma_start3A_70 = arith.constant 0 : i32
      %dma_start3A_71 = tpu.memref_slice %arg10[%mul3A_4, %dma_start3A_70] : memref<10240x128xf32, #tpu.memory_space<vmem_shared>> -> memref<640x128xf32, #tpu.memory_space<vmem_shared>>
      %dma_start3A_72 = arith.constant 0 : i32
      %dma_start3A_73 = tpu.memref_slice %arg5[%mul3A_2, %dma_start3A_72] : memref<10240x128xf32, #tpu.memory_space<hbm>> -> memref<640x128xf32, #tpu.memory_space<hbm>>
      tpu.enqueue_dma source(%dma_start3A_73 : memref<640x128xf32, #tpu.memory_space<hbm>>) target(%dma_start3A_71 : memref<640x128xf32, #tpu.memory_space<vmem_shared>>) target_semaphore(%run_scoped3A : memref<!tpu.dma_semaphore, #tpu.memory_space<semaphore_mem>>)
      %dma_wait3A_74 = arith.constant 0 : i32
      %dma_wait3A_75 = tpu.memref_slice %arg10[%mul3A_4, %dma_wait3A_74] : memref<10240x128xf32, #tpu.memory_space<vmem_shared>> -> memref<640x128xf32, #tpu.memory_space<vmem_shared>>
      %dma_wait3A_76 = arith.constant 0 : i32
      %dma_wait3A_77 = tpu.memref_slice %arg5[%mul3A_2, %dma_wait3A_76] : memref<10240x128xf32, #tpu.memory_space<hbm>> -> memref<640x128xf32, #tpu.memory_space<hbm>>
      tpu.wait_dma2 semaphore(%run_scoped3A : memref<!tpu.dma_semaphore, #tpu.memory_space<semaphore_mem>>) src(%dma_wait3A_77 : memref<640x128xf32, #tpu.memory_space<hbm>>) dst(%dma_wait3A_75 : memref<640x128xf32, #tpu.memory_space<vmem_shared>>)
      tpu.yield
    }) : () -> ()
    %barrier3A = arith.constant 0 : index
    tpu.barrier barrier_id(%barrier3A)
    %rem3A = arith.constant 0 : i32
    %rem3A_5 = arith.constant 2 : i32
    %rem3A_6 = arith.remsi %rem3A, %rem3A_5 : i32
    "tpu.region"() ({
      %run_scoped3A = tpu.sem_alloc : memref<!tpu.dma_semaphore, #tpu.memory_space<semaphore_mem>>
      %dma_start3A_70 = arith.constant 0 : i32
      %dma_start3A_71 = arith.constant 0 : i32
      %dma_start3A_72 = tpu.memref_slice %arg7[%rem3A_6, %dma_start3A_70, %dma_start3A_71] : memref<2x8x125xi32, #tpu.memory_space<vmem>> -> memref<1x8x125xi32, #tpu.memory_space<vmem>>
      %dma_start3A_73 = tpu.memref_squeeze %dma_start3A_72 : memref<1x8x125xi32, #tpu.memory_space<vmem>> -> memref<8x125xi32, #tpu.memory_space<vmem>>
      %dma_start3A_74 = arith.constant 0 : i32
      %dma_start3A_75 = arith.constant 0 : i32
      %dma_start3A_76 = tpu.memref_slice %arg3[%add3A, %dma_start3A_74, %dma_start3A_75] : memref<32x80x125xi32, #tpu.memory_space<hbm>> -> memref<1x8x125xi32, #tpu.memory_space<hbm>>
      %dma_start3A_77 = tpu.memref_squeeze %dma_start3A_76 : memref<1x8x125xi32, #tpu.memory_space<hbm>> -> memref<8x125xi32, #tpu.memory_space<hbm>>
      %dma_start3A_78 = arith.constant 0 : i32
      %dma_start3A_79 = arith.constant 0 : i32
      %dma_start3A_80 = tpu.memref_slice %arg7[%rem3A_6, %dma_start3A_78, %dma_start3A_79] : memref<2x8x125xi32, #tpu.memory_space<vmem>> -> memref<1x8x125xi32, #tpu.memory_space<vmem>>
      %dma_start3A_81 = tpu.memref_squeeze %dma_start3A_80 : memref<1x8x125xi32, #tpu.memory_space<vmem>> -> memref<8x125xi32, #tpu.memory_space<vmem>>
      %dma_start3A_82 = arith.constant 0 : i32
      %dma_start3A_83 = arith.constant 0 : i32
      %dma_start3A_84 = tpu.memref_slice %arg3[%add3A, %dma_start3A_82, %dma_start3A_83] : memref<32x80x125xi32, #tpu.memory_space<hbm>> -> memref<1x8x125xi32, #tpu.memory_space<hbm>>
      %dma_start3A_85 = tpu.memref_squeeze %dma_start3A_84 : memref<1x8x125xi32, #tpu.memory_space<hbm>> -> memref<8x125xi32, #tpu.memory_space<hbm>>
      tpu.enqueue_dma source(%dma_start3A_85 : memref<8x125xi32, #tpu.memory_space<hbm>>) target(%dma_start3A_81 : memref<8x125xi32, #tpu.memory_space<vmem>>) target_semaphore(%run_scoped3A : memref<!tpu.dma_semaphore, #tpu.memory_space<semaphore_mem>>)
      %dma_wait3A_86 = arith.constant 0 : i32
      %dma_wait3A_87 = arith.constant 0 : i32
      %dma_wait3A_88 = tpu.memref_slice %arg7[%rem3A_6, %dma_wait3A_86, %dma_wait3A_87] : memref<2x8x125xi32, #tpu.memory_space<vmem>> -> memref<1x8x125xi32, #tpu.memory_space<vmem>>
      %dma_wait3A_89 = tpu.memref_squeeze %dma_wait3A_88 : memref<1x8x125xi32, #tpu.memory_space<vmem>> -> memref<8x125xi32, #tpu.memory_space<vmem>>
      %dma_wait3A_90 = arith.constant 0 : i32
      %dma_wait3A_91 = arith.constant 0 : i32
      %dma_wait3A_92 = tpu.memref_slice %arg3[%add3A, %dma_wait3A_90, %dma_wait3A_91] : memref<32x80x125xi32, #tpu.memory_space<hbm>> -> memref<1x8x125xi32, #tpu.memory_space<hbm>>
      %dma_wait3A_93 = tpu.memref_squeeze %dma_wait3A_92 : memref<1x8x125xi32, #tpu.memory_space<hbm>> -> memref<8x125xi32, #tpu.memory_space<hbm>>
      %dma_wait3A_94 = arith.constant 0 : i32
      %dma_wait3A_95 = arith.constant 0 : i32
      %dma_wait3A_96 = tpu.memref_slice %arg7[%rem3A_6, %dma_wait3A_94, %dma_wait3A_95] : memref<2x8x125xi32, #tpu.memory_space<vmem>> -> memref<1x8x125xi32, #tpu.memory_space<vmem>>
      %dma_wait3A_97 = tpu.memref_squeeze %dma_wait3A_96 : memref<1x8x125xi32, #tpu.memory_space<vmem>> -> memref<8x125xi32, #tpu.memory_space<vmem>>
      %dma_wait3A_98 = arith.constant 0 : i32
      %dma_wait3A_99 = arith.constant 0 : i32
      %dma_wait3A_100 = tpu.memref_slice %arg3[%add3A, %dma_wait3A_98, %dma_wait3A_99] : memref<32x80x125xi32, #tpu.memory_space<hbm>> -> memref<1x8x125xi32, #tpu.memory_space<hbm>>
      %dma_wait3A_101 = tpu.memref_squeeze %dma_wait3A_100 : memref<1x8x125xi32, #tpu.memory_space<hbm>> -> memref<8x125xi32, #tpu.memory_space<hbm>>
      tpu.wait_dma2 semaphore(%run_scoped3A : memref<!tpu.dma_semaphore, #tpu.memory_space<semaphore_mem>>) src(%dma_wait3A_101 : memref<8x125xi32, #tpu.memory_space<hbm>>) dst(%dma_wait3A_97 : memref<8x125xi32, #tpu.memory_space<vmem>>)
      tpu.yield
    }) : () -> ()
    "tpu.region"() ({
      %run_scoped3A = tpu.sem_alloc : memref<!tpu.dma_semaphore, #tpu.memory_space<semaphore_mem>>
      %dma_start3A_70 = arith.constant 0 : i32
      %dma_start3A_71 = arith.constant 0 : i32
      %dma_start3A_72 = tpu.memref_slice %arg8[%rem3A_6, %dma_start3A_70, %dma_start3A_71] : memref<2x8x125xi32, #tpu.memory_space<vmem>> -> memref<1x8x125xi32, #tpu.memory_space<vmem>>
      %dma_start3A_73 = tpu.memref_squeeze %dma_start3A_72 : memref<1x8x125xi32, #tpu.memory_space<vmem>> -> memref<8x125xi32, #tpu.memory_space<vmem>>
      %dma_start3A_74 = arith.constant 0 : i32
      %dma_start3A_75 = arith.constant 0 : i32
      %dma_start3A_76 = tpu.memref_slice %arg4[%add3A, %dma_start3A_74, %dma_start3A_75] : memref<32x80x125xi32, #tpu.memory_space<hbm>> -> memref<1x8x125xi32, #tpu.memory_space<hbm>>
      %dma_start3A_77 = tpu.memref_squeeze %dma_start3A_76 : memref<1x8x125xi32, #tpu.memory_space<hbm>> -> memref<8x125xi32, #tpu.memory_space<hbm>>
      %dma_start3A_78 = arith.constant 0 : i32
      %dma_start3A_79 = arith.constant 0 : i32
      %dma_start3A_80 = tpu.memref_slice %arg8[%rem3A_6, %dma_start3A_78, %dma_start3A_79] : memref<2x8x125xi32, #tpu.memory_space<vmem>> -> memref<1x8x125xi32, #tpu.memory_space<vmem>>
      %dma_start3A_81 = tpu.memref_squeeze %dma_start3A_80 : memref<1x8x125xi32, #tpu.memory_space<vmem>> -> memref<8x125xi32, #tpu.memory_space<vmem>>
      %dma_start3A_82 = arith.constant 0 : i32
      %dma_start3A_83 = arith.constant 0 : i32
      %dma_start3A_84 = tpu.memref_slice %arg4[%add3A, %dma_start3A_82, %dma_start3A_83] : memref<32x80x125xi32, #tpu.memory_space<hbm>> -> memref<1x8x125xi32, #tpu.memory_space<hbm>>
      %dma_start3A_85 = tpu.memref_squeeze %dma_start3A_84 : memref<1x8x125xi32, #tpu.memory_space<hbm>> -> memref<8x125xi32, #tpu.memory_space<hbm>>
      tpu.enqueue_dma source(%dma_start3A_85 : memref<8x125xi32, #tpu.memory_space<hbm>>) target(%dma_start3A_81 : memref<8x125xi32, #tpu.memory_space<vmem>>) target_semaphore(%run_scoped3A : memref<!tpu.dma_semaphore, #tpu.memory_space<semaphore_mem>>)
      %dma_wait3A_86 = arith.constant 0 : i32
      %dma_wait3A_87 = arith.constant 0 : i32
      %dma_wait3A_88 = tpu.memref_slice %arg8[%rem3A_6, %dma_wait3A_86, %dma_wait3A_87] : memref<2x8x125xi32, #tpu.memory_space<vmem>> -> memref<1x8x125xi32, #tpu.memory_space<vmem>>
      %dma_wait3A_89 = tpu.memref_squeeze %dma_wait3A_88 : memref<1x8x125xi32, #tpu.memory_space<vmem>> -> memref<8x125xi32, #tpu.memory_space<vmem>>
      %dma_wait3A_90 = arith.constant 0 : i32
      %dma_wait3A_91 = arith.constant 0 : i32
      %dma_wait3A_92 = tpu.memref_slice %arg4[%add3A, %dma_wait3A_90, %dma_wait3A_91] : memref<32x80x125xi32, #tpu.memory_space<hbm>> -> memref<1x8x125xi32, #tpu.memory_space<hbm>>
      %dma_wait3A_93 = tpu.memref_squeeze %dma_wait3A_92 : memref<1x8x125xi32, #tpu.memory_space<hbm>> -> memref<8x125xi32, #tpu.memory_space<hbm>>
      %dma_wait3A_94 = arith.constant 0 : i32
      %dma_wait3A_95 = arith.constant 0 : i32
      %dma_wait3A_96 = tpu.memref_slice %arg8[%rem3A_6, %dma_wait3A_94, %dma_wait3A_95] : memref<2x8x125xi32, #tpu.memory_space<vmem>> -> memref<1x8x125xi32, #tpu.memory_space<vmem>>
      %dma_wait3A_97 = tpu.memref_squeeze %dma_wait3A_96 : memref<1x8x125xi32, #tpu.memory_space<vmem>> -> memref<8x125xi32, #tpu.memory_space<vmem>>
      %dma_wait3A_98 = arith.constant 0 : i32
      %dma_wait3A_99 = arith.constant 0 : i32
      %dma_wait3A_100 = tpu.memref_slice %arg4[%add3A, %dma_wait3A_98, %dma_wait3A_99] : memref<32x80x125xi32, #tpu.memory_space<hbm>> -> memref<1x8x125xi32, #tpu.memory_space<hbm>>
      %dma_wait3A_101 = tpu.memref_squeeze %dma_wait3A_100 : memref<1x8x125xi32, #tpu.memory_space<hbm>> -> memref<8x125xi32, #tpu.memory_space<hbm>>
      tpu.wait_dma2 semaphore(%run_scoped3A : memref<!tpu.dma_semaphore, #tpu.memory_space<semaphore_mem>>) src(%dma_wait3A_101 : memref<8x125xi32, #tpu.memory_space<hbm>>) dst(%dma_wait3A_97 : memref<8x125xi32, #tpu.memory_space<vmem>>)
      tpu.yield
    }) : () -> ()
    %rem3A_7 = arith.constant 0 : i32
    %rem3A_8 = arith.constant 2 : i32
    %rem3A_9 = arith.remsi %rem3A_7, %rem3A_8 : i32
    %rem3A_10 = arith.constant 0 : i32
    %rem3A_11 = arith.constant 8 : i32
    %rem3A_12 = arith.remsi %rem3A_10, %rem3A_11 : i32
    %dma_start3A = arith.constant 0 : i32
    %dma_start3A_13 = arith.constant 0 : i32
    %dma_start3A_14 = arith.constant 0 : i32
    %dma_start3A_15 = arith.constant 0 : i32
    %dma_start3A_16 = tpu.memref_slice %arg9[%dma_start3A, %dma_start3A_14, %dma_start3A_15] : memref<2x125x128xf32, #tpu.memory_space<vmem>> -> memref<1x125x128xf32, #tpu.memory_space<vmem>>
    %dma_start3A_17 = tpu.memref_squeeze %dma_start3A_16 : memref<1x125x128xf32, #tpu.memory_space<vmem>> -> memref<125x128xf32, #tpu.memory_space<vmem>>
    %dma_start3A_18 = arith.constant 0 : i32
    %dma_start3A_19 = tpu.memref_slice %arg7[%rem3A_9, %rem3A_12, %dma_start3A_18] : memref<2x8x125xi32, #tpu.memory_space<vmem>> -> memref<1x1x125xi32, #tpu.memory_space<vmem>>
    %dma_start3A_20 = tpu.memref_squeeze %dma_start3A_19 : memref<1x1x125xi32, #tpu.memory_space<vmem>> -> memref<125xi32, #tpu.memory_space<vmem>>
    %dma_start3A_21 = arith.constant 0 : i32
    %dma_start3A_22 = arith.constant 0 : i32
    %dma_start3A_23 = tpu.memref_slice %arg2[%dma_start3A_21, %dma_start3A_22] : memref<10000x128xf32, #tpu.memory_space<hbm>> -> memref<10000x128xf32, #tpu.memory_space<hbm>>
    %dma_start3A_24 = tpu.memref_slice %arg11[%dma_start3A_13] : memref<2x!tpu.dma_semaphore, #tpu.memory_space<semaphore_mem>> -> memref<1x!tpu.dma_semaphore, #tpu.memory_space<semaphore_mem>>
    %dma_start3A_25 = tpu.memref_squeeze %dma_start3A_24 : memref<1x!tpu.dma_semaphore, #tpu.memory_space<semaphore_mem>> -> memref<!tpu.dma_semaphore, #tpu.memory_space<semaphore_mem>>
    tpu.enqueue_indirect_dma source(%dma_start3A_23 : memref<10000x128xf32, #tpu.memory_space<hbm>>) target(%dma_start3A_17 : memref<125x128xf32, #tpu.memory_space<vmem>>) offsets(%dma_start3A_20 : memref<125xi32, #tpu.memory_space<vmem>>) semaphore(%dma_start3A_25 : memref<!tpu.dma_semaphore, #tpu.memory_space<semaphore_mem>>)
    %scan3A = arith.constant 0 : i32
    %scan3A_26 = arith.constant 40 : i32
    %scan3A_27 = arith.addi %scan3A, %scan3A_26 : i32
    %scan3A_28 = arith.constant 1 : i32
    scf.for %scan3A_70 = %scan3A to %scan3A_27 step %scan3A_28  : i32 {
      %mul3A_71 = arith.constant 1 : i32
      %mul3A_72 = arith.muli %scan3A_70, %mul3A_71 : i32
      %add3A_73 = arith.constant 0 : i32
      %add3A_74 = arith.addi %add3A_73, %mul3A_72 : i32
      %mul3A_75 = arith.constant 2 : i32
      %mul3A_76 = arith.muli %add3A_74, %mul3A_75 : i32
      %add3A_77 = arith.constant 0 : i32
      %add3A_78 = arith.addi %mul3A_76, %add3A_77 : i32
      %jit3A = arith.constant 8 : i32
      %div3A = arith.divsi %add3A_78, %jit3A : i32
      %sign3A = arith.constant 0 : i32
      %sign3A_79 = arith.cmpi sgt, %add3A_78, %sign3A : i32
      %sign3A_80 = arith.extui %sign3A_79 : i1 to i32
      %sign3A_81 = arith.constant 0 : i32
      %sign3A_82 = arith.cmpi slt, %add3A_78, %sign3A_81 : i32
      %sign3A_83 = arith.extui %sign3A_82 : i1 to i32
      %sign3A_84 = arith.subi %sign3A_80, %sign3A_83 : i32
      %sign3A_85 = arith.constant 0 : i32
      %sign3A_86 = arith.cmpi sgt, %jit3A, %sign3A_85 : i32
      %sign3A_87 = arith.extui %sign3A_86 : i1 to i32
      %sign3A_88 = arith.constant 0 : i32
      %sign3A_89 = arith.cmpi slt, %jit3A, %sign3A_88 : i32
      %sign3A_90 = arith.extui %sign3A_89 : i1 to i32
      %sign3A_91 = arith.subi %sign3A_87, %sign3A_90 : i32
      %ne3A = arith.cmpi ne, %sign3A_84, %sign3A_91 : i32
      %rem3A_92 = arith.remsi %add3A_78, %jit3A : i32
      %ne3A_93 = arith.constant 0 : i32
      %ne3A_94 = arith.cmpi ne, %rem3A_92, %ne3A_93 : i32
      %and3A = arith.andi %ne3A, %ne3A_94 : i1
      %sub3A = arith.constant 1 : i32
      %sub3A_95 = arith.subi %div3A, %sub3A : i32
      %select_n3A = arith.select %and3A, %sub3A_95, %div3A : i32
      %rem3A_96 = arith.constant 2 : i32
      %rem3A_97 = arith.remsi %select_n3A, %rem3A_96 : i32
      %rem3A_98 = arith.constant 8 : i32
      %rem3A_99 = arith.remsi %add3A_78, %rem3A_98 : i32
      %dma_wait3A_100 = arith.constant 0 : i32
      %dma_wait3A_101 = arith.constant 0 : i32
      %dma_wait3A_102 = arith.constant 0 : i32
      %dma_wait3A_103 = arith.constant 0 : i32
      %dma_wait3A_104 = tpu.memref_slice %arg9[%dma_wait3A_100, %dma_wait3A_102, %dma_wait3A_103] : memref<2x125x128xf32, #tpu.memory_space<vmem>> -> memref<1x125x128xf32, #tpu.memory_space<vmem>>
      %dma_wait3A_105 = tpu.memref_squeeze %dma_wait3A_104 : memref<1x125x128xf32, #tpu.memory_space<vmem>> -> memref<125x128xf32, #tpu.memory_space<vmem>>
      %dma_wait3A_106 = arith.constant 0 : i32
      %dma_wait3A_107 = tpu.memref_slice %arg7[%rem3A_97, %rem3A_99, %dma_wait3A_106] : memref<2x8x125xi32, #tpu.memory_space<vmem>> -> memref<1x1x125xi32, #tpu.memory_space<vmem>>
      %dma_wait3A_108 = tpu.memref_squeeze %dma_wait3A_107 : memref<1x1x125xi32, #tpu.memory_space<vmem>> -> memref<125xi32, #tpu.memory_space<vmem>>
      %dma_wait3A_109 = arith.constant 0 : i32
      %dma_wait3A_110 = arith.constant 0 : i32
      %dma_wait3A_111 = tpu.memref_slice %arg2[%dma_wait3A_109, %dma_wait3A_110] : memref<10000x128xf32, #tpu.memory_space<hbm>> -> memref<10000x128xf32, #tpu.memory_space<hbm>>
      %dma_wait3A_112 = tpu.memref_slice %arg11[%dma_wait3A_101] : memref<2x!tpu.dma_semaphore, #tpu.memory_space<semaphore_mem>> -> memref<1x!tpu.dma_semaphore, #tpu.memory_space<semaphore_mem>>
      %dma_wait3A_113 = tpu.memref_squeeze %dma_wait3A_112 : memref<1x!tpu.dma_semaphore, #tpu.memory_space<semaphore_mem>> -> memref<!tpu.dma_semaphore, #tpu.memory_space<semaphore_mem>>
      tpu.wait_indirect_dma semaphore(%dma_wait3A_113 : memref<!tpu.dma_semaphore, #tpu.memory_space<semaphore_mem>>) src(%dma_wait3A_111 : memref<10000x128xf32, #tpu.memory_space<hbm>>) dst(%dma_wait3A_105 : memref<125x128xf32, #tpu.memory_space<vmem>>)
      %jit3A_114 = arith.constant 8 : i32
      %div3A_115 = arith.divsi %add3A_78, %jit3A_114 : i32
      %sign3A_116 = arith.constant 0 : i32
      %sign3A_117 = arith.cmpi sgt, %add3A_78, %sign3A_116 : i32
      %sign3A_118 = arith.extui %sign3A_117 : i1 to i32
      %sign3A_119 = arith.constant 0 : i32
      %sign3A_120 = arith.cmpi slt, %add3A_78, %sign3A_119 : i32
      %sign3A_121 = arith.extui %sign3A_120 : i1 to i32
      %sign3A_122 = arith.subi %sign3A_118, %sign3A_121 : i32
      %sign3A_123 = arith.constant 0 : i32
      %sign3A_124 = arith.cmpi sgt, %jit3A_114, %sign3A_123 : i32
      %sign3A_125 = arith.extui %sign3A_124 : i1 to i32
      %sign3A_126 = arith.constant 0 : i32
      %sign3A_127 = arith.cmpi slt, %jit3A_114, %sign3A_126 : i32
      %sign3A_128 = arith.extui %sign3A_127 : i1 to i32
      %sign3A_129 = arith.subi %sign3A_125, %sign3A_128 : i32
      %ne3A_130 = arith.cmpi ne, %sign3A_122, %sign3A_129 : i32
      %rem3A_131 = arith.remsi %add3A_78, %jit3A_114 : i32
      %ne3A_132 = arith.constant 0 : i32
      %ne3A_133 = arith.cmpi ne, %rem3A_131, %ne3A_132 : i32
      %and3A_134 = arith.andi %ne3A_130, %ne3A_133 : i1
      %sub3A_135 = arith.constant 1 : i32
      %sub3A_136 = arith.subi %div3A_115, %sub3A_135 : i32
      %select_n3A_137 = arith.select %and3A_134, %sub3A_136, %div3A_115 : i32
      %rem3A_138 = arith.constant 2 : i32
      %rem3A_139 = arith.remsi %select_n3A_137, %rem3A_138 : i32
      %rem3A_140 = arith.constant 8 : i32
      %rem3A_141 = arith.remsi %add3A_78, %rem3A_140 : i32
      %dma_start3A_142 = arith.constant 0 : i32
      %dma_start3A_143 = arith.constant 0 : i32
      %dma_start3A_144 = arith.constant 0 : i32
      %dma_start3A_145 = arith.constant 0 : i32
      %dma_start3A_146 = tpu.memref_slice %arg9[%dma_start3A_142, %dma_start3A_144, %dma_start3A_145] : memref<2x125x128xf32, #tpu.memory_space<vmem>> -> memref<1x125x128xf32, #tpu.memory_space<vmem>>
      %dma_start3A_147 = tpu.memref_squeeze %dma_start3A_146 : memref<1x125x128xf32, #tpu.memory_space<vmem>> -> memref<125x128xf32, #tpu.memory_space<vmem>>
      %dma_start3A_148 = arith.constant 0 : i32
      %dma_start3A_149 = tpu.memref_slice %arg8[%rem3A_139, %rem3A_141, %dma_start3A_148] : memref<2x8x125xi32, #tpu.memory_space<vmem>> -> memref<1x1x125xi32, #tpu.memory_space<vmem>>
      %dma_start3A_150 = tpu.memref_squeeze %dma_start3A_149 : memref<1x1x125xi32, #tpu.memory_space<vmem>> -> memref<125xi32, #tpu.memory_space<vmem>>
      %dma_start3A_151 = arith.constant 0 : i32
      %dma_start3A_152 = arith.constant 0 : i32
      %dma_start3A_153 = tpu.memref_slice %arg10[%dma_start3A_151, %dma_start3A_152] : memref<10240x128xf32, #tpu.memory_space<vmem_shared>> -> memref<10240x128xf32, #tpu.memory_space<vmem_shared>>
      %dma_start3A_154 = tpu.memref_slice %arg12[%dma_start3A_143] : memref<2x!tpu.dma_semaphore, #tpu.memory_space<semaphore_mem>> -> memref<1x!tpu.dma_semaphore, #tpu.memory_space<semaphore_mem>>
      %dma_start3A_155 = tpu.memref_squeeze %dma_start3A_154 : memref<1x!tpu.dma_semaphore, #tpu.memory_space<semaphore_mem>> -> memref<!tpu.dma_semaphore, #tpu.memory_space<semaphore_mem>>
      tpu.enqueue_indirect_dma source(%dma_start3A_147 : memref<125x128xf32, #tpu.memory_space<vmem>>) target(%dma_start3A_153 : memref<10240x128xf32, #tpu.memory_space<vmem_shared>>) offsets(%dma_start3A_150 : memref<125xi32, #tpu.memory_space<vmem>>) semaphore(%dma_start3A_155 : memref<!tpu.dma_semaphore, #tpu.memory_space<semaphore_mem>>) {add = true}
      %add3A_156 = arith.constant 1 : i32
      %add3A_157 = arith.addi %add3A_78, %add3A_156 : i32
      %lt3A = arith.constant 80 : i32
      %lt3A_158 = arith.cmpi slt, %add3A_157, %lt3A : i32
      %convert_element_type3A = arith.extui %lt3A_158 : i1 to i32
      %cond3A = arith.constant 0 : i32
      %cond3A_159 = arith.cmpi ne, %convert_element_type3A, %cond3A : i32
      scf.if %cond3A_159 {
        %rem3A_255 = arith.constant 8 : i32
        %rem3A_256 = arith.remsi %add3A_157, %rem3A_255 : i32
        %eq3A = arith.constant 0 : i32
        %eq3A_257 = arith.cmpi eq, %rem3A_256, %eq3A : i32
        %convert_element_type3A_258 = arith.extui %eq3A_257 : i1 to i32
        %cond3A_259 = arith.constant 0 : i32
        %cond3A_260 = arith.cmpi ne, %convert_element_type3A_258, %cond3A_259 : i32
        scf.if %cond3A_260 {
          %jit3A_307 = arith.constant 8 : i32
          %div3A_308 = arith.divsi %add3A_157, %jit3A_307 : i32
          %sign3A_309 = arith.constant 0 : i32
          %sign3A_310 = arith.cmpi sgt, %add3A_157, %sign3A_309 : i32
          %sign3A_311 = arith.extui %sign3A_310 : i1 to i32
          %sign3A_312 = arith.constant 0 : i32
          %sign3A_313 = arith.cmpi slt, %add3A_157, %sign3A_312 : i32
          %sign3A_314 = arith.extui %sign3A_313 : i1 to i32
          %sign3A_315 = arith.subi %sign3A_311, %sign3A_314 : i32
          %sign3A_316 = arith.constant 0 : i32
          %sign3A_317 = arith.cmpi sgt, %jit3A_307, %sign3A_316 : i32
          %sign3A_318 = arith.extui %sign3A_317 : i1 to i32
          %sign3A_319 = arith.constant 0 : i32
          %sign3A_320 = arith.cmpi slt, %jit3A_307, %sign3A_319 : i32
          %sign3A_321 = arith.extui %sign3A_320 : i1 to i32
          %sign3A_322 = arith.subi %sign3A_318, %sign3A_321 : i32
          %ne3A_323 = arith.cmpi ne, %sign3A_315, %sign3A_322 : i32
          %rem3A_324 = arith.remsi %add3A_157, %jit3A_307 : i32
          %ne3A_325 = arith.constant 0 : i32
          %ne3A_326 = arith.cmpi ne, %rem3A_324, %ne3A_325 : i32
          %and3A_327 = arith.andi %ne3A_323, %ne3A_326 : i1
          %sub3A_328 = arith.constant 1 : i32
          %sub3A_329 = arith.subi %div3A_308, %sub3A_328 : i32
          %select_n3A_330 = arith.select %and3A_327, %sub3A_329, %div3A_308 : i32
          %rem3A_331 = arith.constant 2 : i32
          %rem3A_332 = arith.remsi %select_n3A_330, %rem3A_331 : i32
          %mul3A_333 = arith.constant 8 : i32
          %mul3A_334 = arith.muli %select_n3A_330, %mul3A_333 : i32
          "tpu.region"() ({
            %run_scoped3A = tpu.sem_alloc : memref<!tpu.dma_semaphore, #tpu.memory_space<semaphore_mem>>
            %dma_start3A_337 = arith.constant 0 : i32
            %dma_start3A_338 = arith.constant 0 : i32
            %dma_start3A_339 = tpu.memref_slice %arg7[%rem3A_332, %dma_start3A_337, %dma_start3A_338] : memref<2x8x125xi32, #tpu.memory_space<vmem>> -> memref<1x8x125xi32, #tpu.memory_space<vmem>>
            %dma_start3A_340 = tpu.memref_squeeze %dma_start3A_339 : memref<1x8x125xi32, #tpu.memory_space<vmem>> -> memref<8x125xi32, #tpu.memory_space<vmem>>
            %dma_start3A_341 = arith.constant 0 : i32
            %dma_start3A_342 = tpu.memref_slice %arg3[%add3A, %mul3A_334, %dma_start3A_341] : memref<32x80x125xi32, #tpu.memory_space<hbm>> -> memref<1x8x125xi32, #tpu.memory_space<hbm>>
            %dma_start3A_343 = tpu.memref_squeeze %dma_start3A_342 : memref<1x8x125xi32, #tpu.memory_space<hbm>> -> memref<8x125xi32, #tpu.memory_space<hbm>>
            %dma_start3A_344 = arith.constant 0 : i32
            %dma_start3A_345 = arith.constant 0 : i32
            %dma_start3A_346 = tpu.memref_slice %arg7[%rem3A_332, %dma_start3A_344, %dma_start3A_345] : memref<2x8x125xi32, #tpu.memory_space<vmem>> -> memref<1x8x125xi32, #tpu.memory_space<vmem>>
            %dma_start3A_347 = tpu.memref_squeeze %dma_start3A_346 : memref<1x8x125xi32, #tpu.memory_space<vmem>> -> memref<8x125xi32, #tpu.memory_space<vmem>>
            %dma_start3A_348 = arith.constant 0 : i32
            %dma_start3A_349 = tpu.memref_slice %arg3[%add3A, %mul3A_334, %dma_start3A_348] : memref<32x80x125xi32, #tpu.memory_space<hbm>> -> memref<1x8x125xi32, #tpu.memory_space<hbm>>
            %dma_start3A_350 = tpu.memref_squeeze %dma_start3A_349 : memref<1x8x125xi32, #tpu.memory_space<hbm>> -> memref<8x125xi32, #tpu.memory_space<hbm>>
            tpu.enqueue_dma source(%dma_start3A_350 : memref<8x125xi32, #tpu.memory_space<hbm>>) target(%dma_start3A_347 : memref<8x125xi32, #tpu.memory_space<vmem>>) target_semaphore(%run_scoped3A : memref<!tpu.dma_semaphore, #tpu.memory_space<semaphore_mem>>)
            %dma_wait3A_351 = arith.constant 0 : i32
            %dma_wait3A_352 = arith.constant 0 : i32
            %dma_wait3A_353 = tpu.memref_slice %arg7[%rem3A_332, %dma_wait3A_351, %dma_wait3A_352] : memref<2x8x125xi32, #tpu.memory_space<vmem>> -> memref<1x8x125xi32, #tpu.memory_space<vmem>>
            %dma_wait3A_354 = tpu.memref_squeeze %dma_wait3A_353 : memref<1x8x125xi32, #tpu.memory_space<vmem>> -> memref<8x125xi32, #tpu.memory_space<vmem>>
            %dma_wait3A_355 = arith.constant 0 : i32
            %dma_wait3A_356 = tpu.memref_slice %arg3[%add3A, %mul3A_334, %dma_wait3A_355] : memref<32x80x125xi32, #tpu.memory_space<hbm>> -> memref<1x8x125xi32, #tpu.memory_space<hbm>>
            %dma_wait3A_357 = tpu.memref_squeeze %dma_wait3A_356 : memref<1x8x125xi32, #tpu.memory_space<hbm>> -> memref<8x125xi32, #tpu.memory_space<hbm>>
            %dma_wait3A_358 = arith.constant 0 : i32
            %dma_wait3A_359 = arith.constant 0 : i32
            %dma_wait3A_360 = tpu.memref_slice %arg7[%rem3A_332, %dma_wait3A_358, %dma_wait3A_359] : memref<2x8x125xi32, #tpu.memory_space<vmem>> -> memref<1x8x125xi32, #tpu.memory_space<vmem>>
            %dma_wait3A_361 = tpu.memref_squeeze %dma_wait3A_360 : memref<1x8x125xi32, #tpu.memory_space<vmem>> -> memref<8x125xi32, #tpu.memory_space<vmem>>
            %dma_wait3A_362 = arith.constant 0 : i32
            %dma_wait3A_363 = tpu.memref_slice %arg3[%add3A, %mul3A_334, %dma_wait3A_362] : memref<32x80x125xi32, #tpu.memory_space<hbm>> -> memref<1x8x125xi32, #tpu.memory_space<hbm>>
            %dma_wait3A_364 = tpu.memref_squeeze %dma_wait3A_363 : memref<1x8x125xi32, #tpu.memory_space<hbm>> -> memref<8x125xi32, #tpu.memory_space<hbm>>
            tpu.wait_dma2 semaphore(%run_scoped3A : memref<!tpu.dma_semaphore, #tpu.memory_space<semaphore_mem>>) src(%dma_wait3A_364 : memref<8x125xi32, #tpu.memory_space<hbm>>) dst(%dma_wait3A_361 : memref<8x125xi32, #tpu.memory_space<vmem>>)
            tpu.yield
          }) : () -> ()
          %mul3A_335 = arith.constant 8 : i32
          %mul3A_336 = arith.muli %select_n3A_330, %mul3A_335 : i32
          "tpu.region"() ({
            %run_scoped3A = tpu.sem_alloc : memref<!tpu.dma_semaphore, #tpu.memory_space<semaphore_mem>>
            %dma_start3A_337 = arith.constant 0 : i32
            %dma_start3A_338 = arith.constant 0 : i32
            %dma_start3A_339 = tpu.memref_slice %arg8[%rem3A_332, %dma_start3A_337, %dma_start3A_338] : memref<2x8x125xi32, #tpu.memory_space<vmem>> -> memref<1x8x125xi32, #tpu.memory_space<vmem>>
            %dma_start3A_340 = tpu.memref_squeeze %dma_start3A_339 : memref<1x8x125xi32, #tpu.memory_space<vmem>> -> memref<8x125xi32, #tpu.memory_space<vmem>>
            %dma_start3A_341 = arith.constant 0 : i32
            %dma_start3A_342 = tpu.memref_slice %arg4[%add3A, %mul3A_336, %dma_start3A_341] : memref<32x80x125xi32, #tpu.memory_space<hbm>> -> memref<1x8x125xi32, #tpu.memory_space<hbm>>
            %dma_start3A_343 = tpu.memref_squeeze %dma_start3A_342 : memref<1x8x125xi32, #tpu.memory_space<hbm>> -> memref<8x125xi32, #tpu.memory_space<hbm>>
            %dma_start3A_344 = arith.constant 0 : i32
            %dma_start3A_345 = arith.constant 0 : i32
            %dma_start3A_346 = tpu.memref_slice %arg8[%rem3A_332, %dma_start3A_344, %dma_start3A_345] : memref<2x8x125xi32, #tpu.memory_space<vmem>> -> memref<1x8x125xi32, #tpu.memory_space<vmem>>
            %dma_start3A_347 = tpu.memref_squeeze %dma_start3A_346 : memref<1x8x125xi32, #tpu.memory_space<vmem>> -> memref<8x125xi32, #tpu.memory_space<vmem>>
            %dma_start3A_348 = arith.constant 0 : i32
            %dma_start3A_349 = tpu.memref_slice %arg4[%add3A, %mul3A_336, %dma_start3A_348] : memref<32x80x125xi32, #tpu.memory_space<hbm>> -> memref<1x8x125xi32, #tpu.memory_space<hbm>>
            %dma_start3A_350 = tpu.memref_squeeze %dma_start3A_349 : memref<1x8x125xi32, #tpu.memory_space<hbm>> -> memref<8x125xi32, #tpu.memory_space<hbm>>
            tpu.enqueue_dma source(%dma_start3A_350 : memref<8x125xi32, #tpu.memory_space<hbm>>) target(%dma_start3A_347 : memref<8x125xi32, #tpu.memory_space<vmem>>) target_semaphore(%run_scoped3A : memref<!tpu.dma_semaphore, #tpu.memory_space<semaphore_mem>>)
            %dma_wait3A_351 = arith.constant 0 : i32
            %dma_wait3A_352 = arith.constant 0 : i32
            %dma_wait3A_353 = tpu.memref_slice %arg8[%rem3A_332, %dma_wait3A_351, %dma_wait3A_352] : memref<2x8x125xi32, #tpu.memory_space<vmem>> -> memref<1x8x125xi32, #tpu.memory_space<vmem>>
            %dma_wait3A_354 = tpu.memref_squeeze %dma_wait3A_353 : memref<1x8x125xi32, #tpu.memory_space<vmem>> -> memref<8x125xi32, #tpu.memory_space<vmem>>
            %dma_wait3A_355 = arith.constant 0 : i32
            %dma_wait3A_356 = tpu.memref_slice %arg4[%add3A, %mul3A_336, %dma_wait3A_355] : memref<32x80x125xi32, #tpu.memory_space<hbm>> -> memref<1x8x125xi32, #tpu.memory_space<hbm>>
            %dma_wait3A_357 = tpu.memref_squeeze %dma_wait3A_356 : memref<1x8x125xi32, #tpu.memory_space<hbm>> -> memref<8x125xi32, #tpu.memory_space<hbm>>
            %dma_wait3A_358 = arith.constant 0 : i32
            %dma_wait3A_359 = arith.constant 0 : i32
            %dma_wait3A_360 = tpu.memref_slice %arg8[%rem3A_332, %dma_wait3A_358, %dma_wait3A_359] : memref<2x8x125xi32, #tpu.memory_space<vmem>> -> memref<1x8x125xi32, #tpu.memory_space<vmem>>
            %dma_wait3A_361 = tpu.memref_squeeze %dma_wait3A_360 : memref<1x8x125xi32, #tpu.memory_space<vmem>> -> memref<8x125xi32, #tpu.memory_space<vmem>>
            %dma_wait3A_362 = arith.constant 0 : i32
            %dma_wait3A_363 = tpu.memref_slice %arg4[%add3A, %mul3A_336, %dma_wait3A_362] : memref<32x80x125xi32, #tpu.memory_space<hbm>> -> memref<1x8x125xi32, #tpu.memory_space<hbm>>
            %dma_wait3A_364 = tpu.memref_squeeze %dma_wait3A_363 : memref<1x8x125xi32, #tpu.memory_space<hbm>> -> memref<8x125xi32, #tpu.memory_space<hbm>>
            tpu.wait_dma2 semaphore(%run_scoped3A : memref<!tpu.dma_semaphore, #tpu.memory_space<semaphore_mem>>) src(%dma_wait3A_364 : memref<8x125xi32, #tpu.memory_space<hbm>>) dst(%dma_wait3A_361 : memref<8x125xi32, #tpu.memory_space<vmem>>)
            tpu.yield
          }) : () -> ()
        } else {
        }
        %ge3A = arith.constant 1 : i32
        %ge3A_261 = arith.cmpi sge, %add3A_78, %ge3A : i32
        %convert_element_type3A_262 = arith.extui %ge3A_261 : i1 to i32
        %cond3A_263 = arith.constant 0 : i32
        %cond3A_264 = arith.cmpi ne, %convert_element_type3A_262, %cond3A_263 : i32
        scf.if %cond3A_264 {
          %dma_wait3A_307 = arith.constant 1 : i32
          %dma_wait3A_308 = arith.constant 1 : i32
          %dma_wait3A_309 = arith.constant 0 : i32
          %dma_wait3A_310 = arith.constant 0 : i32
          %dma_wait3A_311 = tpu.memref_slice %arg9[%dma_wait3A_307, %dma_wait3A_309, %dma_wait3A_310] : memref<2x125x128xf32, #tpu.memory_space<vmem>> -> memref<1x125x128xf32, #tpu.memory_space<vmem>>
          %dma_wait3A_312 = tpu.memref_squeeze %dma_wait3A_311 : memref<1x125x128xf32, #tpu.memory_space<vmem>> -> memref<125x128xf32, #tpu.memory_space<vmem>>
          %dma_wait3A_313 = arith.constant 0 : i32
          %dma_wait3A_314 = arith.constant 0 : i32
          %dma_wait3A_315 = tpu.memref_slice %arg10[%dma_wait3A_313, %dma_wait3A_314] : memref<10240x128xf32, #tpu.memory_space<vmem_shared>> -> memref<125x128xf32, #tpu.memory_space<vmem_shared>>
          %dma_wait3A_316 = tpu.memref_slice %arg12[%dma_wait3A_308] : memref<2x!tpu.dma_semaphore, #tpu.memory_space<semaphore_mem>> -> memref<1x!tpu.dma_semaphore, #tpu.memory_space<semaphore_mem>>
          %dma_wait3A_317 = tpu.memref_squeeze %dma_wait3A_316 : memref<1x!tpu.dma_semaphore, #tpu.memory_space<semaphore_mem>> -> memref<!tpu.dma_semaphore, #tpu.memory_space<semaphore_mem>>
          %dma_wait3A_318 = arith.constant 0 : i32
          %dma_wait3A_319 = arith.constant 0 : i32
          %dma_wait3A_320 = tpu.memref_slice %arg10[%dma_wait3A_318, %dma_wait3A_319] : memref<10240x128xf32, #tpu.memory_space<vmem_shared>> -> memref<125x128xf32, #tpu.memory_space<vmem_shared>>
          %dma_wait3A_321 = arith.constant 0 : i32
          %dma_wait3A_322 = arith.constant 0 : i32
          %dma_wait3A_323 = tpu.memref_slice %arg9[%dma_wait3A_307, %dma_wait3A_321, %dma_wait3A_322] : memref<2x125x128xf32, #tpu.memory_space<vmem>> -> memref<1x125x128xf32, #tpu.memory_space<vmem>>
          %dma_wait3A_324 = tpu.memref_squeeze %dma_wait3A_323 : memref<1x125x128xf32, #tpu.memory_space<vmem>> -> memref<125x128xf32, #tpu.memory_space<vmem>>
          tpu.wait_dma2 semaphore(%dma_wait3A_317 : memref<!tpu.dma_semaphore, #tpu.memory_space<semaphore_mem>>) src(%dma_wait3A_324 : memref<125x128xf32, #tpu.memory_space<vmem>>) dst(%dma_wait3A_320 : memref<125x128xf32, #tpu.memory_space<vmem_shared>>)
        } else {
        }
        %jit3A_265 = arith.constant 8 : i32
        %div3A_266 = arith.divsi %add3A_157, %jit3A_265 : i32
        %sign3A_267 = arith.constant 0 : i32
        %sign3A_268 = arith.cmpi sgt, %add3A_157, %sign3A_267 : i32
        %sign3A_269 = arith.extui %sign3A_268 : i1 to i32
        %sign3A_270 = arith.constant 0 : i32
        %sign3A_271 = arith.cmpi slt, %add3A_157, %sign3A_270 : i32
        %sign3A_272 = arith.extui %sign3A_271 : i1 to i32
        %sign3A_273 = arith.subi %sign3A_269, %sign3A_272 : i32
        %sign3A_274 = arith.constant 0 : i32
        %sign3A_275 = arith.cmpi sgt, %jit3A_265, %sign3A_274 : i32
        %sign3A_276 = arith.extui %sign3A_275 : i1 to i32
        %sign3A_277 = arith.constant 0 : i32
        %sign3A_278 = arith.cmpi slt, %jit3A_265, %sign3A_277 : i32
        %sign3A_279 = arith.extui %sign3A_278 : i1 to i32
        %sign3A_280 = arith.subi %sign3A_276, %sign3A_279 : i32
        %ne3A_281 = arith.cmpi ne, %sign3A_273, %sign3A_280 : i32
        %rem3A_282 = arith.remsi %add3A_157, %jit3A_265 : i32
        %ne3A_283 = arith.constant 0 : i32
        %ne3A_284 = arith.cmpi ne, %rem3A_282, %ne3A_283 : i32
        %and3A_285 = arith.andi %ne3A_281, %ne3A_284 : i1
        %sub3A_286 = arith.constant 1 : i32
        %sub3A_287 = arith.subi %div3A_266, %sub3A_286 : i32
        %select_n3A_288 = arith.select %and3A_285, %sub3A_287, %div3A_266 : i32
        %rem3A_289 = arith.constant 2 : i32
        %rem3A_290 = arith.remsi %select_n3A_288, %rem3A_289 : i32
        %rem3A_291 = arith.constant 8 : i32
        %rem3A_292 = arith.remsi %add3A_157, %rem3A_291 : i32
        %dma_start3A_293 = arith.constant 1 : i32
        %dma_start3A_294 = arith.constant 1 : i32
        %dma_start3A_295 = arith.constant 0 : i32
        %dma_start3A_296 = arith.constant 0 : i32
        %dma_start3A_297 = tpu.memref_slice %arg9[%dma_start3A_293, %dma_start3A_295, %dma_start3A_296] : memref<2x125x128xf32, #tpu.memory_space<vmem>> -> memref<1x125x128xf32, #tpu.memory_space<vmem>>
        %dma_start3A_298 = tpu.memref_squeeze %dma_start3A_297 : memref<1x125x128xf32, #tpu.memory_space<vmem>> -> memref<125x128xf32, #tpu.memory_space<vmem>>
        %dma_start3A_299 = arith.constant 0 : i32
        %dma_start3A_300 = tpu.memref_slice %arg7[%rem3A_290, %rem3A_292, %dma_start3A_299] : memref<2x8x125xi32, #tpu.memory_space<vmem>> -> memref<1x1x125xi32, #tpu.memory_space<vmem>>
        %dma_start3A_301 = tpu.memref_squeeze %dma_start3A_300 : memref<1x1x125xi32, #tpu.memory_space<vmem>> -> memref<125xi32, #tpu.memory_space<vmem>>
        %dma_start3A_302 = arith.constant 0 : i32
        %dma_start3A_303 = arith.constant 0 : i32
        %dma_start3A_304 = tpu.memref_slice %arg2[%dma_start3A_302, %dma_start3A_303] : memref<10000x128xf32, #tpu.memory_space<hbm>> -> memref<10000x128xf32, #tpu.memory_space<hbm>>
        %dma_start3A_305 = tpu.memref_slice %arg11[%dma_start3A_294] : memref<2x!tpu.dma_semaphore, #tpu.memory_space<semaphore_mem>> -> memref<1x!tpu.dma_semaphore, #tpu.memory_space<semaphore_mem>>
        %dma_start3A_306 = tpu.memref_squeeze %dma_start3A_305 : memref<1x!tpu.dma_semaphore, #tpu.memory_space<semaphore_mem>> -> memref<!tpu.dma_semaphore, #tpu.memory_space<semaphore_mem>>
        tpu.enqueue_indirect_dma source(%dma_start3A_304 : memref<10000x128xf32, #tpu.memory_space<hbm>>) target(%dma_start3A_298 : memref<125x128xf32, #tpu.memory_space<vmem>>) offsets(%dma_start3A_301 : memref<125xi32, #tpu.memory_space<vmem>>) semaphore(%dma_start3A_306 : memref<!tpu.dma_semaphore, #tpu.memory_space<semaphore_mem>>)
      } else {
      }
      %mul3A_160 = arith.constant 2 : i32
      %mul3A_161 = arith.muli %add3A_74, %mul3A_160 : i32
      %add3A_162 = arith.constant 1 : i32
      %add3A_163 = arith.addi %mul3A_161, %add3A_162 : i32
      %jit3A_164 = arith.constant 8 : i32
      %div3A_165 = arith.divsi %add3A_163, %jit3A_164 : i32
      %sign3A_166 = arith.constant 0 : i32
      %sign3A_167 = arith.cmpi sgt, %add3A_163, %sign3A_166 : i32
      %sign3A_168 = arith.extui %sign3A_167 : i1 to i32
      %sign3A_169 = arith.constant 0 : i32
      %sign3A_170 = arith.cmpi slt, %add3A_163, %sign3A_169 : i32
      %sign3A_171 = arith.extui %sign3A_170 : i1 to i32
      %sign3A_172 = arith.subi %sign3A_168, %sign3A_171 : i32
      %sign3A_173 = arith.constant 0 : i32
      %sign3A_174 = arith.cmpi sgt, %jit3A_164, %sign3A_173 : i32
      %sign3A_175 = arith.extui %sign3A_174 : i1 to i32
      %sign3A_176 = arith.constant 0 : i32
      %sign3A_177 = arith.cmpi slt, %jit3A_164, %sign3A_176 : i32
      %sign3A_178 = arith.extui %sign3A_177 : i1 to i32
      %sign3A_179 = arith.subi %sign3A_175, %sign3A_178 : i32
      %ne3A_180 = arith.cmpi ne, %sign3A_172, %sign3A_179 : i32
      %rem3A_181 = arith.remsi %add3A_163, %jit3A_164 : i32
      %ne3A_182 = arith.constant 0 : i32
      %ne3A_183 = arith.cmpi ne, %rem3A_181, %ne3A_182 : i32
      %and3A_184 = arith.andi %ne3A_180, %ne3A_183 : i1
      %sub3A_185 = arith.constant 1 : i32
      %sub3A_186 = arith.subi %div3A_165, %sub3A_185 : i32
      %select_n3A_187 = arith.select %and3A_184, %sub3A_186, %div3A_165 : i32
      %rem3A_188 = arith.constant 2 : i32
      %rem3A_189 = arith.remsi %select_n3A_187, %rem3A_188 : i32
      %rem3A_190 = arith.constant 8 : i32
      %rem3A_191 = arith.remsi %add3A_163, %rem3A_190 : i32
      %dma_wait3A_192 = arith.constant 1 : i32
      %dma_wait3A_193 = arith.constant 1 : i32
      %dma_wait3A_194 = arith.constant 0 : i32
      %dma_wait3A_195 = arith.constant 0 : i32
      %dma_wait3A_196 = tpu.memref_slice %arg9[%dma_wait3A_192, %dma_wait3A_194, %dma_wait3A_195] : memref<2x125x128xf32, #tpu.memory_space<vmem>> -> memref<1x125x128xf32, #tpu.memory_space<vmem>>
      %dma_wait3A_197 = tpu.memref_squeeze %dma_wait3A_196 : memref<1x125x128xf32, #tpu.memory_space<vmem>> -> memref<125x128xf32, #tpu.memory_space<vmem>>
      %dma_wait3A_198 = arith.constant 0 : i32
      %dma_wait3A_199 = tpu.memref_slice %arg7[%rem3A_189, %rem3A_191, %dma_wait3A_198] : memref<2x8x125xi32, #tpu.memory_space<vmem>> -> memref<1x1x125xi32, #tpu.memory_space<vmem>>
      %dma_wait3A_200 = tpu.memref_squeeze %dma_wait3A_199 : memref<1x1x125xi32, #tpu.memory_space<vmem>> -> memref<125xi32, #tpu.memory_space<vmem>>
      %dma_wait3A_201 = arith.constant 0 : i32
      %dma_wait3A_202 = arith.constant 0 : i32
      %dma_wait3A_203 = tpu.memref_slice %arg2[%dma_wait3A_201, %dma_wait3A_202] : memref<10000x128xf32, #tpu.memory_space<hbm>> -> memref<10000x128xf32, #tpu.memory_space<hbm>>
      %dma_wait3A_204 = tpu.memref_slice %arg11[%dma_wait3A_193] : memref<2x!tpu.dma_semaphore, #tpu.memory_space<semaphore_mem>> -> memref<1x!tpu.dma_semaphore, #tpu.memory_space<semaphore_mem>>
      %dma_wait3A_205 = tpu.memref_squeeze %dma_wait3A_204 : memref<1x!tpu.dma_semaphore, #tpu.memory_space<semaphore_mem>> -> memref<!tpu.dma_semaphore, #tpu.memory_space<semaphore_mem>>
      tpu.wait_indirect_dma semaphore(%dma_wait3A_205 : memref<!tpu.dma_semaphore, #tpu.memory_space<semaphore_mem>>) src(%dma_wait3A_203 : memref<10000x128xf32, #tpu.memory_space<hbm>>) dst(%dma_wait3A_197 : memref<125x128xf32, #tpu.memory_space<vmem>>)
      %jit3A_206 = arith.constant 8 : i32
      %div3A_207 = arith.divsi %add3A_163, %jit3A_206 : i32
      %sign3A_208 = arith.constant 0 : i32
      %sign3A_209 = arith.cmpi sgt, %add3A_163, %sign3A_208 : i32
      %sign3A_210 = arith.extui %sign3A_209 : i1 to i32
      %sign3A_211 = arith.constant 0 : i32
      %sign3A_212 = arith.cmpi slt, %add3A_163, %sign3A_211 : i32
      %sign3A_213 = arith.extui %sign3A_212 : i1 to i32
      %sign3A_214 = arith.subi %sign3A_210, %sign3A_213 : i32
      %sign3A_215 = arith.constant 0 : i32
      %sign3A_216 = arith.cmpi sgt, %jit3A_206, %sign3A_215 : i32
      %sign3A_217 = arith.extui %sign3A_216 : i1 to i32
      %sign3A_218 = arith.constant 0 : i32
      %sign3A_219 = arith.cmpi slt, %jit3A_206, %sign3A_218 : i32
      %sign3A_220 = arith.extui %sign3A_219 : i1 to i32
      %sign3A_221 = arith.subi %sign3A_217, %sign3A_220 : i32
      %ne3A_222 = arith.cmpi ne, %sign3A_214, %sign3A_221 : i32
      %rem3A_223 = arith.remsi %add3A_163, %jit3A_206 : i32
      %ne3A_224 = arith.constant 0 : i32
      %ne3A_225 = arith.cmpi ne, %rem3A_223, %ne3A_224 : i32
      %and3A_226 = arith.andi %ne3A_222, %ne3A_225 : i1
      %sub3A_227 = arith.constant 1 : i32
      %sub3A_228 = arith.subi %div3A_207, %sub3A_227 : i32
      %select_n3A_229 = arith.select %and3A_226, %sub3A_228, %div3A_207 : i32
      %rem3A_230 = arith.constant 2 : i32
      %rem3A_231 = arith.remsi %select_n3A_229, %rem3A_230 : i32
      %rem3A_232 = arith.constant 8 : i32
      %rem3A_233 = arith.remsi %add3A_163, %rem3A_232 : i32
      %dma_start3A_234 = arith.constant 1 : i32
      %dma_start3A_235 = arith.constant 1 : i32
      %dma_start3A_236 = arith.constant 0 : i32
      %dma_start3A_237 = arith.constant 0 : i32
      %dma_start3A_238 = tpu.memref_slice %arg9[%dma_start3A_234, %dma_start3A_236, %dma_start3A_237] : memref<2x125x128xf32, #tpu.memory_space<vmem>> -> memref<1x125x128xf32, #tpu.memory_space<vmem>>
      %dma_start3A_239 = tpu.memref_squeeze %dma_start3A_238 : memref<1x125x128xf32, #tpu.memory_space<vmem>> -> memref<125x128xf32, #tpu.memory_space<vmem>>
      %dma_start3A_240 = arith.constant 0 : i32
      %dma_start3A_241 = tpu.memref_slice %arg8[%rem3A_231, %rem3A_233, %dma_start3A_240] : memref<2x8x125xi32, #tpu.memory_space<vmem>> -> memref<1x1x125xi32, #tpu.memory_space<vmem>>
      %dma_start3A_242 = tpu.memref_squeeze %dma_start3A_241 : memref<1x1x125xi32, #tpu.memory_space<vmem>> -> memref<125xi32, #tpu.memory_space<vmem>>
      %dma_start3A_243 = arith.constant 0 : i32
      %dma_start3A_244 = arith.constant 0 : i32
      %dma_start3A_245 = tpu.memref_slice %arg10[%dma_start3A_243, %dma_start3A_244] : memref<10240x128xf32, #tpu.memory_space<vmem_shared>> -> memref<10240x128xf32, #tpu.memory_space<vmem_shared>>
      %dma_start3A_246 = tpu.memref_slice %arg12[%dma_start3A_235] : memref<2x!tpu.dma_semaphore, #tpu.memory_space<semaphore_mem>> -> memref<1x!tpu.dma_semaphore, #tpu.memory_space<semaphore_mem>>
      %dma_start3A_247 = tpu.memref_squeeze %dma_start3A_246 : memref<1x!tpu.dma_semaphore, #tpu.memory_space<semaphore_mem>> -> memref<!tpu.dma_semaphore, #tpu.memory_space<semaphore_mem>>
      tpu.enqueue_indirect_dma source(%dma_start3A_239 : memref<125x128xf32, #tpu.memory_space<vmem>>) target(%dma_start3A_245 : memref<10240x128xf32, #tpu.memory_space<vmem_shared>>) offsets(%dma_start3A_242 : memref<125xi32, #tpu.memory_space<vmem>>) semaphore(%dma_start3A_247 : memref<!tpu.dma_semaphore, #tpu.memory_space<semaphore_mem>>) {add = true}
      %add3A_248 = arith.constant 1 : i32
      %add3A_249 = arith.addi %add3A_163, %add3A_248 : i32
      %lt3A_250 = arith.constant 80 : i32
      %lt3A_251 = arith.cmpi slt, %add3A_249, %lt3A_250 : i32
      %convert_element_type3A_252 = arith.extui %lt3A_251 : i1 to i32
      %cond3A_253 = arith.constant 0 : i32
      %cond3A_254 = arith.cmpi ne, %convert_element_type3A_252, %cond3A_253 : i32
      scf.if %cond3A_254 {
        %rem3A_255 = arith.constant 8 : i32
        %rem3A_256 = arith.remsi %add3A_249, %rem3A_255 : i32
        %eq3A = arith.constant 0 : i32
        %eq3A_257 = arith.cmpi eq, %rem3A_256, %eq3A : i32
        %convert_element_type3A_258 = arith.extui %eq3A_257 : i1 to i32
        %cond3A_259 = arith.constant 0 : i32
        %cond3A_260 = arith.cmpi ne, %convert_element_type3A_258, %cond3A_259 : i32
        scf.if %cond3A_260 {
          %jit3A_307 = arith.constant 8 : i32
          %div3A_308 = arith.divsi %add3A_249, %jit3A_307 : i32
          %sign3A_309 = arith.constant 0 : i32
          %sign3A_310 = arith.cmpi sgt, %add3A_249, %sign3A_309 : i32
          %sign3A_311 = arith.extui %sign3A_310 : i1 to i32
          %sign3A_312 = arith.constant 0 : i32
          %sign3A_313 = arith.cmpi slt, %add3A_249, %sign3A_312 : i32
          %sign3A_314 = arith.extui %sign3A_313 : i1 to i32
          %sign3A_315 = arith.subi %sign3A_311, %sign3A_314 : i32
          %sign3A_316 = arith.constant 0 : i32
          %sign3A_317 = arith.cmpi sgt, %jit3A_307, %sign3A_316 : i32
          %sign3A_318 = arith.extui %sign3A_317 : i1 to i32
          %sign3A_319 = arith.constant 0 : i32
          %sign3A_320 = arith.cmpi slt, %jit3A_307, %sign3A_319 : i32
          %sign3A_321 = arith.extui %sign3A_320 : i1 to i32
          %sign3A_322 = arith.subi %sign3A_318, %sign3A_321 : i32
          %ne3A_323 = arith.cmpi ne, %sign3A_315, %sign3A_322 : i32
          %rem3A_324 = arith.remsi %add3A_249, %jit3A_307 : i32
          %ne3A_325 = arith.constant 0 : i32
          %ne3A_326 = arith.cmpi ne, %rem3A_324, %ne3A_325 : i32
          %and3A_327 = arith.andi %ne3A_323, %ne3A_326 : i1
          %sub3A_328 = arith.constant 1 : i32
          %sub3A_329 = arith.subi %div3A_308, %sub3A_328 : i32
          %select_n3A_330 = arith.select %and3A_327, %sub3A_329, %div3A_308 : i32
          %rem3A_331 = arith.constant 2 : i32
          %rem3A_332 = arith.remsi %select_n3A_330, %rem3A_331 : i32
          %mul3A_333 = arith.constant 8 : i32
          %mul3A_334 = arith.muli %select_n3A_330, %mul3A_333 : i32
          "tpu.region"() ({
            %run_scoped3A = tpu.sem_alloc : memref<!tpu.dma_semaphore, #tpu.memory_space<semaphore_mem>>
            %dma_start3A_337 = arith.constant 0 : i32
            %dma_start3A_338 = arith.constant 0 : i32
            %dma_start3A_339 = tpu.memref_slice %arg7[%rem3A_332, %dma_start3A_337, %dma_start3A_338] : memref<2x8x125xi32, #tpu.memory_space<vmem>> -> memref<1x8x125xi32, #tpu.memory_space<vmem>>
            %dma_start3A_340 = tpu.memref_squeeze %dma_start3A_339 : memref<1x8x125xi32, #tpu.memory_space<vmem>> -> memref<8x125xi32, #tpu.memory_space<vmem>>
            %dma_start3A_341 = arith.constant 0 : i32
            %dma_start3A_342 = tpu.memref_slice %arg3[%add3A, %mul3A_334, %dma_start3A_341] : memref<32x80x125xi32, #tpu.memory_space<hbm>> -> memref<1x8x125xi32, #tpu.memory_space<hbm>>
            %dma_start3A_343 = tpu.memref_squeeze %dma_start3A_342 : memref<1x8x125xi32, #tpu.memory_space<hbm>> -> memref<8x125xi32, #tpu.memory_space<hbm>>
            %dma_start3A_344 = arith.constant 0 : i32
            %dma_start3A_345 = arith.constant 0 : i32
            %dma_start3A_346 = tpu.memref_slice %arg7[%rem3A_332, %dma_start3A_344, %dma_start3A_345] : memref<2x8x125xi32, #tpu.memory_space<vmem>> -> memref<1x8x125xi32, #tpu.memory_space<vmem>>
            %dma_start3A_347 = tpu.memref_squeeze %dma_start3A_346 : memref<1x8x125xi32, #tpu.memory_space<vmem>> -> memref<8x125xi32, #tpu.memory_space<vmem>>
            %dma_start3A_348 = arith.constant 0 : i32
            %dma_start3A_349 = tpu.memref_slice %arg3[%add3A, %mul3A_334, %dma_start3A_348] : memref<32x80x125xi32, #tpu.memory_space<hbm>> -> memref<1x8x125xi32, #tpu.memory_space<hbm>>
            %dma_start3A_350 = tpu.memref_squeeze %dma_start3A_349 : memref<1x8x125xi32, #tpu.memory_space<hbm>> -> memref<8x125xi32, #tpu.memory_space<hbm>>
            tpu.enqueue_dma source(%dma_start3A_350 : memref<8x125xi32, #tpu.memory_space<hbm>>) target(%dma_start3A_347 : memref<8x125xi32, #tpu.memory_space<vmem>>) target_semaphore(%run_scoped3A : memref<!tpu.dma_semaphore, #tpu.memory_space<semaphore_mem>>)
            %dma_wait3A_351 = arith.constant 0 : i32
            %dma_wait3A_352 = arith.constant 0 : i32
            %dma_wait3A_353 = tpu.memref_slice %arg7[%rem3A_332, %dma_wait3A_351, %dma_wait3A_352] : memref<2x8x125xi32, #tpu.memory_space<vmem>> -> memref<1x8x125xi32, #tpu.memory_space<vmem>>
            %dma_wait3A_354 = tpu.memref_squeeze %dma_wait3A_353 : memref<1x8x125xi32, #tpu.memory_space<vmem>> -> memref<8x125xi32, #tpu.memory_space<vmem>>
            %dma_wait3A_355 = arith.constant 0 : i32
            %dma_wait3A_356 = tpu.memref_slice %arg3[%add3A, %mul3A_334, %dma_wait3A_355] : memref<32x80x125xi32, #tpu.memory_space<hbm>> -> memref<1x8x125xi32, #tpu.memory_space<hbm>>
            %dma_wait3A_357 = tpu.memref_squeeze %dma_wait3A_356 : memref<1x8x125xi32, #tpu.memory_space<hbm>> -> memref<8x125xi32, #tpu.memory_space<hbm>>
            %dma_wait3A_358 = arith.constant 0 : i32
            %dma_wait3A_359 = arith.constant 0 : i32
            %dma_wait3A_360 = tpu.memref_slice %arg7[%rem3A_332, %dma_wait3A_358, %dma_wait3A_359] : memref<2x8x125xi32, #tpu.memory_space<vmem>> -> memref<1x8x125xi32, #tpu.memory_space<vmem>>
            %dma_wait3A_361 = tpu.memref_squeeze %dma_wait3A_360 : memref<1x8x125xi32, #tpu.memory_space<vmem>> -> memref<8x125xi32, #tpu.memory_space<vmem>>
            %dma_wait3A_362 = arith.constant 0 : i32
            %dma_wait3A_363 = tpu.memref_slice %arg3[%add3A, %mul3A_334, %dma_wait3A_362] : memref<32x80x125xi32, #tpu.memory_space<hbm>> -> memref<1x8x125xi32, #tpu.memory_space<hbm>>
            %dma_wait3A_364 = tpu.memref_squeeze %dma_wait3A_363 : memref<1x8x125xi32, #tpu.memory_space<hbm>> -> memref<8x125xi32, #tpu.memory_space<hbm>>
            tpu.wait_dma2 semaphore(%run_scoped3A : memref<!tpu.dma_semaphore, #tpu.memory_space<semaphore_mem>>) src(%dma_wait3A_364 : memref<8x125xi32, #tpu.memory_space<hbm>>) dst(%dma_wait3A_361 : memref<8x125xi32, #tpu.memory_space<vmem>>)
            tpu.yield
          }) : () -> ()
          %mul3A_335 = arith.constant 8 : i32
          %mul3A_336 = arith.muli %select_n3A_330, %mul3A_335 : i32
          "tpu.region"() ({
            %run_scoped3A = tpu.sem_alloc : memref<!tpu.dma_semaphore, #tpu.memory_space<semaphore_mem>>
            %dma_start3A_337 = arith.constant 0 : i32
            %dma_start3A_338 = arith.constant 0 : i32
            %dma_start3A_339 = tpu.memref_slice %arg8[%rem3A_332, %dma_start3A_337, %dma_start3A_338] : memref<2x8x125xi32, #tpu.memory_space<vmem>> -> memref<1x8x125xi32, #tpu.memory_space<vmem>>
            %dma_start3A_340 = tpu.memref_squeeze %dma_start3A_339 : memref<1x8x125xi32, #tpu.memory_space<vmem>> -> memref<8x125xi32, #tpu.memory_space<vmem>>
            %dma_start3A_341 = arith.constant 0 : i32
            %dma_start3A_342 = tpu.memref_slice %arg4[%add3A, %mul3A_336, %dma_start3A_341] : memref<32x80x125xi32, #tpu.memory_space<hbm>> -> memref<1x8x125xi32, #tpu.memory_space<hbm>>
            %dma_start3A_343 = tpu.memref_squeeze %dma_start3A_342 : memref<1x8x125xi32, #tpu.memory_space<hbm>> -> memref<8x125xi32, #tpu.memory_space<hbm>>
            %dma_start3A_344 = arith.constant 0 : i32
            %dma_start3A_345 = arith.constant 0 : i32
            %dma_start3A_346 = tpu.memref_slice %arg8[%rem3A_332, %dma_start3A_344, %dma_start3A_345] : memref<2x8x125xi32, #tpu.memory_space<vmem>> -> memref<1x8x125xi32, #tpu.memory_space<vmem>>
            %dma_start3A_347 = tpu.memref_squeeze %dma_start3A_346 : memref<1x8x125xi32, #tpu.memory_space<vmem>> -> memref<8x125xi32, #tpu.memory_space<vmem>>
            %dma_start3A_348 = arith.constant 0 : i32
            %dma_start3A_349 = tpu.memref_slice %arg4[%add3A, %mul3A_336, %dma_start3A_348] : memref<32x80x125xi32, #tpu.memory_space<hbm>> -> memref<1x8x125xi32, #tpu.memory_space<hbm>>
            %dma_start3A_350 = tpu.memref_squeeze %dma_start3A_349 : memref<1x8x125xi32, #tpu.memory_space<hbm>> -> memref<8x125xi32, #tpu.memory_space<hbm>>
            tpu.enqueue_dma source(%dma_start3A_350 : memref<8x125xi32, #tpu.memory_space<hbm>>) target(%dma_start3A_347 : memref<8x125xi32, #tpu.memory_space<vmem>>) target_semaphore(%run_scoped3A : memref<!tpu.dma_semaphore, #tpu.memory_space<semaphore_mem>>)
            %dma_wait3A_351 = arith.constant 0 : i32
            %dma_wait3A_352 = arith.constant 0 : i32
            %dma_wait3A_353 = tpu.memref_slice %arg8[%rem3A_332, %dma_wait3A_351, %dma_wait3A_352] : memref<2x8x125xi32, #tpu.memory_space<vmem>> -> memref<1x8x125xi32, #tpu.memory_space<vmem>>
            %dma_wait3A_354 = tpu.memref_squeeze %dma_wait3A_353 : memref<1x8x125xi32, #tpu.memory_space<vmem>> -> memref<8x125xi32, #tpu.memory_space<vmem>>
            %dma_wait3A_355 = arith.constant 0 : i32
            %dma_wait3A_356 = tpu.memref_slice %arg4[%add3A, %mul3A_336, %dma_wait3A_355] : memref<32x80x125xi32, #tpu.memory_space<hbm>> -> memref<1x8x125xi32, #tpu.memory_space<hbm>>
            %dma_wait3A_357 = tpu.memref_squeeze %dma_wait3A_356 : memref<1x8x125xi32, #tpu.memory_space<hbm>> -> memref<8x125xi32, #tpu.memory_space<hbm>>
            %dma_wait3A_358 = arith.constant 0 : i32
            %dma_wait3A_359 = arith.constant 0 : i32
            %dma_wait3A_360 = tpu.memref_slice %arg8[%rem3A_332, %dma_wait3A_358, %dma_wait3A_359] : memref<2x8x125xi32, #tpu.memory_space<vmem>> -> memref<1x8x125xi32, #tpu.memory_space<vmem>>
            %dma_wait3A_361 = tpu.memref_squeeze %dma_wait3A_360 : memref<1x8x125xi32, #tpu.memory_space<vmem>> -> memref<8x125xi32, #tpu.memory_space<vmem>>
            %dma_wait3A_362 = arith.constant 0 : i32
            %dma_wait3A_363 = tpu.memref_slice %arg4[%add3A, %mul3A_336, %dma_wait3A_362] : memref<32x80x125xi32, #tpu.memory_space<hbm>> -> memref<1x8x125xi32, #tpu.memory_space<hbm>>
            %dma_wait3A_364 = tpu.memref_squeeze %dma_wait3A_363 : memref<1x8x125xi32, #tpu.memory_space<hbm>> -> memref<8x125xi32, #tpu.memory_space<hbm>>
            tpu.wait_dma2 semaphore(%run_scoped3A : memref<!tpu.dma_semaphore, #tpu.memory_space<semaphore_mem>>) src(%dma_wait3A_364 : memref<8x125xi32, #tpu.memory_space<hbm>>) dst(%dma_wait3A_361 : memref<8x125xi32, #tpu.memory_space<vmem>>)
            tpu.yield
          }) : () -> ()
        } else {
        }
        %ge3A = arith.constant 1 : i32
        %ge3A_261 = arith.cmpi sge, %add3A_163, %ge3A : i32
        %convert_element_type3A_262 = arith.extui %ge3A_261 : i1 to i32
        %cond3A_263 = arith.constant 0 : i32
        %cond3A_264 = arith.cmpi ne, %convert_element_type3A_262, %cond3A_263 : i32
        scf.if %cond3A_264 {
          %dma_wait3A_307 = arith.constant 0 : i32
          %dma_wait3A_308 = arith.constant 0 : i32
          %dma_wait3A_309 = arith.constant 0 : i32
          %dma_wait3A_310 = arith.constant 0 : i32
          %dma_wait3A_311 = tpu.memref_slice %arg9[%dma_wait3A_307, %dma_wait3A_309, %dma_wait3A_310] : memref<2x125x128xf32, #tpu.memory_space<vmem>> -> memref<1x125x128xf32, #tpu.memory_space<vmem>>
          %dma_wait3A_312 = tpu.memref_squeeze %dma_wait3A_311 : memref<1x125x128xf32, #tpu.memory_space<vmem>> -> memref<125x128xf32, #tpu.memory_space<vmem>>
          %dma_wait3A_313 = arith.constant 0 : i32
          %dma_wait3A_314 = arith.constant 0 : i32
          %dma_wait3A_315 = tpu.memref_slice %arg10[%dma_wait3A_313, %dma_wait3A_314] : memref<10240x128xf32, #tpu.memory_space<vmem_shared>> -> memref<125x128xf32, #tpu.memory_space<vmem_shared>>
          %dma_wait3A_316 = tpu.memref_slice %arg12[%dma_wait3A_308] : memref<2x!tpu.dma_semaphore, #tpu.memory_space<semaphore_mem>> -> memref<1x!tpu.dma_semaphore, #tpu.memory_space<semaphore_mem>>
          %dma_wait3A_317 = tpu.memref_squeeze %dma_wait3A_316 : memref<1x!tpu.dma_semaphore, #tpu.memory_space<semaphore_mem>> -> memref<!tpu.dma_semaphore, #tpu.memory_space<semaphore_mem>>
          %dma_wait3A_318 = arith.constant 0 : i32
          %dma_wait3A_319 = arith.constant 0 : i32
          %dma_wait3A_320 = tpu.memref_slice %arg10[%dma_wait3A_318, %dma_wait3A_319] : memref<10240x128xf32, #tpu.memory_space<vmem_shared>> -> memref<125x128xf32, #tpu.memory_space<vmem_shared>>
          %dma_wait3A_321 = arith.constant 0 : i32
          %dma_wait3A_322 = arith.constant 0 : i32
          %dma_wait3A_323 = tpu.memref_slice %arg9[%dma_wait3A_307, %dma_wait3A_321, %dma_wait3A_322] : memref<2x125x128xf32, #tpu.memory_space<vmem>> -> memref<1x125x128xf32, #tpu.memory_space<vmem>>
          %dma_wait3A_324 = tpu.memref_squeeze %dma_wait3A_323 : memref<1x125x128xf32, #tpu.memory_space<vmem>> -> memref<125x128xf32, #tpu.memory_space<vmem>>
          tpu.wait_dma2 semaphore(%dma_wait3A_317 : memref<!tpu.dma_semaphore, #tpu.memory_space<semaphore_mem>>) src(%dma_wait3A_324 : memref<125x128xf32, #tpu.memory_space<vmem>>) dst(%dma_wait3A_320 : memref<125x128xf32, #tpu.memory_space<vmem_shared>>)
        } else {
        }
        %jit3A_265 = arith.constant 8 : i32
        %div3A_266 = arith.divsi %add3A_249, %jit3A_265 : i32
        %sign3A_267 = arith.constant 0 : i32
        %sign3A_268 = arith.cmpi sgt, %add3A_249, %sign3A_267 : i32
        %sign3A_269 = arith.extui %sign3A_268 : i1 to i32
        %sign3A_270 = arith.constant 0 : i32
        %sign3A_271 = arith.cmpi slt, %add3A_249, %sign3A_270 : i32
        %sign3A_272 = arith.extui %sign3A_271 : i1 to i32
        %sign3A_273 = arith.subi %sign3A_269, %sign3A_272 : i32
        %sign3A_274 = arith.constant 0 : i32
        %sign3A_275 = arith.cmpi sgt, %jit3A_265, %sign3A_274 : i32
        %sign3A_276 = arith.extui %sign3A_275 : i1 to i32
        %sign3A_277 = arith.constant 0 : i32
        %sign3A_278 = arith.cmpi slt, %jit3A_265, %sign3A_277 : i32
        %sign3A_279 = arith.extui %sign3A_278 : i1 to i32
        %sign3A_280 = arith.subi %sign3A_276, %sign3A_279 : i32
        %ne3A_281 = arith.cmpi ne, %sign3A_273, %sign3A_280 : i32
        %rem3A_282 = arith.remsi %add3A_249, %jit3A_265 : i32
        %ne3A_283 = arith.constant 0 : i32
        %ne3A_284 = arith.cmpi ne, %rem3A_282, %ne3A_283 : i32
        %and3A_285 = arith.andi %ne3A_281, %ne3A_284 : i1
        %sub3A_286 = arith.constant 1 : i32
        %sub3A_287 = arith.subi %div3A_266, %sub3A_286 : i32
        %select_n3A_288 = arith.select %and3A_285, %sub3A_287, %div3A_266 : i32
        %rem3A_289 = arith.constant 2 : i32
        %rem3A_290 = arith.remsi %select_n3A_288, %rem3A_289 : i32
        %rem3A_291 = arith.constant 8 : i32
        %rem3A_292 = arith.remsi %add3A_249, %rem3A_291 : i32
        %dma_start3A_293 = arith.constant 0 : i32
        %dma_start3A_294 = arith.constant 0 : i32
        %dma_start3A_295 = arith.constant 0 : i32
        %dma_start3A_296 = arith.constant 0 : i32
        %dma_start3A_297 = tpu.memref_slice %arg9[%dma_start3A_293, %dma_start3A_295, %dma_start3A_296] : memref<2x125x128xf32, #tpu.memory_space<vmem>> -> memref<1x125x128xf32, #tpu.memory_space<vmem>>
        %dma_start3A_298 = tpu.memref_squeeze %dma_start3A_297 : memref<1x125x128xf32, #tpu.memory_space<vmem>> -> memref<125x128xf32, #tpu.memory_space<vmem>>
        %dma_start3A_299 = arith.constant 0 : i32
        %dma_start3A_300 = tpu.memref_slice %arg7[%rem3A_290, %rem3A_292, %dma_start3A_299] : memref<2x8x125xi32, #tpu.memory_space<vmem>> -> memref<1x1x125xi32, #tpu.memory_space<vmem>>
        %dma_start3A_301 = tpu.memref_squeeze %dma_start3A_300 : memref<1x1x125xi32, #tpu.memory_space<vmem>> -> memref<125xi32, #tpu.memory_space<vmem>>
        %dma_start3A_302 = arith.constant 0 : i32
        %dma_start3A_303 = arith.constant 0 : i32
        %dma_start3A_304 = tpu.memref_slice %arg2[%dma_start3A_302, %dma_start3A_303] : memref<10000x128xf32, #tpu.memory_space<hbm>> -> memref<10000x128xf32, #tpu.memory_space<hbm>>
        %dma_start3A_305 = tpu.memref_slice %arg11[%dma_start3A_294] : memref<2x!tpu.dma_semaphore, #tpu.memory_space<semaphore_mem>> -> memref<1x!tpu.dma_semaphore, #tpu.memory_space<semaphore_mem>>
        %dma_start3A_306 = tpu.memref_squeeze %dma_start3A_305 : memref<1x!tpu.dma_semaphore, #tpu.memory_space<semaphore_mem>> -> memref<!tpu.dma_semaphore, #tpu.memory_space<semaphore_mem>>
        tpu.enqueue_indirect_dma source(%dma_start3A_304 : memref<10000x128xf32, #tpu.memory_space<hbm>>) target(%dma_start3A_298 : memref<125x128xf32, #tpu.memory_space<vmem>>) offsets(%dma_start3A_301 : memref<125xi32, #tpu.memory_space<vmem>>) semaphore(%dma_start3A_306 : memref<!tpu.dma_semaphore, #tpu.memory_space<semaphore_mem>>)
      } else {
      }
    }
    %scan3A_29 = arith.constant 40 : i32
    %dma_wait3A = arith.constant 0 : i32
    %dma_wait3A_30 = arith.constant 0 : i32
    %dma_wait3A_31 = arith.constant 0 : i32
    %dma_wait3A_32 = arith.constant 0 : i32
    %dma_wait3A_33 = tpu.memref_slice %arg9[%dma_wait3A, %dma_wait3A_31, %dma_wait3A_32] : memref<2x125x128xf32, #tpu.memory_space<vmem>> -> memref<1x125x128xf32, #tpu.memory_space<vmem>>
    %dma_wait3A_34 = tpu.memref_squeeze %dma_wait3A_33 : memref<1x125x128xf32, #tpu.memory_space<vmem>> -> memref<125x128xf32, #tpu.memory_space<vmem>>
    %dma_wait3A_35 = arith.constant 0 : i32
    %dma_wait3A_36 = arith.constant 0 : i32
    %dma_wait3A_37 = tpu.memref_slice %arg10[%dma_wait3A_35, %dma_wait3A_36] : memref<10240x128xf32, #tpu.memory_space<vmem_shared>> -> memref<125x128xf32, #tpu.memory_space<vmem_shared>>
    %dma_wait3A_38 = tpu.memref_slice %arg12[%dma_wait3A_30] : memref<2x!tpu.dma_semaphore, #tpu.memory_space<semaphore_mem>> -> memref<1x!tpu.dma_semaphore, #tpu.memory_space<semaphore_mem>>
    %dma_wait3A_39 = tpu.memref_squeeze %dma_wait3A_38 : memref<1x!tpu.dma_semaphore, #tpu.memory_space<semaphore_mem>> -> memref<!tpu.dma_semaphore, #tpu.memory_space<semaphore_mem>>
    %dma_wait3A_40 = arith.constant 0 : i32
    %dma_wait3A_41 = arith.constant 0 : i32
    %dma_wait3A_42 = tpu.memref_slice %arg10[%dma_wait3A_40, %dma_wait3A_41] : memref<10240x128xf32, #tpu.memory_space<vmem_shared>> -> memref<125x128xf32, #tpu.memory_space<vmem_shared>>
    %dma_wait3A_43 = arith.constant 0 : i32
    %dma_wait3A_44 = arith.constant 0 : i32
    %dma_wait3A_45 = tpu.memref_slice %arg9[%dma_wait3A, %dma_wait3A_43, %dma_wait3A_44] : memref<2x125x128xf32, #tpu.memory_space<vmem>> -> memref<1x125x128xf32, #tpu.memory_space<vmem>>
    %dma_wait3A_46 = tpu.memref_squeeze %dma_wait3A_45 : memref<1x125x128xf32, #tpu.memory_space<vmem>> -> memref<125x128xf32, #tpu.memory_space<vmem>>
    tpu.wait_dma2 semaphore(%dma_wait3A_39 : memref<!tpu.dma_semaphore, #tpu.memory_space<semaphore_mem>>) src(%dma_wait3A_46 : memref<125x128xf32, #tpu.memory_space<vmem>>) dst(%dma_wait3A_42 : memref<125x128xf32, #tpu.memory_space<vmem_shared>>)
    %dma_wait3A_47 = arith.constant 1 : i32
    %dma_wait3A_48 = arith.constant 1 : i32
    %dma_wait3A_49 = arith.constant 0 : i32
    %dma_wait3A_50 = arith.constant 0 : i32
    %dma_wait3A_51 = tpu.memref_slice %arg9[%dma_wait3A_47, %dma_wait3A_49, %dma_wait3A_50] : memref<2x125x128xf32, #tpu.memory_space<vmem>> -> memref<1x125x128xf32, #tpu.memory_space<vmem>>
    %dma_wait3A_52 = tpu.memref_squeeze %dma_wait3A_51 : memref<1x125x128xf32, #tpu.memory_space<vmem>> -> memref<125x128xf32, #tpu.memory_space<vmem>>
    %dma_wait3A_53 = arith.constant 0 : i32
    %dma_wait3A_54 = arith.constant 0 : i32
    %dma_wait3A_55 = tpu.memref_slice %arg10[%dma_wait3A_53, %dma_wait3A_54] : memref<10240x128xf32, #tpu.memory_space<vmem_shared>> -> memref<125x128xf32, #tpu.memory_space<vmem_shared>>
    %dma_wait3A_56 = tpu.memref_slice %arg12[%dma_wait3A_48] : memref<2x!tpu.dma_semaphore, #tpu.memory_space<semaphore_mem>> -> memref<1x!tpu.dma_semaphore, #tpu.memory_space<semaphore_mem>>
    %dma_wait3A_57 = tpu.memref_squeeze %dma_wait3A_56 : memref<1x!tpu.dma_semaphore, #tpu.memory_space<semaphore_mem>> -> memref<!tpu.dma_semaphore, #tpu.memory_space<semaphore_mem>>
    %dma_wait3A_58 = arith.constant 0 : i32
    %dma_wait3A_59 = arith.constant 0 : i32
    %dma_wait3A_60 = tpu.memref_slice %arg10[%dma_wait3A_58, %dma_wait3A_59] : memref<10240x128xf32, #tpu.memory_space<vmem_shared>> -> memref<125x128xf32, #tpu.memory_space<vmem_shared>>
    %dma_wait3A_61 = arith.constant 0 : i32
    %dma_wait3A_62 = arith.constant 0 : i32
    %dma_wait3A_63 = tpu.memref_slice %arg9[%dma_wait3A_47, %dma_wait3A_61, %dma_wait3A_62] : memref<2x125x128xf32, #tpu.memory_space<vmem>> -> memref<1x125x128xf32, #tpu.memory_space<vmem>>
    %dma_wait3A_64 = tpu.memref_squeeze %dma_wait3A_63 : memref<1x125x128xf32, #tpu.memory_space<vmem>> -> memref<125x128xf32, #tpu.memory_space<vmem>>
    tpu.wait_dma2 semaphore(%dma_wait3A_57 : memref<!tpu.dma_semaphore, #tpu.memory_space<semaphore_mem>>) src(%dma_wait3A_64 : memref<125x128xf32, #tpu.memory_space<vmem>>) dst(%dma_wait3A_60 : memref<125x128xf32, #tpu.memory_space<vmem_shared>>)
    %barrier3A_65 = arith.constant 0 : index
    tpu.barrier barrier_id(%barrier3A_65)
    %mul3A_66 = arith.constant 640 : i32
    %mul3A_67 = arith.muli %arg1, %mul3A_66 : i32
    %mul3A_68 = arith.constant 640 : i32
    %mul3A_69 = arith.muli %arg1, %mul3A_68 : i32
    "tpu.region"() ({
      %run_scoped3A = tpu.sem_alloc : memref<!tpu.dma_semaphore, #tpu.memory_space<semaphore_mem>>
      %dma_start3A_70 = arith.constant 0 : i32
      %dma_start3A_71 = tpu.memref_slice %arg6[%arg0, %mul3A_69, %dma_start3A_70] : memref<2x10240x128xf32, #tpu.memory_space<hbm>> -> memref<1x640x128xf32, #tpu.memory_space<hbm>>
      %dma_start3A_72 = tpu.memref_squeeze %dma_start3A_71 : memref<1x640x128xf32, #tpu.memory_space<hbm>> -> memref<640x128xf32, #tpu.memory_space<hbm>>
      %dma_start3A_73 = arith.constant 0 : i32
      %dma_start3A_74 = tpu.memref_slice %arg10[%mul3A_67, %dma_start3A_73] : memref<10240x128xf32, #tpu.memory_space<vmem_shared>> -> memref<640x128xf32, #tpu.memory_space<vmem_shared>>
      tpu.enqueue_dma source(%dma_start3A_74 : memref<640x128xf32, #tpu.memory_space<vmem_shared>>) target(%dma_start3A_72 : memref<640x128xf32, #tpu.memory_space<hbm>>) target_semaphore(%run_scoped3A : memref<!tpu.dma_semaphore, #tpu.memory_space<semaphore_mem>>)
      %dma_wait3A_75 = arith.constant 0 : i32
      %dma_wait3A_76 = tpu.memref_slice %arg6[%arg0, %mul3A_69, %dma_wait3A_75] : memref<2x10240x128xf32, #tpu.memory_space<hbm>> -> memref<1x640x128xf32, #tpu.memory_space<hbm>>
      %dma_wait3A_77 = tpu.memref_squeeze %dma_wait3A_76 : memref<1x640x128xf32, #tpu.memory_space<hbm>> -> memref<640x128xf32, #tpu.memory_space<hbm>>
      %dma_wait3A_78 = arith.constant 0 : i32
      %dma_wait3A_79 = tpu.memref_slice %arg10[%mul3A_67, %dma_wait3A_78] : memref<10240x128xf32, #tpu.memory_space<vmem_shared>> -> memref<640x128xf32, #tpu.memory_space<vmem_shared>>
      tpu.wait_dma2 semaphore(%run_scoped3A : memref<!tpu.dma_semaphore, #tpu.memory_space<semaphore_mem>>) src(%dma_wait3A_79 : memref<640x128xf32, #tpu.memory_space<vmem_shared>>) dst(%dma_wait3A_77 : memref<640x128xf32, #tpu.memory_space<hbm>>)
      tpu.yield
    }) : () -> ()
    return
  }
}

#map = affine_map<(d0, d1) -> (0, 0)>
module attributes {stable_mosaic.version = 14 : i64} {
  func.func @_decode_body(%arg0: i32, %arg1: i32, %arg2: memref<10000x128xf32, #tpu.memory_space<hbm>>, %arg3: memref<250x80xi32, #tpu.memory_space<hbm>>, %arg4: memref<250x80xi32, #tpu.memory_space<hbm>>, %arg5: memref<20000x128xf32, #tpu.memory_space<hbm>>, %arg6: memref<20000x128xf32, #tpu.memory_space<hbm>>, %arg7: memref<2x80xi32, #tpu.memory_space<vmem>>, %arg8: memref<2x80xi32, #tpu.memory_space<vmem>>, %arg9: memref<2x80x128xf32, #tpu.memory_space<vmem>>, %arg10: memref<2x80x128xf32, #tpu.memory_space<vmem>>, %arg11: memref<2x!tpu.dma_semaphore, #tpu.memory_space<semaphore_mem>>) attributes {dimension_semantics = [#tpu.dimension_semantics<core_parallel>, #tpu.dimension_semantics<subcore_parallel>], iteration_bounds = array<i64: 2, 16>, scalar_prefetch = 0 : i64, scratch_operands = 5 : i64, tpu.core_type = #tpu.core_type<sc_vector_subcore>, window_params = [{transform_indices = #map}, {transform_indices = #map}, {transform_indices = #map}, {transform_indices = #map}, {transform_indices = #map}]} {
    %mul3A = arith.constant 2 : i32
    %mul3A_0 = arith.muli %arg1, %mul3A : i32
    %add3A = arith.addi %mul3A_0, %arg0 : i32
    %add3A_1 = arith.constant 0 : i32
    %add3A_2 = arith.addi %add3A, %add3A_1 : i32
    %lt3A = arith.constant 250 : i32
    %lt3A_3 = arith.cmpi slt, %add3A_2, %lt3A : i32
    %convert_element_type3A = arith.extui %lt3A_3 : i1 to i32
    %cond3A = arith.constant 0 : i32
    %cond3A_4 = arith.cmpi ne, %convert_element_type3A, %cond3A : i32
    scf.if %cond3A_4 {
      %run_scoped3A = arith.constant 0 : i32
      "tpu.region"() ({
        %run_scoped3A_39 = tpu.sem_alloc : memref<!tpu.dma_semaphore, #tpu.memory_space<semaphore_mem>>
        %dma_start3A_40 = arith.constant 0 : i32
        %dma_start3A_41 = tpu.memref_slice %arg7[%run_scoped3A, %dma_start3A_40] : memref<2x80xi32, #tpu.memory_space<vmem>> -> memref<1x80xi32, #tpu.memory_space<vmem>>
        %dma_start3A_42 = tpu.memref_squeeze %dma_start3A_41 : memref<1x80xi32, #tpu.memory_space<vmem>> -> memref<80xi32, #tpu.memory_space<vmem>>
        %dma_start3A_43 = arith.constant 0 : i32
        %dma_start3A_44 = tpu.memref_slice %arg3[%add3A_2, %dma_start3A_43] : memref<250x80xi32, #tpu.memory_space<hbm>> -> memref<1x80xi32, #tpu.memory_space<hbm>>
        %dma_start3A_45 = tpu.memref_squeeze %dma_start3A_44 : memref<1x80xi32, #tpu.memory_space<hbm>> -> memref<80xi32, #tpu.memory_space<hbm>>
        %dma_start3A_46 = arith.constant 0 : i32
        %dma_start3A_47 = tpu.memref_slice %arg7[%run_scoped3A, %dma_start3A_46] : memref<2x80xi32, #tpu.memory_space<vmem>> -> memref<1x80xi32, #tpu.memory_space<vmem>>
        %dma_start3A_48 = tpu.memref_squeeze %dma_start3A_47 : memref<1x80xi32, #tpu.memory_space<vmem>> -> memref<80xi32, #tpu.memory_space<vmem>>
        %dma_start3A_49 = arith.constant 0 : i32
        %dma_start3A_50 = tpu.memref_slice %arg3[%add3A_2, %dma_start3A_49] : memref<250x80xi32, #tpu.memory_space<hbm>> -> memref<1x80xi32, #tpu.memory_space<hbm>>
        %dma_start3A_51 = tpu.memref_squeeze %dma_start3A_50 : memref<1x80xi32, #tpu.memory_space<hbm>> -> memref<80xi32, #tpu.memory_space<hbm>>
        tpu.enqueue_dma source(%dma_start3A_51 : memref<80xi32, #tpu.memory_space<hbm>>) target(%dma_start3A_48 : memref<80xi32, #tpu.memory_space<vmem>>) target_semaphore(%run_scoped3A_39 : memref<!tpu.dma_semaphore, #tpu.memory_space<semaphore_mem>>)
        %dma_wait3A = arith.constant 0 : i32
        %dma_wait3A_52 = tpu.memref_slice %arg7[%run_scoped3A, %dma_wait3A] : memref<2x80xi32, #tpu.memory_space<vmem>> -> memref<1x80xi32, #tpu.memory_space<vmem>>
        %dma_wait3A_53 = tpu.memref_squeeze %dma_wait3A_52 : memref<1x80xi32, #tpu.memory_space<vmem>> -> memref<80xi32, #tpu.memory_space<vmem>>
        %dma_wait3A_54 = arith.constant 0 : i32
        %dma_wait3A_55 = tpu.memref_slice %arg3[%add3A_2, %dma_wait3A_54] : memref<250x80xi32, #tpu.memory_space<hbm>> -> memref<1x80xi32, #tpu.memory_space<hbm>>
        %dma_wait3A_56 = tpu.memref_squeeze %dma_wait3A_55 : memref<1x80xi32, #tpu.memory_space<hbm>> -> memref<80xi32, #tpu.memory_space<hbm>>
        %dma_wait3A_57 = arith.constant 0 : i32
        %dma_wait3A_58 = tpu.memref_slice %arg7[%run_scoped3A, %dma_wait3A_57] : memref<2x80xi32, #tpu.memory_space<vmem>> -> memref<1x80xi32, #tpu.memory_space<vmem>>
        %dma_wait3A_59 = tpu.memref_squeeze %dma_wait3A_58 : memref<1x80xi32, #tpu.memory_space<vmem>> -> memref<80xi32, #tpu.memory_space<vmem>>
        %dma_wait3A_60 = arith.constant 0 : i32
        %dma_wait3A_61 = tpu.memref_slice %arg3[%add3A_2, %dma_wait3A_60] : memref<250x80xi32, #tpu.memory_space<hbm>> -> memref<1x80xi32, #tpu.memory_space<hbm>>
        %dma_wait3A_62 = tpu.memref_squeeze %dma_wait3A_61 : memref<1x80xi32, #tpu.memory_space<hbm>> -> memref<80xi32, #tpu.memory_space<hbm>>
        tpu.wait_dma2 semaphore(%run_scoped3A_39 : memref<!tpu.dma_semaphore, #tpu.memory_space<semaphore_mem>>) src(%dma_wait3A_62 : memref<80xi32, #tpu.memory_space<hbm>>) dst(%dma_wait3A_59 : memref<80xi32, #tpu.memory_space<vmem>>)
        tpu.yield
      }) : () -> ()
      %run_scoped3A_9 = arith.constant 0 : i32
      "tpu.region"() ({
        %run_scoped3A_39 = tpu.sem_alloc : memref<!tpu.dma_semaphore, #tpu.memory_space<semaphore_mem>>
        %dma_start3A_40 = arith.constant 0 : i32
        %dma_start3A_41 = tpu.memref_slice %arg8[%run_scoped3A_9, %dma_start3A_40] : memref<2x80xi32, #tpu.memory_space<vmem>> -> memref<1x80xi32, #tpu.memory_space<vmem>>
        %dma_start3A_42 = tpu.memref_squeeze %dma_start3A_41 : memref<1x80xi32, #tpu.memory_space<vmem>> -> memref<80xi32, #tpu.memory_space<vmem>>
        %dma_start3A_43 = arith.constant 0 : i32
        %dma_start3A_44 = tpu.memref_slice %arg4[%add3A_2, %dma_start3A_43] : memref<250x80xi32, #tpu.memory_space<hbm>> -> memref<1x80xi32, #tpu.memory_space<hbm>>
        %dma_start3A_45 = tpu.memref_squeeze %dma_start3A_44 : memref<1x80xi32, #tpu.memory_space<hbm>> -> memref<80xi32, #tpu.memory_space<hbm>>
        %dma_start3A_46 = arith.constant 0 : i32
        %dma_start3A_47 = tpu.memref_slice %arg8[%run_scoped3A_9, %dma_start3A_46] : memref<2x80xi32, #tpu.memory_space<vmem>> -> memref<1x80xi32, #tpu.memory_space<vmem>>
        %dma_start3A_48 = tpu.memref_squeeze %dma_start3A_47 : memref<1x80xi32, #tpu.memory_space<vmem>> -> memref<80xi32, #tpu.memory_space<vmem>>
        %dma_start3A_49 = arith.constant 0 : i32
        %dma_start3A_50 = tpu.memref_slice %arg4[%add3A_2, %dma_start3A_49] : memref<250x80xi32, #tpu.memory_space<hbm>> -> memref<1x80xi32, #tpu.memory_space<hbm>>
        %dma_start3A_51 = tpu.memref_squeeze %dma_start3A_50 : memref<1x80xi32, #tpu.memory_space<hbm>> -> memref<80xi32, #tpu.memory_space<hbm>>
        tpu.enqueue_dma source(%dma_start3A_51 : memref<80xi32, #tpu.memory_space<hbm>>) target(%dma_start3A_48 : memref<80xi32, #tpu.memory_space<vmem>>) target_semaphore(%run_scoped3A_39 : memref<!tpu.dma_semaphore, #tpu.memory_space<semaphore_mem>>)
        %dma_wait3A = arith.constant 0 : i32
        %dma_wait3A_52 = tpu.memref_slice %arg8[%run_scoped3A_9, %dma_wait3A] : memref<2x80xi32, #tpu.memory_space<vmem>> -> memref<1x80xi32, #tpu.memory_space<vmem>>
        %dma_wait3A_53 = tpu.memref_squeeze %dma_wait3A_52 : memref<1x80xi32, #tpu.memory_space<vmem>> -> memref<80xi32, #tpu.memory_space<vmem>>
        %dma_wait3A_54 = arith.constant 0 : i32
        %dma_wait3A_55 = tpu.memref_slice %arg4[%add3A_2, %dma_wait3A_54] : memref<250x80xi32, #tpu.memory_space<hbm>> -> memref<1x80xi32, #tpu.memory_space<hbm>>
        %dma_wait3A_56 = tpu.memref_squeeze %dma_wait3A_55 : memref<1x80xi32, #tpu.memory_space<hbm>> -> memref<80xi32, #tpu.memory_space<hbm>>
        %dma_wait3A_57 = arith.constant 0 : i32
        %dma_wait3A_58 = tpu.memref_slice %arg8[%run_scoped3A_9, %dma_wait3A_57] : memref<2x80xi32, #tpu.memory_space<vmem>> -> memref<1x80xi32, #tpu.memory_space<vmem>>
        %dma_wait3A_59 = tpu.memref_squeeze %dma_wait3A_58 : memref<1x80xi32, #tpu.memory_space<vmem>> -> memref<80xi32, #tpu.memory_space<vmem>>
        %dma_wait3A_60 = arith.constant 0 : i32
        %dma_wait3A_61 = tpu.memref_slice %arg4[%add3A_2, %dma_wait3A_60] : memref<250x80xi32, #tpu.memory_space<hbm>> -> memref<1x80xi32, #tpu.memory_space<hbm>>
        %dma_wait3A_62 = tpu.memref_squeeze %dma_wait3A_61 : memref<1x80xi32, #tpu.memory_space<hbm>> -> memref<80xi32, #tpu.memory_space<hbm>>
        tpu.wait_dma2 semaphore(%run_scoped3A_39 : memref<!tpu.dma_semaphore, #tpu.memory_space<semaphore_mem>>) src(%dma_wait3A_62 : memref<80xi32, #tpu.memory_space<hbm>>) dst(%dma_wait3A_59 : memref<80xi32, #tpu.memory_space<vmem>>)
        tpu.yield
      }) : () -> ()
      %dma_start3A = arith.constant 0 : i32
      %dma_start3A_10 = arith.constant 0 : i32
      %dma_start3A_11 = arith.constant 0 : i32
      %dma_start3A_12 = arith.constant 0 : i32
      %dma_start3A_13 = arith.constant 0 : i32
      %dma_start3A_14 = tpu.memref_slice %arg9[%dma_start3A_10, %dma_start3A_12, %dma_start3A_13] : memref<2x80x128xf32, #tpu.memory_space<vmem>> -> memref<1x80x128xf32, #tpu.memory_space<vmem>>
      %dma_start3A_15 = tpu.memref_squeeze %dma_start3A_14 : memref<1x80x128xf32, #tpu.memory_space<vmem>> -> memref<80x128xf32, #tpu.memory_space<vmem>>
      %dma_start3A_16 = arith.constant 0 : i32
      %dma_start3A_17 = tpu.memref_slice %arg7[%dma_start3A, %dma_start3A_16] : memref<2x80xi32, #tpu.memory_space<vmem>> -> memref<1x80xi32, #tpu.memory_space<vmem>>
      %dma_start3A_18 = tpu.memref_squeeze %dma_start3A_17 : memref<1x80xi32, #tpu.memory_space<vmem>> -> memref<80xi32, #tpu.memory_space<vmem>>
      %dma_start3A_19 = arith.constant 0 : i32
      %dma_start3A_20 = arith.constant 0 : i32
      %dma_start3A_21 = tpu.memref_slice %arg2[%dma_start3A_19, %dma_start3A_20] : memref<10000x128xf32, #tpu.memory_space<hbm>> -> memref<10000x128xf32, #tpu.memory_space<hbm>>
      %dma_start3A_22 = tpu.memref_slice %arg11[%dma_start3A_11] : memref<2x!tpu.dma_semaphore, #tpu.memory_space<semaphore_mem>> -> memref<1x!tpu.dma_semaphore, #tpu.memory_space<semaphore_mem>>
      %dma_start3A_23 = tpu.memref_squeeze %dma_start3A_22 : memref<1x!tpu.dma_semaphore, #tpu.memory_space<semaphore_mem>> -> memref<!tpu.dma_semaphore, #tpu.memory_space<semaphore_mem>>
      tpu.enqueue_indirect_dma source(%dma_start3A_21 : memref<10000x128xf32, #tpu.memory_space<hbm>>) target(%dma_start3A_15 : memref<80x128xf32, #tpu.memory_space<vmem>>) offsets(%dma_start3A_18 : memref<80xi32, #tpu.memory_space<vmem>>) semaphore(%dma_start3A_23 : memref<!tpu.dma_semaphore, #tpu.memory_space<semaphore_mem>>)
      %dma_start3A_24 = arith.constant 0 : i32
      %dma_start3A_25 = arith.constant 0 : i32
      %dma_start3A_26 = arith.constant 0 : i32
      %dma_start3A_27 = arith.constant 0 : i32
      %dma_start3A_28 = arith.constant 0 : i32
      %dma_start3A_29 = tpu.memref_slice %arg10[%dma_start3A_25, %dma_start3A_27, %dma_start3A_28] : memref<2x80x128xf32, #tpu.memory_space<vmem>> -> memref<1x80x128xf32, #tpu.memory_space<vmem>>
      %dma_start3A_30 = tpu.memref_squeeze %dma_start3A_29 : memref<1x80x128xf32, #tpu.memory_space<vmem>> -> memref<80x128xf32, #tpu.memory_space<vmem>>
      %dma_start3A_31 = arith.constant 0 : i32
      %dma_start3A_32 = tpu.memref_slice %arg8[%dma_start3A_24, %dma_start3A_31] : memref<2x80xi32, #tpu.memory_space<vmem>> -> memref<1x80xi32, #tpu.memory_space<vmem>>
      %dma_start3A_33 = tpu.memref_squeeze %dma_start3A_32 : memref<1x80xi32, #tpu.memory_space<vmem>> -> memref<80xi32, #tpu.memory_space<vmem>>
      %dma_start3A_34 = arith.constant 0 : i32
      %dma_start3A_35 = arith.constant 0 : i32
      %dma_start3A_36 = tpu.memref_slice %arg2[%dma_start3A_34, %dma_start3A_35] : memref<10000x128xf32, #tpu.memory_space<hbm>> -> memref<10000x128xf32, #tpu.memory_space<hbm>>
      %dma_start3A_37 = tpu.memref_slice %arg11[%dma_start3A_26] : memref<2x!tpu.dma_semaphore, #tpu.memory_space<semaphore_mem>> -> memref<1x!tpu.dma_semaphore, #tpu.memory_space<semaphore_mem>>
      %dma_start3A_38 = tpu.memref_squeeze %dma_start3A_37 : memref<1x!tpu.dma_semaphore, #tpu.memory_space<semaphore_mem>> -> memref<!tpu.dma_semaphore, #tpu.memory_space<semaphore_mem>>
      tpu.enqueue_indirect_dma source(%dma_start3A_36 : memref<10000x128xf32, #tpu.memory_space<hbm>>) target(%dma_start3A_30 : memref<80x128xf32, #tpu.memory_space<vmem>>) offsets(%dma_start3A_33 : memref<80xi32, #tpu.memory_space<vmem>>) semaphore(%dma_start3A_38 : memref<!tpu.dma_semaphore, #tpu.memory_space<semaphore_mem>>)
    } else {
    }
    %scan3A = arith.constant 0 : i32
    %scan3A_5 = arith.constant 8 : i32
    %scan3A_6 = arith.addi %scan3A, %scan3A_5 : i32
    %scan3A_7 = arith.constant 1 : i32
    scf.for %scan3A_9 = %scan3A to %scan3A_6 step %scan3A_7  : i32 {
      %mul3A_10 = arith.constant 1 : i32
      %mul3A_11 = arith.muli %scan3A_9, %mul3A_10 : i32
      %add3A_12 = arith.constant 0 : i32
      %add3A_13 = arith.addi %add3A_12, %mul3A_11 : i32
      %mul3A_14 = arith.constant 32 : i32
      %mul3A_15 = arith.muli %add3A_13, %mul3A_14 : i32
      %add3A_16 = arith.addi %add3A, %mul3A_15 : i32
      %rem3A = arith.constant 2 : i32
      %rem3A_17 = arith.remsi %add3A_13, %rem3A : i32
      %add3A_18 = arith.constant 1 : i32
      %add3A_19 = arith.addi %add3A_13, %add3A_18 : i32
      %sub3A = arith.constant 1 : i32
      %sub3A_20 = arith.subi %sub3A, %rem3A_17 : i32
      %mul3A_21 = arith.constant 32 : i32
      %mul3A_22 = arith.muli %add3A_19, %mul3A_21 : i32
      %add3A_23 = arith.addi %add3A, %mul3A_22 : i32
      %lt3A_24 = arith.constant 250 : i32
      %lt3A_25 = arith.cmpi slt, %add3A_23, %lt3A_24 : i32
      %convert_element_type3A_26 = arith.extui %lt3A_25 : i1 to i32
      %cond3A_27 = arith.constant 0 : i32
      %cond3A_28 = arith.cmpi ne, %convert_element_type3A_26, %cond3A_27 : i32
      scf.if %cond3A_28 {
        "tpu.region"() ({
          %run_scoped3A = tpu.sem_alloc : memref<!tpu.dma_semaphore, #tpu.memory_space<semaphore_mem>>
          %dma_start3A_57 = arith.constant 0 : i32
          %dma_start3A_58 = tpu.memref_slice %arg7[%sub3A_20, %dma_start3A_57] : memref<2x80xi32, #tpu.memory_space<vmem>> -> memref<1x80xi32, #tpu.memory_space<vmem>>
          %dma_start3A_59 = tpu.memref_squeeze %dma_start3A_58 : memref<1x80xi32, #tpu.memory_space<vmem>> -> memref<80xi32, #tpu.memory_space<vmem>>
          %dma_start3A_60 = arith.constant 0 : i32
          %dma_start3A_61 = tpu.memref_slice %arg3[%add3A_23, %dma_start3A_60] : memref<250x80xi32, #tpu.memory_space<hbm>> -> memref<1x80xi32, #tpu.memory_space<hbm>>
          %dma_start3A_62 = tpu.memref_squeeze %dma_start3A_61 : memref<1x80xi32, #tpu.memory_space<hbm>> -> memref<80xi32, #tpu.memory_space<hbm>>
          %dma_start3A_63 = arith.constant 0 : i32
          %dma_start3A_64 = tpu.memref_slice %arg7[%sub3A_20, %dma_start3A_63] : memref<2x80xi32, #tpu.memory_space<vmem>> -> memref<1x80xi32, #tpu.memory_space<vmem>>
          %dma_start3A_65 = tpu.memref_squeeze %dma_start3A_64 : memref<1x80xi32, #tpu.memory_space<vmem>> -> memref<80xi32, #tpu.memory_space<vmem>>
          %dma_start3A_66 = arith.constant 0 : i32
          %dma_start3A_67 = tpu.memref_slice %arg3[%add3A_23, %dma_start3A_66] : memref<250x80xi32, #tpu.memory_space<hbm>> -> memref<1x80xi32, #tpu.memory_space<hbm>>
          %dma_start3A_68 = tpu.memref_squeeze %dma_start3A_67 : memref<1x80xi32, #tpu.memory_space<hbm>> -> memref<80xi32, #tpu.memory_space<hbm>>
          tpu.enqueue_dma source(%dma_start3A_68 : memref<80xi32, #tpu.memory_space<hbm>>) target(%dma_start3A_65 : memref<80xi32, #tpu.memory_space<vmem>>) target_semaphore(%run_scoped3A : memref<!tpu.dma_semaphore, #tpu.memory_space<semaphore_mem>>)
          %dma_wait3A = arith.constant 0 : i32
          %dma_wait3A_69 = tpu.memref_slice %arg7[%sub3A_20, %dma_wait3A] : memref<2x80xi32, #tpu.memory_space<vmem>> -> memref<1x80xi32, #tpu.memory_space<vmem>>
          %dma_wait3A_70 = tpu.memref_squeeze %dma_wait3A_69 : memref<1x80xi32, #tpu.memory_space<vmem>> -> memref<80xi32, #tpu.memory_space<vmem>>
          %dma_wait3A_71 = arith.constant 0 : i32
          %dma_wait3A_72 = tpu.memref_slice %arg3[%add3A_23, %dma_wait3A_71] : memref<250x80xi32, #tpu.memory_space<hbm>> -> memref<1x80xi32, #tpu.memory_space<hbm>>
          %dma_wait3A_73 = tpu.memref_squeeze %dma_wait3A_72 : memref<1x80xi32, #tpu.memory_space<hbm>> -> memref<80xi32, #tpu.memory_space<hbm>>
          %dma_wait3A_74 = arith.constant 0 : i32
          %dma_wait3A_75 = tpu.memref_slice %arg7[%sub3A_20, %dma_wait3A_74] : memref<2x80xi32, #tpu.memory_space<vmem>> -> memref<1x80xi32, #tpu.memory_space<vmem>>
          %dma_wait3A_76 = tpu.memref_squeeze %dma_wait3A_75 : memref<1x80xi32, #tpu.memory_space<vmem>> -> memref<80xi32, #tpu.memory_space<vmem>>
          %dma_wait3A_77 = arith.constant 0 : i32
          %dma_wait3A_78 = tpu.memref_slice %arg3[%add3A_23, %dma_wait3A_77] : memref<250x80xi32, #tpu.memory_space<hbm>> -> memref<1x80xi32, #tpu.memory_space<hbm>>
          %dma_wait3A_79 = tpu.memref_squeeze %dma_wait3A_78 : memref<1x80xi32, #tpu.memory_space<hbm>> -> memref<80xi32, #tpu.memory_space<hbm>>
          tpu.wait_dma2 semaphore(%run_scoped3A : memref<!tpu.dma_semaphore, #tpu.memory_space<semaphore_mem>>) src(%dma_wait3A_79 : memref<80xi32, #tpu.memory_space<hbm>>) dst(%dma_wait3A_76 : memref<80xi32, #tpu.memory_space<vmem>>)
          tpu.yield
        }) : () -> ()
        "tpu.region"() ({
          %run_scoped3A = tpu.sem_alloc : memref<!tpu.dma_semaphore, #tpu.memory_space<semaphore_mem>>
          %dma_start3A_57 = arith.constant 0 : i32
          %dma_start3A_58 = tpu.memref_slice %arg8[%sub3A_20, %dma_start3A_57] : memref<2x80xi32, #tpu.memory_space<vmem>> -> memref<1x80xi32, #tpu.memory_space<vmem>>
          %dma_start3A_59 = tpu.memref_squeeze %dma_start3A_58 : memref<1x80xi32, #tpu.memory_space<vmem>> -> memref<80xi32, #tpu.memory_space<vmem>>
          %dma_start3A_60 = arith.constant 0 : i32
          %dma_start3A_61 = tpu.memref_slice %arg4[%add3A_23, %dma_start3A_60] : memref<250x80xi32, #tpu.memory_space<hbm>> -> memref<1x80xi32, #tpu.memory_space<hbm>>
          %dma_start3A_62 = tpu.memref_squeeze %dma_start3A_61 : memref<1x80xi32, #tpu.memory_space<hbm>> -> memref<80xi32, #tpu.memory_space<hbm>>
          %dma_start3A_63 = arith.constant 0 : i32
          %dma_start3A_64 = tpu.memref_slice %arg8[%sub3A_20, %dma_start3A_63] : memref<2x80xi32, #tpu.memory_space<vmem>> -> memref<1x80xi32, #tpu.memory_space<vmem>>
          %dma_start3A_65 = tpu.memref_squeeze %dma_start3A_64 : memref<1x80xi32, #tpu.memory_space<vmem>> -> memref<80xi32, #tpu.memory_space<vmem>>
          %dma_start3A_66 = arith.constant 0 : i32
          %dma_start3A_67 = tpu.memref_slice %arg4[%add3A_23, %dma_start3A_66] : memref<250x80xi32, #tpu.memory_space<hbm>> -> memref<1x80xi32, #tpu.memory_space<hbm>>
          %dma_start3A_68 = tpu.memref_squeeze %dma_start3A_67 : memref<1x80xi32, #tpu.memory_space<hbm>> -> memref<80xi32, #tpu.memory_space<hbm>>
          tpu.enqueue_dma source(%dma_start3A_68 : memref<80xi32, #tpu.memory_space<hbm>>) target(%dma_start3A_65 : memref<80xi32, #tpu.memory_space<vmem>>) target_semaphore(%run_scoped3A : memref<!tpu.dma_semaphore, #tpu.memory_space<semaphore_mem>>)
          %dma_wait3A = arith.constant 0 : i32
          %dma_wait3A_69 = tpu.memref_slice %arg8[%sub3A_20, %dma_wait3A] : memref<2x80xi32, #tpu.memory_space<vmem>> -> memref<1x80xi32, #tpu.memory_space<vmem>>
          %dma_wait3A_70 = tpu.memref_squeeze %dma_wait3A_69 : memref<1x80xi32, #tpu.memory_space<vmem>> -> memref<80xi32, #tpu.memory_space<vmem>>
          %dma_wait3A_71 = arith.constant 0 : i32
          %dma_wait3A_72 = tpu.memref_slice %arg4[%add3A_23, %dma_wait3A_71] : memref<250x80xi32, #tpu.memory_space<hbm>> -> memref<1x80xi32, #tpu.memory_space<hbm>>
          %dma_wait3A_73 = tpu.memref_squeeze %dma_wait3A_72 : memref<1x80xi32, #tpu.memory_space<hbm>> -> memref<80xi32, #tpu.memory_space<hbm>>
          %dma_wait3A_74 = arith.constant 0 : i32
          %dma_wait3A_75 = tpu.memref_slice %arg8[%sub3A_20, %dma_wait3A_74] : memref<2x80xi32, #tpu.memory_space<vmem>> -> memref<1x80xi32, #tpu.memory_space<vmem>>
          %dma_wait3A_76 = tpu.memref_squeeze %dma_wait3A_75 : memref<1x80xi32, #tpu.memory_space<vmem>> -> memref<80xi32, #tpu.memory_space<vmem>>
          %dma_wait3A_77 = arith.constant 0 : i32
          %dma_wait3A_78 = tpu.memref_slice %arg4[%add3A_23, %dma_wait3A_77] : memref<250x80xi32, #tpu.memory_space<hbm>> -> memref<1x80xi32, #tpu.memory_space<hbm>>
          %dma_wait3A_79 = tpu.memref_squeeze %dma_wait3A_78 : memref<1x80xi32, #tpu.memory_space<hbm>> -> memref<80xi32, #tpu.memory_space<hbm>>
          tpu.wait_dma2 semaphore(%run_scoped3A : memref<!tpu.dma_semaphore, #tpu.memory_space<semaphore_mem>>) src(%dma_wait3A_79 : memref<80xi32, #tpu.memory_space<hbm>>) dst(%dma_wait3A_76 : memref<80xi32, #tpu.memory_space<vmem>>)
          tpu.yield
        }) : () -> ()
        %dma_start3A = arith.constant 0 : i32
        %dma_start3A_34 = arith.constant 0 : i32
        %dma_start3A_35 = tpu.memref_slice %arg9[%sub3A_20, %dma_start3A, %dma_start3A_34] : memref<2x80x128xf32, #tpu.memory_space<vmem>> -> memref<1x80x128xf32, #tpu.memory_space<vmem>>
        %dma_start3A_36 = tpu.memref_squeeze %dma_start3A_35 : memref<1x80x128xf32, #tpu.memory_space<vmem>> -> memref<80x128xf32, #tpu.memory_space<vmem>>
        %dma_start3A_37 = arith.constant 0 : i32
        %dma_start3A_38 = tpu.memref_slice %arg7[%sub3A_20, %dma_start3A_37] : memref<2x80xi32, #tpu.memory_space<vmem>> -> memref<1x80xi32, #tpu.memory_space<vmem>>
        %dma_start3A_39 = tpu.memref_squeeze %dma_start3A_38 : memref<1x80xi32, #tpu.memory_space<vmem>> -> memref<80xi32, #tpu.memory_space<vmem>>
        %dma_start3A_40 = arith.constant 0 : i32
        %dma_start3A_41 = arith.constant 0 : i32
        %dma_start3A_42 = tpu.memref_slice %arg2[%dma_start3A_40, %dma_start3A_41] : memref<10000x128xf32, #tpu.memory_space<hbm>> -> memref<10000x128xf32, #tpu.memory_space<hbm>>
        %dma_start3A_43 = tpu.memref_slice %arg11[%sub3A_20] : memref<2x!tpu.dma_semaphore, #tpu.memory_space<semaphore_mem>> -> memref<1x!tpu.dma_semaphore, #tpu.memory_space<semaphore_mem>>
        %dma_start3A_44 = tpu.memref_squeeze %dma_start3A_43 : memref<1x!tpu.dma_semaphore, #tpu.memory_space<semaphore_mem>> -> memref<!tpu.dma_semaphore, #tpu.memory_space<semaphore_mem>>
        tpu.enqueue_indirect_dma source(%dma_start3A_42 : memref<10000x128xf32, #tpu.memory_space<hbm>>) target(%dma_start3A_36 : memref<80x128xf32, #tpu.memory_space<vmem>>) offsets(%dma_start3A_39 : memref<80xi32, #tpu.memory_space<vmem>>) semaphore(%dma_start3A_44 : memref<!tpu.dma_semaphore, #tpu.memory_space<semaphore_mem>>)
        %dma_start3A_45 = arith.constant 0 : i32
        %dma_start3A_46 = arith.constant 0 : i32
        %dma_start3A_47 = tpu.memref_slice %arg10[%sub3A_20, %dma_start3A_45, %dma_start3A_46] : memref<2x80x128xf32, #tpu.memory_space<vmem>> -> memref<1x80x128xf32, #tpu.memory_space<vmem>>
        %dma_start3A_48 = tpu.memref_squeeze %dma_start3A_47 : memref<1x80x128xf32, #tpu.memory_space<vmem>> -> memref<80x128xf32, #tpu.memory_space<vmem>>
        %dma_start3A_49 = arith.constant 0 : i32
        %dma_start3A_50 = tpu.memref_slice %arg8[%sub3A_20, %dma_start3A_49] : memref<2x80xi32, #tpu.memory_space<vmem>> -> memref<1x80xi32, #tpu.memory_space<vmem>>
        %dma_start3A_51 = tpu.memref_squeeze %dma_start3A_50 : memref<1x80xi32, #tpu.memory_space<vmem>> -> memref<80xi32, #tpu.memory_space<vmem>>
        %dma_start3A_52 = arith.constant 0 : i32
        %dma_start3A_53 = arith.constant 0 : i32
        %dma_start3A_54 = tpu.memref_slice %arg2[%dma_start3A_52, %dma_start3A_53] : memref<10000x128xf32, #tpu.memory_space<hbm>> -> memref<10000x128xf32, #tpu.memory_space<hbm>>
        %dma_start3A_55 = tpu.memref_slice %arg11[%sub3A_20] : memref<2x!tpu.dma_semaphore, #tpu.memory_space<semaphore_mem>> -> memref<1x!tpu.dma_semaphore, #tpu.memory_space<semaphore_mem>>
        %dma_start3A_56 = tpu.memref_squeeze %dma_start3A_55 : memref<1x!tpu.dma_semaphore, #tpu.memory_space<semaphore_mem>> -> memref<!tpu.dma_semaphore, #tpu.memory_space<semaphore_mem>>
        tpu.enqueue_indirect_dma source(%dma_start3A_54 : memref<10000x128xf32, #tpu.memory_space<hbm>>) target(%dma_start3A_48 : memref<80x128xf32, #tpu.memory_space<vmem>>) offsets(%dma_start3A_51 : memref<80xi32, #tpu.memory_space<vmem>>) semaphore(%dma_start3A_56 : memref<!tpu.dma_semaphore, #tpu.memory_space<semaphore_mem>>)
      } else {
      }
      %lt3A_29 = arith.constant 250 : i32
      %lt3A_30 = arith.cmpi slt, %add3A_16, %lt3A_29 : i32
      %convert_element_type3A_31 = arith.extui %lt3A_30 : i1 to i32
      %cond3A_32 = arith.constant 0 : i32
      %cond3A_33 = arith.cmpi ne, %convert_element_type3A_31, %cond3A_32 : i32
      scf.if %cond3A_33 {
        %dma_wait3A = arith.constant 0 : i32
        %dma_wait3A_34 = arith.constant 0 : i32
        %dma_wait3A_35 = tpu.memref_slice %arg9[%rem3A_17, %dma_wait3A, %dma_wait3A_34] : memref<2x80x128xf32, #tpu.memory_space<vmem>> -> memref<1x80x128xf32, #tpu.memory_space<vmem>>
        %dma_wait3A_36 = tpu.memref_squeeze %dma_wait3A_35 : memref<1x80x128xf32, #tpu.memory_space<vmem>> -> memref<80x128xf32, #tpu.memory_space<vmem>>
        %dma_wait3A_37 = arith.constant 0 : i32
        %dma_wait3A_38 = arith.constant 0 : i32
        %dma_wait3A_39 = tpu.memref_slice %arg2[%dma_wait3A_37, %dma_wait3A_38] : memref<10000x128xf32, #tpu.memory_space<hbm>> -> memref<80x128xf32, #tpu.memory_space<hbm>>
        %dma_wait3A_40 = tpu.memref_slice %arg11[%rem3A_17] : memref<2x!tpu.dma_semaphore, #tpu.memory_space<semaphore_mem>> -> memref<1x!tpu.dma_semaphore, #tpu.memory_space<semaphore_mem>>
        %dma_wait3A_41 = tpu.memref_squeeze %dma_wait3A_40 : memref<1x!tpu.dma_semaphore, #tpu.memory_space<semaphore_mem>> -> memref<!tpu.dma_semaphore, #tpu.memory_space<semaphore_mem>>
        %dma_wait3A_42 = arith.constant 0 : i32
        %dma_wait3A_43 = arith.constant 0 : i32
        %dma_wait3A_44 = tpu.memref_slice %arg9[%rem3A_17, %dma_wait3A_42, %dma_wait3A_43] : memref<2x80x128xf32, #tpu.memory_space<vmem>> -> memref<1x80x128xf32, #tpu.memory_space<vmem>>
        %dma_wait3A_45 = tpu.memref_squeeze %dma_wait3A_44 : memref<1x80x128xf32, #tpu.memory_space<vmem>> -> memref<80x128xf32, #tpu.memory_space<vmem>>
        %dma_wait3A_46 = arith.constant 0 : i32
        %dma_wait3A_47 = arith.constant 0 : i32
        %dma_wait3A_48 = tpu.memref_slice %arg2[%dma_wait3A_46, %dma_wait3A_47] : memref<10000x128xf32, #tpu.memory_space<hbm>> -> memref<80x128xf32, #tpu.memory_space<hbm>>
        tpu.wait_dma2 semaphore(%dma_wait3A_41 : memref<!tpu.dma_semaphore, #tpu.memory_space<semaphore_mem>>) src(%dma_wait3A_48 : memref<80x128xf32, #tpu.memory_space<hbm>>) dst(%dma_wait3A_45 : memref<80x128xf32, #tpu.memory_space<vmem>>)
        %dma_wait3A_49 = arith.constant 0 : i32
        %dma_wait3A_50 = arith.constant 0 : i32
        %dma_wait3A_51 = tpu.memref_slice %arg10[%rem3A_17, %dma_wait3A_49, %dma_wait3A_50] : memref<2x80x128xf32, #tpu.memory_space<vmem>> -> memref<1x80x128xf32, #tpu.memory_space<vmem>>
        %dma_wait3A_52 = tpu.memref_squeeze %dma_wait3A_51 : memref<1x80x128xf32, #tpu.memory_space<vmem>> -> memref<80x128xf32, #tpu.memory_space<vmem>>
        %dma_wait3A_53 = arith.constant 0 : i32
        %dma_wait3A_54 = arith.constant 0 : i32
        %dma_wait3A_55 = tpu.memref_slice %arg2[%dma_wait3A_53, %dma_wait3A_54] : memref<10000x128xf32, #tpu.memory_space<hbm>> -> memref<80x128xf32, #tpu.memory_space<hbm>>
        %dma_wait3A_56 = tpu.memref_slice %arg11[%rem3A_17] : memref<2x!tpu.dma_semaphore, #tpu.memory_space<semaphore_mem>> -> memref<1x!tpu.dma_semaphore, #tpu.memory_space<semaphore_mem>>
        %dma_wait3A_57 = tpu.memref_squeeze %dma_wait3A_56 : memref<1x!tpu.dma_semaphore, #tpu.memory_space<semaphore_mem>> -> memref<!tpu.dma_semaphore, #tpu.memory_space<semaphore_mem>>
        %dma_wait3A_58 = arith.constant 0 : i32
        %dma_wait3A_59 = arith.constant 0 : i32
        %dma_wait3A_60 = tpu.memref_slice %arg10[%rem3A_17, %dma_wait3A_58, %dma_wait3A_59] : memref<2x80x128xf32, #tpu.memory_space<vmem>> -> memref<1x80x128xf32, #tpu.memory_space<vmem>>
        %dma_wait3A_61 = tpu.memref_squeeze %dma_wait3A_60 : memref<1x80x128xf32, #tpu.memory_space<vmem>> -> memref<80x128xf32, #tpu.memory_space<vmem>>
        %dma_wait3A_62 = arith.constant 0 : i32
        %dma_wait3A_63 = arith.constant 0 : i32
        %dma_wait3A_64 = tpu.memref_slice %arg2[%dma_wait3A_62, %dma_wait3A_63] : memref<10000x128xf32, #tpu.memory_space<hbm>> -> memref<80x128xf32, #tpu.memory_space<hbm>>
        tpu.wait_dma2 semaphore(%dma_wait3A_57 : memref<!tpu.dma_semaphore, #tpu.memory_space<semaphore_mem>>) src(%dma_wait3A_64 : memref<80x128xf32, #tpu.memory_space<hbm>>) dst(%dma_wait3A_61 : memref<80x128xf32, #tpu.memory_space<vmem>>)
        %mul3A_65 = arith.constant 80 : i32
        %mul3A_66 = arith.muli %add3A_16, %mul3A_65 : i32
        "tpu.region"() ({
          %run_scoped3A = tpu.sem_alloc : memref<!tpu.dma_semaphore, #tpu.memory_space<semaphore_mem>>
          %dma_start3A = arith.constant 0 : i32
          %dma_start3A_69 = arith.constant 0 : i32
          %dma_start3A_70 = tpu.memref_slice %arg9[%rem3A_17, %dma_start3A, %dma_start3A_69] : memref<2x80x128xf32, #tpu.memory_space<vmem>> -> memref<1x80x128xf32, #tpu.memory_space<vmem>>
          %dma_start3A_71 = tpu.memref_squeeze %dma_start3A_70 : memref<1x80x128xf32, #tpu.memory_space<vmem>> -> memref<80x128xf32, #tpu.memory_space<vmem>>
          %dma_start3A_72 = arith.constant 0 : i32
          %dma_start3A_73 = tpu.memref_slice %arg5[%mul3A_66, %dma_start3A_72] : memref<20000x128xf32, #tpu.memory_space<hbm>> -> memref<80x128xf32, #tpu.memory_space<hbm>>
          %dma_start3A_74 = arith.constant 0 : i32
          %dma_start3A_75 = tpu.memref_slice %arg5[%mul3A_66, %dma_start3A_74] : memref<20000x128xf32, #tpu.memory_space<hbm>> -> memref<80x128xf32, #tpu.memory_space<hbm>>
          %dma_start3A_76 = arith.constant 0 : i32
          %dma_start3A_77 = arith.constant 0 : i32
          %dma_start3A_78 = tpu.memref_slice %arg9[%rem3A_17, %dma_start3A_76, %dma_start3A_77] : memref<2x80x128xf32, #tpu.memory_space<vmem>> -> memref<1x80x128xf32, #tpu.memory_space<vmem>>
          %dma_start3A_79 = tpu.memref_squeeze %dma_start3A_78 : memref<1x80x128xf32, #tpu.memory_space<vmem>> -> memref<80x128xf32, #tpu.memory_space<vmem>>
          tpu.enqueue_dma source(%dma_start3A_79 : memref<80x128xf32, #tpu.memory_space<vmem>>) target(%dma_start3A_75 : memref<80x128xf32, #tpu.memory_space<hbm>>) target_semaphore(%run_scoped3A : memref<!tpu.dma_semaphore, #tpu.memory_space<semaphore_mem>>)
          %dma_wait3A_80 = arith.constant 0 : i32
          %dma_wait3A_81 = arith.constant 0 : i32
          %dma_wait3A_82 = tpu.memref_slice %arg9[%rem3A_17, %dma_wait3A_80, %dma_wait3A_81] : memref<2x80x128xf32, #tpu.memory_space<vmem>> -> memref<1x80x128xf32, #tpu.memory_space<vmem>>
          %dma_wait3A_83 = tpu.memref_squeeze %dma_wait3A_82 : memref<1x80x128xf32, #tpu.memory_space<vmem>> -> memref<80x128xf32, #tpu.memory_space<vmem>>
          %dma_wait3A_84 = arith.constant 0 : i32
          %dma_wait3A_85 = tpu.memref_slice %arg5[%mul3A_66, %dma_wait3A_84] : memref<20000x128xf32, #tpu.memory_space<hbm>> -> memref<80x128xf32, #tpu.memory_space<hbm>>
          %dma_wait3A_86 = arith.constant 0 : i32
          %dma_wait3A_87 = tpu.memref_slice %arg5[%mul3A_66, %dma_wait3A_86] : memref<20000x128xf32, #tpu.memory_space<hbm>> -> memref<80x128xf32, #tpu.memory_space<hbm>>
          %dma_wait3A_88 = arith.constant 0 : i32
          %dma_wait3A_89 = arith.constant 0 : i32
          %dma_wait3A_90 = tpu.memref_slice %arg9[%rem3A_17, %dma_wait3A_88, %dma_wait3A_89] : memref<2x80x128xf32, #tpu.memory_space<vmem>> -> memref<1x80x128xf32, #tpu.memory_space<vmem>>
          %dma_wait3A_91 = tpu.memref_squeeze %dma_wait3A_90 : memref<1x80x128xf32, #tpu.memory_space<vmem>> -> memref<80x128xf32, #tpu.memory_space<vmem>>
          tpu.wait_dma2 semaphore(%run_scoped3A : memref<!tpu.dma_semaphore, #tpu.memory_space<semaphore_mem>>) src(%dma_wait3A_91 : memref<80x128xf32, #tpu.memory_space<vmem>>) dst(%dma_wait3A_87 : memref<80x128xf32, #tpu.memory_space<hbm>>)
          tpu.yield
        }) : () -> ()
        %mul3A_67 = arith.constant 80 : i32
        %mul3A_68 = arith.muli %add3A_16, %mul3A_67 : i32
        "tpu.region"() ({
          %run_scoped3A = tpu.sem_alloc : memref<!tpu.dma_semaphore, #tpu.memory_space<semaphore_mem>>
          %dma_start3A = arith.constant 0 : i32
          %dma_start3A_69 = arith.constant 0 : i32
          %dma_start3A_70 = tpu.memref_slice %arg10[%rem3A_17, %dma_start3A, %dma_start3A_69] : memref<2x80x128xf32, #tpu.memory_space<vmem>> -> memref<1x80x128xf32, #tpu.memory_space<vmem>>
          %dma_start3A_71 = tpu.memref_squeeze %dma_start3A_70 : memref<1x80x128xf32, #tpu.memory_space<vmem>> -> memref<80x128xf32, #tpu.memory_space<vmem>>
          %dma_start3A_72 = arith.constant 0 : i32
          %dma_start3A_73 = tpu.memref_slice %arg6[%mul3A_68, %dma_start3A_72] : memref<20000x128xf32, #tpu.memory_space<hbm>> -> memref<80x128xf32, #tpu.memory_space<hbm>>
          %dma_start3A_74 = arith.constant 0 : i32
          %dma_start3A_75 = tpu.memref_slice %arg6[%mul3A_68, %dma_start3A_74] : memref<20000x128xf32, #tpu.memory_space<hbm>> -> memref<80x128xf32, #tpu.memory_space<hbm>>
          %dma_start3A_76 = arith.constant 0 : i32
          %dma_start3A_77 = arith.constant 0 : i32
          %dma_start3A_78 = tpu.memref_slice %arg10[%rem3A_17, %dma_start3A_76, %dma_start3A_77] : memref<2x80x128xf32, #tpu.memory_space<vmem>> -> memref<1x80x128xf32, #tpu.memory_space<vmem>>
          %dma_start3A_79 = tpu.memref_squeeze %dma_start3A_78 : memref<1x80x128xf32, #tpu.memory_space<vmem>> -> memref<80x128xf32, #tpu.memory_space<vmem>>
          tpu.enqueue_dma source(%dma_start3A_79 : memref<80x128xf32, #tpu.memory_space<vmem>>) target(%dma_start3A_75 : memref<80x128xf32, #tpu.memory_space<hbm>>) target_semaphore(%run_scoped3A : memref<!tpu.dma_semaphore, #tpu.memory_space<semaphore_mem>>)
          %dma_wait3A_80 = arith.constant 0 : i32
          %dma_wait3A_81 = arith.constant 0 : i32
          %dma_wait3A_82 = tpu.memref_slice %arg10[%rem3A_17, %dma_wait3A_80, %dma_wait3A_81] : memref<2x80x128xf32, #tpu.memory_space<vmem>> -> memref<1x80x128xf32, #tpu.memory_space<vmem>>
          %dma_wait3A_83 = tpu.memref_squeeze %dma_wait3A_82 : memref<1x80x128xf32, #tpu.memory_space<vmem>> -> memref<80x128xf32, #tpu.memory_space<vmem>>
          %dma_wait3A_84 = arith.constant 0 : i32
          %dma_wait3A_85 = tpu.memref_slice %arg6[%mul3A_68, %dma_wait3A_84] : memref<20000x128xf32, #tpu.memory_space<hbm>> -> memref<80x128xf32, #tpu.memory_space<hbm>>
          %dma_wait3A_86 = arith.constant 0 : i32
          %dma_wait3A_87 = tpu.memref_slice %arg6[%mul3A_68, %dma_wait3A_86] : memref<20000x128xf32, #tpu.memory_space<hbm>> -> memref<80x128xf32, #tpu.memory_space<hbm>>
          %dma_wait3A_88 = arith.constant 0 : i32
          %dma_wait3A_89 = arith.constant 0 : i32
          %dma_wait3A_90 = tpu.memref_slice %arg10[%rem3A_17, %dma_wait3A_88, %dma_wait3A_89] : memref<2x80x128xf32, #tpu.memory_space<vmem>> -> memref<1x80x128xf32, #tpu.memory_space<vmem>>
          %dma_wait3A_91 = tpu.memref_squeeze %dma_wait3A_90 : memref<1x80x128xf32, #tpu.memory_space<vmem>> -> memref<80x128xf32, #tpu.memory_space<vmem>>
          tpu.wait_dma2 semaphore(%run_scoped3A : memref<!tpu.dma_semaphore, #tpu.memory_space<semaphore_mem>>) src(%dma_wait3A_91 : memref<80x128xf32, #tpu.memory_space<vmem>>) dst(%dma_wait3A_87 : memref<80x128xf32, #tpu.memory_space<hbm>>)
          tpu.yield
        }) : () -> ()
      } else {
      }
    }
    %scan3A_8 = arith.constant 8 : i32
    return
  }
}

#map = affine_map<(d0, d1) -> (0, 0)>
#map1 = affine_map<(d0, d1) -> (0, 0, 0)>
module attributes {stable_mosaic.version = 14 : i64} {
  func.func @_edge_body(%arg0: i32, %arg1: i32, %arg2: memref<10000x128xf32, #tpu.memory_space<hbm>>, %arg3: memref<32x80x125xi32, #tpu.memory_space<hbm>>, %arg4: memref<32x80x125xi32, #tpu.memory_space<hbm>>, %arg5: memref<10240x128xf32, #tpu.memory_space<hbm>>, %arg6: memref<2x10240x128xf32, #tpu.memory_space<hbm>>, %arg7: memref<2x8x125xi32, #tpu.memory_space<vmem>>, %arg8: memref<2x8x125xi32, #tpu.memory_space<vmem>>, %arg9: memref<2x125x128xf32, #tpu.memory_space<vmem>>, %arg10: memref<10240x128xf32, #tpu.memory_space<vmem_shared>>, %arg11: memref<2x!tpu.dma_semaphore, #tpu.memory_space<semaphore_mem>>, %arg12: memref<2x!tpu.dma_semaphore, #tpu.memory_space<semaphore_mem>>) attributes {dimension_semantics = [#tpu.dimension_semantics<core_parallel>, #tpu.dimension_semantics<subcore_parallel>], iteration_bounds = array<i64: 2, 16>, scalar_prefetch = 0 : i64, scratch_operands = 6 : i64, tpu.core_type = #tpu.core_type<sc_vector_subcore>, window_params = [{transform_indices = #map}, {transform_indices = #map1}, {transform_indices = #map1}, {transform_indices = #map}, {transform_indices = #map1}]} {
    %mul3A = arith.constant 2 : i32
    %mul3A_0 = arith.muli %arg1, %mul3A : i32
    %add3A = arith.addi %mul3A_0, %arg0 : i32
    %mul3A_1 = arith.constant 640 : i32
    %mul3A_2 = arith.muli %arg1, %mul3A_1 : i32
    %mul3A_3 = arith.constant 640 : i32
    %mul3A_4 = arith.muli %arg1, %mul3A_3 : i32
    "tpu.region"() ({
      %run_scoped3A = tpu.sem_alloc : memref<!tpu.dma_semaphore, #tpu.memory_space<semaphore_mem>>
      %dma_start3A_70 = arith.constant 0 : i32
      %dma_start3A_71 = tpu.memref_slice %arg10[%mul3A_4, %dma_start3A_70] : memref<10240x128xf32, #tpu.memory_space<vmem_shared>> -> memref<640x128xf32, #tpu.memory_space<vmem_shared>>
      %dma_start3A_72 = arith.constant 0 : i32
      %dma_start3A_73 = tpu.memref_slice %arg5[%mul3A_2, %dma_start3A_72] : memref<10240x128xf32, #tpu.memory_space<hbm>> -> memref<640x128xf32, #tpu.memory_space<hbm>>
      tpu.enqueue_dma source(%dma_start3A_73 : memref<640x128xf32, #tpu.memory_space<hbm>>) target(%dma_start3A_71 : memref<640x128xf32, #tpu.memory_space<vmem_shared>>) target_semaphore(%run_scoped3A : memref<!tpu.dma_semaphore, #tpu.memory_space<semaphore_mem>>)
      %dma_wait3A_74 = arith.constant 0 : i32
      %dma_wait3A_75 = tpu.memref_slice %arg10[%mul3A_4, %dma_wait3A_74] : memref<10240x128xf32, #tpu.memory_space<vmem_shared>> -> memref<640x128xf32, #tpu.memory_space<vmem_shared>>
      %dma_wait3A_76 = arith.constant 0 : i32
      %dma_wait3A_77 = tpu.memref_slice %arg5[%mul3A_2, %dma_wait3A_76] : memref<10240x128xf32, #tpu.memory_space<hbm>> -> memref<640x128xf32, #tpu.memory_space<hbm>>
      tpu.wait_dma2 semaphore(%run_scoped3A : memref<!tpu.dma_semaphore, #tpu.memory_space<semaphore_mem>>) src(%dma_wait3A_77 : memref<640x128xf32, #tpu.memory_space<hbm>>) dst(%dma_wait3A_75 : memref<640x128xf32, #tpu.memory_space<vmem_shared>>)
      tpu.yield
    }) : () -> ()
    %barrier3A = arith.constant 0 : index
    tpu.barrier barrier_id(%barrier3A)
    %rem3A = arith.constant 0 : i32
    %rem3A_5 = arith.constant 2 : i32
    %rem3A_6 = arith.remsi %rem3A, %rem3A_5 : i32
    "tpu.region"() ({
      %run_scoped3A = tpu.sem_alloc : memref<!tpu.dma_semaphore, #tpu.memory_space<semaphore_mem>>
      %dma_start3A_70 = arith.constant 0 : i32
      %dma_start3A_71 = arith.constant 0 : i32
      %dma_start3A_72 = tpu.memref_slice %arg7[%rem3A_6, %dma_start3A_70, %dma_start3A_71] : memref<2x8x125xi32, #tpu.memory_space<vmem>> -> memref<1x8x125xi32, #tpu.memory_space<vmem>>
      %dma_start3A_73 = tpu.memref_squeeze %dma_start3A_72 : memref<1x8x125xi32, #tpu.memory_space<vmem>> -> memref<8x125xi32, #tpu.memory_space<vmem>>
      %dma_start3A_74 = arith.constant 0 : i32
      %dma_start3A_75 = arith.constant 0 : i32
      %dma_start3A_76 = tpu.memref_slice %arg3[%add3A, %dma_start3A_74, %dma_start3A_75] : memref<32x80x125xi32, #tpu.memory_space<hbm>> -> memref<1x8x125xi32, #tpu.memory_space<hbm>>
      %dma_start3A_77 = tpu.memref_squeeze %dma_start3A_76 : memref<1x8x125xi32, #tpu.memory_space<hbm>> -> memref<8x125xi32, #tpu.memory_space<hbm>>
      %dma_start3A_78 = arith.constant 0 : i32
      %dma_start3A_79 = arith.constant 0 : i32
      %dma_start3A_80 = tpu.memref_slice %arg7[%rem3A_6, %dma_start3A_78, %dma_start3A_79] : memref<2x8x125xi32, #tpu.memory_space<vmem>> -> memref<1x8x125xi32, #tpu.memory_space<vmem>>
      %dma_start3A_81 = tpu.memref_squeeze %dma_start3A_80 : memref<1x8x125xi32, #tpu.memory_space<vmem>> -> memref<8x125xi32, #tpu.memory_space<vmem>>
      %dma_start3A_82 = arith.constant 0 : i32
      %dma_start3A_83 = arith.constant 0 : i32
      %dma_start3A_84 = tpu.memref_slice %arg3[%add3A, %dma_start3A_82, %dma_start3A_83] : memref<32x80x125xi32, #tpu.memory_space<hbm>> -> memref<1x8x125xi32, #tpu.memory_space<hbm>>
      %dma_start3A_85 = tpu.memref_squeeze %dma_start3A_84 : memref<1x8x125xi32, #tpu.memory_space<hbm>> -> memref<8x125xi32, #tpu.memory_space<hbm>>
      tpu.enqueue_dma source(%dma_start3A_85 : memref<8x125xi32, #tpu.memory_space<hbm>>) target(%dma_start3A_81 : memref<8x125xi32, #tpu.memory_space<vmem>>) target_semaphore(%run_scoped3A : memref<!tpu.dma_semaphore, #tpu.memory_space<semaphore_mem>>)
      %dma_wait3A_86 = arith.constant 0 : i32
      %dma_wait3A_87 = arith.constant 0 : i32
      %dma_wait3A_88 = tpu.memref_slice %arg7[%rem3A_6, %dma_wait3A_86, %dma_wait3A_87] : memref<2x8x125xi32, #tpu.memory_space<vmem>> -> memref<1x8x125xi32, #tpu.memory_space<vmem>>
      %dma_wait3A_89 = tpu.memref_squeeze %dma_wait3A_88 : memref<1x8x125xi32, #tpu.memory_space<vmem>> -> memref<8x125xi32, #tpu.memory_space<vmem>>
      %dma_wait3A_90 = arith.constant 0 : i32
      %dma_wait3A_91 = arith.constant 0 : i32
      %dma_wait3A_92 = tpu.memref_slice %arg3[%add3A, %dma_wait3A_90, %dma_wait3A_91] : memref<32x80x125xi32, #tpu.memory_space<hbm>> -> memref<1x8x125xi32, #tpu.memory_space<hbm>>
      %dma_wait3A_93 = tpu.memref_squeeze %dma_wait3A_92 : memref<1x8x125xi32, #tpu.memory_space<hbm>> -> memref<8x125xi32, #tpu.memory_space<hbm>>
      %dma_wait3A_94 = arith.constant 0 : i32
      %dma_wait3A_95 = arith.constant 0 : i32
      %dma_wait3A_96 = tpu.memref_slice %arg7[%rem3A_6, %dma_wait3A_94, %dma_wait3A_95] : memref<2x8x125xi32, #tpu.memory_space<vmem>> -> memref<1x8x125xi32, #tpu.memory_space<vmem>>
      %dma_wait3A_97 = tpu.memref_squeeze %dma_wait3A_96 : memref<1x8x125xi32, #tpu.memory_space<vmem>> -> memref<8x125xi32, #tpu.memory_space<vmem>>
      %dma_wait3A_98 = arith.constant 0 : i32
      %dma_wait3A_99 = arith.constant 0 : i32
      %dma_wait3A_100 = tpu.memref_slice %arg3[%add3A, %dma_wait3A_98, %dma_wait3A_99] : memref<32x80x125xi32, #tpu.memory_space<hbm>> -> memref<1x8x125xi32, #tpu.memory_space<hbm>>
      %dma_wait3A_101 = tpu.memref_squeeze %dma_wait3A_100 : memref<1x8x125xi32, #tpu.memory_space<hbm>> -> memref<8x125xi32, #tpu.memory_space<hbm>>
      tpu.wait_dma2 semaphore(%run_scoped3A : memref<!tpu.dma_semaphore, #tpu.memory_space<semaphore_mem>>) src(%dma_wait3A_101 : memref<8x125xi32, #tpu.memory_space<hbm>>) dst(%dma_wait3A_97 : memref<8x125xi32, #tpu.memory_space<vmem>>)
      tpu.yield
    }) : () -> ()
    "tpu.region"() ({
      %run_scoped3A = tpu.sem_alloc : memref<!tpu.dma_semaphore, #tpu.memory_space<semaphore_mem>>
      %dma_start3A_70 = arith.constant 0 : i32
      %dma_start3A_71 = arith.constant 0 : i32
      %dma_start3A_72 = tpu.memref_slice %arg8[%rem3A_6, %dma_start3A_70, %dma_start3A_71] : memref<2x8x125xi32, #tpu.memory_space<vmem>> -> memref<1x8x125xi32, #tpu.memory_space<vmem>>
      %dma_start3A_73 = tpu.memref_squeeze %dma_start3A_72 : memref<1x8x125xi32, #tpu.memory_space<vmem>> -> memref<8x125xi32, #tpu.memory_space<vmem>>
      %dma_start3A_74 = arith.constant 0 : i32
      %dma_start3A_75 = arith.constant 0 : i32
      %dma_start3A_76 = tpu.memref_slice %arg4[%add3A, %dma_start3A_74, %dma_start3A_75] : memref<32x80x125xi32, #tpu.memory_space<hbm>> -> memref<1x8x125xi32, #tpu.memory_space<hbm>>
      %dma_start3A_77 = tpu.memref_squeeze %dma_start3A_76 : memref<1x8x125xi32, #tpu.memory_space<hbm>> -> memref<8x125xi32, #tpu.memory_space<hbm>>
      %dma_start3A_78 = arith.constant 0 : i32
      %dma_start3A_79 = arith.constant 0 : i32
      %dma_start3A_80 = tpu.memref_slice %arg8[%rem3A_6, %dma_start3A_78, %dma_start3A_79] : memref<2x8x125xi32, #tpu.memory_space<vmem>> -> memref<1x8x125xi32, #tpu.memory_space<vmem>>
      %dma_start3A_81 = tpu.memref_squeeze %dma_start3A_80 : memref<1x8x125xi32, #tpu.memory_space<vmem>> -> memref<8x125xi32, #tpu.memory_space<vmem>>
      %dma_start3A_82 = arith.constant 0 : i32
      %dma_start3A_83 = arith.constant 0 : i32
      %dma_start3A_84 = tpu.memref_slice %arg4[%add3A, %dma_start3A_82, %dma_start3A_83] : memref<32x80x125xi32, #tpu.memory_space<hbm>> -> memref<1x8x125xi32, #tpu.memory_space<hbm>>
      %dma_start3A_85 = tpu.memref_squeeze %dma_start3A_84 : memref<1x8x125xi32, #tpu.memory_space<hbm>> -> memref<8x125xi32, #tpu.memory_space<hbm>>
      tpu.enqueue_dma source(%dma_start3A_85 : memref<8x125xi32, #tpu.memory_space<hbm>>) target(%dma_start3A_81 : memref<8x125xi32, #tpu.memory_space<vmem>>) target_semaphore(%run_scoped3A : memref<!tpu.dma_semaphore, #tpu.memory_space<semaphore_mem>>)
      %dma_wait3A_86 = arith.constant 0 : i32
      %dma_wait3A_87 = arith.constant 0 : i32
      %dma_wait3A_88 = tpu.memref_slice %arg8[%rem3A_6, %dma_wait3A_86, %dma_wait3A_87] : memref<2x8x125xi32, #tpu.memory_space<vmem>> -> memref<1x8x125xi32, #tpu.memory_space<vmem>>
      %dma_wait3A_89 = tpu.memref_squeeze %dma_wait3A_88 : memref<1x8x125xi32, #tpu.memory_space<vmem>> -> memref<8x125xi32, #tpu.memory_space<vmem>>
      %dma_wait3A_90 = arith.constant 0 : i32
      %dma_wait3A_91 = arith.constant 0 : i32
      %dma_wait3A_92 = tpu.memref_slice %arg4[%add3A, %dma_wait3A_90, %dma_wait3A_91] : memref<32x80x125xi32, #tpu.memory_space<hbm>> -> memref<1x8x125xi32, #tpu.memory_space<hbm>>
      %dma_wait3A_93 = tpu.memref_squeeze %dma_wait3A_92 : memref<1x8x125xi32, #tpu.memory_space<hbm>> -> memref<8x125xi32, #tpu.memory_space<hbm>>
      %dma_wait3A_94 = arith.constant 0 : i32
      %dma_wait3A_95 = arith.constant 0 : i32
      %dma_wait3A_96 = tpu.memref_slice %arg8[%rem3A_6, %dma_wait3A_94, %dma_wait3A_95] : memref<2x8x125xi32, #tpu.memory_space<vmem>> -> memref<1x8x125xi32, #tpu.memory_space<vmem>>
      %dma_wait3A_97 = tpu.memref_squeeze %dma_wait3A_96 : memref<1x8x125xi32, #tpu.memory_space<vmem>> -> memref<8x125xi32, #tpu.memory_space<vmem>>
      %dma_wait3A_98 = arith.constant 0 : i32
      %dma_wait3A_99 = arith.constant 0 : i32
      %dma_wait3A_100 = tpu.memref_slice %arg4[%add3A, %dma_wait3A_98, %dma_wait3A_99] : memref<32x80x125xi32, #tpu.memory_space<hbm>> -> memref<1x8x125xi32, #tpu.memory_space<hbm>>
      %dma_wait3A_101 = tpu.memref_squeeze %dma_wait3A_100 : memref<1x8x125xi32, #tpu.memory_space<hbm>> -> memref<8x125xi32, #tpu.memory_space<hbm>>
      tpu.wait_dma2 semaphore(%run_scoped3A : memref<!tpu.dma_semaphore, #tpu.memory_space<semaphore_mem>>) src(%dma_wait3A_101 : memref<8x125xi32, #tpu.memory_space<hbm>>) dst(%dma_wait3A_97 : memref<8x125xi32, #tpu.memory_space<vmem>>)
      tpu.yield
    }) : () -> ()
    %rem3A_7 = arith.constant 0 : i32
    %rem3A_8 = arith.constant 2 : i32
    %rem3A_9 = arith.remsi %rem3A_7, %rem3A_8 : i32
    %rem3A_10 = arith.constant 0 : i32
    %rem3A_11 = arith.constant 8 : i32
    %rem3A_12 = arith.remsi %rem3A_10, %rem3A_11 : i32
    %dma_start3A = arith.constant 0 : i32
    %dma_start3A_13 = arith.constant 0 : i32
    %dma_start3A_14 = arith.constant 0 : i32
    %dma_start3A_15 = arith.constant 0 : i32
    %dma_start3A_16 = tpu.memref_slice %arg9[%dma_start3A, %dma_start3A_14, %dma_start3A_15] : memref<2x125x128xf32, #tpu.memory_space<vmem>> -> memref<1x125x128xf32, #tpu.memory_space<vmem>>
    %dma_start3A_17 = tpu.memref_squeeze %dma_start3A_16 : memref<1x125x128xf32, #tpu.memory_space<vmem>> -> memref<125x128xf32, #tpu.memory_space<vmem>>
    %dma_start3A_18 = arith.constant 0 : i32
    %dma_start3A_19 = tpu.memref_slice %arg7[%rem3A_9, %rem3A_12, %dma_start3A_18] : memref<2x8x125xi32, #tpu.memory_space<vmem>> -> memref<1x1x125xi32, #tpu.memory_space<vmem>>
    %dma_start3A_20 = tpu.memref_squeeze %dma_start3A_19 : memref<1x1x125xi32, #tpu.memory_space<vmem>> -> memref<125xi32, #tpu.memory_space<vmem>>
    %dma_start3A_21 = arith.constant 0 : i32
    %dma_start3A_22 = arith.constant 0 : i32
    %dma_start3A_23 = tpu.memref_slice %arg2[%dma_start3A_21, %dma_start3A_22] : memref<10000x128xf32, #tpu.memory_space<hbm>> -> memref<10000x128xf32, #tpu.memory_space<hbm>>
    %dma_start3A_24 = tpu.memref_slice %arg11[%dma_start3A_13] : memref<2x!tpu.dma_semaphore, #tpu.memory_space<semaphore_mem>> -> memref<1x!tpu.dma_semaphore, #tpu.memory_space<semaphore_mem>>
    %dma_start3A_25 = tpu.memref_squeeze %dma_start3A_24 : memref<1x!tpu.dma_semaphore, #tpu.memory_space<semaphore_mem>> -> memref<!tpu.dma_semaphore, #tpu.memory_space<semaphore_mem>>
    tpu.enqueue_indirect_dma source(%dma_start3A_23 : memref<10000x128xf32, #tpu.memory_space<hbm>>) target(%dma_start3A_17 : memref<125x128xf32, #tpu.memory_space<vmem>>) offsets(%dma_start3A_20 : memref<125xi32, #tpu.memory_space<vmem>>) semaphore(%dma_start3A_25 : memref<!tpu.dma_semaphore, #tpu.memory_space<semaphore_mem>>)
    %scan3A = arith.constant 0 : i32
    %scan3A_26 = arith.constant 40 : i32
    %scan3A_27 = arith.addi %scan3A, %scan3A_26 : i32
    %scan3A_28 = arith.constant 1 : i32
    scf.for %scan3A_70 = %scan3A to %scan3A_27 step %scan3A_28  : i32 {
      %mul3A_71 = arith.constant 1 : i32
      %mul3A_72 = arith.muli %scan3A_70, %mul3A_71 : i32
      %add3A_73 = arith.constant 0 : i32
      %add3A_74 = arith.addi %add3A_73, %mul3A_72 : i32
      %mul3A_75 = arith.constant 2 : i32
      %mul3A_76 = arith.muli %add3A_74, %mul3A_75 : i32
      %add3A_77 = arith.constant 0 : i32
      %add3A_78 = arith.addi %mul3A_76, %add3A_77 : i32
      %jit3A = arith.constant 8 : i32
      %div3A = arith.divsi %add3A_78, %jit3A : i32
      %sign3A = arith.constant 0 : i32
      %sign3A_79 = arith.cmpi sgt, %add3A_78, %sign3A : i32
      %sign3A_80 = arith.extui %sign3A_79 : i1 to i32
      %sign3A_81 = arith.constant 0 : i32
      %sign3A_82 = arith.cmpi slt, %add3A_78, %sign3A_81 : i32
      %sign3A_83 = arith.extui %sign3A_82 : i1 to i32
      %sign3A_84 = arith.subi %sign3A_80, %sign3A_83 : i32
      %sign3A_85 = arith.constant 0 : i32
      %sign3A_86 = arith.cmpi sgt, %jit3A, %sign3A_85 : i32
      %sign3A_87 = arith.extui %sign3A_86 : i1 to i32
      %sign3A_88 = arith.constant 0 : i32
      %sign3A_89 = arith.cmpi slt, %jit3A, %sign3A_88 : i32
      %sign3A_90 = arith.extui %sign3A_89 : i1 to i32
      %sign3A_91 = arith.subi %sign3A_87, %sign3A_90 : i32
      %ne3A = arith.cmpi ne, %sign3A_84, %sign3A_91 : i32
      %rem3A_92 = arith.remsi %add3A_78, %jit3A : i32
      %ne3A_93 = arith.constant 0 : i32
      %ne3A_94 = arith.cmpi ne, %rem3A_92, %ne3A_93 : i32
      %and3A = arith.andi %ne3A, %ne3A_94 : i1
      %sub3A = arith.constant 1 : i32
      %sub3A_95 = arith.subi %div3A, %sub3A : i32
      %select_n3A = arith.select %and3A, %sub3A_95, %div3A : i32
      %rem3A_96 = arith.constant 2 : i32
      %rem3A_97 = arith.remsi %select_n3A, %rem3A_96 : i32
      %rem3A_98 = arith.constant 8 : i32
      %rem3A_99 = arith.remsi %add3A_78, %rem3A_98 : i32
      %dma_wait3A_100 = arith.constant 0 : i32
      %dma_wait3A_101 = arith.constant 0 : i32
      %dma_wait3A_102 = arith.constant 0 : i32
      %dma_wait3A_103 = arith.constant 0 : i32
      %dma_wait3A_104 = tpu.memref_slice %arg9[%dma_wait3A_100, %dma_wait3A_102, %dma_wait3A_103] : memref<2x125x128xf32, #tpu.memory_space<vmem>> -> memref<1x125x128xf32, #tpu.memory_space<vmem>>
      %dma_wait3A_105 = tpu.memref_squeeze %dma_wait3A_104 : memref<1x125x128xf32, #tpu.memory_space<vmem>> -> memref<125x128xf32, #tpu.memory_space<vmem>>
      %dma_wait3A_106 = arith.constant 0 : i32
      %dma_wait3A_107 = tpu.memref_slice %arg7[%rem3A_97, %rem3A_99, %dma_wait3A_106] : memref<2x8x125xi32, #tpu.memory_space<vmem>> -> memref<1x1x125xi32, #tpu.memory_space<vmem>>
      %dma_wait3A_108 = tpu.memref_squeeze %dma_wait3A_107 : memref<1x1x125xi32, #tpu.memory_space<vmem>> -> memref<125xi32, #tpu.memory_space<vmem>>
      %dma_wait3A_109 = arith.constant 0 : i32
      %dma_wait3A_110 = arith.constant 0 : i32
      %dma_wait3A_111 = tpu.memref_slice %arg2[%dma_wait3A_109, %dma_wait3A_110] : memref<10000x128xf32, #tpu.memory_space<hbm>> -> memref<10000x128xf32, #tpu.memory_space<hbm>>
      %dma_wait3A_112 = tpu.memref_slice %arg11[%dma_wait3A_101] : memref<2x!tpu.dma_semaphore, #tpu.memory_space<semaphore_mem>> -> memref<1x!tpu.dma_semaphore, #tpu.memory_space<semaphore_mem>>
      %dma_wait3A_113 = tpu.memref_squeeze %dma_wait3A_112 : memref<1x!tpu.dma_semaphore, #tpu.memory_space<semaphore_mem>> -> memref<!tpu.dma_semaphore, #tpu.memory_space<semaphore_mem>>
      tpu.wait_indirect_dma semaphore(%dma_wait3A_113 : memref<!tpu.dma_semaphore, #tpu.memory_space<semaphore_mem>>) src(%dma_wait3A_111 : memref<10000x128xf32, #tpu.memory_space<hbm>>) dst(%dma_wait3A_105 : memref<125x128xf32, #tpu.memory_space<vmem>>)
      %jit3A_114 = arith.constant 8 : i32
      %div3A_115 = arith.divsi %add3A_78, %jit3A_114 : i32
      %sign3A_116 = arith.constant 0 : i32
      %sign3A_117 = arith.cmpi sgt, %add3A_78, %sign3A_116 : i32
      %sign3A_118 = arith.extui %sign3A_117 : i1 to i32
      %sign3A_119 = arith.constant 0 : i32
      %sign3A_120 = arith.cmpi slt, %add3A_78, %sign3A_119 : i32
      %sign3A_121 = arith.extui %sign3A_120 : i1 to i32
      %sign3A_122 = arith.subi %sign3A_118, %sign3A_121 : i32
      %sign3A_123 = arith.constant 0 : i32
      %sign3A_124 = arith.cmpi sgt, %jit3A_114, %sign3A_123 : i32
      %sign3A_125 = arith.extui %sign3A_124 : i1 to i32
      %sign3A_126 = arith.constant 0 : i32
      %sign3A_127 = arith.cmpi slt, %jit3A_114, %sign3A_126 : i32
      %sign3A_128 = arith.extui %sign3A_127 : i1 to i32
      %sign3A_129 = arith.subi %sign3A_125, %sign3A_128 : i32
      %ne3A_130 = arith.cmpi ne, %sign3A_122, %sign3A_129 : i32
      %rem3A_131 = arith.remsi %add3A_78, %jit3A_114 : i32
      %ne3A_132 = arith.constant 0 : i32
      %ne3A_133 = arith.cmpi ne, %rem3A_131, %ne3A_132 : i32
      %and3A_134 = arith.andi %ne3A_130, %ne3A_133 : i1
      %sub3A_135 = arith.constant 1 : i32
      %sub3A_136 = arith.subi %div3A_115, %sub3A_135 : i32
      %select_n3A_137 = arith.select %and3A_134, %sub3A_136, %div3A_115 : i32
      %rem3A_138 = arith.constant 2 : i32
      %rem3A_139 = arith.remsi %select_n3A_137, %rem3A_138 : i32
      %rem3A_140 = arith.constant 8 : i32
      %rem3A_141 = arith.remsi %add3A_78, %rem3A_140 : i32
      %dma_start3A_142 = arith.constant 0 : i32
      %dma_start3A_143 = arith.constant 0 : i32
      %dma_start3A_144 = arith.constant 0 : i32
      %dma_start3A_145 = arith.constant 0 : i32
      %dma_start3A_146 = tpu.memref_slice %arg9[%dma_start3A_142, %dma_start3A_144, %dma_start3A_145] : memref<2x125x128xf32, #tpu.memory_space<vmem>> -> memref<1x125x128xf32, #tpu.memory_space<vmem>>
      %dma_start3A_147 = tpu.memref_squeeze %dma_start3A_146 : memref<1x125x128xf32, #tpu.memory_space<vmem>> -> memref<125x128xf32, #tpu.memory_space<vmem>>
      %dma_start3A_148 = arith.constant 0 : i32
      %dma_start3A_149 = tpu.memref_slice %arg8[%rem3A_139, %rem3A_141, %dma_start3A_148] : memref<2x8x125xi32, #tpu.memory_space<vmem>> -> memref<1x1x125xi32, #tpu.memory_space<vmem>>
      %dma_start3A_150 = tpu.memref_squeeze %dma_start3A_149 : memref<1x1x125xi32, #tpu.memory_space<vmem>> -> memref<125xi32, #tpu.memory_space<vmem>>
      %dma_start3A_151 = arith.constant 0 : i32
      %dma_start3A_152 = arith.constant 0 : i32
      %dma_start3A_153 = tpu.memref_slice %arg10[%dma_start3A_151, %dma_start3A_152] : memref<10240x128xf32, #tpu.memory_space<vmem_shared>> -> memref<10240x128xf32, #tpu.memory_space<vmem_shared>>
      %dma_start3A_154 = tpu.memref_slice %arg12[%dma_start3A_143] : memref<2x!tpu.dma_semaphore, #tpu.memory_space<semaphore_mem>> -> memref<1x!tpu.dma_semaphore, #tpu.memory_space<semaphore_mem>>
      %dma_start3A_155 = tpu.memref_squeeze %dma_start3A_154 : memref<1x!tpu.dma_semaphore, #tpu.memory_space<semaphore_mem>> -> memref<!tpu.dma_semaphore, #tpu.memory_space<semaphore_mem>>
      tpu.enqueue_indirect_dma source(%dma_start3A_147 : memref<125x128xf32, #tpu.memory_space<vmem>>) target(%dma_start3A_153 : memref<10240x128xf32, #tpu.memory_space<vmem_shared>>) offsets(%dma_start3A_150 : memref<125xi32, #tpu.memory_space<vmem>>) semaphore(%dma_start3A_155 : memref<!tpu.dma_semaphore, #tpu.memory_space<semaphore_mem>>) {add = true}
      %add3A_156 = arith.constant 1 : i32
      %add3A_157 = arith.addi %add3A_78, %add3A_156 : i32
      %lt3A = arith.constant 80 : i32
      %lt3A_158 = arith.cmpi slt, %add3A_157, %lt3A : i32
      %convert_element_type3A = arith.extui %lt3A_158 : i1 to i32
      %cond3A = arith.constant 0 : i32
      %cond3A_159 = arith.cmpi ne, %convert_element_type3A, %cond3A : i32
      scf.if %cond3A_159 {
        %rem3A_255 = arith.constant 8 : i32
        %rem3A_256 = arith.remsi %add3A_157, %rem3A_255 : i32
        %eq3A = arith.constant 0 : i32
        %eq3A_257 = arith.cmpi eq, %rem3A_256, %eq3A : i32
        %convert_element_type3A_258 = arith.extui %eq3A_257 : i1 to i32
        %cond3A_259 = arith.constant 0 : i32
        %cond3A_260 = arith.cmpi ne, %convert_element_type3A_258, %cond3A_259 : i32
        scf.if %cond3A_260 {
          %jit3A_307 = arith.constant 8 : i32
          %div3A_308 = arith.divsi %add3A_157, %jit3A_307 : i32
          %sign3A_309 = arith.constant 0 : i32
          %sign3A_310 = arith.cmpi sgt, %add3A_157, %sign3A_309 : i32
          %sign3A_311 = arith.extui %sign3A_310 : i1 to i32
          %sign3A_312 = arith.constant 0 : i32
          %sign3A_313 = arith.cmpi slt, %add3A_157, %sign3A_312 : i32
          %sign3A_314 = arith.extui %sign3A_313 : i1 to i32
          %sign3A_315 = arith.subi %sign3A_311, %sign3A_314 : i32
          %sign3A_316 = arith.constant 0 : i32
          %sign3A_317 = arith.cmpi sgt, %jit3A_307, %sign3A_316 : i32
          %sign3A_318 = arith.extui %sign3A_317 : i1 to i32
          %sign3A_319 = arith.constant 0 : i32
          %sign3A_320 = arith.cmpi slt, %jit3A_307, %sign3A_319 : i32
          %sign3A_321 = arith.extui %sign3A_320 : i1 to i32
          %sign3A_322 = arith.subi %sign3A_318, %sign3A_321 : i32
          %ne3A_323 = arith.cmpi ne, %sign3A_315, %sign3A_322 : i32
          %rem3A_324 = arith.remsi %add3A_157, %jit3A_307 : i32
          %ne3A_325 = arith.constant 0 : i32
          %ne3A_326 = arith.cmpi ne, %rem3A_324, %ne3A_325 : i32
          %and3A_327 = arith.andi %ne3A_323, %ne3A_326 : i1
          %sub3A_328 = arith.constant 1 : i32
          %sub3A_329 = arith.subi %div3A_308, %sub3A_328 : i32
          %select_n3A_330 = arith.select %and3A_327, %sub3A_329, %div3A_308 : i32
          %rem3A_331 = arith.constant 2 : i32
          %rem3A_332 = arith.remsi %select_n3A_330, %rem3A_331 : i32
          %mul3A_333 = arith.constant 8 : i32
          %mul3A_334 = arith.muli %select_n3A_330, %mul3A_333 : i32
          "tpu.region"() ({
            %run_scoped3A = tpu.sem_alloc : memref<!tpu.dma_semaphore, #tpu.memory_space<semaphore_mem>>
            %dma_start3A_337 = arith.constant 0 : i32
            %dma_start3A_338 = arith.constant 0 : i32
            %dma_start3A_339 = tpu.memref_slice %arg7[%rem3A_332, %dma_start3A_337, %dma_start3A_338] : memref<2x8x125xi32, #tpu.memory_space<vmem>> -> memref<1x8x125xi32, #tpu.memory_space<vmem>>
            %dma_start3A_340 = tpu.memref_squeeze %dma_start3A_339 : memref<1x8x125xi32, #tpu.memory_space<vmem>> -> memref<8x125xi32, #tpu.memory_space<vmem>>
            %dma_start3A_341 = arith.constant 0 : i32
            %dma_start3A_342 = tpu.memref_slice %arg3[%add3A, %mul3A_334, %dma_start3A_341] : memref<32x80x125xi32, #tpu.memory_space<hbm>> -> memref<1x8x125xi32, #tpu.memory_space<hbm>>
            %dma_start3A_343 = tpu.memref_squeeze %dma_start3A_342 : memref<1x8x125xi32, #tpu.memory_space<hbm>> -> memref<8x125xi32, #tpu.memory_space<hbm>>
            %dma_start3A_344 = arith.constant 0 : i32
            %dma_start3A_345 = arith.constant 0 : i32
            %dma_start3A_346 = tpu.memref_slice %arg7[%rem3A_332, %dma_start3A_344, %dma_start3A_345] : memref<2x8x125xi32, #tpu.memory_space<vmem>> -> memref<1x8x125xi32, #tpu.memory_space<vmem>>
            %dma_start3A_347 = tpu.memref_squeeze %dma_start3A_346 : memref<1x8x125xi32, #tpu.memory_space<vmem>> -> memref<8x125xi32, #tpu.memory_space<vmem>>
            %dma_start3A_348 = arith.constant 0 : i32
            %dma_start3A_349 = tpu.memref_slice %arg3[%add3A, %mul3A_334, %dma_start3A_348] : memref<32x80x125xi32, #tpu.memory_space<hbm>> -> memref<1x8x125xi32, #tpu.memory_space<hbm>>
            %dma_start3A_350 = tpu.memref_squeeze %dma_start3A_349 : memref<1x8x125xi32, #tpu.memory_space<hbm>> -> memref<8x125xi32, #tpu.memory_space<hbm>>
            tpu.enqueue_dma source(%dma_start3A_350 : memref<8x125xi32, #tpu.memory_space<hbm>>) target(%dma_start3A_347 : memref<8x125xi32, #tpu.memory_space<vmem>>) target_semaphore(%run_scoped3A : memref<!tpu.dma_semaphore, #tpu.memory_space<semaphore_mem>>)
            %dma_wait3A_351 = arith.constant 0 : i32
            %dma_wait3A_352 = arith.constant 0 : i32
            %dma_wait3A_353 = tpu.memref_slice %arg7[%rem3A_332, %dma_wait3A_351, %dma_wait3A_352] : memref<2x8x125xi32, #tpu.memory_space<vmem>> -> memref<1x8x125xi32, #tpu.memory_space<vmem>>
            %dma_wait3A_354 = tpu.memref_squeeze %dma_wait3A_353 : memref<1x8x125xi32, #tpu.memory_space<vmem>> -> memref<8x125xi32, #tpu.memory_space<vmem>>
            %dma_wait3A_355 = arith.constant 0 : i32
            %dma_wait3A_356 = tpu.memref_slice %arg3[%add3A, %mul3A_334, %dma_wait3A_355] : memref<32x80x125xi32, #tpu.memory_space<hbm>> -> memref<1x8x125xi32, #tpu.memory_space<hbm>>
            %dma_wait3A_357 = tpu.memref_squeeze %dma_wait3A_356 : memref<1x8x125xi32, #tpu.memory_space<hbm>> -> memref<8x125xi32, #tpu.memory_space<hbm>>
            %dma_wait3A_358 = arith.constant 0 : i32
            %dma_wait3A_359 = arith.constant 0 : i32
            %dma_wait3A_360 = tpu.memref_slice %arg7[%rem3A_332, %dma_wait3A_358, %dma_wait3A_359] : memref<2x8x125xi32, #tpu.memory_space<vmem>> -> memref<1x8x125xi32, #tpu.memory_space<vmem>>
            %dma_wait3A_361 = tpu.memref_squeeze %dma_wait3A_360 : memref<1x8x125xi32, #tpu.memory_space<vmem>> -> memref<8x125xi32, #tpu.memory_space<vmem>>
            %dma_wait3A_362 = arith.constant 0 : i32
            %dma_wait3A_363 = tpu.memref_slice %arg3[%add3A, %mul3A_334, %dma_wait3A_362] : memref<32x80x125xi32, #tpu.memory_space<hbm>> -> memref<1x8x125xi32, #tpu.memory_space<hbm>>
            %dma_wait3A_364 = tpu.memref_squeeze %dma_wait3A_363 : memref<1x8x125xi32, #tpu.memory_space<hbm>> -> memref<8x125xi32, #tpu.memory_space<hbm>>
            tpu.wait_dma2 semaphore(%run_scoped3A : memref<!tpu.dma_semaphore, #tpu.memory_space<semaphore_mem>>) src(%dma_wait3A_364 : memref<8x125xi32, #tpu.memory_space<hbm>>) dst(%dma_wait3A_361 : memref<8x125xi32, #tpu.memory_space<vmem>>)
            tpu.yield
          }) : () -> ()
          %mul3A_335 = arith.constant 8 : i32
          %mul3A_336 = arith.muli %select_n3A_330, %mul3A_335 : i32
          "tpu.region"() ({
            %run_scoped3A = tpu.sem_alloc : memref<!tpu.dma_semaphore, #tpu.memory_space<semaphore_mem>>
            %dma_start3A_337 = arith.constant 0 : i32
            %dma_start3A_338 = arith.constant 0 : i32
            %dma_start3A_339 = tpu.memref_slice %arg8[%rem3A_332, %dma_start3A_337, %dma_start3A_338] : memref<2x8x125xi32, #tpu.memory_space<vmem>> -> memref<1x8x125xi32, #tpu.memory_space<vmem>>
            %dma_start3A_340 = tpu.memref_squeeze %dma_start3A_339 : memref<1x8x125xi32, #tpu.memory_space<vmem>> -> memref<8x125xi32, #tpu.memory_space<vmem>>
            %dma_start3A_341 = arith.constant 0 : i32
            %dma_start3A_342 = tpu.memref_slice %arg4[%add3A, %mul3A_336, %dma_start3A_341] : memref<32x80x125xi32, #tpu.memory_space<hbm>> -> memref<1x8x125xi32, #tpu.memory_space<hbm>>
            %dma_start3A_343 = tpu.memref_squeeze %dma_start3A_342 : memref<1x8x125xi32, #tpu.memory_space<hbm>> -> memref<8x125xi32, #tpu.memory_space<hbm>>
            %dma_start3A_344 = arith.constant 0 : i32
            %dma_start3A_345 = arith.constant 0 : i32
            %dma_start3A_346 = tpu.memref_slice %arg8[%rem3A_332, %dma_start3A_344, %dma_start3A_345] : memref<2x8x125xi32, #tpu.memory_space<vmem>> -> memref<1x8x125xi32, #tpu.memory_space<vmem>>
            %dma_start3A_347 = tpu.memref_squeeze %dma_start3A_346 : memref<1x8x125xi32, #tpu.memory_space<vmem>> -> memref<8x125xi32, #tpu.memory_space<vmem>>
            %dma_start3A_348 = arith.constant 0 : i32
            %dma_start3A_349 = tpu.memref_slice %arg4[%add3A, %mul3A_336, %dma_start3A_348] : memref<32x80x125xi32, #tpu.memory_space<hbm>> -> memref<1x8x125xi32, #tpu.memory_space<hbm>>
            %dma_start3A_350 = tpu.memref_squeeze %dma_start3A_349 : memref<1x8x125xi32, #tpu.memory_space<hbm>> -> memref<8x125xi32, #tpu.memory_space<hbm>>
            tpu.enqueue_dma source(%dma_start3A_350 : memref<8x125xi32, #tpu.memory_space<hbm>>) target(%dma_start3A_347 : memref<8x125xi32, #tpu.memory_space<vmem>>) target_semaphore(%run_scoped3A : memref<!tpu.dma_semaphore, #tpu.memory_space<semaphore_mem>>)
            %dma_wait3A_351 = arith.constant 0 : i32
            %dma_wait3A_352 = arith.constant 0 : i32
            %dma_wait3A_353 = tpu.memref_slice %arg8[%rem3A_332, %dma_wait3A_351, %dma_wait3A_352] : memref<2x8x125xi32, #tpu.memory_space<vmem>> -> memref<1x8x125xi32, #tpu.memory_space<vmem>>
            %dma_wait3A_354 = tpu.memref_squeeze %dma_wait3A_353 : memref<1x8x125xi32, #tpu.memory_space<vmem>> -> memref<8x125xi32, #tpu.memory_space<vmem>>
            %dma_wait3A_355 = arith.constant 0 : i32
            %dma_wait3A_356 = tpu.memref_slice %arg4[%add3A, %mul3A_336, %dma_wait3A_355] : memref<32x80x125xi32, #tpu.memory_space<hbm>> -> memref<1x8x125xi32, #tpu.memory_space<hbm>>
            %dma_wait3A_357 = tpu.memref_squeeze %dma_wait3A_356 : memref<1x8x125xi32, #tpu.memory_space<hbm>> -> memref<8x125xi32, #tpu.memory_space<hbm>>
            %dma_wait3A_358 = arith.constant 0 : i32
            %dma_wait3A_359 = arith.constant 0 : i32
            %dma_wait3A_360 = tpu.memref_slice %arg8[%rem3A_332, %dma_wait3A_358, %dma_wait3A_359] : memref<2x8x125xi32, #tpu.memory_space<vmem>> -> memref<1x8x125xi32, #tpu.memory_space<vmem>>
            %dma_wait3A_361 = tpu.memref_squeeze %dma_wait3A_360 : memref<1x8x125xi32, #tpu.memory_space<vmem>> -> memref<8x125xi32, #tpu.memory_space<vmem>>
            %dma_wait3A_362 = arith.constant 0 : i32
            %dma_wait3A_363 = tpu.memref_slice %arg4[%add3A, %mul3A_336, %dma_wait3A_362] : memref<32x80x125xi32, #tpu.memory_space<hbm>> -> memref<1x8x125xi32, #tpu.memory_space<hbm>>
            %dma_wait3A_364 = tpu.memref_squeeze %dma_wait3A_363 : memref<1x8x125xi32, #tpu.memory_space<hbm>> -> memref<8x125xi32, #tpu.memory_space<hbm>>
            tpu.wait_dma2 semaphore(%run_scoped3A : memref<!tpu.dma_semaphore, #tpu.memory_space<semaphore_mem>>) src(%dma_wait3A_364 : memref<8x125xi32, #tpu.memory_space<hbm>>) dst(%dma_wait3A_361 : memref<8x125xi32, #tpu.memory_space<vmem>>)
            tpu.yield
          }) : () -> ()
        } else {
        }
        %ge3A = arith.constant 1 : i32
        %ge3A_261 = arith.cmpi sge, %add3A_78, %ge3A : i32
        %convert_element_type3A_262 = arith.extui %ge3A_261 : i1 to i32
        %cond3A_263 = arith.constant 0 : i32
        %cond3A_264 = arith.cmpi ne, %convert_element_type3A_262, %cond3A_263 : i32
        scf.if %cond3A_264 {
          %dma_wait3A_307 = arith.constant 1 : i32
          %dma_wait3A_308 = arith.constant 1 : i32
          %dma_wait3A_309 = arith.constant 0 : i32
          %dma_wait3A_310 = arith.constant 0 : i32
          %dma_wait3A_311 = tpu.memref_slice %arg9[%dma_wait3A_307, %dma_wait3A_309, %dma_wait3A_310] : memref<2x125x128xf32, #tpu.memory_space<vmem>> -> memref<1x125x128xf32, #tpu.memory_space<vmem>>
          %dma_wait3A_312 = tpu.memref_squeeze %dma_wait3A_311 : memref<1x125x128xf32, #tpu.memory_space<vmem>> -> memref<125x128xf32, #tpu.memory_space<vmem>>
          %dma_wait3A_313 = arith.constant 0 : i32
          %dma_wait3A_314 = arith.constant 0 : i32
          %dma_wait3A_315 = tpu.memref_slice %arg10[%dma_wait3A_313, %dma_wait3A_314] : memref<10240x128xf32, #tpu.memory_space<vmem_shared>> -> memref<125x128xf32, #tpu.memory_space<vmem_shared>>
          %dma_wait3A_316 = tpu.memref_slice %arg12[%dma_wait3A_308] : memref<2x!tpu.dma_semaphore, #tpu.memory_space<semaphore_mem>> -> memref<1x!tpu.dma_semaphore, #tpu.memory_space<semaphore_mem>>
          %dma_wait3A_317 = tpu.memref_squeeze %dma_wait3A_316 : memref<1x!tpu.dma_semaphore, #tpu.memory_space<semaphore_mem>> -> memref<!tpu.dma_semaphore, #tpu.memory_space<semaphore_mem>>
          %dma_wait3A_318 = arith.constant 0 : i32
          %dma_wait3A_319 = arith.constant 0 : i32
          %dma_wait3A_320 = tpu.memref_slice %arg10[%dma_wait3A_318, %dma_wait3A_319] : memref<10240x128xf32, #tpu.memory_space<vmem_shared>> -> memref<125x128xf32, #tpu.memory_space<vmem_shared>>
          %dma_wait3A_321 = arith.constant 0 : i32
          %dma_wait3A_322 = arith.constant 0 : i32
          %dma_wait3A_323 = tpu.memref_slice %arg9[%dma_wait3A_307, %dma_wait3A_321, %dma_wait3A_322] : memref<2x125x128xf32, #tpu.memory_space<vmem>> -> memref<1x125x128xf32, #tpu.memory_space<vmem>>
          %dma_wait3A_324 = tpu.memref_squeeze %dma_wait3A_323 : memref<1x125x128xf32, #tpu.memory_space<vmem>> -> memref<125x128xf32, #tpu.memory_space<vmem>>
          tpu.wait_dma2 semaphore(%dma_wait3A_317 : memref<!tpu.dma_semaphore, #tpu.memory_space<semaphore_mem>>) src(%dma_wait3A_324 : memref<125x128xf32, #tpu.memory_space<vmem>>) dst(%dma_wait3A_320 : memref<125x128xf32, #tpu.memory_space<vmem_shared>>)
        } else {
        }
        %jit3A_265 = arith.constant 8 : i32
        %div3A_266 = arith.divsi %add3A_157, %jit3A_265 : i32
        %sign3A_267 = arith.constant 0 : i32
        %sign3A_268 = arith.cmpi sgt, %add3A_157, %sign3A_267 : i32
        %sign3A_269 = arith.extui %sign3A_268 : i1 to i32
        %sign3A_270 = arith.constant 0 : i32
        %sign3A_271 = arith.cmpi slt, %add3A_157, %sign3A_270 : i32
        %sign3A_272 = arith.extui %sign3A_271 : i1 to i32
        %sign3A_273 = arith.subi %sign3A_269, %sign3A_272 : i32
        %sign3A_274 = arith.constant 0 : i32
        %sign3A_275 = arith.cmpi sgt, %jit3A_265, %sign3A_274 : i32
        %sign3A_276 = arith.extui %sign3A_275 : i1 to i32
        %sign3A_277 = arith.constant 0 : i32
        %sign3A_278 = arith.cmpi slt, %jit3A_265, %sign3A_277 : i32
        %sign3A_279 = arith.extui %sign3A_278 : i1 to i32
        %sign3A_280 = arith.subi %sign3A_276, %sign3A_279 : i32
        %ne3A_281 = arith.cmpi ne, %sign3A_273, %sign3A_280 : i32
        %rem3A_282 = arith.remsi %add3A_157, %jit3A_265 : i32
        %ne3A_283 = arith.constant 0 : i32
        %ne3A_284 = arith.cmpi ne, %rem3A_282, %ne3A_283 : i32
        %and3A_285 = arith.andi %ne3A_281, %ne3A_284 : i1
        %sub3A_286 = arith.constant 1 : i32
        %sub3A_287 = arith.subi %div3A_266, %sub3A_286 : i32
        %select_n3A_288 = arith.select %and3A_285, %sub3A_287, %div3A_266 : i32
        %rem3A_289 = arith.constant 2 : i32
        %rem3A_290 = arith.remsi %select_n3A_288, %rem3A_289 : i32
        %rem3A_291 = arith.constant 8 : i32
        %rem3A_292 = arith.remsi %add3A_157, %rem3A_291 : i32
        %dma_start3A_293 = arith.constant 1 : i32
        %dma_start3A_294 = arith.constant 1 : i32
        %dma_start3A_295 = arith.constant 0 : i32
        %dma_start3A_296 = arith.constant 0 : i32
        %dma_start3A_297 = tpu.memref_slice %arg9[%dma_start3A_293, %dma_start3A_295, %dma_start3A_296] : memref<2x125x128xf32, #tpu.memory_space<vmem>> -> memref<1x125x128xf32, #tpu.memory_space<vmem>>
        %dma_start3A_298 = tpu.memref_squeeze %dma_start3A_297 : memref<1x125x128xf32, #tpu.memory_space<vmem>> -> memref<125x128xf32, #tpu.memory_space<vmem>>
        %dma_start3A_299 = arith.constant 0 : i32
        %dma_start3A_300 = tpu.memref_slice %arg7[%rem3A_290, %rem3A_292, %dma_start3A_299] : memref<2x8x125xi32, #tpu.memory_space<vmem>> -> memref<1x1x125xi32, #tpu.memory_space<vmem>>
        %dma_start3A_301 = tpu.memref_squeeze %dma_start3A_300 : memref<1x1x125xi32, #tpu.memory_space<vmem>> -> memref<125xi32, #tpu.memory_space<vmem>>
        %dma_start3A_302 = arith.constant 0 : i32
        %dma_start3A_303 = arith.constant 0 : i32
        %dma_start3A_304 = tpu.memref_slice %arg2[%dma_start3A_302, %dma_start3A_303] : memref<10000x128xf32, #tpu.memory_space<hbm>> -> memref<10000x128xf32, #tpu.memory_space<hbm>>
        %dma_start3A_305 = tpu.memref_slice %arg11[%dma_start3A_294] : memref<2x!tpu.dma_semaphore, #tpu.memory_space<semaphore_mem>> -> memref<1x!tpu.dma_semaphore, #tpu.memory_space<semaphore_mem>>
        %dma_start3A_306 = tpu.memref_squeeze %dma_start3A_305 : memref<1x!tpu.dma_semaphore, #tpu.memory_space<semaphore_mem>> -> memref<!tpu.dma_semaphore, #tpu.memory_space<semaphore_mem>>
        tpu.enqueue_indirect_dma source(%dma_start3A_304 : memref<10000x128xf32, #tpu.memory_space<hbm>>) target(%dma_start3A_298 : memref<125x128xf32, #tpu.memory_space<vmem>>) offsets(%dma_start3A_301 : memref<125xi32, #tpu.memory_space<vmem>>) semaphore(%dma_start3A_306 : memref<!tpu.dma_semaphore, #tpu.memory_space<semaphore_mem>>)
      } else {
      }
      %mul3A_160 = arith.constant 2 : i32
      %mul3A_161 = arith.muli %add3A_74, %mul3A_160 : i32
      %add3A_162 = arith.constant 1 : i32
      %add3A_163 = arith.addi %mul3A_161, %add3A_162 : i32
      %jit3A_164 = arith.constant 8 : i32
      %div3A_165 = arith.divsi %add3A_163, %jit3A_164 : i32
      %sign3A_166 = arith.constant 0 : i32
      %sign3A_167 = arith.cmpi sgt, %add3A_163, %sign3A_166 : i32
      %sign3A_168 = arith.extui %sign3A_167 : i1 to i32
      %sign3A_169 = arith.constant 0 : i32
      %sign3A_170 = arith.cmpi slt, %add3A_163, %sign3A_169 : i32
      %sign3A_171 = arith.extui %sign3A_170 : i1 to i32
      %sign3A_172 = arith.subi %sign3A_168, %sign3A_171 : i32
      %sign3A_173 = arith.constant 0 : i32
      %sign3A_174 = arith.cmpi sgt, %jit3A_164, %sign3A_173 : i32
      %sign3A_175 = arith.extui %sign3A_174 : i1 to i32
      %sign3A_176 = arith.constant 0 : i32
      %sign3A_177 = arith.cmpi slt, %jit3A_164, %sign3A_176 : i32
      %sign3A_178 = arith.extui %sign3A_177 : i1 to i32
      %sign3A_179 = arith.subi %sign3A_175, %sign3A_178 : i32
      %ne3A_180 = arith.cmpi ne, %sign3A_172, %sign3A_179 : i32
      %rem3A_181 = arith.remsi %add3A_163, %jit3A_164 : i32
      %ne3A_182 = arith.constant 0 : i32
      %ne3A_183 = arith.cmpi ne, %rem3A_181, %ne3A_182 : i32
      %and3A_184 = arith.andi %ne3A_180, %ne3A_183 : i1
      %sub3A_185 = arith.constant 1 : i32
      %sub3A_186 = arith.subi %div3A_165, %sub3A_185 : i32
      %select_n3A_187 = arith.select %and3A_184, %sub3A_186, %div3A_165 : i32
      %rem3A_188 = arith.constant 2 : i32
      %rem3A_189 = arith.remsi %select_n3A_187, %rem3A_188 : i32
      %rem3A_190 = arith.constant 8 : i32
      %rem3A_191 = arith.remsi %add3A_163, %rem3A_190 : i32
      %dma_wait3A_192 = arith.constant 1 : i32
      %dma_wait3A_193 = arith.constant 1 : i32
      %dma_wait3A_194 = arith.constant 0 : i32
      %dma_wait3A_195 = arith.constant 0 : i32
      %dma_wait3A_196 = tpu.memref_slice %arg9[%dma_wait3A_192, %dma_wait3A_194, %dma_wait3A_195] : memref<2x125x128xf32, #tpu.memory_space<vmem>> -> memref<1x125x128xf32, #tpu.memory_space<vmem>>
      %dma_wait3A_197 = tpu.memref_squeeze %dma_wait3A_196 : memref<1x125x128xf32, #tpu.memory_space<vmem>> -> memref<125x128xf32, #tpu.memory_space<vmem>>
      %dma_wait3A_198 = arith.constant 0 : i32
      %dma_wait3A_199 = tpu.memref_slice %arg7[%rem3A_189, %rem3A_191, %dma_wait3A_198] : memref<2x8x125xi32, #tpu.memory_space<vmem>> -> memref<1x1x125xi32, #tpu.memory_space<vmem>>
      %dma_wait3A_200 = tpu.memref_squeeze %dma_wait3A_199 : memref<1x1x125xi32, #tpu.memory_space<vmem>> -> memref<125xi32, #tpu.memory_space<vmem>>
      %dma_wait3A_201 = arith.constant 0 : i32
      %dma_wait3A_202 = arith.constant 0 : i32
      %dma_wait3A_203 = tpu.memref_slice %arg2[%dma_wait3A_201, %dma_wait3A_202] : memref<10000x128xf32, #tpu.memory_space<hbm>> -> memref<10000x128xf32, #tpu.memory_space<hbm>>
      %dma_wait3A_204 = tpu.memref_slice %arg11[%dma_wait3A_193] : memref<2x!tpu.dma_semaphore, #tpu.memory_space<semaphore_mem>> -> memref<1x!tpu.dma_semaphore, #tpu.memory_space<semaphore_mem>>
      %dma_wait3A_205 = tpu.memref_squeeze %dma_wait3A_204 : memref<1x!tpu.dma_semaphore, #tpu.memory_space<semaphore_mem>> -> memref<!tpu.dma_semaphore, #tpu.memory_space<semaphore_mem>>
      tpu.wait_indirect_dma semaphore(%dma_wait3A_205 : memref<!tpu.dma_semaphore, #tpu.memory_space<semaphore_mem>>) src(%dma_wait3A_203 : memref<10000x128xf32, #tpu.memory_space<hbm>>) dst(%dma_wait3A_197 : memref<125x128xf32, #tpu.memory_space<vmem>>)
      %jit3A_206 = arith.constant 8 : i32
      %div3A_207 = arith.divsi %add3A_163, %jit3A_206 : i32
      %sign3A_208 = arith.constant 0 : i32
      %sign3A_209 = arith.cmpi sgt, %add3A_163, %sign3A_208 : i32
      %sign3A_210 = arith.extui %sign3A_209 : i1 to i32
      %sign3A_211 = arith.constant 0 : i32
      %sign3A_212 = arith.cmpi slt, %add3A_163, %sign3A_211 : i32
      %sign3A_213 = arith.extui %sign3A_212 : i1 to i32
      %sign3A_214 = arith.subi %sign3A_210, %sign3A_213 : i32
      %sign3A_215 = arith.constant 0 : i32
      %sign3A_216 = arith.cmpi sgt, %jit3A_206, %sign3A_215 : i32
      %sign3A_217 = arith.extui %sign3A_216 : i1 to i32
      %sign3A_218 = arith.constant 0 : i32
      %sign3A_219 = arith.cmpi slt, %jit3A_206, %sign3A_218 : i32
      %sign3A_220 = arith.extui %sign3A_219 : i1 to i32
      %sign3A_221 = arith.subi %sign3A_217, %sign3A_220 : i32
      %ne3A_222 = arith.cmpi ne, %sign3A_214, %sign3A_221 : i32
      %rem3A_223 = arith.remsi %add3A_163, %jit3A_206 : i32
      %ne3A_224 = arith.constant 0 : i32
      %ne3A_225 = arith.cmpi ne, %rem3A_223, %ne3A_224 : i32
      %and3A_226 = arith.andi %ne3A_222, %ne3A_225 : i1
      %sub3A_227 = arith.constant 1 : i32
      %sub3A_228 = arith.subi %div3A_207, %sub3A_227 : i32
      %select_n3A_229 = arith.select %and3A_226, %sub3A_228, %div3A_207 : i32
      %rem3A_230 = arith.constant 2 : i32
      %rem3A_231 = arith.remsi %select_n3A_229, %rem3A_230 : i32
      %rem3A_232 = arith.constant 8 : i32
      %rem3A_233 = arith.remsi %add3A_163, %rem3A_232 : i32
      %dma_start3A_234 = arith.constant 1 : i32
      %dma_start3A_235 = arith.constant 1 : i32
      %dma_start3A_236 = arith.constant 0 : i32
      %dma_start3A_237 = arith.constant 0 : i32
      %dma_start3A_238 = tpu.memref_slice %arg9[%dma_start3A_234, %dma_start3A_236, %dma_start3A_237] : memref<2x125x128xf32, #tpu.memory_space<vmem>> -> memref<1x125x128xf32, #tpu.memory_space<vmem>>
      %dma_start3A_239 = tpu.memref_squeeze %dma_start3A_238 : memref<1x125x128xf32, #tpu.memory_space<vmem>> -> memref<125x128xf32, #tpu.memory_space<vmem>>
      %dma_start3A_240 = arith.constant 0 : i32
      %dma_start3A_241 = tpu.memref_slice %arg8[%rem3A_231, %rem3A_233, %dma_start3A_240] : memref<2x8x125xi32, #tpu.memory_space<vmem>> -> memref<1x1x125xi32, #tpu.memory_space<vmem>>
      %dma_start3A_242 = tpu.memref_squeeze %dma_start3A_241 : memref<1x1x125xi32, #tpu.memory_space<vmem>> -> memref<125xi32, #tpu.memory_space<vmem>>
      %dma_start3A_243 = arith.constant 0 : i32
      %dma_start3A_244 = arith.constant 0 : i32
      %dma_start3A_245 = tpu.memref_slice %arg10[%dma_start3A_243, %dma_start3A_244] : memref<10240x128xf32, #tpu.memory_space<vmem_shared>> -> memref<10240x128xf32, #tpu.memory_space<vmem_shared>>
      %dma_start3A_246 = tpu.memref_slice %arg12[%dma_start3A_235] : memref<2x!tpu.dma_semaphore, #tpu.memory_space<semaphore_mem>> -> memref<1x!tpu.dma_semaphore, #tpu.memory_space<semaphore_mem>>
      %dma_start3A_247 = tpu.memref_squeeze %dma_start3A_246 : memref<1x!tpu.dma_semaphore, #tpu.memory_space<semaphore_mem>> -> memref<!tpu.dma_semaphore, #tpu.memory_space<semaphore_mem>>
      tpu.enqueue_indirect_dma source(%dma_start3A_239 : memref<125x128xf32, #tpu.memory_space<vmem>>) target(%dma_start3A_245 : memref<10240x128xf32, #tpu.memory_space<vmem_shared>>) offsets(%dma_start3A_242 : memref<125xi32, #tpu.memory_space<vmem>>) semaphore(%dma_start3A_247 : memref<!tpu.dma_semaphore, #tpu.memory_space<semaphore_mem>>) {add = true}
      %add3A_248 = arith.constant 1 : i32
      %add3A_249 = arith.addi %add3A_163, %add3A_248 : i32
      %lt3A_250 = arith.constant 80 : i32
      %lt3A_251 = arith.cmpi slt, %add3A_249, %lt3A_250 : i32
      %convert_element_type3A_252 = arith.extui %lt3A_251 : i1 to i32
      %cond3A_253 = arith.constant 0 : i32
      %cond3A_254 = arith.cmpi ne, %convert_element_type3A_252, %cond3A_253 : i32
      scf.if %cond3A_254 {
        %rem3A_255 = arith.constant 8 : i32
        %rem3A_256 = arith.remsi %add3A_249, %rem3A_255 : i32
        %eq3A = arith.constant 0 : i32
        %eq3A_257 = arith.cmpi eq, %rem3A_256, %eq3A : i32
        %convert_element_type3A_258 = arith.extui %eq3A_257 : i1 to i32
        %cond3A_259 = arith.constant 0 : i32
        %cond3A_260 = arith.cmpi ne, %convert_element_type3A_258, %cond3A_259 : i32
        scf.if %cond3A_260 {
          %jit3A_307 = arith.constant 8 : i32
          %div3A_308 = arith.divsi %add3A_249, %jit3A_307 : i32
          %sign3A_309 = arith.constant 0 : i32
          %sign3A_310 = arith.cmpi sgt, %add3A_249, %sign3A_309 : i32
          %sign3A_311 = arith.extui %sign3A_310 : i1 to i32
          %sign3A_312 = arith.constant 0 : i32
          %sign3A_313 = arith.cmpi slt, %add3A_249, %sign3A_312 : i32
          %sign3A_314 = arith.extui %sign3A_313 : i1 to i32
          %sign3A_315 = arith.subi %sign3A_311, %sign3A_314 : i32
          %sign3A_316 = arith.constant 0 : i32
          %sign3A_317 = arith.cmpi sgt, %jit3A_307, %sign3A_316 : i32
          %sign3A_318 = arith.extui %sign3A_317 : i1 to i32
          %sign3A_319 = arith.constant 0 : i32
          %sign3A_320 = arith.cmpi slt, %jit3A_307, %sign3A_319 : i32
          %sign3A_321 = arith.extui %sign3A_320 : i1 to i32
          %sign3A_322 = arith.subi %sign3A_318, %sign3A_321 : i32
          %ne3A_323 = arith.cmpi ne, %sign3A_315, %sign3A_322 : i32
          %rem3A_324 = arith.remsi %add3A_249, %jit3A_307 : i32
          %ne3A_325 = arith.constant 0 : i32
          %ne3A_326 = arith.cmpi ne, %rem3A_324, %ne3A_325 : i32
          %and3A_327 = arith.andi %ne3A_323, %ne3A_326 : i1
          %sub3A_328 = arith.constant 1 : i32
          %sub3A_329 = arith.subi %div3A_308, %sub3A_328 : i32
          %select_n3A_330 = arith.select %and3A_327, %sub3A_329, %div3A_308 : i32
          %rem3A_331 = arith.constant 2 : i32
          %rem3A_332 = arith.remsi %select_n3A_330, %rem3A_331 : i32
          %mul3A_333 = arith.constant 8 : i32
          %mul3A_334 = arith.muli %select_n3A_330, %mul3A_333 : i32
          "tpu.region"() ({
            %run_scoped3A = tpu.sem_alloc : memref<!tpu.dma_semaphore, #tpu.memory_space<semaphore_mem>>
            %dma_start3A_337 = arith.constant 0 : i32
            %dma_start3A_338 = arith.constant 0 : i32
            %dma_start3A_339 = tpu.memref_slice %arg7[%rem3A_332, %dma_start3A_337, %dma_start3A_338] : memref<2x8x125xi32, #tpu.memory_space<vmem>> -> memref<1x8x125xi32, #tpu.memory_space<vmem>>
            %dma_start3A_340 = tpu.memref_squeeze %dma_start3A_339 : memref<1x8x125xi32, #tpu.memory_space<vmem>> -> memref<8x125xi32, #tpu.memory_space<vmem>>
            %dma_start3A_341 = arith.constant 0 : i32
            %dma_start3A_342 = tpu.memref_slice %arg3[%add3A, %mul3A_334, %dma_start3A_341] : memref<32x80x125xi32, #tpu.memory_space<hbm>> -> memref<1x8x125xi32, #tpu.memory_space<hbm>>
            %dma_start3A_343 = tpu.memref_squeeze %dma_start3A_342 : memref<1x8x125xi32, #tpu.memory_space<hbm>> -> memref<8x125xi32, #tpu.memory_space<hbm>>
            %dma_start3A_344 = arith.constant 0 : i32
            %dma_start3A_345 = arith.constant 0 : i32
            %dma_start3A_346 = tpu.memref_slice %arg7[%rem3A_332, %dma_start3A_344, %dma_start3A_345] : memref<2x8x125xi32, #tpu.memory_space<vmem>> -> memref<1x8x125xi32, #tpu.memory_space<vmem>>
            %dma_start3A_347 = tpu.memref_squeeze %dma_start3A_346 : memref<1x8x125xi32, #tpu.memory_space<vmem>> -> memref<8x125xi32, #tpu.memory_space<vmem>>
            %dma_start3A_348 = arith.constant 0 : i32
            %dma_start3A_349 = tpu.memref_slice %arg3[%add3A, %mul3A_334, %dma_start3A_348] : memref<32x80x125xi32, #tpu.memory_space<hbm>> -> memref<1x8x125xi32, #tpu.memory_space<hbm>>
            %dma_start3A_350 = tpu.memref_squeeze %dma_start3A_349 : memref<1x8x125xi32, #tpu.memory_space<hbm>> -> memref<8x125xi32, #tpu.memory_space<hbm>>
            tpu.enqueue_dma source(%dma_start3A_350 : memref<8x125xi32, #tpu.memory_space<hbm>>) target(%dma_start3A_347 : memref<8x125xi32, #tpu.memory_space<vmem>>) target_semaphore(%run_scoped3A : memref<!tpu.dma_semaphore, #tpu.memory_space<semaphore_mem>>)
            %dma_wait3A_351 = arith.constant 0 : i32
            %dma_wait3A_352 = arith.constant 0 : i32
            %dma_wait3A_353 = tpu.memref_slice %arg7[%rem3A_332, %dma_wait3A_351, %dma_wait3A_352] : memref<2x8x125xi32, #tpu.memory_space<vmem>> -> memref<1x8x125xi32, #tpu.memory_space<vmem>>
            %dma_wait3A_354 = tpu.memref_squeeze %dma_wait3A_353 : memref<1x8x125xi32, #tpu.memory_space<vmem>> -> memref<8x125xi32, #tpu.memory_space<vmem>>
            %dma_wait3A_355 = arith.constant 0 : i32
            %dma_wait3A_356 = tpu.memref_slice %arg3[%add3A, %mul3A_334, %dma_wait3A_355] : memref<32x80x125xi32, #tpu.memory_space<hbm>> -> memref<1x8x125xi32, #tpu.memory_space<hbm>>
            %dma_wait3A_357 = tpu.memref_squeeze %dma_wait3A_356 : memref<1x8x125xi32, #tpu.memory_space<hbm>> -> memref<8x125xi32, #tpu.memory_space<hbm>>
            %dma_wait3A_358 = arith.constant 0 : i32
            %dma_wait3A_359 = arith.constant 0 : i32
            %dma_wait3A_360 = tpu.memref_slice %arg7[%rem3A_332, %dma_wait3A_358, %dma_wait3A_359] : memref<2x8x125xi32, #tpu.memory_space<vmem>> -> memref<1x8x125xi32, #tpu.memory_space<vmem>>
            %dma_wait3A_361 = tpu.memref_squeeze %dma_wait3A_360 : memref<1x8x125xi32, #tpu.memory_space<vmem>> -> memref<8x125xi32, #tpu.memory_space<vmem>>
            %dma_wait3A_362 = arith.constant 0 : i32
            %dma_wait3A_363 = tpu.memref_slice %arg3[%add3A, %mul3A_334, %dma_wait3A_362] : memref<32x80x125xi32, #tpu.memory_space<hbm>> -> memref<1x8x125xi32, #tpu.memory_space<hbm>>
            %dma_wait3A_364 = tpu.memref_squeeze %dma_wait3A_363 : memref<1x8x125xi32, #tpu.memory_space<hbm>> -> memref<8x125xi32, #tpu.memory_space<hbm>>
            tpu.wait_dma2 semaphore(%run_scoped3A : memref<!tpu.dma_semaphore, #tpu.memory_space<semaphore_mem>>) src(%dma_wait3A_364 : memref<8x125xi32, #tpu.memory_space<hbm>>) dst(%dma_wait3A_361 : memref<8x125xi32, #tpu.memory_space<vmem>>)
            tpu.yield
          }) : () -> ()
          %mul3A_335 = arith.constant 8 : i32
          %mul3A_336 = arith.muli %select_n3A_330, %mul3A_335 : i32
          "tpu.region"() ({
            %run_scoped3A = tpu.sem_alloc : memref<!tpu.dma_semaphore, #tpu.memory_space<semaphore_mem>>
            %dma_start3A_337 = arith.constant 0 : i32
            %dma_start3A_338 = arith.constant 0 : i32
            %dma_start3A_339 = tpu.memref_slice %arg8[%rem3A_332, %dma_start3A_337, %dma_start3A_338] : memref<2x8x125xi32, #tpu.memory_space<vmem>> -> memref<1x8x125xi32, #tpu.memory_space<vmem>>
            %dma_start3A_340 = tpu.memref_squeeze %dma_start3A_339 : memref<1x8x125xi32, #tpu.memory_space<vmem>> -> memref<8x125xi32, #tpu.memory_space<vmem>>
            %dma_start3A_341 = arith.constant 0 : i32
            %dma_start3A_342 = tpu.memref_slice %arg4[%add3A, %mul3A_336, %dma_start3A_341] : memref<32x80x125xi32, #tpu.memory_space<hbm>> -> memref<1x8x125xi32, #tpu.memory_space<hbm>>
            %dma_start3A_343 = tpu.memref_squeeze %dma_start3A_342 : memref<1x8x125xi32, #tpu.memory_space<hbm>> -> memref<8x125xi32, #tpu.memory_space<hbm>>
            %dma_start3A_344 = arith.constant 0 : i32
            %dma_start3A_345 = arith.constant 0 : i32
            %dma_start3A_346 = tpu.memref_slice %arg8[%rem3A_332, %dma_start3A_344, %dma_start3A_345] : memref<2x8x125xi32, #tpu.memory_space<vmem>> -> memref<1x8x125xi32, #tpu.memory_space<vmem>>
            %dma_start3A_347 = tpu.memref_squeeze %dma_start3A_346 : memref<1x8x125xi32, #tpu.memory_space<vmem>> -> memref<8x125xi32, #tpu.memory_space<vmem>>
            %dma_start3A_348 = arith.constant 0 : i32
            %dma_start3A_349 = tpu.memref_slice %arg4[%add3A, %mul3A_336, %dma_start3A_348] : memref<32x80x125xi32, #tpu.memory_space<hbm>> -> memref<1x8x125xi32, #tpu.memory_space<hbm>>
            %dma_start3A_350 = tpu.memref_squeeze %dma_start3A_349 : memref<1x8x125xi32, #tpu.memory_space<hbm>> -> memref<8x125xi32, #tpu.memory_space<hbm>>
            tpu.enqueue_dma source(%dma_start3A_350 : memref<8x125xi32, #tpu.memory_space<hbm>>) target(%dma_start3A_347 : memref<8x125xi32, #tpu.memory_space<vmem>>) target_semaphore(%run_scoped3A : memref<!tpu.dma_semaphore, #tpu.memory_space<semaphore_mem>>)
            %dma_wait3A_351 = arith.constant 0 : i32
            %dma_wait3A_352 = arith.constant 0 : i32
            %dma_wait3A_353 = tpu.memref_slice %arg8[%rem3A_332, %dma_wait3A_351, %dma_wait3A_352] : memref<2x8x125xi32, #tpu.memory_space<vmem>> -> memref<1x8x125xi32, #tpu.memory_space<vmem>>
            %dma_wait3A_354 = tpu.memref_squeeze %dma_wait3A_353 : memref<1x8x125xi32, #tpu.memory_space<vmem>> -> memref<8x125xi32, #tpu.memory_space<vmem>>
            %dma_wait3A_355 = arith.constant 0 : i32
            %dma_wait3A_356 = tpu.memref_slice %arg4[%add3A, %mul3A_336, %dma_wait3A_355] : memref<32x80x125xi32, #tpu.memory_space<hbm>> -> memref<1x8x125xi32, #tpu.memory_space<hbm>>
            %dma_wait3A_357 = tpu.memref_squeeze %dma_wait3A_356 : memref<1x8x125xi32, #tpu.memory_space<hbm>> -> memref<8x125xi32, #tpu.memory_space<hbm>>
            %dma_wait3A_358 = arith.constant 0 : i32
            %dma_wait3A_359 = arith.constant 0 : i32
            %dma_wait3A_360 = tpu.memref_slice %arg8[%rem3A_332, %dma_wait3A_358, %dma_wait3A_359] : memref<2x8x125xi32, #tpu.memory_space<vmem>> -> memref<1x8x125xi32, #tpu.memory_space<vmem>>
            %dma_wait3A_361 = tpu.memref_squeeze %dma_wait3A_360 : memref<1x8x125xi32, #tpu.memory_space<vmem>> -> memref<8x125xi32, #tpu.memory_space<vmem>>
            %dma_wait3A_362 = arith.constant 0 : i32
            %dma_wait3A_363 = tpu.memref_slice %arg4[%add3A, %mul3A_336, %dma_wait3A_362] : memref<32x80x125xi32, #tpu.memory_space<hbm>> -> memref<1x8x125xi32, #tpu.memory_space<hbm>>
            %dma_wait3A_364 = tpu.memref_squeeze %dma_wait3A_363 : memref<1x8x125xi32, #tpu.memory_space<hbm>> -> memref<8x125xi32, #tpu.memory_space<hbm>>
            tpu.wait_dma2 semaphore(%run_scoped3A : memref<!tpu.dma_semaphore, #tpu.memory_space<semaphore_mem>>) src(%dma_wait3A_364 : memref<8x125xi32, #tpu.memory_space<hbm>>) dst(%dma_wait3A_361 : memref<8x125xi32, #tpu.memory_space<vmem>>)
            tpu.yield
          }) : () -> ()
        } else {
        }
        %ge3A = arith.constant 1 : i32
        %ge3A_261 = arith.cmpi sge, %add3A_163, %ge3A : i32
        %convert_element_type3A_262 = arith.extui %ge3A_261 : i1 to i32
        %cond3A_263 = arith.constant 0 : i32
        %cond3A_264 = arith.cmpi ne, %convert_element_type3A_262, %cond3A_263 : i32
        scf.if %cond3A_264 {
          %dma_wait3A_307 = arith.constant 0 : i32
          %dma_wait3A_308 = arith.constant 0 : i32
          %dma_wait3A_309 = arith.constant 0 : i32
          %dma_wait3A_310 = arith.constant 0 : i32
          %dma_wait3A_311 = tpu.memref_slice %arg9[%dma_wait3A_307, %dma_wait3A_309, %dma_wait3A_310] : memref<2x125x128xf32, #tpu.memory_space<vmem>> -> memref<1x125x128xf32, #tpu.memory_space<vmem>>
          %dma_wait3A_312 = tpu.memref_squeeze %dma_wait3A_311 : memref<1x125x128xf32, #tpu.memory_space<vmem>> -> memref<125x128xf32, #tpu.memory_space<vmem>>
          %dma_wait3A_313 = arith.constant 0 : i32
          %dma_wait3A_314 = arith.constant 0 : i32
          %dma_wait3A_315 = tpu.memref_slice %arg10[%dma_wait3A_313, %dma_wait3A_314] : memref<10240x128xf32, #tpu.memory_space<vmem_shared>> -> memref<125x128xf32, #tpu.memory_space<vmem_shared>>
          %dma_wait3A_316 = tpu.memref_slice %arg12[%dma_wait3A_308] : memref<2x!tpu.dma_semaphore, #tpu.memory_space<semaphore_mem>> -> memref<1x!tpu.dma_semaphore, #tpu.memory_space<semaphore_mem>>
          %dma_wait3A_317 = tpu.memref_squeeze %dma_wait3A_316 : memref<1x!tpu.dma_semaphore, #tpu.memory_space<semaphore_mem>> -> memref<!tpu.dma_semaphore, #tpu.memory_space<semaphore_mem>>
          %dma_wait3A_318 = arith.constant 0 : i32
          %dma_wait3A_319 = arith.constant 0 : i32
          %dma_wait3A_320 = tpu.memref_slice %arg10[%dma_wait3A_318, %dma_wait3A_319] : memref<10240x128xf32, #tpu.memory_space<vmem_shared>> -> memref<125x128xf32, #tpu.memory_space<vmem_shared>>
          %dma_wait3A_321 = arith.constant 0 : i32
          %dma_wait3A_322 = arith.constant 0 : i32
          %dma_wait3A_323 = tpu.memref_slice %arg9[%dma_wait3A_307, %dma_wait3A_321, %dma_wait3A_322] : memref<2x125x128xf32, #tpu.memory_space<vmem>> -> memref<1x125x128xf32, #tpu.memory_space<vmem>>
          %dma_wait3A_324 = tpu.memref_squeeze %dma_wait3A_323 : memref<1x125x128xf32, #tpu.memory_space<vmem>> -> memref<125x128xf32, #tpu.memory_space<vmem>>
          tpu.wait_dma2 semaphore(%dma_wait3A_317 : memref<!tpu.dma_semaphore, #tpu.memory_space<semaphore_mem>>) src(%dma_wait3A_324 : memref<125x128xf32, #tpu.memory_space<vmem>>) dst(%dma_wait3A_320 : memref<125x128xf32, #tpu.memory_space<vmem_shared>>)
        } else {
        }
        %jit3A_265 = arith.constant 8 : i32
        %div3A_266 = arith.divsi %add3A_249, %jit3A_265 : i32
        %sign3A_267 = arith.constant 0 : i32
        %sign3A_268 = arith.cmpi sgt, %add3A_249, %sign3A_267 : i32
        %sign3A_269 = arith.extui %sign3A_268 : i1 to i32
        %sign3A_270 = arith.constant 0 : i32
        %sign3A_271 = arith.cmpi slt, %add3A_249, %sign3A_270 : i32
        %sign3A_272 = arith.extui %sign3A_271 : i1 to i32
        %sign3A_273 = arith.subi %sign3A_269, %sign3A_272 : i32
        %sign3A_274 = arith.constant 0 : i32
        %sign3A_275 = arith.cmpi sgt, %jit3A_265, %sign3A_274 : i32
        %sign3A_276 = arith.extui %sign3A_275 : i1 to i32
        %sign3A_277 = arith.constant 0 : i32
        %sign3A_278 = arith.cmpi slt, %jit3A_265, %sign3A_277 : i32
        %sign3A_279 = arith.extui %sign3A_278 : i1 to i32
        %sign3A_280 = arith.subi %sign3A_276, %sign3A_279 : i32
        %ne3A_281 = arith.cmpi ne, %sign3A_273, %sign3A_280 : i32
        %rem3A_282 = arith.remsi %add3A_249, %jit3A_265 : i32
        %ne3A_283 = arith.constant 0 : i32
        %ne3A_284 = arith.cmpi ne, %rem3A_282, %ne3A_283 : i32
        %and3A_285 = arith.andi %ne3A_281, %ne3A_284 : i1
        %sub3A_286 = arith.constant 1 : i32
        %sub3A_287 = arith.subi %div3A_266, %sub3A_286 : i32
        %select_n3A_288 = arith.select %and3A_285, %sub3A_287, %div3A_266 : i32
        %rem3A_289 = arith.constant 2 : i32
        %rem3A_290 = arith.remsi %select_n3A_288, %rem3A_289 : i32
        %rem3A_291 = arith.constant 8 : i32
        %rem3A_292 = arith.remsi %add3A_249, %rem3A_291 : i32
        %dma_start3A_293 = arith.constant 0 : i32
        %dma_start3A_294 = arith.constant 0 : i32
        %dma_start3A_295 = arith.constant 0 : i32
        %dma_start3A_296 = arith.constant 0 : i32
        %dma_start3A_297 = tpu.memref_slice %arg9[%dma_start3A_293, %dma_start3A_295, %dma_start3A_296] : memref<2x125x128xf32, #tpu.memory_space<vmem>> -> memref<1x125x128xf32, #tpu.memory_space<vmem>>
        %dma_start3A_298 = tpu.memref_squeeze %dma_start3A_297 : memref<1x125x128xf32, #tpu.memory_space<vmem>> -> memref<125x128xf32, #tpu.memory_space<vmem>>
        %dma_start3A_299 = arith.constant 0 : i32
        %dma_start3A_300 = tpu.memref_slice %arg7[%rem3A_290, %rem3A_292, %dma_start3A_299] : memref<2x8x125xi32, #tpu.memory_space<vmem>> -> memref<1x1x125xi32, #tpu.memory_space<vmem>>
        %dma_start3A_301 = tpu.memref_squeeze %dma_start3A_300 : memref<1x1x125xi32, #tpu.memory_space<vmem>> -> memref<125xi32, #tpu.memory_space<vmem>>
        %dma_start3A_302 = arith.constant 0 : i32
        %dma_start3A_303 = arith.constant 0 : i32
        %dma_start3A_304 = tpu.memref_slice %arg2[%dma_start3A_302, %dma_start3A_303] : memref<10000x128xf32, #tpu.memory_space<hbm>> -> memref<10000x128xf32, #tpu.memory_space<hbm>>
        %dma_start3A_305 = tpu.memref_slice %arg11[%dma_start3A_294] : memref<2x!tpu.dma_semaphore, #tpu.memory_space<semaphore_mem>> -> memref<1x!tpu.dma_semaphore, #tpu.memory_space<semaphore_mem>>
        %dma_start3A_306 = tpu.memref_squeeze %dma_start3A_305 : memref<1x!tpu.dma_semaphore, #tpu.memory_space<semaphore_mem>> -> memref<!tpu.dma_semaphore, #tpu.memory_space<semaphore_mem>>
        tpu.enqueue_indirect_dma source(%dma_start3A_304 : memref<10000x128xf32, #tpu.memory_space<hbm>>) target(%dma_start3A_298 : memref<125x128xf32, #tpu.memory_space<vmem>>) offsets(%dma_start3A_301 : memref<125xi32, #tpu.memory_space<vmem>>) semaphore(%dma_start3A_306 : memref<!tpu.dma_semaphore, #tpu.memory_space<semaphore_mem>>)
      } else {
      }
    }
    %scan3A_29 = arith.constant 40 : i32
    %dma_wait3A = arith.constant 0 : i32
    %dma_wait3A_30 = arith.constant 0 : i32
    %dma_wait3A_31 = arith.constant 0 : i32
    %dma_wait3A_32 = arith.constant 0 : i32
    %dma_wait3A_33 = tpu.memref_slice %arg9[%dma_wait3A, %dma_wait3A_31, %dma_wait3A_32] : memref<2x125x128xf32, #tpu.memory_space<vmem>> -> memref<1x125x128xf32, #tpu.memory_space<vmem>>
    %dma_wait3A_34 = tpu.memref_squeeze %dma_wait3A_33 : memref<1x125x128xf32, #tpu.memory_space<vmem>> -> memref<125x128xf32, #tpu.memory_space<vmem>>
    %dma_wait3A_35 = arith.constant 0 : i32
    %dma_wait3A_36 = arith.constant 0 : i32
    %dma_wait3A_37 = tpu.memref_slice %arg10[%dma_wait3A_35, %dma_wait3A_36] : memref<10240x128xf32, #tpu.memory_space<vmem_shared>> -> memref<125x128xf32, #tpu.memory_space<vmem_shared>>
    %dma_wait3A_38 = tpu.memref_slice %arg12[%dma_wait3A_30] : memref<2x!tpu.dma_semaphore, #tpu.memory_space<semaphore_mem>> -> memref<1x!tpu.dma_semaphore, #tpu.memory_space<semaphore_mem>>
    %dma_wait3A_39 = tpu.memref_squeeze %dma_wait3A_38 : memref<1x!tpu.dma_semaphore, #tpu.memory_space<semaphore_mem>> -> memref<!tpu.dma_semaphore, #tpu.memory_space<semaphore_mem>>
    %dma_wait3A_40 = arith.constant 0 : i32
    %dma_wait3A_41 = arith.constant 0 : i32
    %dma_wait3A_42 = tpu.memref_slice %arg10[%dma_wait3A_40, %dma_wait3A_41] : memref<10240x128xf32, #tpu.memory_space<vmem_shared>> -> memref<125x128xf32, #tpu.memory_space<vmem_shared>>
    %dma_wait3A_43 = arith.constant 0 : i32
    %dma_wait3A_44 = arith.constant 0 : i32
    %dma_wait3A_45 = tpu.memref_slice %arg9[%dma_wait3A, %dma_wait3A_43, %dma_wait3A_44] : memref<2x125x128xf32, #tpu.memory_space<vmem>> -> memref<1x125x128xf32, #tpu.memory_space<vmem>>
    %dma_wait3A_46 = tpu.memref_squeeze %dma_wait3A_45 : memref<1x125x128xf32, #tpu.memory_space<vmem>> -> memref<125x128xf32, #tpu.memory_space<vmem>>
    tpu.wait_dma2 semaphore(%dma_wait3A_39 : memref<!tpu.dma_semaphore, #tpu.memory_space<semaphore_mem>>) src(%dma_wait3A_46 : memref<125x128xf32, #tpu.memory_space<vmem>>) dst(%dma_wait3A_42 : memref<125x128xf32, #tpu.memory_space<vmem_shared>>)
    %dma_wait3A_47 = arith.constant 1 : i32
    %dma_wait3A_48 = arith.constant 1 : i32
    %dma_wait3A_49 = arith.constant 0 : i32
    %dma_wait3A_50 = arith.constant 0 : i32
    %dma_wait3A_51 = tpu.memref_slice %arg9[%dma_wait3A_47, %dma_wait3A_49, %dma_wait3A_50] : memref<2x125x128xf32, #tpu.memory_space<vmem>> -> memref<1x125x128xf32, #tpu.memory_space<vmem>>
    %dma_wait3A_52 = tpu.memref_squeeze %dma_wait3A_51 : memref<1x125x128xf32, #tpu.memory_space<vmem>> -> memref<125x128xf32, #tpu.memory_space<vmem>>
    %dma_wait3A_53 = arith.constant 0 : i32
    %dma_wait3A_54 = arith.constant 0 : i32
    %dma_wait3A_55 = tpu.memref_slice %arg10[%dma_wait3A_53, %dma_wait3A_54] : memref<10240x128xf32, #tpu.memory_space<vmem_shared>> -> memref<125x128xf32, #tpu.memory_space<vmem_shared>>
    %dma_wait3A_56 = tpu.memref_slice %arg12[%dma_wait3A_48] : memref<2x!tpu.dma_semaphore, #tpu.memory_space<semaphore_mem>> -> memref<1x!tpu.dma_semaphore, #tpu.memory_space<semaphore_mem>>
    %dma_wait3A_57 = tpu.memref_squeeze %dma_wait3A_56 : memref<1x!tpu.dma_semaphore, #tpu.memory_space<semaphore_mem>> -> memref<!tpu.dma_semaphore, #tpu.memory_space<semaphore_mem>>
    %dma_wait3A_58 = arith.constant 0 : i32
    %dma_wait3A_59 = arith.constant 0 : i32
    %dma_wait3A_60 = tpu.memref_slice %arg10[%dma_wait3A_58, %dma_wait3A_59] : memref<10240x128xf32, #tpu.memory_space<vmem_shared>> -> memref<125x128xf32, #tpu.memory_space<vmem_shared>>
    %dma_wait3A_61 = arith.constant 0 : i32
    %dma_wait3A_62 = arith.constant 0 : i32
    %dma_wait3A_63 = tpu.memref_slice %arg9[%dma_wait3A_47, %dma_wait3A_61, %dma_wait3A_62] : memref<2x125x128xf32, #tpu.memory_space<vmem>> -> memref<1x125x128xf32, #tpu.memory_space<vmem>>
    %dma_wait3A_64 = tpu.memref_squeeze %dma_wait3A_63 : memref<1x125x128xf32, #tpu.memory_space<vmem>> -> memref<125x128xf32, #tpu.memory_space<vmem>>
    tpu.wait_dma2 semaphore(%dma_wait3A_57 : memref<!tpu.dma_semaphore, #tpu.memory_space<semaphore_mem>>) src(%dma_wait3A_64 : memref<125x128xf32, #tpu.memory_space<vmem>>) dst(%dma_wait3A_60 : memref<125x128xf32, #tpu.memory_space<vmem_shared>>)
    %barrier3A_65 = arith.constant 0 : index
    tpu.barrier barrier_id(%barrier3A_65)
    %mul3A_66 = arith.constant 640 : i32
    %mul3A_67 = arith.muli %arg1, %mul3A_66 : i32
    %mul3A_68 = arith.constant 640 : i32
    %mul3A_69 = arith.muli %arg1, %mul3A_68 : i32
    "tpu.region"() ({
      %run_scoped3A = tpu.sem_alloc : memref<!tpu.dma_semaphore, #tpu.memory_space<semaphore_mem>>
      %dma_start3A_70 = arith.constant 0 : i32
      %dma_start3A_71 = tpu.memref_slice %arg6[%arg0, %mul3A_69, %dma_start3A_70] : memref<2x10240x128xf32, #tpu.memory_space<hbm>> -> memref<1x640x128xf32, #tpu.memory_space<hbm>>
      %dma_start3A_72 = tpu.memref_squeeze %dma_start3A_71 : memref<1x640x128xf32, #tpu.memory_space<hbm>> -> memref<640x128xf32, #tpu.memory_space<hbm>>
      %dma_start3A_73 = arith.constant 0 : i32
      %dma_start3A_74 = tpu.memref_slice %arg10[%mul3A_67, %dma_start3A_73] : memref<10240x128xf32, #tpu.memory_space<vmem_shared>> -> memref<640x128xf32, #tpu.memory_space<vmem_shared>>
      tpu.enqueue_dma source(%dma_start3A_74 : memref<640x128xf32, #tpu.memory_space<vmem_shared>>) target(%dma_start3A_72 : memref<640x128xf32, #tpu.memory_space<hbm>>) target_semaphore(%run_scoped3A : memref<!tpu.dma_semaphore, #tpu.memory_space<semaphore_mem>>)
      %dma_wait3A_75 = arith.constant 0 : i32
      %dma_wait3A_76 = tpu.memref_slice %arg6[%arg0, %mul3A_69, %dma_wait3A_75] : memref<2x10240x128xf32, #tpu.memory_space<hbm>> -> memref<1x640x128xf32, #tpu.memory_space<hbm>>
      %dma_wait3A_77 = tpu.memref_squeeze %dma_wait3A_76 : memref<1x640x128xf32, #tpu.memory_space<hbm>> -> memref<640x128xf32, #tpu.memory_space<hbm>>
      %dma_wait3A_78 = arith.constant 0 : i32
      %dma_wait3A_79 = tpu.memref_slice %arg10[%mul3A_67, %dma_wait3A_78] : memref<10240x128xf32, #tpu.memory_space<vmem_shared>> -> memref<640x128xf32, #tpu.memory_space<vmem_shared>>
      tpu.wait_dma2 semaphore(%run_scoped3A : memref<!tpu.dma_semaphore, #tpu.memory_space<semaphore_mem>>) src(%dma_wait3A_79 : memref<640x128xf32, #tpu.memory_space<vmem_shared>>) dst(%dma_wait3A_77 : memref<640x128xf32, #tpu.memory_space<hbm>>)
      tpu.yield
    }) : () -> ()
    return
  }
}

module attributes {stable_mosaic.version = 14 : i64} {
  func.func @_tc1_body(%arg0: i32, %arg1: memref<1000x128xf32, #tpu.memory_space<vmem>>, %arg2: memref<128x128xf32, #tpu.memory_space<vmem>>, %arg3: memref<1000x2xf32, #tpu.memory_space<vmem>>, %arg4: memref<1000x128xf32, #tpu.memory_space<vmem>>) attributes {dimension_semantics = [#tpu.dimension_semantics<arbitrary>], iteration_bounds = array<i64: 10>, scalar_prefetch = 0 : i64, scratch_operands = 0 : i64, tpu.core_type = #tpu.core_type<tc>, window_params = [{transform_indices = @transform_0, window_bounds = array<i64: 1000, 128>}, {pipeline_mode = #tpu.pipeline_mode<synchronous>, transform_indices = @transform_1, window_bounds = array<i64: 128, 128>}, {transform_indices = @transform_2, window_bounds = array<i64: 1000, 2>}, {transform_indices = @transform_3, window_bounds = array<i64: 1000, 128>}]} {
    %get3A = arith.constant 0 : index
    %get3A_0 = arith.constant 0 : index
    %get3A_1 = vector.load %arg3[%get3A, %get3A_0] : memref<1000x2xf32, #tpu.memory_space<vmem>>, vector<1000x2xf32>
    %slice3A = vector.extract_strided_slice %get3A_1 {offsets = [0, 0], sizes = [1000, 1], strides = [1, 1]} : vector<1000x2xf32> to vector<1000x1xf32>
    %squeeze3A = vector.shape_cast %slice3A : vector<1000x1xf32> to vector<1000xf32>
    %slice3A_2 = vector.extract_strided_slice %get3A_1 {offsets = [0, 1], sizes = [1000, 1], strides = [1, 1]} : vector<1000x2xf32> to vector<1000x1xf32>
    %squeeze3A_3 = vector.shape_cast %slice3A_2 : vector<1000x1xf32> to vector<1000xf32>
    %add3A = arith.addf %squeeze3A, %squeeze3A_3 : vector<1000xf32>
    %add3A_4 = arith.constant 1.000000e+00 : f32
    %add3A_5 = vector.broadcast %add3A_4 : f32 to vector<1000xf32>
    %add3A_6 = arith.addf %add3A, %add3A_5 : vector<1000xf32>
    %rsqrt3A = math.rsqrt %add3A_6 : vector<1000xf32>
    %get3A_7 = arith.constant 0 : index
    %get3A_8 = arith.constant 0 : index
    %get3A_9 = vector.load %arg1[%get3A_7, %get3A_8] : memref<1000x128xf32, #tpu.memory_space<vmem>>, vector<1000x128xf32>
    %get3A_10 = arith.constant 0 : index
    %get3A_11 = arith.constant 0 : index
    %get3A_12 = vector.load %arg2[%get3A_10, %get3A_11] : memref<128x128xf32, #tpu.memory_space<vmem>>, vector<128x128xf32>
    %dot_general3A = arith.constant dense<0.000000e+00> : vector<1000x128xf32>
    %dot_general3A_13 = tpu.matmul %get3A_9, %get3A_12, %dot_general3A {dimension_numbers = #tpu.dot_dimension_numbers<[1], [0], [0], [1], [0, 0, 1, 1], [], []>, precision = #tpu.contract_precision<fp32>, transpose_lhs_hint = false} : vector<1000x128xf32>, vector<128x128xf32>, vector<1000x128xf32> -> vector<1000x128xf32>
    %broadcast_in_dim3A = vector.shape_cast %rsqrt3A : vector<1000xf32> to vector<1000x1xf32>
    %mul3A = vector.broadcast %broadcast_in_dim3A : vector<1000x1xf32> to vector<1000x128xf32>
    %mul3A_14 = arith.mulf %dot_general3A_13, %mul3A : vector<1000x128xf32>
    %swap3A = arith.constant 0 : index
    %swap3A_15 = arith.constant 0 : index
    %swap3A_16 = vector.load %arg4[%swap3A, %swap3A_15] : memref<1000x128xf32, #tpu.memory_space<vmem>>, vector<1000x128xf32>
    tpu.vector_store %arg4[%swap3A, %swap3A_15], %mul3A_14 {strides = array<i32>} : memref<1000x128xf32, #tpu.memory_space<vmem>>, vector<1000x128xf32>,
    return
  }
  func.func @transform_0(%arg0: i32) -> (i32, i32) {
    %c0_i32 = arith.constant 0 : i32
    %c0_i32_0 = arith.constant 0 : i32
    return %arg0, %c0_i32 : i32, i32
  }
  func.func @transform_1(%arg0: i32) -> (i32, i32) {
    %c0_i32 = arith.constant 0 : i32
    %c0_i32_0 = arith.constant 0 : i32
    %c0_i32_1 = arith.constant 0 : i32
    return %c0_i32, %c0_i32_0 : i32, i32
  }
  func.func @transform_2(%arg0: i32) -> (i32, i32) {
    %c0_i32 = arith.constant 0 : i32
    %c0_i32_0 = arith.constant 0 : i32
    return %arg0, %c0_i32 : i32, i32
  }
  func.func @transform_3(%arg0: i32) -> (i32, i32) {
    %c0_i32 = arith.constant 0 : i32
    %c0_i32_0 = arith.constant 0 : i32
    return %arg0, %c0_i32 : i32, i32
  }
}

module attributes {stable_mosaic.version = 14 : i64} {
  func.func @_tc2_body(%arg0: i32, %arg1: memref<2x1000x128xf32, #tpu.memory_space<vmem>>, %arg2: memref<1000x128xf32, #tpu.memory_space<vmem>>, %arg3: memref<1000x2xf32, #tpu.memory_space<vmem>>, %arg4: memref<1x128xf32, #tpu.memory_space<vmem>>, %arg5: memref<128x128xf32, #tpu.memory_space<vmem>>, %arg6: memref<1000x128xf32, #tpu.memory_space<vmem>>) attributes {dimension_semantics = [#tpu.dimension_semantics<arbitrary>], iteration_bounds = array<i64: 10>, scalar_prefetch = 0 : i64, scratch_operands = 0 : i64, tpu.core_type = #tpu.core_type<tc>, window_params = [{transform_indices = @transform_0, window_bounds = array<i64: 2, 1000, 128>}, {transform_indices = @transform_1, window_bounds = array<i64: 1000, 128>}, {transform_indices = @transform_2, window_bounds = array<i64: 1000, 2>}, {pipeline_mode = #tpu.pipeline_mode<synchronous>, transform_indices = @transform_3, window_bounds = array<i64: 1, 128>}, {pipeline_mode = #tpu.pipeline_mode<synchronous>, transform_indices = @transform_4, window_bounds = array<i64: 128, 128>}, {transform_indices = @transform_5, window_bounds = array<i64: 1000, 128>}]} {
    %get3A = arith.constant 0 : index
    %get3A_0 = arith.constant 0 : index
    %get3A_1 = vector.load %arg3[%get3A, %get3A_0] : memref<1000x2xf32, #tpu.memory_space<vmem>>, vector<1000x2xf32>
    %slice3A = vector.extract_strided_slice %get3A_1 {offsets = [0, 0], sizes = [1000, 1], strides = [1, 1]} : vector<1000x2xf32> to vector<1000x1xf32>
    %squeeze3A = vector.shape_cast %slice3A : vector<1000x1xf32> to vector<1000xf32>
    %slice3A_2 = vector.extract_strided_slice %get3A_1 {offsets = [0, 1], sizes = [1000, 1], strides = [1, 1]} : vector<1000x2xf32> to vector<1000x1xf32>
    %squeeze3A_3 = vector.shape_cast %slice3A_2 : vector<1000x1xf32> to vector<1000xf32>
    %add3A = arith.addf %squeeze3A, %squeeze3A_3 : vector<1000xf32>
    %add3A_4 = arith.constant 1.000000e+00 : f32
    %add3A_5 = vector.broadcast %add3A_4 : f32 to vector<1000xf32>
    %add3A_6 = arith.addf %add3A, %add3A_5 : vector<1000xf32>
    %rsqrt3A = math.rsqrt %add3A_6 : vector<1000xf32>
    %get3A_7 = arith.constant 0 : index
    %get3A_8 = arith.constant 0 : index
    %get3A_9 = arith.constant 0 : index
    %get3A_10 = vector.load %arg1[%get3A_7, %get3A_8, %get3A_9] : memref<2x1000x128xf32, #tpu.memory_space<vmem>>, vector<1x1000x128xf32>
    %get3A_11 = vector.shape_cast %get3A_10 : vector<1x1000x128xf32> to vector<1000x128xf32>
    %get3A_12 = arith.constant 1 : index
    %get3A_13 = arith.constant 0 : index
    %get3A_14 = arith.constant 0 : index
    %get3A_15 = vector.load %arg1[%get3A_12, %get3A_13, %get3A_14] : memref<2x1000x128xf32, #tpu.memory_space<vmem>>, vector<1x1000x128xf32>
    %get3A_16 = vector.shape_cast %get3A_15 : vector<1x1000x128xf32> to vector<1000x128xf32>
    %add3A_17 = arith.addf %get3A_11, %get3A_16 : vector<1000x128xf32>
    %get3A_18 = arith.constant 0 : index
    %get3A_19 = arith.constant 0 : index
    %get3A_20 = vector.load %arg2[%get3A_18, %get3A_19] : memref<1000x128xf32, #tpu.memory_space<vmem>>, vector<1000x128xf32>
    %add3A_21 = arith.addf %add3A_17, %get3A_20 : vector<1000x128xf32>
    %broadcast_in_dim3A = vector.shape_cast %rsqrt3A : vector<1000xf32> to vector<1000x1xf32>
    %mul3A = vector.broadcast %broadcast_in_dim3A : vector<1000x1xf32> to vector<1000x128xf32>
    %mul3A_22 = arith.mulf %add3A_21, %mul3A : vector<1000x128xf32>
    %get3A_23 = arith.constant 0 : index
    %get3A_24 = arith.constant 0 : index
    %get3A_25 = vector.load %arg4[%get3A_23, %get3A_24] : memref<1x128xf32, #tpu.memory_space<vmem>>, vector<1x128xf32>
    %get3A_26 = vector.shape_cast %get3A_25 : vector<1x128xf32> to vector<128xf32>
    %broadcast_in_dim3A_27 = vector.shape_cast %get3A_26 : vector<128xf32> to vector<1x128xf32>
    %add3A_28 = vector.broadcast %broadcast_in_dim3A_27 : vector<1x128xf32> to vector<1000x128xf32>
    %add3A_29 = arith.addf %mul3A_22, %add3A_28 : vector<1000x128xf32>
    %max3A = arith.constant 0.000000e+00 : f32
    %max3A_30 = vector.broadcast %max3A : f32 to vector<1000x128xf32>
    %max3A_31 = arith.maximumf %add3A_29, %max3A_30 : vector<1000x128xf32>
    %get3A_32 = arith.constant 0 : index
    %get3A_33 = arith.constant 0 : index
    %get3A_34 = vector.load %arg5[%get3A_32, %get3A_33] : memref<128x128xf32, #tpu.memory_space<vmem>>, vector<128x128xf32>
    %dot_general3A = arith.constant dense<0.000000e+00> : vector<1000x128xf32>
    %dot_general3A_35 = tpu.matmul %max3A_31, %get3A_34, %dot_general3A {dimension_numbers = #tpu.dot_dimension_numbers<[1], [0], [0], [1], [0, 0, 1, 1], [], []>, precision = #tpu.contract_precision<fp32>, transpose_lhs_hint = false} : vector<1000x128xf32>, vector<128x128xf32>, vector<1000x128xf32> -> vector<1000x128xf32>
    %broadcast_in_dim3A_36 = vector.shape_cast %rsqrt3A : vector<1000xf32> to vector<1000x1xf32>
    %mul3A_37 = vector.broadcast %broadcast_in_dim3A_36 : vector<1000x1xf32> to vector<1000x128xf32>
    %mul3A_38 = arith.mulf %dot_general3A_35, %mul3A_37 : vector<1000x128xf32>
    %swap3A = arith.constant 0 : index
    %swap3A_39 = arith.constant 0 : index
    %swap3A_40 = vector.load %arg6[%swap3A, %swap3A_39] : memref<1000x128xf32, #tpu.memory_space<vmem>>, vector<1000x128xf32>
    tpu.vector_store %arg6[%swap3A, %swap3A_39], %mul3A_38 {strides = array<i32>} : memref<1000x128xf32, #tpu.memory_space<vmem>>, vector<1000x128xf32>,
    return
  }
  func.func @transform_0(%arg0: i32) -> (i32, i32, i32) {
    %c0_i32 = arith.constant 0 : i32
    %c0_i32_0 = arith.constant 0 : i32
    %c0_i32_1 = arith.constant 0 : i32
    return %c0_i32, %arg0, %c0_i32_0 : i32, i32, i32
  }
  func.func @transform_1(%arg0: i32) -> (i32, i32) {
    %c0_i32 = arith.constant 0 : i32
    %c0_i32_0 = arith.constant 0 : i32
    return %arg0, %c0_i32 : i32, i32
  }
  func.func @transform_2(%arg0: i32) -> (i32, i32) {
    %c0_i32 = arith.constant 0 : i32
    %c0_i32_0 = arith.constant 0 : i32
    return %arg0, %c0_i32 : i32, i32
  }
  func.func @transform_3(%arg0: i32) -> (i32, i32) {
    %c0_i32 = arith.constant 0 : i32
    %c0_i32_0 = arith.constant 0 : i32
    %c0_i32_1 = arith.constant 0 : i32
    return %c0_i32, %c0_i32_0 : i32, i32
  }
  func.func @transform_4(%arg0: i32) -> (i32, i32) {
    %c0_i32 = arith.constant 0 : i32
    %c0_i32_0 = arith.constant 0 : i32
    %c0_i32_1 = arith.constant 0 : i32
    return %c0_i32, %c0_i32_0 : i32, i32
  }
  func.func @transform_5(%arg0: i32) -> (i32, i32) {
    %c0_i32 = arith.constant 0 : i32
    %c0_i32_0 = arith.constant 0 : i32
    return %arg0, %c0_i32 : i32, i32
  }
}

module attributes {stable_mosaic.version = 14 : i64} {
  func.func @_tc3_body(%arg0: i32, %arg1: memref<2x1000x128xf32, #tpu.memory_space<vmem>>, %arg2: memref<1000x128xf32, #tpu.memory_space<vmem>>, %arg3: memref<1000x2xf32, #tpu.memory_space<vmem>>, %arg4: memref<1x128xf32, #tpu.memory_space<vmem>>, %arg5: memref<1000x128xf32, #tpu.memory_space<vmem>>) attributes {dimension_semantics = [#tpu.dimension_semantics<arbitrary>], iteration_bounds = array<i64: 10>, scalar_prefetch = 0 : i64, scratch_operands = 0 : i64, tpu.core_type = #tpu.core_type<tc>, window_params = [{transform_indices = @transform_0, window_bounds = array<i64: 2, 1000, 128>}, {transform_indices = @transform_1, window_bounds = array<i64: 1000, 128>}, {transform_indices = @transform_2, window_bounds = array<i64: 1000, 2>}, {pipeline_mode = #tpu.pipeline_mode<synchronous>, transform_indices = @transform_3, window_bounds = array<i64: 1, 128>}, {transform_indices = @transform_4, window_bounds = array<i64: 1000, 128>}]} {
    %get3A = arith.constant 0 : index
    %get3A_0 = arith.constant 0 : index
    %get3A_1 = vector.load %arg3[%get3A, %get3A_0] : memref<1000x2xf32, #tpu.memory_space<vmem>>, vector<1000x2xf32>
    %slice3A = vector.extract_strided_slice %get3A_1 {offsets = [0, 0], sizes = [1000, 1], strides = [1, 1]} : vector<1000x2xf32> to vector<1000x1xf32>
    %squeeze3A = vector.shape_cast %slice3A : vector<1000x1xf32> to vector<1000xf32>
    %slice3A_2 = vector.extract_strided_slice %get3A_1 {offsets = [0, 1], sizes = [1000, 1], strides = [1, 1]} : vector<1000x2xf32> to vector<1000x1xf32>
    %squeeze3A_3 = vector.shape_cast %slice3A_2 : vector<1000x1xf32> to vector<1000xf32>
    %add3A = arith.addf %squeeze3A, %squeeze3A_3 : vector<1000xf32>
    %add3A_4 = arith.constant 1.000000e+00 : f32
    %add3A_5 = vector.broadcast %add3A_4 : f32 to vector<1000xf32>
    %add3A_6 = arith.addf %add3A, %add3A_5 : vector<1000xf32>
    %rsqrt3A = math.rsqrt %add3A_6 : vector<1000xf32>
    %get3A_7 = arith.constant 0 : index
    %get3A_8 = arith.constant 0 : index
    %get3A_9 = arith.constant 0 : index
    %get3A_10 = vector.load %arg1[%get3A_7, %get3A_8, %get3A_9] : memref<2x1000x128xf32, #tpu.memory_space<vmem>>, vector<1x1000x128xf32>
    %get3A_11 = vector.shape_cast %get3A_10 : vector<1x1000x128xf32> to vector<1000x128xf32>
    %get3A_12 = arith.constant 1 : index
    %get3A_13 = arith.constant 0 : index
    %get3A_14 = arith.constant 0 : index
    %get3A_15 = vector.load %arg1[%get3A_12, %get3A_13, %get3A_14] : memref<2x1000x128xf32, #tpu.memory_space<vmem>>, vector<1x1000x128xf32>
    %get3A_16 = vector.shape_cast %get3A_15 : vector<1x1000x128xf32> to vector<1000x128xf32>
    %add3A_17 = arith.addf %get3A_11, %get3A_16 : vector<1000x128xf32>
    %get3A_18 = arith.constant 0 : index
    %get3A_19 = arith.constant 0 : index
    %get3A_20 = vector.load %arg2[%get3A_18, %get3A_19] : memref<1000x128xf32, #tpu.memory_space<vmem>>, vector<1000x128xf32>
    %add3A_21 = arith.addf %add3A_17, %get3A_20 : vector<1000x128xf32>
    %broadcast_in_dim3A = vector.shape_cast %rsqrt3A : vector<1000xf32> to vector<1000x1xf32>
    %mul3A = vector.broadcast %broadcast_in_dim3A : vector<1000x1xf32> to vector<1000x128xf32>
    %mul3A_22 = arith.mulf %add3A_21, %mul3A : vector<1000x128xf32>
    %get3A_23 = arith.constant 0 : index
    %get3A_24 = arith.constant 0 : index
    %get3A_25 = vector.load %arg4[%get3A_23, %get3A_24] : memref<1x128xf32, #tpu.memory_space<vmem>>, vector<1x128xf32>
    %get3A_26 = vector.shape_cast %get3A_25 : vector<1x128xf32> to vector<128xf32>
    %broadcast_in_dim3A_27 = vector.shape_cast %get3A_26 : vector<128xf32> to vector<1x128xf32>
    %add3A_28 = vector.broadcast %broadcast_in_dim3A_27 : vector<1x128xf32> to vector<1000x128xf32>
    %add3A_29 = arith.addf %mul3A_22, %add3A_28 : vector<1000x128xf32>
    %swap3A = arith.constant 0 : index
    %swap3A_30 = arith.constant 0 : index
    %swap3A_31 = vector.load %arg5[%swap3A, %swap3A_30] : memref<1000x128xf32, #tpu.memory_space<vmem>>, vector<1000x128xf32>
    tpu.vector_store %arg5[%swap3A, %swap3A_30], %add3A_29 {strides = array<i32>} : memref<1000x128xf32, #tpu.memory_space<vmem>>, vector<1000x128xf32>,
    return
  }
  func.func @transform_0(%arg0: i32) -> (i32, i32, i32) {
    %c0_i32 = arith.constant 0 : i32
    %c0_i32_0 = arith.constant 0 : i32
    %c0_i32_1 = arith.constant 0 : i32
    return %c0_i32, %arg0, %c0_i32_0 : i32, i32, i32
  }
  func.func @transform_1(%arg0: i32) -> (i32, i32) {
    %c0_i32 = arith.constant 0 : i32
    %c0_i32_0 = arith.constant 0 : i32
    return %arg0, %c0_i32 : i32, i32
  }
  func.func @transform_2(%arg0: i32) -> (i32, i32) {
    %c0_i32 = arith.constant 0 : i32
    %c0_i32_0 = arith.constant 0 : i32
    return %arg0, %c0_i32 : i32, i32
  }
  func.func @transform_3(%arg0: i32) -> (i32, i32) {
    %c0_i32 = arith.constant 0 : i32
    %c0_i32_0 = arith.constant 0 : i32
    %c0_i32_1 = arith.constant 0 : i32
    return %c0_i32, %c0_i32_0 : i32, i32
  }
  func.func @transform_4(%arg0: i32) -> (i32, i32) {
    %c0_i32 = arith.constant 0 : i32
    %c0_i32_0 = arith.constant 0 : i32
    return %arg0, %c0_i32 : i32, i32
  }
}

module attributes {stable_mosaic.version = 14 : i64} {
  func.func @_tc4_body(%arg0: i32, %arg1: memref<2000x128xf32, #tpu.memory_space<vmem>>, %arg2: memref<2000x128xf32, #tpu.memory_space<vmem>>, %arg3: memref<2000x1xf32, #tpu.memory_space<vmem>>) attributes {dimension_semantics = [#tpu.dimension_semantics<arbitrary>], iteration_bounds = array<i64: 10>, scalar_prefetch = 0 : i64, scratch_operands = 0 : i64, tpu.core_type = #tpu.core_type<tc>, window_params = [{transform_indices = @transform_0, window_bounds = array<i64: 2000, 128>}, {transform_indices = @transform_1, window_bounds = array<i64: 2000, 128>}, {transform_indices = @transform_2, window_bounds = array<i64: 2000, 1>}]} {
    %get3A = arith.constant 0 : index
    %get3A_0 = arith.constant 0 : index
    %get3A_1 = vector.load %arg1[%get3A, %get3A_0] : memref<2000x128xf32, #tpu.memory_space<vmem>>, vector<2000x128xf32>
    %get3A_2 = arith.constant 0 : index
    %get3A_3 = arith.constant 0 : index
    %get3A_4 = vector.load %arg2[%get3A_2, %get3A_3] : memref<2000x128xf32, #tpu.memory_space<vmem>>, vector<2000x128xf32>
    %mul3A = arith.mulf %get3A_1, %get3A_4 : vector<2000x128xf32>
    %reduce_sum3A = arith.constant dense<0.000000e+00> : vector<2000xf32>
    %reduce_sum3A_5 = vector.multi_reduction <add>, %mul3A, %reduce_sum3A [1] : vector<2000x128xf32> to vector<2000xf32>
    %broadcast_in_dim3A = vector.shape_cast %reduce_sum3A_5 : vector<2000xf32> to vector<2000x1xf32>
    %swap3A = arith.constant 0 : index
    %swap3A_6 = arith.constant 0 : index
    %swap3A_7 = vector.load %arg3[%swap3A, %swap3A_6] : memref<2000x1xf32, #tpu.memory_space<vmem>>, vector<2000x1xf32>
    tpu.vector_store %arg3[%swap3A, %swap3A_6], %broadcast_in_dim3A {strides = array<i32>} : memref<2000x1xf32, #tpu.memory_space<vmem>>, vector<2000x1xf32>,
    return
  }
  func.func @transform_0(%arg0: i32) -> (i32, i32) {
    %c0_i32 = arith.constant 0 : i32
    %c0_i32_0 = arith.constant 0 : i32
    return %arg0, %c0_i32 : i32, i32
  }
  func.func @transform_1(%arg0: i32) -> (i32, i32) {
    %c0_i32 = arith.constant 0 : i32
    %c0_i32_0 = arith.constant 0 : i32
    return %arg0, %c0_i32 : i32, i32
  }
  func.func @transform_2(%arg0: i32) -> (i32, i32) {
    %c0_i32 = arith.constant 0 : i32
    %c0_i32_0 = arith.constant 0 : i32
    return %arg0, %c0_i32 : i32, i32
  }
}

</mosaic_0001>

<sc_bundles>
// kernel: kernel.10.cloned.1.call-start
scs
__scs_entry_jumppad:
0x0: {  	(pc) =	sbr.rel $0x88, $3  }
0x1: {  	(tag) =	ssettag $0x0;
	lr =	simm.s32 $0x1  }
0x2: {  	[smem:$0x3F9A] =	sst lr;
	_ =	strace $0xD0000000  }
0x3: {  	_ = 	snop  }
0x4: {  	_ = 	snop  }
0x5: {  	_ = 	snop  }
0x6: {  	_ = 	snop  }
0x7: {  	_ = 	snop  }
__scs_overlays_trampoline_lowered:
0x8: {  	[smem:$0x3FA9] =	sst s0  }
0x9: {  	[smem:$0x3FAA] =	sst s1  }
0xa: {  	[smem:$0x3FAB] =	sst s2  }
0xb: {  	[smem:$0x3FAC] =	sst s3  }
0xc: {  	[smem:$0x3FAD] =	sst s4  }
0xd: {  	[smem:$0x3FAE] =	sst s5  }
0xe: {  	[smem:$0x3FAF] =	sst s6  }
0xf: {  	[smem:$0x3FB0] =	sst s7  }
0x10: {  	[smem:$0x3FB1] =	sst s8  }
0x11: {  	[smem:$0x3FB2] =	sst s9;
	s0 =	simm.s32 @!p0 $0x0  }
0x12: {  	s1 =	sld [smem:$0x3F98];
	s0 =	simm.s32 @p0 $0x1  }
0x13: {  	[smem:$0x3FB3] =	sst s0;
	s0 =	simm.s32 @!p1 $0x0  }
0x14: {  	s2 =	sld [smem:$0x3F97];
	s0 =	simm.s32 @p1 $0x1  }
0x15: {  	[smem:$0x3FB4] =	sst s0;
	s0 =	simm.s32 @!p2 $0x0  }
0x16: {  	s3 =	sld [smem:$0x3FDB];
	s0 =	simm.s32 @p2 $0x1  }
0x17: {  	s4 =	simm.s32 $0x1BF5;
	[smem:$0x3FB6] =	sst s0  }
0x18: {  	s0 =	sld [smem:$0x3F99];
	_ =	swait.ge [sflag:s4], $0x0  }
0x19: {  	s7 =	sld [smem:$0x3F9A]  }
0x1a: {  	s8 =	sadd.s32 $0xFFFFE003, lr  }
0x1b: {  	s9 =	sadd.s32 $0xFFFFFEF7, lr;
	s5 =	simm.s32 $0xFFFFFFFF;
	p2 =	slt.u32 s8, $0xFFFFF086  }
0x1c: {  	p1 =	slt.u32 s9, $0xF7A;
	s5 =	simm.s32 @!p2 $0x0  }
0x1d: {  	s5 =	simm.s32 @p1 $0x1;
	p0 =	seq.s32 s7, s2  }
0x1e: {  	s7 =	smul.u32 @!p0 $0xF7A, s2;
	p2 =	seq.s32 @!p0 s5, $0x0  }
0x1f: {  	s9 =	smul.u32 $0xF7A, s1;
	s8 =	simm.s32 @!p0 $0x1BF5;
	p2 =	por !p2, p0  }
0x20: {  	[sflag:s8] =	ssyncset.s32 @!p0 $0xFFFFF086;
	s6 =	sadd.s32 @!p0 s3, s7;
	s7 =	simm.s32 @!p0 $0x108  }
0x21: {  	s3 =	sadd.s32 s3, s9;
	s6 =	sadd.s32 @!p0 $0x88, s6;
	s7 =	simm.s32 @p2 $0x1082  }
0x22: {  	[simem:s7], [sflag:s8] =	dma.local @!p0 [hbm:s6], $0xF7A  }
0x23: {  	s9 =	sor.u32 $0xD0000000, s2;
	s6 =	simm.s32 $0x108;
	_ =	swait.ge @!p0 [sflag:s8], $0x0  }
0x24: {  	s3 =	sadd.s32 $0x88, s3;
	s6 =	simm.s32 @!p1 $0x1082;
	[sflag:s4] =	ssyncset.s32 $0xFFFFF086  }
0x25: {  	[simem:s6], [sflag:s4] =	dma.local [hbm:s3], $0xF7A  }
0x26: {  	[smem:$0x3F9A] =	sst s1;
	(tag) =	ssettag s2;
	_ =	strace s9  }
0x27: {  	s1 =	sld [smem:$0x3FAA]  }
0x28: {  	s2 =	sld [smem:$0x3FAB]  }
0x29: {  	s4 =	sld [smem:$0x3FAD]  }
0x2a: {  	p0 =	seq.s32 s5, $0x0;
	s5 =	sld [smem:$0x3FAE]  }
0x2b: {  	s6 =	sld [smem:$0x3FAF]  }
0x2c: {  	s7 =	sld [smem:$0x3FB0]  }
0x2d: {  	s3 =	simm.s32 $0x108;
	s8 =	sld [smem:$0x3FB1]  }
0x2e: {  	s3 =	simm.s32 @!p0 $0x1082;
	s9 =	sld [smem:$0x3FB2]  }
0x2f: {  	lr =	sadd.s32 s0, s3;
	s0 =	sld [smem:$0x3FA9]  }
0x30: {  	s3 =	sld [smem:$0x3FAC]  }
0x31: {  	[smem:$0x3FB5] =	sst s10  }
0x32: {  	s10 =	sld [smem:$0x3FB3];
	_ =	sdelay $0x3  }
0x33: {  	p0 =	seq.s32 s10, $0x1;
	s10 =	sld [smem:$0x3FB5];
	_ =	sdelay $0x3  }
0x34: {  	[smem:$0x3FB5] =	sst s10  }
0x35: {  	s10 =	sld [smem:$0x3FB4];
	_ =	sdelay $0x3  }
0x36: {  	p1 =	seq.s32 s10, $0x1;
	s10 =	sld [smem:$0x3FB5];
	_ =	sdelay $0x3  }
0x37: {  	[smem:$0x3FB5] =	sst s10  }
0x38: {  	s10 =	sld [smem:$0x3FB6]  }
0x39: {  	_ = 	snop;
	(pc) =	sbr.ind lr, $3  }
0x3a: {  	_ = 	snop  }
0x3b: {  	_ = 	snop  }
0x3c: {  	p2 =	seq.s32 s10, $0x1;
	s10 =	sld [smem:$0x3FB5]  }
0x3d: {  	_ =	shalt  }
0x3e: {  	_ =	shalt  }
0x3f: {  	_ =	shalt  }
0x40: {  	_ =	shalt  }
0x41: {  	_ =	shalt  }
0x42: {  	_ =	shalt  }
0x43: {  	_ =	shalt  }
0x44: {  	_ =	shalt  }
0x45: {  	_ =	shalt  }
0x46: {  	_ =	shalt  }
0x47: {  	_ =	shalt  }
0x48: {  	_ =	shalt  }
0x49: {  	_ =	shalt  }
0x4a: {  	_ =	shalt  }
0x4b: {  	_ =	shalt  }
0x4c: {  	_ =	shalt  }
0x4d: {  	_ =	shalt  }
0x4e: {  	_ =	shalt  }
0x4f: {  	_ =	shalt  }
0x50: {  	_ =	shalt  }
0x51: {  	_ =	shalt  }
0x52: {  	_ =	shalt  }
0x53: {  	_ =	shalt  }
0x54: {  	_ =	shalt  }
0x55: {  	_ =	shalt  }
0x56: {  	_ =	shalt  }
0x57: {  	_ =	shalt  }
0x58: {  	_ =	shalt  }
0x59: {  	_ =	shalt  }
0x5a: {  	_ =	shalt  }
0x5b: {  	_ =	shalt  }
0x5c: {  	_ =	shalt  }
0x5d: {  	_ =	shalt  }
0x5e: {  	_ =	shalt  }
0x5f: {  	_ =	shalt  }
0x60: {  	_ =	shalt  }
0x61: {  	_ =	shalt  }
0x62: {  	_ =	shalt  }
0x63: {  	_ =	shalt  }
0x64: {  	_ =	shalt  }
0x65: {  	_ =	shalt  }
0x66: {  	_ =	shalt  }
0x67: {  	_ =	shalt  }
0x68: {  	_ =	shalt  }
0x69: {  	_ =	shalt  }
0x6a: {  	_ =	shalt  }
0x6b: {  	_ =	shalt  }
0x6c: {  	_ =	shalt  }
0x6d: {  	_ =	shalt  }
0x6e: {  	_ =	shalt  }
0x6f: {  	_ =	shalt  }
0x70: {  	_ =	shalt  }
0x71: {  	_ =	shalt  }
0x72: {  	_ =	shalt  }
0x73: {  	_ =	shalt  }
0x74: {  	_ =	shalt  }
0x75: {  	_ =	shalt  }
0x76: {  	_ =	shalt  }
0x77: {  	_ =	shalt  }
0x78: {  	_ =	shalt  }
0x79: {  	_ =	shalt  }
0x7a: {  	_ =	shalt  }
0x7b: {  	_ =	shalt  }
0x7c: {  	_ =	shalt  }
0x7d: {  	_ =	shalt  }
0x7e: {  	_ =	shalt  }
0x7f: {  	_ =	shalt  }
0x80: {  	_ =	shalt  }
0x81: {  	_ =	shalt  }
0x82: {  	_ =	shalt  }
0x83: {  	_ =	shalt  }
0x84: {  	_ =	shalt  }
0x85: {  	_ =	shalt  }
0x86: {  	_ =	shalt  }
0x87: {  	_ =	shalt  }
.Lfunc_end0:
.L_simem_size_0:
called_computation_lowered:
.L_overlay_start_0:
0x88: {  	s2 =	sld [smem:$0x3FD9]  }
0x89: {  	s3 =	sld [smem:$0x3FFE];
	_ =	sdelay $0x1  }
0x8a: {  	s1 =	srdreg.scid  }
0x8b: {  	s0 =	sand.u32 $0x1, s1  }
0x8c: {  	s17 =	sshll.u32 s0, $0xA;
	s2 =	sadd.s32 s3, s2  }
0x8d: {  	s2 =	sadd.s32 s2, s17  }
0x8e: {  	[smem:$0x3FC1] =	sst s2  }
0x8f: {  	_ = 	snop  }
0x90: {  	s2 =	sld [smem:$0x3FD0];
	(tm) =	ssettm $0x1  }
0x91: {  	s18 =	sld [smem:$0x3FFB];
	_ =	sdelay $0x3  }
0x92: {  	_ =	strace s18  }
0x93: {  	s3 =	sld [smem:$0x3FFC];
	_ =	sdelay $0x3  }
0x94: {  	_ =	strace s3  }
0x95: {  	s3 =	sld [smem:$0x3FFD];
	_ =	sdelay $0x3  }
0x96: {  	_ =	strace s3  }
0x97: {  	_ =	strace $0x8FFFFFFF  }
0x98: {  	s19 =	sld [smem:$0x3FDB];
	_ =	sdelay $0x1  }
0x99: {  	s4 =	simm.s32 $_scs_section_size  }
0x9a: {  	s5 =	simm.s32 $_size__tile_overlayer_lowered;
	s6 =	simm.s32 $_tile_overlayer_lowered  }
0x9b: {  	s22 =	simm.s32 $0x1BFF;
	s21 =	sshll.u32 s6, $0x1;
	s3 =	sadd.s32 s4, s19  }
0x9c: {  	s7 =	simm.s32 $0x0;
	s20 =	sshll.u32 s5, $0x1;
	s5 =	sadd.s32 s21, s3  }
0x9d: {  	[timem:s7], [sflag:s22] =	dma.local [hbm:s5], s20  }
0x9e: {  	_ =	swait.ge [sflag:s22], s20  }
0x9f: {  	s4 =	ssub.s32 $0x0, s20;
	[sflag:s22] =	ssyncset.done $0x0  }
0xa0: {  	[sflag:s22] =	ssyncadd.s32 s4;
	_ =	sdelay $0x1  }
0xa1: {  	s23 =	simm.s32 $0x1B8B  }
0xa2: {  	_ =	swait.ge [sflag:s23], $0x1  }
0xa3: {  	[sflag:s23] =	ssyncset.done $0x0  }
0xa4: {  	s25 =	simm.s32 $0x1B8E;
	s24 =	sld [smem:$0x3FFE];
	[sflag:s23] =	ssyncadd.s32 $0xFFFFFFFF  }
0xa5: {  	s26 =	simm.s32 $execute0_lowered;
	[smem:$0x3FD2] =	sst s25  }
0xa6: {  	s5 =	sshll.u32 s26, $0x1;
	_ =	strace $0x80000046;
	[dreg:$0x1] =	wrdreg $0xFFFFFFFF  }
0xa7: {  	s28 =	simm.s32 $_size_execute0_lowered;
	s3 =	sadd.s32 s3, s5;
	[dreg:$0x0] =	wrdreg $0x0  }
0xa8: {  	s5 =	sshll.u32 s28, $0x1;
	[dreg:$0x2] =	wrdreg s3  }
0xa9: {  	[dreg:$0x3] =	wrdreg s5  }
0xaa: {  	[dreg:$0x4] =	wrdreg $0xC0  }
0xab: {  	_ =	task [dreg:s7], $0x5FFFF  }
0xac: {  	[dreg:$0x1] =	wrdreg $0xFFFFFFFF  }
0xad: {  	[dreg:$0x0] =	wrdreg $0x60  }
0xae: {  	[dreg:$0x2] =	wrdreg s24  }
0xaf: {  	[dreg:$0x3] =	wrdreg s2  }
0xb0: {  	[dreg:$0x4] =	wrdreg $0x7A000  }
0xb1: {  	[dreg:$0x5] =	wrdreg $0x9  }
0xb2: {  	_ =	task.clear_ibuf [dreg:s7], $0x6FFFF;
	_ =	strace $0x90000046  }
0xb3: {  	s29 =	simm.s32 $0x9;
	_ =	strace $0x80000048  }
0xb4: {  	_ =	swait.ge [sflag:s29], $0x1  }
0xb5: {  	[sflag:s29] =	ssyncadd.s32 $0xFFFFFFFF  }
0xb6: {  	_ =	strace $0x90000048  }
0xb7: {  	_ =	sfence  }
0xb8: {  	s30 =	sld [smem:$0x0];
	_ =	sdelay $0x2  }
0xb9: {  	s31 =	sshll.u32 s1, $0xD;
	s1 =	sshrl.u32 s1, $0x2  }
0xba: {  	s3 =	sand.u32 $0x4000, s31;
	s1 =	sadd.s32 s1, s30  }
0xbb: {  	s0 =	sor.u32 s3, s0;
	s1 =	sshll.u32 s1, $0x11  }
0xbc: {  	s0 =	sor.u32 s1, s0  }
0xbd: {  	s0 =	sadd.s32 $0x8F2B, s0  }
0xbe: {  	[sflag:s0] =	ssyncadd.remote.s32 $0x1  }
0xbf: {  	_ =	sfence.sel $0xFFFF  }
0xc0: {  	[dreg:$0x0] =	wrdreg $0xFFFFFFFF;
	(pc) =	sbr.abs _section_cstart, $3  }
0xc1: {  	[dreg:$0x1] =	wrdreg $0xFFFFFFFF  }
0xc2: {  	_ =	task.clear_ibuf [dreg:s7], $0x2FFFF;
	_ =	strace $0x9FFFFFFF  }
0xc3: {  	(tm) =	ssettm $0x7FFFFFFF  }
tec
execute0_lowered:
.L_overlay_start_1:
0x0: {  	(tag) =	ssettag $0x1  }
0x1: {  	s0 =	rddreg [dreg:$0x0]  }
0x2: {  	s1 =	srdreg.scid;
	s2 =	rddreg [dreg:$0x1]  }
0x3: {  	s9 =	stileid.u32;
	s4 =	rddreg [dreg:$0x2];
	s7 =	simm.s32 $0x0  }
0x4: {  	s1 =	sand.u32 $0x1, s1;
	s3 =	sshll.u32 s9, $0x1;
	s5 =	sshrl.u32 s9, $0x3  }
0x5: {  	[smem:$0x7FF] =	sst s7;
	s8 =	smul.u32 $0x5000, s9;
	s24 =	sshll.u32 s9, $0x7  }
0x6: {  	s3 =	sor.u32 s1, s3;
	s6 =	ssub.s32 $0x2, s1;
	s5 =	smul.u32 $0x50000, s5  }
0x7: {  	_ =	strace $0x80000047;
	s3 =	smul.u32 $0x4E2, s3;
	s23 =	sshrl.u32 s6, $0x1  }
0x8: {  	s26 =	sand.u32 $0x380, s24;
	s25 =	sshrl.u32 s8, $0x2;
	s6 =	ssub.s32 s6, s23  }
0x9: {  	s5 =	sshrl.u32 s5, $0x2;
	s0 =	sadd.s32 s3, s0;
	s21 =	smax.u32 s6, $0x1  }
0xa: {  	s5 =	sadd.s32 s5, s4;
	s0 =	sadd.s32 $0x1A00, s0;
	[dreg:$0x16] =	wrdreg s21  }
0xb: {  	s3 =	sadd.s32 s25, s4;
	s30 =	sadd.s32 s26, s5;
	[dreg:$0x4] =	wrdreg s0  }
0xc: {  	s4 =	sadd.s32 $0x80, s3;
	[dreg:$0x5] =	wrdreg s30  }
0xd: {  	s5 =	sadd.s32 $0x100, s3;
	[dreg:$0x6] =	wrdreg s4  }
0xe: {  	s7 =	sadd.s32 $0x180, s3;
	[dreg:$0x7] =	wrdreg s5  }
0xf: {  	s8 =	sadd.s32 $0x200, s3;
	[dreg:$0x8] =	wrdreg s7  }
0x10: {  	s10 =	sadd.s32 $0x280, s3;
	[dreg:$0x9] =	wrdreg s8  }
0x11: {  	s11 =	sadd.s32 $0x300, s3;
	[dreg:$0xa] =	wrdreg s10  }
0x12: {  	s12 =	sadd.s32 $0x380, s3;
	[dreg:$0xb] =	wrdreg s11  }
0x13: {  	s13 =	sadd.s32 $0x14000, s3;
	[dreg:$0xc] =	wrdreg s12  }
0x14: {  	s14 =	sadd.s32 $0x14080, s3;
	[dreg:$0xd] =	wrdreg s13  }
0x15: {  	s16 =	sadd.s32 $0x14180, s3;
	[dreg:$0xe] =	wrdreg s14  }
0x16: {  	s17 =	sadd.s32 $0x14200, s3;
	[dreg:$0x10] =	wrdreg s16  }
0x17: {  	s18 =	sadd.s32 $0x14280, s3;
	[dreg:$0x11] =	wrdreg s17  }
0x18: {  	s19 =	sadd.s32 $0x14300, s3;
	[dreg:$0x12] =	wrdreg s18  }
0x19: {  	s20 =	sadd.s32 $0x14380, s3;
	[dreg:$0x13] =	wrdreg s19  }
0x1a: {  	s22 =	sadd.s32 $0x400, s3;
	[dreg:$0x14] =	wrdreg s20  }
0x1b: {  	s23 =	sadd.s32 $0x800, s3;
	[dreg:$0x17] =	wrdreg s22  }
0x1c: {  	s24 =	sadd.s32 $0xC00, s3;
	[dreg:$0x18] =	wrdreg s23  }
0x1d: {  	s25 =	sadd.s32 $0x1000, s3;
	[dreg:$0x19] =	wrdreg s24  }
0x1e: {  	s26 =	sadd.s32 $0x480, s3;
	[dreg:$0x1a] =	wrdreg s25  }
0x1f: {  	s6 =	sadd.s32 $0xD00, s3;
	[dreg:$0x1b] =	wrdreg s26  }
0x20: {  	s15 =	smul.u32 $0x500, s9;
	s9 =	sadd.s32 $0x980, s3;
	[smem:$0x7CE] =	sst s6  }
0x21: {  	s21 =	sadd.s32 $0xB00, s3;
	[smem:$0x7D1] =	sst s9  }
0x22: {  	s4 =	sadd.s32 $0x14100, s3;
	[smem:$0x7DD] =	sst s21  }
0x23: {  	s1 =	sshll.u32 s1, $0x7;
	s30 =	sadd.s32 $0x880, s3;
	[dreg:$0xf] =	wrdreg s4  }
0x24: {  	s0 =	sor.u32 s1, s15;
	s1 =	sadd.s32 $0xC80, s3;
	[dreg:$0x1c] =	wrdreg s30  }
0x25: {  	s5 =	sadd.s32 $0x900, s3;
	[dreg:$0x1d] =	wrdreg s1  }
0x26: {  	s7 =	sadd.s32 $0x1100, s3;
	[smem:$0x7CD] =	sst s5  }
0x27: {  	s8 =	sadd.s32 $0x580, s3;
	[smem:$0x7CF] =	sst s7  }
0x28: {  	s10 =	sadd.s32 $0xD80, s3;
	[smem:$0x7D0] =	sst s8  }
0x29: {  	s11 =	sadd.s32 $0x1180, s3;
	[smem:$0x7D2] =	sst s10  }
0x2a: {  	s12 =	sadd.s32 $0x600, s3;
	[smem:$0x7D3] =	sst s11  }
0x2b: {  	s13 =	sadd.s32 $0xA00, s3;
	[smem:$0x7D4] =	sst s12  }
0x2c: {  	s14 =	sadd.s32 $0xE00, s3;
	[smem:$0x7D5] =	sst s13  }
0x2d: {  	s15 =	sadd.s32 $0x1200, s3;
	[smem:$0x7D6] =	sst s14  }
0x2e: {  	s16 =	sadd.s32 $0x680, s3;
	[smem:$0x7D7] =	sst s15  }
0x2f: {  	s17 =	sadd.s32 $0xA80, s3;
	[smem:$0x7D8] =	sst s16  }
0x30: {  	s18 =	sadd.s32 $0xE80, s3;
	[smem:$0x7D9] =	sst s17  }
0x31: {  	s19 =	sadd.s32 $0x1280, s3;
	[smem:$0x7DA] =	sst s18  }
0x32: {  	s20 =	sadd.s32 $0x700, s3;
	[smem:$0x7DB] =	sst s19  }
0x33: {  	s22 =	sadd.s32 $0xF00, s3;
	[smem:$0x7DC] =	sst s20  }
0x34: {  	s23 =	sadd.s32 $0x1300, s3;
	[smem:$0x7DE] =	sst s22  }
0x35: {  	s24 =	sadd.s32 $0x780, s3;
	[smem:$0x7DF] =	sst s23  }
0x36: {  	s25 =	sadd.s32 $0xB80, s3;
	[smem:$0x7E0] =	sst s24  }
0x37: {  	s26 =	sadd.s32 $0xF80, s3;
	[smem:$0x7E1] =	sst s25  }
0x38: {  	s6 =	sadd.s32 $0x14480, s3;
	[smem:$0x7E2] =	sst s26  }
0x39: {  	s9 =	sadd.s32 $0x15080, s3;
	[smem:$0x7E8] =	sst s6  }
0x3a: {  	s21 =	sadd.s32 $0x15200, s3;
	[smem:$0x7EB] =	sst s9  }
0x3b: {  	s4 =	sadd.s32 $0x500, s3;
	[smem:$0x7F7] =	sst s21  }
0x3c: {  	s30 =	sadd.s32 $0x1380, s3;
	[dreg:$0x1f] =	wrdreg s4  }
0x3d: {  	s1 =	sadd.s32 $0x14400, s3;
	[smem:$0x7E3] =	sst s30  }
0x3e: {  	s5 =	sadd.s32 $0x15000, s3;
	[smem:$0x7E4] =	sst s1  }
0x3f: {  	s7 =	sadd.s32 $0x14880, s3;
	[smem:$0x7E7] =	sst s5  }
0x40: {  	s8 =	sadd.s32 $0x14C80, s3;
	[smem:$0x7E9] =	sst s7  }
0x41: {  	s10 =	sadd.s32 $0x14500, s3;
	[smem:$0x7EA] =	sst s8  }
0x42: {  	s11 =	sadd.s32 $0x14900, s3;
	[smem:$0x7EC] =	sst s10  }
0x43: {  	s12 =	sadd.s32 $0x14D00, s3;
	[smem:$0x7ED] =	sst s11  }
0x44: {  	s13 =	sadd.s32 $0x15100, s3;
	[smem:$0x7EE] =	sst s12  }
0x45: {  	s14 =	sadd.s32 $0x14580, s3;
	[smem:$0x7EF] =	sst s13  }
0x46: {  	s15 =	sadd.s32 $0x14980, s3;
	[smem:$0x7F0] =	sst s14  }
0x47: {  	s16 =	sadd.s32 $0x14D80, s3;
	[smem:$0x7F1] =	sst s15  }
0x48: {  	s17 =	sadd.s32 $0x15180, s3;
	[smem:$0x7F2] =	sst s16  }
0x49: {  	s18 =	sadd.s32 $0x14600, s3;
	[smem:$0x7F3] =	sst s17  }
0x4a: {  	s19 =	sadd.s32 $0x14A00, s3;
	[smem:$0x7F4] =	sst s18  }
0x4b: {  	s20 =	sadd.s32 $0x14E00, s3;
	[smem:$0x7F5] =	sst s19  }
0x4c: {  	s22 =	sadd.s32 $0x14680, s3;
	[smem:$0x7F6] =	sst s20  }
0x4d: {  	s28 =	simm.s32 $0x1;
	s23 =	sadd.s32 $0x14A80, s3;
	[smem:$0x7F8] =	sst s22  }
0x4e: {  	s29 =	simm.s32 $0x2780;
	s24 =	sadd.s32 $0x14E80, s3;
	[smem:$0x7F9] =	sst s23  }
0x4f: {  	s31 =	simm.s32 $0x0;
	s25 =	sadd.s32 $0x15280, s3;
	[smem:$0x7FA] =	sst s24  }
0x50: {  	s0 =	sshrl.u32 s0, $0x3;
	s26 =	sadd.s32 $0x14700, s3;
	[smem:$0x7FB] =	sst s25  }
0x51: {  	s21 =	sadd.s32 $0x14F00, s3;
	s0 =	sadd.s32 s2, s0;
	[smem:$0x7FC] =	sst s26  }
0x52: {  	s2 =	sadd.s32 $0x1080, s3;
	s4 =	sadd.s32 $0x14C00, s3;
	[dreg:$0x15] =	wrdreg s0  }
0x53: {  	s30 =	sadd.s32 $0x14B00, s3;
	s22 =	sadd.s32 $0x15300, s3;
	[dreg:$0x1e] =	wrdreg s2  }
0x54: {  	s23 =	sadd.s32 $0x14780, s3;
	s24 =	sadd.s32 $0x14B80, s3;
	[smem:$0x7E6] =	sst s4  }
0x55: {  	s25 =	sadd.s32 $0x14F80, s3;
	s2 =	sadd.s32 $0x14800, s3;
	[smem:$0x7FD] =	sst s30  }
0x56: {  	v0 =	vimm.f32 $0.0e+00;
	v1 =	vimm.f32 $1.000000000e+00;
	s26 =	sadd.s32 $0x15380, s3;
	[smem:$0x7E5] =	sst s2;
	s2 =	simm.s32 $0x80  }
.LBB2_1:
0x57: {  	s0 =	simm.s32 $0x40;
	s1 =	simm.s32 $0x0  }
.LBB2_2:
0x58: {  	p0 =	sne.s32 s0, $0x9FC0;
	[tilespmem:s1+$0x2780] =	vst v0;
	s1 =	smov.u32 s0;
	s0 =	sadd.s32 $0x40, s0  }
.Ltmp0:
0x59: {  	(pc) =	sbr.rel @p0 .LBB2_2-.Ltmp0, $2  }
0x5a: {  	_ =	sdelay $0x2  }
0x5b: {  	s1 =	sshra.s32 s1, $0x2  }
0x5c: {  	[tilespmem:s1+$0x2780] =	vst v0;
	s0 =	simm.s32 $0x0;
	s30 =	rddreg [dreg:$0x4]  }
0x5d: {  	[tilespmem:s0], [sflag:$0x1] =	stream.linear.gather [hbm4b:s30+s0], $0x2710, $0x38;
	[tilespmem:$0xA200] =	vst v63  }
0x5e: {  	_ =	swait.ge [sflag:s28], $0x2710  }
0x5f: {  	[sflag:s28] =	ssyncset.done $0x0  }
0x60: {  	s1 =	simm.s32 $0x40;
	s0 =	simm.s32 $0xFFFFFFF8;
	[sflag:s28] =	ssyncadd.s32 $0xFFFFD8F0  }
.LBB2_4:
0x61: {  	v2 =	vld [tilespmem:s1+$0xFFFFFFC0];
	_ =	sdelay $0x7  }
0x62: {  	[tilespmem:v2+s29+$0x0] =	vst.idx.add.f32.msk $0xffff, v1  }
0x63: {  	v2 =	vld [tilespmem:s1+$0xFFFFFFD0];
	_ =	sdelay $0x7  }
0x64: {  	[tilespmem:v2+s29+$0x0] =	vst.idx.add.f32.msk $0xffff, v1  }
0x65: {  	v2 =	vld [tilespmem:s1+$0xFFFFFFE0];
	_ =	sdelay $0x7  }
0x66: {  	[tilespmem:v2+s29+$0x0] =	vst.idx.add.f32.msk $0xffff, v1  }
0x67: {  	v2 =	vld [tilespmem:s1+$0xFFFFFFF0];
	_ =	sdelay $0x7  }
0x68: {  	[tilespmem:v2+s29+$0x0] =	vst.idx.add.f32.msk $0xffff, v1  }
0x69: {  	v2 =	vld [tilespmem:s1+$0x0];
	_ =	sdelay $0x7  }
0x6a: {  	[tilespmem:v2+s29+$0x0] =	vst.idx.add.f32.msk $0xffff, v1  }
0x6b: {  	v2 =	vld [tilespmem:s1+$0x10];
	_ =	sdelay $0x7  }
0x6c: {  	[tilespmem:v2+s29+$0x0] =	vst.idx.add.f32.msk $0xffff, v1  }
0x6d: {  	v2 =	vld [tilespmem:s1+$0x20];
	_ =	sdelay $0x7  }
0x6e: {  	[tilespmem:v2+s29+$0x0] =	vst.idx.add.f32.msk $0xffff, v1  }
0x6f: {  	v2 =	vld [tilespmem:s1+$0x30];
	_ =	sdelay $0x1  }
0x70: {  	s0 =	sadd.s32 $0x8, s0  }
0x71: {  	p0 =	slt.u32 s0, $0x268  }
.Ltmp1:
0x72: {  	_ = 	snop;
	(pc) =	sbr.rel @p0 .LBB2_4-.Ltmp1, $2  }
0x73: {  	_ =	sdelay $0x2  }
0x74: {  	s1 =	sadd.s32 $0x80, s1;
	[tilespmem:v2+s29+$0x0] =	vst.idx.add.f32.msk $0xffff, v1  }
0x75: {  	v2 =	vld [tilespmem:$0x2700];
	_ =	sdelay $0x7  }
0x76: {  	s0 =	rddreg [dreg:$0x5];
	s1 =	simm.s32 $0x400;
	[tilespmem:v2+s29+$0x0] =	vst.idx.add.f32.msk $0xffff, v1  }
0x77: {  	[spmem:s0] =	stream.strided.scatter [tilespmem:s29], [sflag:$0x1], $0x2800, s1, s2, $0x38;
	[tilespmem:$0xA200] =	vst v63  }
0x78: {  	_ =	swait.ge [sflag:s28], $0x2800  }
0x79: {  	[sflag:s28] =	ssyncset.done $0x0  }
0x7a: {  	[sflag:s28] =	ssyncadd.s32 $0xFFFFD800  }
0x7b: {  	s2 =	simm.s32 $0x4F80;
	[bflag:$0x0] =	sbarrier.arrive $0xFFFF  }
0x7c: {  	[tilespmem:s2], [sflag:$0x1] =	stream.linear.gather [spmem:s3], $0x80, $0x38;
	[tilespmem:$0xA200] =	vst v63  }
0x7d: {  	s5 =	simm.s32 $0x5380;
	s4 =	rddreg [dreg:$0x17]  }
0x7e: {  	[tilespmem:s5], [sflag:$0x1] =	stream.linear.gather [spmem:s4], $0x80, $0x38;
	[tilespmem:$0xA200] =	vst v63  }
0x7f: {  	s7 =	simm.s32 $0x5780;
	s6 =	rddreg [dreg:$0x18]  }
0x80: {  	[tilespmem:s7], [sflag:$0x1] =	stream.linear.gather [spmem:s6], $0x80, $0x38;
	[tilespmem:$0xA200] =	vst v63  }
0x81: {  	s9 =	simm.s32 $0x5B80;
	s8 =	rddreg [dreg:$0x19]  }
0x82: {  	[tilespmem:s9], [sflag:$0x1] =	stream.linear.gather [spmem:s8], $0x80, $0x38;
	[tilespmem:$0xA200] =	vst v63  }
0x83: {  	s11 =	simm.s32 $0x5F80;
	s10 =	rddreg [dreg:$0x1a]  }
0x84: {  	[tilespmem:s11], [sflag:$0x1] =	stream.linear.gather [spmem:s10], $0x80, $0x38;
	[tilespmem:$0xA200] =	vst v63  }
0x85: {  	_ =	swait.ge [sflag:s28], $0x280  }
0x86: {  	[sflag:s28] =	ssyncset.done $0x0  }
0x87: {  	s13 =	simm.s32 $0x5000;
	s12 =	rddreg [dreg:$0x6];
	[sflag:s28] =	ssyncadd.s32 $0xFFFFFD80  }
0x88: {  	[tilespmem:s13], [sflag:$0x1] =	stream.linear.gather [spmem:s12], $0x80, $0x38;
	[tilespmem:$0xA200] =	vst v63  }
0x89: {  	s15 =	simm.s32 $0x5400;
	s14 =	rddreg [dreg:$0x1b]  }
0x8a: {  	[tilespmem:s15], [sflag:$0x1] =	stream.linear.gather [spmem:s14], $0x80, $0x38;
	[tilespmem:$0xA200] =	vst v63  }
0x8b: {  	s17 =	simm.s32 $0x5800;
	s16 =	rddreg [dreg:$0x1c]  }
0x8c: {  	[tilespmem:s17], [sflag:$0x1] =	stream.linear.gather [spmem:s16], $0x80, $0x38;
	[tilespmem:$0xA200] =	vst v63  }
0x8d: {  	s19 =	simm.s32 $0x5C00;
	s18 =	rddreg [dreg:$0x1d]  }
0x8e: {  	[tilespmem:s19], [sflag:$0x1] =	stream.linear.gather [spmem:s18], $0x80, $0x38;
	[tilespmem:$0xA200] =	vst v63  }
0x8f: {  	s30 =	simm.s32 $0x6000;
	s20 =	rddreg [dreg:$0x1e]  }
0x90: {  	[tilespmem:s30], [sflag:$0x1] =	stream.linear.gather [spmem:s20], $0x80, $0x38;
	[tilespmem:$0xA200] =	vst v63  }
0x91: {  	_ =	swait.ge [sflag:s28], $0x280  }
0x92: {  	[sflag:s28] =	ssyncset.done $0x0;
	s1 =	rddreg [dreg:$0x7]  }
0x93: {  	s2 =	simm.s32 $0x5080;
	s4 =	rddreg [dreg:$0x1f];
	[sflag:s28] =	ssyncadd.s32 $0xFFFFFD80  }
0x94: {  	[tilespmem:s2], [sflag:$0x1] =	stream.linear.gather [spmem:s1], $0x80, $0x38;
	[tilespmem:$0xA200] =	vst v63  }
0x95: {  	s5 =	simm.s32 $0x5480;
	s6 =	sld [smem:$0x7CD]  }
0x96: {  	[tilespmem:s5], [sflag:$0x1] =	stream.linear.gather [spmem:s4], $0x80, $0x38;
	[tilespmem:$0xA200] =	vst v63  }
0x97: {  	s7 =	simm.s32 $0x5880;
	s8 =	sld [smem:$0x7CE]  }
0x98: {  	[tilespmem:s7], [sflag:$0x1] =	stream.linear.gather [spmem:s6], $0x80, $0x38;
	[tilespmem:$0xA200] =	vst v63  }
0x99: {  	s9 =	simm.s32 $0x5C80;
	s10 =	sld [smem:$0x7CF]  }
0x9a: {  	[tilespmem:s9], [sflag:$0x1] =	stream.linear.gather [spmem:s8], $0x80, $0x38;
	[tilespmem:$0xA200] =	vst v63  }
0x9b: {  	s11 =	simm.s32 $0x6080  }
0x9c: {  	[tilespmem:s11], [sflag:$0x1] =	stream.linear.gather [spmem:s10], $0x80, $0x38;
	[tilespmem:$0xA200] =	vst v63  }
0x9d: {  	_ =	swait.ge [sflag:s28], $0x280  }
0x9e: {  	[sflag:s28] =	ssyncset.done $0x0;
	s12 =	rddreg [dreg:$0x8]  }
0x9f: {  	s13 =	simm.s32 $0x5100;
	s14 =	sld [smem:$0x7D0];
	[sflag:s28] =	ssyncadd.s32 $0xFFFFFD80  }
0xa0: {  	[tilespmem:s13], [sflag:$0x1] =	stream.linear.gather [spmem:s12], $0x80, $0x38;
	[tilespmem:$0xA200] =	vst v63  }
0xa1: {  	s15 =	simm.s32 $0x5500;
	s16 =	sld [smem:$0x7D1]  }
0xa2: {  	[tilespmem:s15], [sflag:$0x1] =	stream.linear.gather [spmem:s14], $0x80, $0x38;
	[tilespmem:$0xA200] =	vst v63  }
0xa3: {  	s17 =	simm.s32 $0x5900;
	s18 =	sld [smem:$0x7D2]  }
0xa4: {  	[tilespmem:s17], [sflag:$0x1] =	stream.linear.gather [spmem:s16], $0x80, $0x38;
	[tilespmem:$0xA200] =	vst v63  }
0xa5: {  	s19 =	simm.s32 $0x5D00;
	s20 =	sld [smem:$0x7D3]  }
0xa6: {  	[tilespmem:s19], [sflag:$0x1] =	stream.linear.gather [spmem:s18], $0x80, $0x38;
	[tilespmem:$0xA200] =	vst v63  }
0xa7: {  	s30 =	simm.s32 $0x6100  }
0xa8: {  	[tilespmem:s30], [sflag:$0x1] =	stream.linear.gather [spmem:s20], $0x80, $0x38;
	[tilespmem:$0xA200] =	vst v63  }
0xa9: {  	_ =	swait.ge [sflag:s28], $0x280  }
0xaa: {  	[sflag:s28] =	ssyncset.done $0x0;
	s1 =	rddreg [dreg:$0x9]  }
0xab: {  	s2 =	simm.s32 $0x5180;
	s4 =	sld [smem:$0x7D4];
	[sflag:s28] =	ssyncadd.s32 $0xFFFFFD80  }
0xac: {  	[tilespmem:s2], [sflag:$0x1] =	stream.linear.gather [spmem:s1], $0x80, $0x38;
	[tilespmem:$0xA200] =	vst v63  }
0xad: {  	s5 =	simm.s32 $0x5580;
	s6 =	sld [smem:$0x7D5]  }
0xae: {  	[tilespmem:s5], [sflag:$0x1] =	stream.linear.gather [spmem:s4], $0x80, $0x38;
	[tilespmem:$0xA200] =	vst v63  }
0xaf: {  	s7 =	simm.s32 $0x5980;
	s8 =	sld [smem:$0x7D6]  }
0xb0: {  	[tilespmem:s7], [sflag:$0x1] =	stream.linear.gather [spmem:s6], $0x80, $0x38;
	[tilespmem:$0xA200] =	vst v63  }
0xb1: {  	s9 =	simm.s32 $0x5D80;
	s10 =	sld [smem:$0x7D7]  }
0xb2: {  	[tilespmem:s9], [sflag:$0x1] =	stream.linear.gather [spmem:s8], $0x80, $0x38;
	[tilespmem:$0xA200] =	vst v63  }
0xb3: {  	s11 =	simm.s32 $0x6180  }
0xb4: {  	[tilespmem:s11], [sflag:$0x1] =	stream.linear.gather [spmem:s10], $0x80, $0x38;
	[tilespmem:$0xA200] =	vst v63  }
0xb5: {  	_ =	swait.ge [sflag:s28], $0x280  }
0xb6: {  	[sflag:s28] =	ssyncset.done $0x0;
	s12 =	rddreg [dreg:$0xa]  }
0xb7: {  	s13 =	simm.s32 $0x5200;
	s14 =	sld [smem:$0x7D8];
	[sflag:s28] =	ssyncadd.s32 $0xFFFFFD80  }
0xb8: {  	[tilespmem:s13], [sflag:$0x1] =	stream.linear.gather [spmem:s12], $0x80, $0x38;
	[tilespmem:$0xA200] =	vst v63  }
0xb9: {  	s15 =	simm.s32 $0x5600;
	s16 =	sld [smem:$0x7D9]  }
0xba: {  	[tilespmem:s15], [sflag:$0x1] =	stream.linear.gather [spmem:s14], $0x80, $0x38;
	[tilespmem:$0xA200] =	vst v63  }
0xbb: {  	s17 =	simm.s32 $0x5A00;
	s18 =	sld [smem:$0x7DA]  }
0xbc: {  	[tilespmem:s17], [sflag:$0x1] =	stream.linear.gather [spmem:s16], $0x80, $0x38;
	[tilespmem:$0xA200] =	vst v63  }
0xbd: {  	s19 =	simm.s32 $0x5E00;
	s20 =	sld [smem:$0x7DB]  }
0xbe: {  	[tilespmem:s19], [sflag:$0x1] =	stream.linear.gather [spmem:s18], $0x80, $0x38;
	[tilespmem:$0xA200] =	vst v63  }
0xbf: {  	s30 =	simm.s32 $0x6200  }
0xc0: {  	[tilespmem:s30], [sflag:$0x1] =	stream.linear.gather [spmem:s20], $0x80, $0x38;
	[tilespmem:$0xA200] =	vst v63  }
0xc1: {  	_ =	swait.ge [sflag:s28], $0x280  }
0xc2: {  	[sflag:s28] =	ssyncset.done $0x0;
	s1 =	rddreg [dreg:$0xb]  }
0xc3: {  	s2 =	simm.s32 $0x5280;
	s4 =	sld [smem:$0x7DC];
	[sflag:s28] =	ssyncadd.s32 $0xFFFFFD80  }
0xc4: {  	[tilespmem:s2], [sflag:$0x1] =	stream.linear.gather [spmem:s1], $0x80, $0x38;
	[tilespmem:$0xA200] =	vst v63  }
0xc5: {  	s5 =	simm.s32 $0x5680;
	s6 =	sld [smem:$0x7DD]  }
0xc6: {  	[tilespmem:s5], [sflag:$0x1] =	stream.linear.gather [spmem:s4], $0x80, $0x38;
	[tilespmem:$0xA200] =	vst v63  }
0xc7: {  	s7 =	simm.s32 $0x5A80;
	s8 =	sld [smem:$0x7DE]  }
0xc8: {  	[tilespmem:s7], [sflag:$0x1] =	stream.linear.gather [spmem:s6], $0x80, $0x38;
	[tilespmem:$0xA200] =	vst v63  }
0xc9: {  	s9 =	simm.s32 $0x5E80;
	s10 =	sld [smem:$0x7DF]  }
0xca: {  	[tilespmem:s9], [sflag:$0x1] =	stream.linear.gather [spmem:s8], $0x80, $0x38;
	[tilespmem:$0xA200] =	vst v63  }
0xcb: {  	s11 =	simm.s32 $0x6280  }
0xcc: {  	[tilespmem:s11], [sflag:$0x1] =	stream.linear.gather [spmem:s10], $0x80, $0x38;
	[tilespmem:$0xA200] =	vst v63  }
0xcd: {  	_ =	swait.ge [sflag:s28], $0x280  }
0xce: {  	[sflag:s28] =	ssyncset.done $0x0;
	s12 =	rddreg [dreg:$0xc]  }
0xcf: {  	s13 =	simm.s32 $0x5300;
	s14 =	sld [smem:$0x7E0];
	[sflag:s28] =	ssyncadd.s32 $0xFFFFFD80  }
0xd0: {  	[tilespmem:s13], [sflag:$0x1] =	stream.linear.gather [spmem:s12], $0x80, $0x38;
	[tilespmem:$0xA200] =	vst v63  }
0xd1: {  	s15 =	simm.s32 $0x5700;
	s16 =	sld [smem:$0x7E1]  }
0xd2: {  	[tilespmem:s15], [sflag:$0x1] =	stream.linear.gather [spmem:s14], $0x80, $0x38;
	[tilespmem:$0xA200] =	vst v63  }
0xd3: {  	s17 =	simm.s32 $0x5B00;
	s18 =	sld [smem:$0x7E2]  }
0xd4: {  	[tilespmem:s17], [sflag:$0x1] =	stream.linear.gather [spmem:s16], $0x80, $0x38;
	[tilespmem:$0xA200] =	vst v63  }
0xd5: {  	s19 =	simm.s32 $0x5F00;
	s20 =	sld [smem:$0x7E3]  }
0xd6: {  	[tilespmem:s19], [sflag:$0x1] =	stream.linear.gather [spmem:s18], $0x80, $0x38;
	[tilespmem:$0xA200] =	vst v63  }
0xd7: {  	s30 =	simm.s32 $0x6300  }
0xd8: {  	[tilespmem:s30], [sflag:$0x1] =	stream.linear.gather [spmem:s20], $0x80, $0x38;
	[tilespmem:$0xA200] =	vst v63  }
0xd9: {  	_ =	swait.ge [sflag:s28], $0x280  }
0xda: {  	[sflag:s28] =	ssyncset.done $0x0;
	s1 =	rddreg [dreg:$0xd]  }
0xdb: {  	s2 =	simm.s32 $0x6380;
	s4 =	sld [smem:$0x7E4];
	[sflag:s28] =	ssyncadd.s32 $0xFFFFFD80  }
0xdc: {  	[tilespmem:s2], [sflag:$0x1] =	stream.linear.gather [spmem:s1], $0x80, $0x38;
	[tilespmem:$0xA200] =	vst v63  }
0xdd: {  	s5 =	simm.s32 $0x6780;
	s6 =	sld [smem:$0x7E5]  }
0xde: {  	[tilespmem:s5], [sflag:$0x1] =	stream.linear.gather [spmem:s4], $0x80, $0x38;
	[tilespmem:$0xA200] =	vst v63  }
0xdf: {  	s7 =	simm.s32 $0x6B80;
	s8 =	sld [smem:$0x7E6]  }
0xe0: {  	[tilespmem:s7], [sflag:$0x1] =	stream.linear.gather [spmem:s6], $0x80, $0x38;
	[tilespmem:$0xA200] =	vst v63  }
0xe1: {  	s9 =	simm.s32 $0x6F80;
	s10 =	sld [smem:$0x7E7]  }
0xe2: {  	[tilespmem:s9], [sflag:$0x1] =	stream.linear.gather [spmem:s8], $0x80, $0x38;
	[tilespmem:$0xA200] =	vst v63  }
0xe3: {  	s11 =	simm.s32 $0x7380  }
0xe4: {  	[tilespmem:s11], [sflag:$0x1] =	stream.linear.gather [spmem:s10], $0x80, $0x38;
	[tilespmem:$0xA200] =	vst v63  }
0xe5: {  	_ =	swait.ge [sflag:s28], $0x280  }
0xe6: {  	[sflag:s28] =	ssyncset.done $0x0;
	s12 =	rddreg [dreg:$0xe]  }
0xe7: {  	s13 =	simm.s32 $0x6400;
	s14 =	sld [smem:$0x7E8];
	[sflag:s28] =	ssyncadd.s32 $0xFFFFFD80  }
0xe8: {  	[tilespmem:s13], [sflag:$0x1] =	stream.linear.gather [spmem:s12], $0x80, $0x38;
	[tilespmem:$0xA200] =	vst v63  }
0xe9: {  	s15 =	simm.s32 $0x6800;
	s16 =	sld [smem:$0x7E9]  }
0xea: {  	[tilespmem:s15], [sflag:$0x1] =	stream.linear.gather [spmem:s14], $0x80, $0x38;
	[tilespmem:$0xA200] =	vst v63  }
0xeb: {  	s17 =	simm.s32 $0x6C00;
	s18 =	sld [smem:$0x7EA]  }
0xec: {  	[tilespmem:s17], [sflag:$0x1] =	stream.linear.gather [spmem:s16], $0x80, $0x38;
	[tilespmem:$0xA200] =	vst v63  }
0xed: {  	s19 =	simm.s32 $0x7000;
	s20 =	sld [smem:$0x7EB]  }
0xee: {  	[tilespmem:s19], [sflag:$0x1] =	stream.linear.gather [spmem:s18], $0x80, $0x38;
	[tilespmem:$0xA200] =	vst v63  }
0xef: {  	s30 =	simm.s32 $0x7400  }
0xf0: {  	[tilespmem:s30], [sflag:$0x1] =	stream.linear.gather [spmem:s20], $0x80, $0x38;
	[tilespmem:$0xA200] =	vst v63  }
0xf1: {  	_ =	swait.ge [sflag:s28], $0x280  }
0xf2: {  	[sflag:s28] =	ssyncset.done $0x0;
	s1 =	rddreg [dreg:$0xf]  }
0xf3: {  	s2 =	simm.s32 $0x6480;
	s4 =	sld [smem:$0x7EC];
	[sflag:s28] =	ssyncadd.s32 $0xFFFFFD80  }
0xf4: {  	[tilespmem:s2], [sflag:$0x1] =	stream.linear.gather [spmem:s1], $0x80, $0x38;
	[tilespmem:$0xA200] =	vst v63  }
0xf5: {  	s5 =	simm.s32 $0x6880;
	s6 =	sld [smem:$0x7ED]  }
0xf6: {  	[tilespmem:s5], [sflag:$0x1] =	stream.linear.gather [spmem:s4], $0x80, $0x38;
	[tilespmem:$0xA200] =	vst v63  }
0xf7: {  	s7 =	simm.s32 $0x6C80;
	s8 =	sld [smem:$0x7EE]  }
0xf8: {  	[tilespmem:s7], [sflag:$0x1] =	stream.linear.gather [spmem:s6], $0x80, $0x38;
	[tilespmem:$0xA200] =	vst v63  }
0xf9: {  	s9 =	simm.s32 $0x7080;
	s10 =	sld [smem:$0x7EF]  }
0xfa: {  	[tilespmem:s9], [sflag:$0x1] =	stream.linear.gather [spmem:s8], $0x80, $0x38;
	[tilespmem:$0xA200] =	vst v63  }
0xfb: {  	s11 =	simm.s32 $0x7480  }
0xfc: {  	[tilespmem:s11], [sflag:$0x1] =	stream.linear.gather [spmem:s10], $0x80, $0x38;
	[tilespmem:$0xA200] =	vst v63  }
0xfd: {  	_ =	swait.ge [sflag:s28], $0x280  }
0xfe: {  	[sflag:s28] =	ssyncset.done $0x0;
	s12 =	rddreg [dreg:$0x10]  }
0xff: {  	s13 =	simm.s32 $0x6500;
	s14 =	sld [smem:$0x7F0];
	[sflag:s28] =	ssyncadd.s32 $0xFFFFFD80  }
0x100: {  	[tilespmem:s13], [sflag:$0x1] =	stream.linear.gather [spmem:s12], $0x80, $0x38;
	[tilespmem:$0xA200] =	vst v63  }
0x101: {  	s15 =	simm.s32 $0x6900;
	s16 =	sld [smem:$0x7F1]  }
0x102: {  	[tilespmem:s15], [sflag:$0x1] =	stream.linear.gather [spmem:s14], $0x80, $0x38;
	[tilespmem:$0xA200] =	vst v63  }
0x103: {  	s17 =	simm.s32 $0x6D00;
	s18 =	sld [smem:$0x7F2]  }
0x104: {  	[tilespmem:s17], [sflag:$0x1] =	stream.linear.gather [spmem:s16], $0x80, $0x38;
	[tilespmem:$0xA200] =	vst v63  }
0x105: {  	s19 =	simm.s32 $0x7100;
	s20 =	sld [smem:$0x7F3]  }
0x106: {  	[tilespmem:s19], [sflag:$0x1] =	stream.linear.gather [spmem:s18], $0x80, $0x38;
	[tilespmem:$0xA200] =	vst v63  }
0x107: {  	s30 =	simm.s32 $0x7500  }
0x108: {  	[tilespmem:s30], [sflag:$0x1] =	stream.linear.gather [spmem:s20], $0x80, $0x38;
	[tilespmem:$0xA200] =	vst v63  }
0x109: {  	_ =	swait.ge [sflag:s28], $0x280  }
0x10a: {  	[sflag:s28] =	ssyncset.done $0x0;
	s1 =	rddreg [dreg:$0x11]  }
0x10b: {  	s2 =	simm.s32 $0x6580;
	s4 =	sld [smem:$0x7F4];
	[sflag:s28] =	ssyncadd.s32 $0xFFFFFD80  }
0x10c: {  	[tilespmem:s2], [sflag:$0x1] =	stream.linear.gather [spmem:s1], $0x80, $0x38;
	[tilespmem:$0xA200] =	vst v63  }
0x10d: {  	s5 =	simm.s32 $0x6980;
	s6 =	sld [smem:$0x7F5]  }
0x10e: {  	[tilespmem:s5], [sflag:$0x1] =	stream.linear.gather [spmem:s4], $0x80, $0x38;
	[tilespmem:$0xA200] =	vst v63  }
0x10f: {  	s7 =	simm.s32 $0x6D80;
	s8 =	sld [smem:$0x7F6]  }
0x110: {  	[tilespmem:s7], [sflag:$0x1] =	stream.linear.gather [spmem:s6], $0x80, $0x38;
	[tilespmem:$0xA200] =	vst v63  }
0x111: {  	s9 =	simm.s32 $0x7180;
	s10 =	sld [smem:$0x7F7]  }
0x112: {  	[tilespmem:s9], [sflag:$0x1] =	stream.linear.gather [spmem:s8], $0x80, $0x38;
	[tilespmem:$0xA200] =	vst v63  }
0x113: {  	s11 =	simm.s32 $0x7580  }
0x114: {  	[tilespmem:s11], [sflag:$0x1] =	stream.linear.gather [spmem:s10], $0x80, $0x38;
	[tilespmem:$0xA200] =	vst v63  }
0x115: {  	_ =	swait.ge [sflag:s28], $0x280  }
0x116: {  	[sflag:s28] =	ssyncset.done $0x0;
	s12 =	rddreg [dreg:$0x12]  }
0x117: {  	s13 =	simm.s32 $0x6600;
	s14 =	sld [smem:$0x7F8];
	[sflag:s28] =	ssyncadd.s32 $0xFFFFFD80  }
0x118: {  	[tilespmem:s13], [sflag:$0x1] =	stream.linear.gather [spmem:s12], $0x80, $0x38;
	[tilespmem:$0xA200] =	vst v63  }
0x119: {  	s15 =	simm.s32 $0x6A00;
	s16 =	sld [smem:$0x7F9]  }
0x11a: {  	[tilespmem:s15], [sflag:$0x1] =	stream.linear.gather [spmem:s14], $0x80, $0x38;
	[tilespmem:$0xA200] =	vst v63  }
0x11b: {  	s17 =	simm.s32 $0x6E00;
	s18 =	sld [smem:$0x7FA]  }
0x11c: {  	[tilespmem:s17], [sflag:$0x1] =	stream.linear.gather [spmem:s16], $0x80, $0x38;
	[tilespmem:$0xA200] =	vst v63  }
0x11d: {  	s19 =	simm.s32 $0x7200;
	s20 =	sld [smem:$0x7FB]  }
0x11e: {  	[tilespmem:s19], [sflag:$0x1] =	stream.linear.gather [spmem:s18], $0x80, $0x38;
	[tilespmem:$0xA200] =	vst v63  }
0x11f: {  	s30 =	simm.s32 $0x7600  }
0x120: {  	[tilespmem:s30], [sflag:$0x1] =	stream.linear.gather [spmem:s20], $0x80, $0x38;
	[tilespmem:$0xA200] =	vst v63  }
0x121: {  	_ =	swait.ge [sflag:s28], $0x280  }
0x122: {  	[sflag:s28] =	ssyncset.done $0x0;
	s1 =	rddreg [dreg:$0x13]  }
0x123: {  	s2 =	simm.s32 $0x6680;
	s4 =	sld [smem:$0x7FC];
	[sflag:s28] =	ssyncadd.s32 $0xFFFFFD80  }
0x124: {  	[tilespmem:s2], [sflag:$0x1] =	stream.linear.gather [spmem:s1], $0x80, $0x38;
	[tilespmem:$0xA200] =	vst v63  }
0x125: {  	s5 =	simm.s32 $0x6A80;
	s6 =	sld [smem:$0x7FD]  }
0x126: {  	[tilespmem:s5], [sflag:$0x1] =	stream.linear.gather [spmem:s4], $0x80, $0x38;
	[tilespmem:$0xA200] =	vst v63  }
0x127: {  	s7 =	simm.s32 $0x6E80  }
0x128: {  	[tilespmem:s7], [sflag:$0x1] =	stream.linear.gather [spmem:s6], $0x80, $0x38;
	[tilespmem:$0xA200] =	vst v63  }
0x129: {  	s8 =	simm.s32 $0x7280  }
0x12a: {  	[tilespmem:s8], [sflag:$0x1] =	stream.linear.gather [spmem:s21], $0x80, $0x38;
	[tilespmem:$0xA200] =	vst v63  }
0x12b: {  	s9 =	simm.s32 $0x7680  }
0x12c: {  	[tilespmem:s9], [sflag:$0x1] =	stream.linear.gather [spmem:s22], $0x80, $0x38;
	[tilespmem:$0xA200] =	vst v63  }
0x12d: {  	_ =	swait.ge [sflag:s28], $0x280  }
0x12e: {  	[sflag:s28] =	ssyncset.done $0x0  }
0x12f: {  	s11 =	simm.s32 $0x6700;
	s10 =	rddreg [dreg:$0x14];
	[sflag:s28] =	ssyncadd.s32 $0xFFFFFD80  }
0x130: {  	[tilespmem:s11], [sflag:$0x1] =	stream.linear.gather [spmem:s10], $0x80, $0x38;
	[tilespmem:$0xA200] =	vst v63  }
0x131: {  	s12 =	simm.s32 $0x6B00  }
0x132: {  	[tilespmem:s12], [sflag:$0x1] =	stream.linear.gather [spmem:s23], $0x80, $0x38;
	[tilespmem:$0xA200] =	vst v63  }
0x133: {  	s13 =	simm.s32 $0x6F00  }
0x134: {  	[tilespmem:s13], [sflag:$0x1] =	stream.linear.gather [spmem:s24], $0x80, $0x38;
	[tilespmem:$0xA200] =	vst v63  }
0x135: {  	s14 =	simm.s32 $0x7300  }
0x136: {  	[tilespmem:s14], [sflag:$0x1] =	stream.linear.gather [spmem:s25], $0x80, $0x38;
	[tilespmem:$0xA200] =	vst v63  }
0x137: {  	s15 =	simm.s32 $0x7700;
	s11 =	simm.s32 $0x0  }
0x138: {  	[tilespmem:s15], [sflag:$0x1] =	stream.linear.gather [spmem:s26], $0x80, $0x38;
	[tilespmem:$0xA200] =	vst v63  }
0x139: {  	s10 =	sand.u32 $0x1C00, s11;
	_ =	swait.ge [sflag:s28], $0x280  }
0x13a: {  	s1 =	sand.u32 $0x40, s11;
	s0 =	sadd.s32 $0x4F80, s10;
	[sflag:s28] =	ssyncset.done $0x0  }
0x13b: {  	s4 =	sor.u32 s1, s0;
	[sflag:s28] =	ssyncadd.s32 $0xFFFFFD80  }
0x13c: {  	v2 =	vld [tilespmem:s4+$0x0];
	_ =	sdelay $0x1  }
0x13d: {  	v3 =	vld [tilespmem:s4+$0x80];
	_ =	sdelay $0x1  }
0x13e: {  	v4 =	vld [tilespmem:s4+$0x100]  }
0x13f: {  	v2 =	vadd.f32 $0.0e+00, v2  }
0x140: {  	v5 =	vld [tilespmem:s4+$0x180]  }
0x141: {  	v2 =	vadd.f32 v3, v2  }
0x142: {  	v3 =	vld [tilespmem:s4+$0x200]  }
0x143: {  	v2 =	vadd.f32 v4, v2  }
0x144: {  	v26 =	vld [tilespmem:s4+$0x280]  }
0x145: {  	v2 =	vadd.f32 v5, v2  }
0x146: {  	v27 =	vld [tilespmem:s4+$0x300]  }
0x147: {  	v2 =	vadd.f32 v3, v2  }
0x148: {  	s2 =	sor.u32 $0x6380, s10;
	v3 =	vld [tilespmem:s4+$0x380]  }
0x149: {  	s5 =	sor.u32 s1, s2;
	v2 =	vadd.f32 v26, v2  }
0x14a: {  	v28 =	vld [tilespmem:s5+$0x0];
	s4 =	sadd.s32 $0x6400, s10  }
0x14b: {  	s6 =	sor.u32 s1, s4;
	v2 =	vadd.f32 v27, v2  }
0x14c: {  	s5 =	sadd.s32 $0x6480, s10;
	v29 =	vld [tilespmem:s6+$0x0]  }
0x14d: {  	s7 =	sor.u32 s1, s5;
	v2 =	vadd.f32 v3, v2  }
0x14e: {  	s6 =	sadd.s32 $0x6500, s10;
	v3 =	vld [tilespmem:s7+$0x0]  }
0x14f: {  	s8 =	sor.u32 s1, s6;
	v2 =	vadd.f32 v28, v2  }
0x150: {  	v30 =	vld [tilespmem:s8+$0x0];
	s7 =	sadd.s32 $0x6580, s10  }
0x151: {  	s9 =	sor.u32 s1, s7;
	v2 =	vadd.f32 v29, v2  }
0x152: {  	s8 =	sadd.s32 $0x6600, s10;
	v31 =	vld [tilespmem:s9+$0x0]  }
0x153: {  	s12 =	sor.u32 s1, s8;
	v2 =	vadd.f32 v3, v2  }
0x154: {  	s9 =	sadd.s32 $0x6680, s10;
	v3 =	vld [tilespmem:s12+$0x0]  }
0x155: {  	s16 =	sor.u32 s1, s9;
	v2 =	vadd.f32 v30, v2  }
0x156: {  	s10 =	sadd.s32 $0x6700, s10;
	v32 =	vld [tilespmem:s16+$0x0]  }
0x157: {  	s17 =	sor.u32 s1, s10;
	v2 =	vadd.f32 v31, v2  }
0x158: {  	v33 =	vld [tilespmem:s17+$0x0]  }
0x159: {  	v2 =	vadd.f32 v3, v2;
	_ =	sdelay $0x1  }
0x15a: {  	v2 =	vadd.f32 v32, v2;
	_ =	sdelay $0x1  }
0x15b: {  	v2 =	vadd.f32 v33, v2  }
0x15c: {  	s18 =	simm.s32 $0x7780;
	s13 =	sor.u32 $0x10, s1  }
0x15d: {  	s19 =	sor.u32 s13, s0;
	[tilespmem:s18+$0x0] =	vst v2  }
0x15e: {  	v2 =	vld [tilespmem:s19+$0x0];
	_ =	sdelay $0x1  }
0x15f: {  	v3 =	vld [tilespmem:s19+$0x80];
	_ =	sdelay $0x1  }
0x160: {  	v34 =	vld [tilespmem:s19+$0x100]  }
0x161: {  	v2 =	vadd.f32 $0.0e+00, v2  }
0x162: {  	v35 =	vld [tilespmem:s19+$0x180]  }
0x163: {  	v2 =	vadd.f32 v3, v2  }
0x164: {  	v3 =	vld [tilespmem:s19+$0x200]  }
0x165: {  	v2 =	vadd.f32 v34, v2  }
0x166: {  	v36 =	vld [tilespmem:s19+$0x280]  }
0x167: {  	v2 =	vadd.f32 v35, v2  }
0x168: {  	v37 =	vld [tilespmem:s19+$0x300]  }
0x169: {  	v2 =	vadd.f32 v3, v2  }
0x16a: {  	v3 =	vld [tilespmem:s19+$0x380]  }
0x16b: {  	s20 =	sor.u32 s13, s2;
	v2 =	vadd.f32 v36, v2  }
0x16c: {  	v38 =	vld [tilespmem:s20+$0x0]  }
0x16d: {  	s30 =	sor.u32 s13, s4;
	v2 =	vadd.f32 v37, v2  }
0x16e: {  	v39 =	vld [tilespmem:s30+$0x0]  }
0x16f: {  	s14 =	sor.u32 s13, s5;
	v2 =	vadd.f32 v3, v2  }
0x170: {  	v3 =	vld [tilespmem:s14+$0x0]  }
0x171: {  	s15 =	sor.u32 s13, s6;
	v2 =	vadd.f32 v38, v2  }
0x172: {  	v40 =	vld [tilespmem:s15+$0x0]  }
0x173: {  	s16 =	sor.u32 s13, s7;
	v2 =	vadd.f32 v39, v2  }
0x174: {  	v41 =	vld [tilespmem:s16+$0x0]  }
0x175: {  	s17 =	sor.u32 s13, s8;
	v2 =	vadd.f32 v3, v2  }
0x176: {  	v3 =	vld [tilespmem:s17+$0x0]  }
0x177: {  	s18 =	sor.u32 s13, s9;
	v2 =	vadd.f32 v40, v2  }
0x178: {  	v42 =	vld [tilespmem:s18+$0x0]  }
0x179: {  	s19 =	sor.u32 s13, s10;
	v2 =	vadd.f32 v41, v2  }
0x17a: {  	v43 =	vld [tilespmem:s19+$0x0]  }
0x17b: {  	v2 =	vadd.f32 v3, v2;
	_ =	sdelay $0x1  }
0x17c: {  	v2 =	vadd.f32 v42, v2  }
0x17d: {  	s11 =	sand.u32 $0x380, s11  }
0x17e: {  	s11 =	sadd.s32 $0x7780, s11;
	v2 =	vadd.f32 v43, v2  }
0x17f: {  	s20 =	sor.u32 s13, s11;
	s13 =	sor.u32 $0x20, s1  }
0x180: {  	s30 =	sor.u32 s13, s0;
	[tilespmem:s20+$0x0] =	vst v2  }
0x181: {  	v2 =	vld [tilespmem:s30+$0x0];
	_ =	sdelay $0x1  }
0x182: {  	v3 =	vld [tilespmem:s30+$0x80];
	_ =	sdelay $0x1  }
0x183: {  	v44 =	vld [tilespmem:s30+$0x100]  }
0x184: {  	v2 =	vadd.f32 $0.0e+00, v2  }
0x185: {  	v45 =	vld [tilespmem:s30+$0x180]  }
0x186: {  	v2 =	vadd.f32 v3, v2  }
0x187: {  	v3 =	vld [tilespmem:s30+$0x200]  }
0x188: {  	v2 =	vadd.f32 v44, v2  }
0x189: {  	v46 =	vld [tilespmem:s30+$0x280]  }
0x18a: {  	v2 =	vadd.f32 v45, v2  }
0x18b: {  	v47 =	vld [tilespmem:s30+$0x300]  }
0x18c: {  	v2 =	vadd.f32 v3, v2  }
0x18d: {  	v3 =	vld [tilespmem:s30+$0x380]  }
0x18e: {  	s14 =	sor.u32 s13, s2;
	v2 =	vadd.f32 v46, v2  }
0x18f: {  	v48 =	vld [tilespmem:s14+$0x0]  }
0x190: {  	s15 =	sor.u32 s13, s4;
	v2 =	vadd.f32 v47, v2  }
0x191: {  	v49 =	vld [tilespmem:s15+$0x0]  }
0x192: {  	s16 =	sor.u32 s13, s5;
	v2 =	vadd.f32 v3, v2  }
0x193: {  	v3 =	vld [tilespmem:s16+$0x0]  }
0x194: {  	s17 =	sor.u32 s13, s6;
	v2 =	vadd.f32 v48, v2  }
0x195: {  	v50 =	vld [tilespmem:s17+$0x0]  }
0x196: {  	s18 =	sor.u32 s13, s7;
	v2 =	vadd.f32 v49, v2  }
0x197: {  	v51 =	vld [tilespmem:s18+$0x0]  }
0x198: {  	s19 =	sor.u32 s13, s8;
	v2 =	vadd.f32 v3, v2  }
0x199: {  	v3 =	vld [tilespmem:s19+$0x0]  }
0x19a: {  	s20 =	sor.u32 s13, s9;
	v2 =	vadd.f32 v50, v2  }
0x19b: {  	v52 =	vld [tilespmem:s20+$0x0]  }
0x19c: {  	s30 =	sor.u32 s13, s10;
	v2 =	vadd.f32 v51, v2  }
0x19d: {  	v53 =	vld [tilespmem:s30+$0x0]  }
0x19e: {  	v2 =	vadd.f32 v3, v2;
	_ =	sdelay $0x1  }
0x19f: {  	v2 =	vadd.f32 v52, v2;
	_ =	sdelay $0x1  }
0x1a0: {  	v2 =	vadd.f32 v53, v2  }
0x1a1: {  	s1 =	sor.u32 $0x30, s1;
	s13 =	sor.u32 s13, s11  }
0x1a2: {  	s0 =	sor.u32 s1, s0;
	[tilespmem:s13+$0x0] =	vst v2  }
0x1a3: {  	v2 =	vld [tilespmem:s0+$0x0];
	_ =	sdelay $0x1  }
0x1a4: {  	v3 =	vld [tilespmem:s0+$0x80];
	_ =	sdelay $0x1  }
0x1a5: {  	v54 =	vld [tilespmem:s0+$0x100]  }
0x1a6: {  	v2 =	vadd.f32 $0.0e+00, v2  }
0x1a7: {  	v55 =	vld [tilespmem:s0+$0x180]  }
0x1a8: {  	v2 =	vadd.f32 v3, v2  }
0x1a9: {  	v3 =	vld [tilespmem:s0+$0x200]  }
0x1aa: {  	v2 =	vadd.f32 v54, v2  }
0x1ab: {  	v56 =	vld [tilespmem:s0+$0x280]  }
0x1ac: {  	v2 =	vadd.f32 v55, v2  }
0x1ad: {  	v57 =	vld [tilespmem:s0+$0x300]  }
0x1ae: {  	v2 =	vadd.f32 v3, v2  }
0x1af: {  	v3 =	vld [tilespmem:s0+$0x380]  }
0x1b0: {  	s14 =	sor.u32 s1, s2;
	v2 =	vadd.f32 v56, v2  }
0x1b1: {  	v58 =	vld [tilespmem:s14+$0x0]  }
0x1b2: {  	s15 =	sor.u32 s1, s4;
	v2 =	vadd.f32 v57, v2  }
0x1b3: {  	v59 =	vld [tilespmem:s15+$0x0]  }
0x1b4: {  	s16 =	sor.u32 s1, s5;
	v2 =	vadd.f32 v3, v2  }
0x1b5: {  	v3 =	vld [tilespmem:s16+$0x0]  }
0x1b6: {  	s17 =	sor.u32 s1, s6;
	v2 =	vadd.f32 v58, v2  }
0x1b7: {  	v60 =	vld [tilespmem:s17+$0x0]  }
0x1b8: {  	s18 =	sor.u32 s1, s7;
	v2 =	vadd.f32 v59, v2  }
0x1b9: {  	v61 =	vld [tilespmem:s18+$0x0]  }
0x1ba: {  	s19 =	sor.u32 s1, s8;
	v2 =	vadd.f32 v3, v2  }
0x1bb: {  	v3 =	vld [tilespmem:s19+$0x0]  }
0x1bc: {  	s20 =	sor.u32 s1, s9;
	v2 =	vadd.f32 v60, v2  }
0x1bd: {  	v62 =	vld [tilespmem:s20+$0x0]  }
0x1be: {  	s30 =	sor.u32 s1, s10;
	v2 =	vadd.f32 v61, v2  }
0x1bf: {  	v63 =	vld [tilespmem:s30+$0x0]  }
0x1c0: {  	v2 =	vadd.f32 v3, v2;
	_ =	sdelay $0x1  }
0x1c1: {  	s7 =	simm.s32 $0x4;
	v2 =	vadd.f32 v62, v2  }
0x1c2: {  	s8 =	simm.s32 $0x200;
	s14 =	sor.u32 s1, s11;
	s1 =	simm.s32 $0x40  }
0x1c3: {  	s6 =	simm.s32 $0x77C0;
	s15 =	sand.u32 $0x1C00, s8;
	s4 =	sand.u32 $0x40, s1;
	v2 =	vadd.f32 v63, v2  }
0x1c4: {  	s5 =	sadd.s32 $0x4F80, s15;
	s2 =	sor.u32 $0x6380, s15;
	s0 =	sadd.s32 $0x6400, s15  }
.LBB2_6:
0x1c5: {  	s16 =	sor.u32 s4, s5;
	s12 =	sadd.s32 $0x6480, s15;
	s10 =	sadd.s32 $0x6500, s15;
	[tilespmem:s14+$0x0] =	vst v2  }
0x1c6: {  	s13 =	sadd.s32 $0x6580, s15;
	v2 =	vld [tilespmem:s16+$0x0];
	s14 =	sor.u32 s4, s12;
	s17 =	sor.u32 s4, s10  }
0x1c7: {  	s30 =	sadd.s32 $0x6600, s15;
	s9 =	sadd.s32 $0x6680, s15;
	s18 =	sor.u32 s4, s13  }
0x1c8: {  	s11 =	sadd.s32 $0x6700, s15;
	s19 =	sor.u32 s4, s30;
	s20 =	sor.u32 s4, s9;
	v3 =	vld [tilespmem:s16+$0x80]  }
0x1c9: {  	s7 =	sadd.s32 $0x4, s7;
	s15 =	sor.u32 s4, s11  }
0x1ca: {  	p0 =	slt.u32 s7, $0x24;
	v4 =	vld [tilespmem:s16+$0x100]  }
0x1cb: {  	v2 =	vadd.f32 $0.0e+00, v2  }
0x1cc: {  	v5 =	vld [tilespmem:s16+$0x180]  }
0x1cd: {  	v2 =	vadd.f32 v3, v2  }
0x1ce: {  	v3 =	vld [tilespmem:s16+$0x200]  }
0x1cf: {  	v2 =	vadd.f32 v4, v2  }
0x1d0: {  	v4 =	vld [tilespmem:s16+$0x280]  }
0x1d1: {  	v2 =	vadd.f32 v5, v2  }
0x1d2: {  	v5 =	vld [tilespmem:s16+$0x300]  }
0x1d3: {  	v2 =	vadd.f32 v3, v2  }
0x1d4: {  	v3 =	vld [tilespmem:s16+$0x380]  }
0x1d5: {  	s16 =	sor.u32 s4, s2;
	v2 =	vadd.f32 v4, v2  }
0x1d6: {  	v4 =	vld [tilespmem:s16+$0x0]  }
0x1d7: {  	s16 =	sor.u32 s4, s0;
	v2 =	vadd.f32 v5, v2  }
0x1d8: {  	v5 =	vld [tilespmem:s16+$0x0]  }
0x1d9: {  	v2 =	vadd.f32 v3, v2  }
0x1da: {  	v3 =	vld [tilespmem:s14+$0x0]  }
0x1db: {  	v2 =	vadd.f32 v4, v2  }
0x1dc: {  	v4 =	vld [tilespmem:s17+$0x0]  }
0x1dd: {  	v2 =	vadd.f32 v5, v2  }
0x1de: {  	v5 =	vld [tilespmem:s18+$0x0]  }
0x1df: {  	v2 =	vadd.f32 v3, v2  }
0x1e0: {  	v3 =	vld [tilespmem:s19+$0x0]  }
0x1e1: {  	v2 =	vadd.f32 v4, v2  }
0x1e2: {  	v4 =	vld [tilespmem:s20+$0x0]  }
0x1e3: {  	v2 =	vadd.f32 v5, v2  }
0x1e4: {  	v5 =	vld [tilespmem:s15+$0x0]  }
0x1e5: {  	v2 =	vadd.f32 v3, v2;
	_ =	sdelay $0x1  }
0x1e6: {  	v2 =	vadd.f32 v4, v2;
	_ =	sdelay $0x1  }
0x1e7: {  	v2 =	vadd.f32 v5, v2  }
0x1e8: {  	s15 =	sor.u32 $0x10, s4  }
0x1e9: {  	s14 =	sor.u32 s15, s5;
	[tilespmem:s6+$0x0] =	vst v2  }
0x1ea: {  	v2 =	vld [tilespmem:s14+$0x0];
	_ =	sdelay $0x1  }
0x1eb: {  	v3 =	vld [tilespmem:s14+$0x80];
	_ =	sdelay $0x1  }
0x1ec: {  	v4 =	vld [tilespmem:s14+$0x100]  }
0x1ed: {  	v2 =	vadd.f32 $0.0e+00, v2  }
0x1ee: {  	v5 =	vld [tilespmem:s14+$0x180]  }
0x1ef: {  	v2 =	vadd.f32 v3, v2  }
0x1f0: {  	v3 =	vld [tilespmem:s14+$0x200]  }
0x1f1: {  	v2 =	vadd.f32 v4, v2  }
0x1f2: {  	v4 =	vld [tilespmem:s14+$0x280]  }
0x1f3: {  	v2 =	vadd.f32 v5, v2  }
0x1f4: {  	v5 =	vld [tilespmem:s14+$0x300]  }
0x1f5: {  	v2 =	vadd.f32 v3, v2  }
0x1f6: {  	v3 =	vld [tilespmem:s14+$0x380]  }
0x1f7: {  	s14 =	sor.u32 s15, s2;
	v2 =	vadd.f32 v4, v2  }
0x1f8: {  	v4 =	vld [tilespmem:s14+$0x0]  }
0x1f9: {  	s14 =	sor.u32 s15, s0;
	v2 =	vadd.f32 v5, v2  }
0x1fa: {  	v5 =	vld [tilespmem:s14+$0x0]  }
0x1fb: {  	s14 =	sor.u32 s15, s12;
	v2 =	vadd.f32 v3, v2  }
0x1fc: {  	v3 =	vld [tilespmem:s14+$0x0]  }
0x1fd: {  	s14 =	sor.u32 s15, s10;
	v2 =	vadd.f32 v4, v2  }
0x1fe: {  	v4 =	vld [tilespmem:s14+$0x0]  }
0x1ff: {  	s14 =	sor.u32 s15, s13;
	v2 =	vadd.f32 v5, v2  }
0x200: {  	v5 =	vld [tilespmem:s14+$0x0]  }
0x201: {  	s14 =	sor.u32 s15, s30;
	v2 =	vadd.f32 v3, v2  }
0x202: {  	v3 =	vld [tilespmem:s14+$0x0]  }
0x203: {  	s14 =	sor.u32 s15, s9;
	v2 =	vadd.f32 v4, v2  }
0x204: {  	v4 =	vld [tilespmem:s14+$0x0]  }
0x205: {  	s14 =	sor.u32 s15, s11;
	v2 =	vadd.f32 v5, v2  }
0x206: {  	v5 =	vld [tilespmem:s14+$0x0]  }
0x207: {  	v2 =	vadd.f32 v3, v2;
	_ =	sdelay $0x1  }
0x208: {  	v2 =	vadd.f32 v4, v2  }
0x209: {  	s14 =	sand.u32 $0x380, s1  }
0x20a: {  	s14 =	sadd.s32 $0x7780, s14;
	v2 =	vadd.f32 v5, v2  }
0x20b: {  	s16 =	sor.u32 s15, s14;
	s15 =	sor.u32 $0x20, s4  }
0x20c: {  	[tilespmem:s16+$0x0] =	vst v2;
	s16 =	sor.u32 s15, s5  }
0x20d: {  	v2 =	vld [tilespmem:s16+$0x0];
	_ =	sdelay $0x1  }
0x20e: {  	v3 =	vld [tilespmem:s16+$0x80];
	_ =	sdelay $0x1  }
0x20f: {  	v4 =	vld [tilespmem:s16+$0x100]  }
0x210: {  	v2 =	vadd.f32 $0.0e+00, v2  }
0x211: {  	v5 =	vld [tilespmem:s16+$0x180]  }
0x212: {  	v2 =	vadd.f32 v3, v2  }
0x213: {  	v3 =	vld [tilespmem:s16+$0x200]  }
0x214: {  	v2 =	vadd.f32 v4, v2  }
0x215: {  	v4 =	vld [tilespmem:s16+$0x280]  }
0x216: {  	v2 =	vadd.f32 v5, v2  }
0x217: {  	v5 =	vld [tilespmem:s16+$0x300]  }
0x218: {  	v2 =	vadd.f32 v3, v2  }
0x219: {  	v3 =	vld [tilespmem:s16+$0x380]  }
0x21a: {  	s16 =	sor.u32 s15, s2;
	v2 =	vadd.f32 v4, v2  }
0x21b: {  	v4 =	vld [tilespmem:s16+$0x0]  }
0x21c: {  	s16 =	sor.u32 s15, s0;
	v2 =	vadd.f32 v5, v2  }
0x21d: {  	v5 =	vld [tilespmem:s16+$0x0]  }
0x21e: {  	s16 =	sor.u32 s15, s12;
	v2 =	vadd.f32 v3, v2  }
0x21f: {  	v3 =	vld [tilespmem:s16+$0x0]  }
0x220: {  	s16 =	sor.u32 s15, s10;
	v2 =	vadd.f32 v4, v2  }
0x221: {  	v4 =	vld [tilespmem:s16+$0x0]  }
0x222: {  	s16 =	sor.u32 s15, s13;
	v2 =	vadd.f32 v5, v2  }
0x223: {  	v5 =	vld [tilespmem:s16+$0x0]  }
0x224: {  	s16 =	sor.u32 s15, s30;
	v2 =	vadd.f32 v3, v2  }
0x225: {  	v3 =	vld [tilespmem:s16+$0x0]  }
0x226: {  	s16 =	sor.u32 s15, s9;
	v2 =	vadd.f32 v4, v2  }
0x227: {  	v4 =	vld [tilespmem:s16+$0x0]  }
0x228: {  	s16 =	sor.u32 s15, s11;
	v2 =	vadd.f32 v5, v2  }
0x229: {  	v5 =	vld [tilespmem:s16+$0x0]  }
0x22a: {  	v2 =	vadd.f32 v3, v2;
	_ =	sdelay $0x1  }
0x22b: {  	v2 =	vadd.f32 v4, v2;
	_ =	sdelay $0x1  }
0x22c: {  	v2 =	vadd.f32 v5, v2  }
0x22d: {  	s4 =	sor.u32 $0x30, s4;
	s15 =	sor.u32 s15, s14  }
0x22e: {  	s5 =	sor.u32 s4, s5;
	s14 =	sor.u32 s4, s14;
	[tilespmem:s15+$0x0] =	vst v2  }
0x22f: {  	v2 =	vld [tilespmem:s5+$0x0]  }
0x230: {  	v3 =	vld [tilespmem:s5+$0x80]  }
0x231: {  	v4 =	vld [tilespmem:s5+$0x100]  }
0x232: {  	v5 =	vld [tilespmem:s5+$0x180]  }
0x233: {  	v6 =	vld [tilespmem:s5+$0x200]  }
0x234: {  	v2 =	vadd.f32 $0.0e+00, v2;
	v7 =	vld [tilespmem:s5+$0x280]  }
0x235: {  	v8 =	vld [tilespmem:s5+$0x300]  }
0x236: {  	s2 =	sor.u32 s4, s2;
	v2 =	vadd.f32 v3, v2;
	v3 =	vld [tilespmem:s5+$0x380]  }
0x237: {  	s0 =	sor.u32 s4, s0;
	v9 =	vld [tilespmem:s2+$0x0]  }
0x238: {  	v2 =	vadd.f32 v4, v2;
	v4 =	vld [tilespmem:s0+$0x0];
	s0 =	sor.u32 s4, s12  }
0x239: {  	v10 =	vld [tilespmem:s0+$0x0];
	s0 =	sor.u32 s4, s10  }
0x23a: {  	v2 =	vadd.f32 v5, v2;
	v5 =	vld [tilespmem:s0+$0x0];
	s0 =	sor.u32 s4, s13  }
0x23b: {  	v11 =	vld [tilespmem:s0+$0x0];
	s0 =	sor.u32 s4, s30  }
0x23c: {  	v2 =	vadd.f32 v6, v2;
	v6 =	vld [tilespmem:s0+$0x0];
	s0 =	sor.u32 s4, s9  }
0x23d: {  	v12 =	vld [tilespmem:s0+$0x0];
	s0 =	sor.u32 s4, s11  }
0x23e: {  	v2 =	vadd.f32 v7, v2;
	v7 =	vld [tilespmem:s0+$0x0];
	_ =	sdelay $0x1  }
0x23f: {  	v2 =	vadd.f32 v8, v2;
	_ =	sdelay $0x1  }
0x240: {  	v2 =	vadd.f32 v3, v2;
	_ =	sdelay $0x1  }
0x241: {  	v2 =	vadd.f32 v9, v2;
	_ =	sdelay $0x1  }
0x242: {  	v2 =	vadd.f32 v4, v2;
	_ =	sdelay $0x1  }
0x243: {  	v2 =	vadd.f32 v10, v2;
	_ =	sdelay $0x1  }
0x244: {  	v2 =	vadd.f32 v5, v2;
	_ =	sdelay $0x1  }
0x245: {  	v2 =	vadd.f32 v11, v2;
	_ =	sdelay $0x1  }
0x246: {  	v2 =	vadd.f32 v6, v2  }
.Ltmp2:
0x247: {  	(pc) =	sbr.rel @p0 .LBB2_6-.Ltmp2, $4  }
0x248: {  	v2 =	vadd.f32 v12, v2  }
0x249: {  	s8 =	sadd.s32 $0x200, s8;
	s1 =	sadd.s32 $0x40, s1  }
0x24a: {  	s6 =	sadd.s32 $0x40, s6;
	s15 =	sand.u32 $0x1C00, s8;
	s4 =	sand.u32 $0x40, s1;
	v2 =	vadd.f32 v7, v2  }
0x24b: {  	s5 =	sadd.s32 $0x4F80, s15;
	s2 =	sor.u32 $0x6380, s15;
	s0 =	sadd.s32 $0x6400, s15  }
0x24c: {  	s7 =	sor.u32 s4, s5;
	[tilespmem:s14+$0x0] =	vst v2  }
0x24d: {  	v2 =	vld [tilespmem:s7+$0x0];
	_ =	sdelay $0x1  }
0x24e: {  	v3 =	vld [tilespmem:s7+$0x80];
	_ =	sdelay $0x1  }
0x24f: {  	v4 =	vld [tilespmem:s7+$0x100]  }
0x250: {  	v2 =	vadd.f32 $0.0e+00, v2  }
0x251: {  	v5 =	vld [tilespmem:s7+$0x180]  }
0x252: {  	v2 =	vadd.f32 v3, v2  }
0x253: {  	v3 =	vld [tilespmem:s7+$0x200]  }
0x254: {  	v2 =	vadd.f32 v4, v2  }
0x255: {  	v26 =	vld [tilespmem:s7+$0x280]  }
0x256: {  	v2 =	vadd.f32 v5, v2  }
0x257: {  	v27 =	vld [tilespmem:s7+$0x300]  }
0x258: {  	v2 =	vadd.f32 v3, v2  }
0x259: {  	v3 =	vld [tilespmem:s7+$0x380]  }
0x25a: {  	s14 =	sor.u32 s4, s2;
	v2 =	vadd.f32 v26, v2  }
0x25b: {  	v28 =	vld [tilespmem:s14+$0x0]  }
0x25c: {  	s8 =	sor.u32 s4, s0;
	v2 =	vadd.f32 v27, v2  }
0x25d: {  	v29 =	vld [tilespmem:s8+$0x0];
	s7 =	sadd.s32 $0x6480, s15  }
0x25e: {  	s9 =	sor.u32 s4, s7;
	v2 =	vadd.f32 v3, v2  }
0x25f: {  	s8 =	sadd.s32 $0x6500, s15;
	v3 =	vld [tilespmem:s9+$0x0]  }
0x260: {  	s10 =	sor.u32 s4, s8;
	v2 =	vadd.f32 v28, v2  }
0x261: {  	v30 =	vld [tilespmem:s10+$0x0];
	s9 =	sadd.s32 $0x6580, s15  }
0x262: {  	s11 =	sor.u32 s4, s9;
	v2 =	vadd.f32 v29, v2  }
0x263: {  	s10 =	sadd.s32 $0x6600, s15;
	v31 =	vld [tilespmem:s11+$0x0]  }
0x264: {  	s12 =	sor.u32 s4, s10;
	v2 =	vadd.f32 v3, v2  }
0x265: {  	s11 =	sadd.s32 $0x6680, s15;
	v3 =	vld [tilespmem:s12+$0x0]  }
0x266: {  	s13 =	sor.u32 s4, s11;
	v2 =	vadd.f32 v30, v2  }
0x267: {  	v32 =	vld [tilespmem:s13+$0x0];
	s12 =	sadd.s32 $0x6700, s15  }
0x268: {  	s15 =	sor.u32 s4, s12;
	v2 =	vadd.f32 v31, v2  }
0x269: {  	v33 =	vld [tilespmem:s15+$0x0]  }
0x26a: {  	v2 =	vadd.f32 v3, v2;
	_ =	sdelay $0x1  }
0x26b: {  	v2 =	vadd.f32 v32, v2;
	_ =	sdelay $0x1  }
0x26c: {  	v2 =	vadd.f32 v33, v2  }
0x26d: {  	s13 =	sor.u32 $0x10, s4  }
0x26e: {  	s16 =	sor.u32 s13, s5;
	[tilespmem:s6+$0x0] =	vst v2  }
0x26f: {  	v2 =	vld [tilespmem:s16+$0x0];
	_ =	sdelay $0x1  }
0x270: {  	v3 =	vld [tilespmem:s16+$0x80];
	_ =	sdelay $0x1  }
0x271: {  	v34 =	vld [tilespmem:s16+$0x100]  }
0x272: {  	v2 =	vadd.f32 $0.0e+00, v2  }
0x273: {  	v35 =	vld [tilespmem:s16+$0x180]  }
0x274: {  	v2 =	vadd.f32 v3, v2  }
0x275: {  	v3 =	vld [tilespmem:s16+$0x200]  }
0x276: {  	v2 =	vadd.f32 v34, v2  }
0x277: {  	v36 =	vld [tilespmem:s16+$0x280]  }
0x278: {  	v2 =	vadd.f32 v35, v2  }
0x279: {  	v37 =	vld [tilespmem:s16+$0x300]  }
0x27a: {  	v2 =	vadd.f32 v3, v2  }
0x27b: {  	v3 =	vld [tilespmem:s16+$0x380]  }
0x27c: {  	s17 =	sor.u32 s13, s2;
	v2 =	vadd.f32 v36, v2  }
0x27d: {  	v38 =	vld [tilespmem:s17+$0x0]  }
0x27e: {  	s18 =	sor.u32 s13, s0;
	v2 =	vadd.f32 v37, v2  }
0x27f: {  	v39 =	vld [tilespmem:s18+$0x0]  }
0x280: {  	s19 =	sor.u32 s13, s7;
	v2 =	vadd.f32 v3, v2  }
0x281: {  	v3 =	vld [tilespmem:s19+$0x0]  }
0x282: {  	s20 =	sor.u32 s13, s8;
	v2 =	vadd.f32 v38, v2  }
0x283: {  	v40 =	vld [tilespmem:s20+$0x0]  }
0x284: {  	s30 =	sor.u32 s13, s9;
	v2 =	vadd.f32 v39, v2  }
0x285: {  	v41 =	vld [tilespmem:s30+$0x0]  }
0x286: {  	s14 =	sor.u32 s13, s10;
	v2 =	vadd.f32 v3, v2  }
0x287: {  	v3 =	vld [tilespmem:s14+$0x0]  }
0x288: {  	s15 =	sor.u32 s13, s11;
	v2 =	vadd.f32 v40, v2  }
0x289: {  	v42 =	vld [tilespmem:s15+$0x0]  }
0x28a: {  	s16 =	sor.u32 s13, s12;
	v2 =	vadd.f32 v41, v2  }
0x28b: {  	v43 =	vld [tilespmem:s16+$0x0]  }
0x28c: {  	v2 =	vadd.f32 v3, v2;
	_ =	sdelay $0x1  }
0x28d: {  	v2 =	vadd.f32 v42, v2  }
0x28e: {  	s1 =	sand.u32 $0x380, s1  }
0x28f: {  	s1 =	sadd.s32 $0x7780, s1;
	v2 =	vadd.f32 v43, v2  }
0x290: {  	s17 =	sor.u32 s13, s1;
	s13 =	sor.u32 $0x20, s4  }
0x291: {  	s18 =	sor.u32 s13, s5;
	[tilespmem:s17+$0x0] =	vst v2  }
0x292: {  	v2 =	vld [tilespmem:s18+$0x0];
	_ =	sdelay $0x1  }
0x293: {  	v3 =	vld [tilespmem:s18+$0x80];
	_ =	sdelay $0x1  }
0x294: {  	v44 =	vld [tilespmem:s18+$0x100]  }
0x295: {  	v2 =	vadd.f32 $0.0e+00, v2  }
0x296: {  	v45 =	vld [tilespmem:s18+$0x180]  }
0x297: {  	v2 =	vadd.f32 v3, v2  }
0x298: {  	v3 =	vld [tilespmem:s18+$0x200]  }
0x299: {  	v2 =	vadd.f32 v44, v2  }
0x29a: {  	v46 =	vld [tilespmem:s18+$0x280]  }
0x29b: {  	v2 =	vadd.f32 v45, v2  }
0x29c: {  	v47 =	vld [tilespmem:s18+$0x300]  }
0x29d: {  	v2 =	vadd.f32 v3, v2  }
0x29e: {  	v3 =	vld [tilespmem:s18+$0x380]  }
0x29f: {  	s19 =	sor.u32 s13, s2;
	v2 =	vadd.f32 v46, v2  }
0x2a0: {  	v48 =	vld [tilespmem:s19+$0x0]  }
0x2a1: {  	s20 =	sor.u32 s13, s0;
	v2 =	vadd.f32 v47, v2  }
0x2a2: {  	v49 =	vld [tilespmem:s20+$0x0]  }
0x2a3: {  	s30 =	sor.u32 s13, s7;
	v2 =	vadd.f32 v3, v2  }
0x2a4: {  	v3 =	vld [tilespmem:s30+$0x0]  }
0x2a5: {  	s14 =	sor.u32 s13, s8;
	v2 =	vadd.f32 v48, v2  }
0x2a6: {  	v50 =	vld [tilespmem:s14+$0x0]  }
0x2a7: {  	s15 =	sor.u32 s13, s9;
	v2 =	vadd.f32 v49, v2  }
0x2a8: {  	v51 =	vld [tilespmem:s15+$0x0]  }
0x2a9: {  	s16 =	sor.u32 s13, s10;
	v2 =	vadd.f32 v3, v2  }
0x2aa: {  	v3 =	vld [tilespmem:s16+$0x0]  }
0x2ab: {  	s17 =	sor.u32 s13, s11;
	v2 =	vadd.f32 v50, v2  }
0x2ac: {  	v52 =	vld [tilespmem:s17+$0x0]  }
0x2ad: {  	s18 =	sor.u32 s13, s12;
	v2 =	vadd.f32 v51, v2  }
0x2ae: {  	v53 =	vld [tilespmem:s18+$0x0]  }
0x2af: {  	v2 =	vadd.f32 v3, v2;
	_ =	sdelay $0x1  }
0x2b0: {  	v2 =	vadd.f32 v52, v2;
	_ =	sdelay $0x1  }
0x2b1: {  	v2 =	vadd.f32 v53, v2  }
0x2b2: {  	s19 =	sor.u32 s13, s1;
	s20 =	sor.u32 $0x30, s4  }
0x2b3: {  	s30 =	sor.u32 s20, s5;
	[tilespmem:s19+$0x0] =	vst v2  }
0x2b4: {  	v2 =	vld [tilespmem:s30+$0x0];
	_ =	sdelay $0x1  }
0x2b5: {  	v3 =	vld [tilespmem:s30+$0x80];
	_ =	sdelay $0x1  }
0x2b6: {  	v54 =	vld [tilespmem:s30+$0x100]  }
0x2b7: {  	v2 =	vadd.f32 $0.0e+00, v2  }
0x2b8: {  	v55 =	vld [tilespmem:s30+$0x180]  }
0x2b9: {  	v2 =	vadd.f32 v3, v2  }
0x2ba: {  	v3 =	vld [tilespmem:s30+$0x200]  }
0x2bb: {  	v2 =	vadd.f32 v54, v2  }
0x2bc: {  	v56 =	vld [tilespmem:s30+$0x280]  }
0x2bd: {  	v2 =	vadd.f32 v55, v2  }
0x2be: {  	v57 =	vld [tilespmem:s30+$0x300]  }
0x2bf: {  	v2 =	vadd.f32 v3, v2  }
0x2c0: {  	v3 =	vld [tilespmem:s30+$0x380]  }
0x2c1: {  	s5 =	sor.u32 s20, s2;
	v2 =	vadd.f32 v56, v2  }
0x2c2: {  	v58 =	vld [tilespmem:s5+$0x0]  }
0x2c3: {  	s6 =	sor.u32 s20, s0;
	v2 =	vadd.f32 v57, v2  }
0x2c4: {  	v59 =	vld [tilespmem:s6+$0x0]  }
0x2c5: {  	s7 =	sor.u32 s20, s7;
	v2 =	vadd.f32 v3, v2  }
0x2c6: {  	v3 =	vld [tilespmem:s7+$0x0]  }
0x2c7: {  	s8 =	sor.u32 s20, s8;
	v2 =	vadd.f32 v58, v2  }
0x2c8: {  	v60 =	vld [tilespmem:s8+$0x0]  }
0x2c9: {  	s13 =	sor.u32 s20, s9;
	v2 =	vadd.f32 v59, v2  }
0x2ca: {  	v61 =	vld [tilespmem:s13+$0x0]  }
0x2cb: {  	s14 =	sor.u32 s20, s10;
	v2 =	vadd.f32 v3, v2  }
0x2cc: {  	v3 =	vld [tilespmem:s14+$0x0]  }
0x2cd: {  	s15 =	sor.u32 s20, s11;
	v2 =	vadd.f32 v60, v2  }
0x2ce: {  	v62 =	vld [tilespmem:s15+$0x0]  }
0x2cf: {  	s16 =	sor.u32 s20, s12;
	v2 =	vadd.f32 v61, v2  }
0x2d0: {  	v63 =	vld [tilespmem:s16+$0x0]  }
0x2d1: {  	v2 =	vadd.f32 v3, v2;
	_ =	sdelay $0x1  }
0x2d2: {  	v2 =	vadd.f32 v62, v2;
	_ =	sdelay $0x1  }
0x2d3: {  	v2 =	vadd.f32 v63, v2  }
0x2d4: {  	s17 =	sor.u32 s20, s1;
	s18 =	rddreg [dreg:$0x15]  }
0x2d5: {  	s2 =	simm.s32 $0x80;
	s20 =	simm.s32 $0x7780;
	s19 =	simm.s32 $0x100;
	[tilespmem:s17+$0x0] =	vst v2  }
0x2d6: {  	[hbm4b:s18+s2] =	stream.strided.scatter [tilespmem:s20], [sflag:$0x1], $0x280, s19, s2, $0x38;
	[tilespmem:$0xA200] =	vst v63  }
0x2d7: {  	_ =	swait.ge [sflag:s28], $0x280  }
0x2d8: {  	s31 =	sadd.s32 $0x1, s31;
	s30 =	rddreg [dreg:$0x16]  }
0x2d9: {  	p0 =	sne.s32 s31, s30  }
.Ltmp3:
0x2da: {  	_ = 	snop;
	(pc) =	sbr.rel @p0 .LBB2_1-.Ltmp3, $3  }
0x2db: {  	_ =	sdelay $0x1  }
0x2dc: {  	[sflag:s28] =	ssyncset.done $0x0  }
0x2dd: {  	[sflag:s28] =	ssyncadd.s32 $0xFFFFFD80  }
0x2de: {  	_ =	sfence.sel $0x180000  }
0x2df: {  	[bflag:$0x0] =	sbarrier.arrive $0xFFFF  }
0x2e0: {  	_ =	strace $0x90000047  }
0x2e1: {  	s0 =	stileid.u32;
	[bflag:$0x2] =	sbarrier.arrive $0xFFFF  }
0x2e2: {  	p0 =	sne.s32 s0, $0x0;
	s0 =	rddreg [dreg:$0x3]  }
0x2e3: {  	s0 =	sadd.s32 @!p0 $0x100000, s0  }
0x2e4: {  	[sflag:s0] =	ssyncadd.tile.s32 @!p0 $0x1;
	_ =	shalt  }
.Lfunc_end2:
_tile_overlayer_lowered:
.L_overlay_start_2:
0x2e5: {  	(tag) =	ssettag $0x2  }
0x2e6: {  	s0 =	rddreg [dreg:$0x0];
	s2 =	stileid.u32  }
0x2e7: {  	s1 =	rddreg [dreg:$0x1];
	p0 =	sne.s32 s2, $0x0  }
0x2e8: {  	s3 =	rddreg [dreg:$0x2];
	[bflag:$0x3] =	sbarrier.arrive $0xFFFF;
	s2 =	simm.s32 @!p0 $0x1C01  }
0x2e9: {  	[timem:s3], [sflag:s2] =	dma.local @!p0 [hbm:s0], s1  }
0x2ea: {  	s0 =	simm.s32 @!p0 $0x1  }
0x2eb: {  	_ =	swait.ge @!p0 [sflag:s0], s1  }
0x2ec: {  	s1 =	ssub.s32 @!p0 $0x0, s1;
	[sflag:s0] =	ssyncset.done @!p0 $0x0  }
0x2ed: {  	[sflag:s0] =	ssyncadd.s32 @!p0 s1  }
0x2ee: {  	[bflag:$0x3] =	sbarrier.arrive $0xFFFF  }
0x2ef: {  	_ =	shalt  }

// kernel: kernel.13.cloned.1.call-start
scs
__scs_entry_jumppad:
0x0: {  	(pc) =	sbr.rel $0x88, $3  }
0x1: {  	(tag) =	ssettag $0x0;
	lr =	simm.s32 $0x1  }
0x2: {  	[smem:$0x3F9A] =	sst lr;
	_ =	strace $0xD0000000  }
0x3: {  	_ = 	snop  }
0x4: {  	_ = 	snop  }
0x5: {  	_ = 	snop  }
0x6: {  	_ = 	snop  }
0x7: {  	_ = 	snop  }
__scs_overlays_trampoline_lowered:
0x8: {  	[smem:$0x3FA9] =	sst s0  }
0x9: {  	[smem:$0x3FAA] =	sst s1  }
0xa: {  	[smem:$0x3FAB] =	sst s2  }
0xb: {  	[smem:$0x3FAC] =	sst s3  }
0xc: {  	[smem:$0x3FAD] =	sst s4  }
0xd: {  	[smem:$0x3FAE] =	sst s5  }
0xe: {  	[smem:$0x3FAF] =	sst s6  }
0xf: {  	[smem:$0x3FB0] =	sst s7  }
0x10: {  	[smem:$0x3FB1] =	sst s8  }
0x11: {  	[smem:$0x3FB2] =	sst s9;
	s0 =	simm.s32 @!p0 $0x0  }
0x12: {  	s1 =	sld [smem:$0x3F98];
	s0 =	simm.s32 @p0 $0x1  }
0x13: {  	[smem:$0x3FB3] =	sst s0;
	s0 =	simm.s32 @!p1 $0x0  }
0x14: {  	s2 =	sld [smem:$0x3F97];
	s0 =	simm.s32 @p1 $0x1  }
0x15: {  	[smem:$0x3FB4] =	sst s0;
	s0 =	simm.s32 @!p2 $0x0  }
0x16: {  	s3 =	sld [smem:$0x3FDB];
	s0 =	simm.s32 @p2 $0x1  }
0x17: {  	s4 =	simm.s32 $0x1BF5;
	[smem:$0x3FB6] =	sst s0  }
0x18: {  	s0 =	sld [smem:$0x3F99];
	_ =	swait.ge [sflag:s4], $0x0  }
0x19: {  	s7 =	sld [smem:$0x3F9A]  }
0x1a: {  	s8 =	sadd.s32 $0xFFFFE003, lr  }
0x1b: {  	s9 =	sadd.s32 $0xFFFFFEF7, lr;
	s5 =	simm.s32 $0xFFFFFFFF;
	p2 =	slt.u32 s8, $0xFFFFF086  }
0x1c: {  	p1 =	slt.u32 s9, $0xF7A;
	s5 =	simm.s32 @!p2 $0x0  }
0x1d: {  	s5 =	simm.s32 @p1 $0x1;
	p0 =	seq.s32 s7, s2  }
0x1e: {  	s7 =	smul.u32 @!p0 $0xF7A, s2;
	p2 =	seq.s32 @!p0 s5, $0x0  }
0x1f: {  	s9 =	smul.u32 $0xF7A, s1;
	s8 =	simm.s32 @!p0 $0x1BF5;
	p2 =	por !p2, p0  }
0x20: {  	[sflag:s8] =	ssyncset.s32 @!p0 $0xFFFFF086;
	s6 =	sadd.s32 @!p0 s3, s7;
	s7 =	simm.s32 @!p0 $0x108  }
0x21: {  	s3 =	sadd.s32 s3, s9;
	s6 =	sadd.s32 @!p0 $0x88, s6;
	s7 =	simm.s32 @p2 $0x1082  }
0x22: {  	[simem:s7], [sflag:s8] =	dma.local @!p0 [hbm:s6], $0xF7A  }
0x23: {  	s9 =	sor.u32 $0xD0000000, s2;
	s6 =	simm.s32 $0x108;
	_ =	swait.ge @!p0 [sflag:s8], $0x0  }
0x24: {  	s3 =	sadd.s32 $0x88, s3;
	s6 =	simm.s32 @!p1 $0x1082;
	[sflag:s4] =	ssyncset.s32 $0xFFFFF086  }
0x25: {  	[simem:s6], [sflag:s4] =	dma.local [hbm:s3], $0xF7A  }
0x26: {  	[smem:$0x3F9A] =	sst s1;
	(tag) =	ssettag s2;
	_ =	strace s9  }
0x27: {  	s1 =	sld [smem:$0x3FAA]  }
0x28: {  	s2 =	sld [smem:$0x3FAB]  }
0x29: {  	s4 =	sld [smem:$0x3FAD]  }
0x2a: {  	p0 =	seq.s32 s5, $0x0;
	s5 =	sld [smem:$0x3FAE]  }
0x2b: {  	s6 =	sld [smem:$0x3FAF]  }
0x2c: {  	s7 =	sld [smem:$0x3FB0]  }
0x2d: {  	s3 =	simm.s32 $0x108;
	s8 =	sld [smem:$0x3FB1]  }
0x2e: {  	s3 =	simm.s32 @!p0 $0x1082;
	s9 =	sld [smem:$0x3FB2]  }
0x2f: {  	lr =	sadd.s32 s0, s3;
	s0 =	sld [smem:$0x3FA9]  }
0x30: {  	s3 =	sld [smem:$0x3FAC]  }
0x31: {  	[smem:$0x3FB5] =	sst s10  }
0x32: {  	s10 =	sld [smem:$0x3FB3];
	_ =	sdelay $0x3  }
0x33: {  	p0 =	seq.s32 s10, $0x1;
	s10 =	sld [smem:$0x3FB5];
	_ =	sdelay $0x3  }
0x34: {  	[smem:$0x3FB5] =	sst s10  }
0x35: {  	s10 =	sld [smem:$0x3FB4];
	_ =	sdelay $0x3  }
0x36: {  	p1 =	seq.s32 s10, $0x1;
	s10 =	sld [smem:$0x3FB5];
	_ =	sdelay $0x3  }
0x37: {  	[smem:$0x3FB5] =	sst s10  }
0x38: {  	s10 =	sld [smem:$0x3FB6]  }
0x39: {  	_ = 	snop;
	(pc) =	sbr.ind lr, $3  }
0x3a: {  	_ = 	snop  }
0x3b: {  	_ = 	snop  }
0x3c: {  	p2 =	seq.s32 s10, $0x1;
	s10 =	sld [smem:$0x3FB5]  }
0x3d: {  	_ =	shalt  }
0x3e: {  	_ =	shalt  }
0x3f: {  	_ =	shalt  }
0x40: {  	_ =	shalt  }
0x41: {  	_ =	shalt  }
0x42: {  	_ =	shalt  }
0x43: {  	_ =	shalt  }
0x44: {  	_ =	shalt  }
0x45: {  	_ =	shalt  }
0x46: {  	_ =	shalt  }
0x47: {  	_ =	shalt  }
0x48: {  	_ =	shalt  }
0x49: {  	_ =	shalt  }
0x4a: {  	_ =	shalt  }
0x4b: {  	_ =	shalt  }
0x4c: {  	_ =	shalt  }
0x4d: {  	_ =	shalt  }
0x4e: {  	_ =	shalt  }
0x4f: {  	_ =	shalt  }
0x50: {  	_ =	shalt  }
0x51: {  	_ =	shalt  }
0x52: {  	_ =	shalt  }
0x53: {  	_ =	shalt  }
0x54: {  	_ =	shalt  }
0x55: {  	_ =	shalt  }
0x56: {  	_ =	shalt  }
0x57: {  	_ =	shalt  }
0x58: {  	_ =	shalt  }
0x59: {  	_ =	shalt  }
0x5a: {  	_ =	shalt  }
0x5b: {  	_ =	shalt  }
0x5c: {  	_ =	shalt  }
0x5d: {  	_ =	shalt  }
0x5e: {  	_ =	shalt  }
0x5f: {  	_ =	shalt  }
0x60: {  	_ =	shalt  }
0x61: {  	_ =	shalt  }
0x62: {  	_ =	shalt  }
0x63: {  	_ =	shalt  }
0x64: {  	_ =	shalt  }
0x65: {  	_ =	shalt  }
0x66: {  	_ =	shalt  }
0x67: {  	_ =	shalt  }
0x68: {  	_ =	shalt  }
0x69: {  	_ =	shalt  }
0x6a: {  	_ =	shalt  }
0x6b: {  	_ =	shalt  }
0x6c: {  	_ =	shalt  }
0x6d: {  	_ =	shalt  }
0x6e: {  	_ =	shalt  }
0x6f: {  	_ =	shalt  }
0x70: {  	_ =	shalt  }
0x71: {  	_ =	shalt  }
0x72: {  	_ =	shalt  }
0x73: {  	_ =	shalt  }
0x74: {  	_ =	shalt  }
0x75: {  	_ =	shalt  }
0x76: {  	_ =	shalt  }
0x77: {  	_ =	shalt  }
0x78: {  	_ =	shalt  }
0x79: {  	_ =	shalt  }
0x7a: {  	_ =	shalt  }
0x7b: {  	_ =	shalt  }
0x7c: {  	_ =	shalt  }
0x7d: {  	_ =	shalt  }
0x7e: {  	_ =	shalt  }
0x7f: {  	_ =	shalt  }
0x80: {  	_ =	shalt  }
0x81: {  	_ =	shalt  }
0x82: {  	_ =	shalt  }
0x83: {  	_ =	shalt  }
0x84: {  	_ =	shalt  }
0x85: {  	_ =	shalt  }
0x86: {  	_ =	shalt  }
0x87: {  	_ =	shalt  }
.Lfunc_end0:
.L_simem_size_0:
called_computation.1_lowered:
.L_overlay_start_0:
0x88: {  	s2 =	sld [smem:$0x3FD9]  }
0x89: {  	s3 =	sld [smem:$0x3FFE];
	_ =	sdelay $0x1  }
0x8a: {  	s1 =	srdreg.scid  }
0x8b: {  	s0 =	sand.u32 $0x1, s1  }
0x8c: {  	s16 =	sshll.u32 s0, $0xA;
	s2 =	sadd.s32 s3, s2  }
0x8d: {  	s2 =	sadd.s32 s2, s16  }
0x8e: {  	[smem:$0x3FC1] =	sst s2  }
0x8f: {  	_ = 	snop  }
0x90: {  	(tm) =	ssettm $0x1  }
0x91: {  	s17 =	sld [smem:$0x3FFB];
	_ =	sdelay $0x3  }
0x92: {  	_ =	strace s17  }
0x93: {  	s2 =	sld [smem:$0x3FFC];
	_ =	sdelay $0x3  }
0x94: {  	_ =	strace s2  }
0x95: {  	s2 =	sld [smem:$0x3FFD];
	_ =	sdelay $0x3  }
0x96: {  	_ =	strace s2  }
0x97: {  	_ =	strace $0x8FFFFFFF  }
0x98: {  	s18 =	sld [smem:$0x3FDB];
	_ =	sdelay $0x1  }
0x99: {  	s19 =	simm.s32 $_scs_section_size  }
0x9a: {  	s4 =	simm.s32 $_size__tile_overlayer_lowered;
	s5 =	simm.s32 $_tile_overlayer_lowered  }
0x9b: {  	s22 =	simm.s32 $0x1BFF;
	s21 =	sshll.u32 s5, $0x1;
	s2 =	sadd.s32 s19, s18  }
0x9c: {  	s6 =	simm.s32 $0x0;
	s20 =	sshll.u32 s4, $0x1;
	s4 =	sadd.s32 s21, s2  }
0x9d: {  	[timem:s6], [sflag:s22] =	dma.local [hbm:s4], s20  }
0x9e: {  	_ =	swait.ge [sflag:s22], s20  }
0x9f: {  	s3 =	ssub.s32 $0x0, s20;
	[sflag:s22] =	ssyncset.done $0x0  }
0xa0: {  	[sflag:s22] =	ssyncadd.s32 s3;
	_ =	sdelay $0x1  }
0xa1: {  	s23 =	simm.s32 $0x1B8B  }
0xa2: {  	_ =	swait.ge [sflag:s23], $0x1  }
0xa3: {  	[sflag:s23] =	ssyncset.done $0x0  }
0xa4: {  	s25 =	simm.s32 $0x1B8E;
	s24 =	sld [smem:$0x3FFE];
	[sflag:s23] =	ssyncadd.s32 $0xFFFFFFFF  }
0xa5: {  	s26 =	simm.s32 $execute0_lowered;
	[smem:$0x3FD2] =	sst s25  }
0xa6: {  	s4 =	sshll.u32 s26, $0x1;
	_ =	strace $0x80000049;
	[dreg:$0x1] =	wrdreg $0xFFFFFFFF  }
0xa7: {  	s28 =	simm.s32 $_size_execute0_lowered;
	s2 =	sadd.s32 s2, s4;
	[dreg:$0x0] =	wrdreg $0x0  }
0xa8: {  	s4 =	sshll.u32 s28, $0x1;
	[dreg:$0x2] =	wrdreg s2  }
0xa9: {  	[dreg:$0x3] =	wrdreg s4  }
0xaa: {  	[dreg:$0x4] =	wrdreg $0xC0  }
0xab: {  	_ =	task [dreg:s6], $0x5FFFF  }
0xac: {  	[dreg:$0x1] =	wrdreg $0xFFFFFFFF  }
0xad: {  	[dreg:$0x0] =	wrdreg $0x60  }
0xae: {  	[dreg:$0x2] =	wrdreg s24  }
0xaf: {  	[dreg:$0x3] =	wrdreg $0x90000  }
0xb0: {  	[dreg:$0x4] =	wrdreg $0x9  }
0xb1: {  	_ =	task.clear_ibuf [dreg:s6], $0x5FFFF;
	_ =	strace $0x90000049  }
0xb2: {  	s29 =	simm.s32 $0x9;
	_ =	strace $0x8000004B  }
0xb3: {  	_ =	swait.ge [sflag:s29], $0x1  }
0xb4: {  	[sflag:s29] =	ssyncadd.s32 $0xFFFFFFFF  }
0xb5: {  	_ =	strace $0x9000004B  }
0xb6: {  	_ =	sfence  }
0xb7: {  	s30 =	sld [smem:$0x0];
	_ =	sdelay $0x2  }
0xb8: {  	s31 =	sshll.u32 s1, $0xD;
	s1 =	sshrl.u32 s1, $0x2  }
0xb9: {  	s3 =	sand.u32 $0x4000, s31;
	s1 =	sadd.s32 s1, s30  }
0xba: {  	s0 =	sor.u32 s3, s0;
	s1 =	sshll.u32 s1, $0x11  }
0xbb: {  	s0 =	sor.u32 s1, s0  }
0xbc: {  	s0 =	sadd.s32 $0x8F2B, s0  }
0xbd: {  	[sflag:s0] =	ssyncadd.remote.s32 $0x1  }
0xbe: {  	_ =	sfence.sel $0xFFFF  }
0xbf: {  	[dreg:$0x0] =	wrdreg $0xFFFFFFFF;
	(pc) =	sbr.abs _section_cstart, $3  }
0xc0: {  	[dreg:$0x1] =	wrdreg $0xFFFFFFFF  }
0xc1: {  	_ =	task.clear_ibuf [dreg:s6], $0x2FFFF;
	_ =	strace $0x9FFFFFFF  }
0xc2: {  	(tm) =	ssettm $0x7FFFFFFF  }
0xc3: {  	_ =	shalt  }
tec
execute0_lowered:
.L_overlay_start_1:
0x0: {  	(tag) =	ssettag $0x1  }
0x1: {  	s5 =	rddreg [dreg:$0x0]  }
0x2: {  	s2 =	rddreg [dreg:$0x1];
	s3 =	simm.s32 $0x0  }
0x3: {  	s0 =	stileid.u32;
	s7 =	srdreg.scid;
	s17 =	simm.s32 $0x1  }
0x4: {  	s19 =	simm.s32 $0x5000;
	s20 =	simm.s32 $0x2;
	s22 =	simm.s32 $0x3  }
0x5: {  	s23 =	simm.s32 $0x100;
	[smem:$0x7FF] =	sst s3;
	s6 =	smul.u32 $0x14000, s0  }
0x6: {  	s4 =	sadd.s32 $0x1F800, s5;
	s7 =	sand.u32 $0x1, s7;
	s24 =	smul.u32 $0x50000, s0  }
0x7: {  	s12 =	sadd.s32 $0x15800, s5;
	s11 =	sadd.s32 $0xB800, s5;
	s15 =	smul.u32 $0x5000, s0  }
0x8: {  	s10 =	sshll.u32 s0, $0x1;
	s28 =	sshll.u32 s0, $0x6;
	s9 =	smul.u32 $0x140000, s7  }
0x9: {  	s10 =	sor.u32 s7, s10;
	s13 =	ssub.s32 $0x2, s7;
	s7 =	smul.u32 $0x2800, s7  }
0xa: {  	_ =	strace $0x8000004A;
	s8 =	sshrl.u32 s6, $0x3;
	s10 =	smul.u32 $0x2800, s10  }
0xb: {  	s25 =	sshrl.u32 s13, $0x1;
	s26 =	sshrl.u32 s24, $0x2;
	s24 =	simm.s32 $0x4  }
0xc: {  	s8 =	sadd.s32 s8, s5;
	s6 =	sadd.s32 s6, s9;
	s13 =	ssub.s32 s13, s25  }
0xd: {  	s16 =	sadd.s32 s26, s2;
	s30 =	sadd.s32 s7, s15;
	s25 =	simm.s32 $0x0  }
0xe: {  	s6 =	sshrl.u32 s6, $0x3;
	s29 =	sshrl.u32 s10, $0x3;
	s15 =	sor.u32 $0x200, s30  }
.Ltmp0:
0xf: {  	s10 =	smax.u32 s13, $0x1;
	s13 =	sshrl.u32 s16, $0x3;
	(pc) =	sbr.rel .LBB2_1-.Ltmp0, $4  }
0x10: {  	s16 =	simm.s32 $0x1000;
	s14 =	sadd.s32 s6, s5;
	s5 =	sadd.s32 $0x46A00, s8  }
0x11: {  	s6 =	sor.u32 $0x1C05, s28;
	s7 =	sadd.s32 s12, s29;
	s8 =	sadd.s32 s11, s29  }
0x12: {  	s31 =	sshrl.u32 s15, $0x3;
	s15 =	simm.s32 $0x7D;
	s9 =	sadd.s32 $0x6EA00, s14  }
0x13: {  	s11 =	sadd.s32 s31, s11;
	s12 =	sadd.s32 s31, s12;
	s14 =	simm.s32 $0x5  }
.LBB2_4:
0x14: {  	_ =	swait.ge [sflag:s22], $0x3E80  }
0x15: {  	[sflag:s22] =	ssyncset.done $0x0  }
0x16: {  	[sflag:s22] =	ssyncadd.s32 $0xFFFFC180  }
0x17: {  	_ =	swait.ge [sflag:s24], $0x3E80  }
0x18: {  	s25 =	sadd.s32 $0x1, s25;
	[sflag:s24] =	ssyncset.done $0x0  }
0x19: {  	p0 =	sne.s32 s25, s10;
	[sflag:s24] =	ssyncadd.s32 $0xFFFFC180  }
.Ltmp1:
0x1a: {  	[bflag:$0x0] =	sbarrier.arrive $0xFFFF;
	(pc) =	sbr.rel @!p0 .LBB2_5-.Ltmp1, $4  }
0x1b: {  	[hbm:s9], [sflag:s6] =	dma.local [spmem:s13], $0x2800  }
0x1c: {  	_ =	swait.ge [sflag:s14], $0x2800  }
0x1d: {  	[sflag:s14] =	ssyncset.done $0x0  }
0x1e: {  	[sflag:s14] =	ssyncadd.s32 $0xFFFFD800  }
.LBB2_1:
0x1f: {  	[spmem:s13], [sflag:s6] =	dma.local [hbm:s5], $0x2800  }
0x20: {  	_ =	swait.ge [sflag:s14], $0x2800  }
0x21: {  	[sflag:s14] =	ssyncset.done $0x0  }
0x22: {  	[sflag:s14] =	ssyncadd.s32 $0xFFFFD800  }
0x23: {  	[bflag:$0x0] =	sbarrier.arrive $0xFFFF  }
0x24: {  	[tilespmem:s3], [sflag:$0x5] =	stream.linear.gather [hbm4b:s7+s3], $0x400, $0x38;
	[tilespmem:$0x1D000] =	vst v63  }
0x25: {  	_ =	swait.ge [sflag:s14], $0x400  }
0x26: {  	[sflag:s14] =	ssyncset.done $0x0  }
0x27: {  	s26 =	simm.s32 $0x800;
	[sflag:s14] =	ssyncadd.s32 $0xFFFFFC00  }
0x28: {  	[tilespmem:s26], [sflag:$0x5] =	stream.linear.gather [hbm4b:s8+s3], $0x400, $0x38;
	[tilespmem:$0x1D000] =	vst v63  }
0x29: {  	_ =	swait.ge [sflag:s14], $0x400  }
0x2a: {  	[sflag:s14] =	ssyncset.done $0x0  }
0x2b: {  	[sflag:s14] =	ssyncadd.s32 $0xFFFFFC00  }
0x2c: {  	[tilespmem:s16], [sflag:$0x1] =	stream.indirect.gather [hbm4b:s4+s15], $0x80, s3, s15, $0xb8;
	[tilespmem:$0x1D000] =	vst v63  }
0x2d: {  	_ =	swait.ge [sflag:s17], $0x3E80  }
0x2e: {  	[sflag:s17] =	ssyncset.done $0x0  }
0x2f: {  	[sflag:s17] =	ssyncadd.s32 $0xFFFFC180  }
0x30: {  	[spmem:s2] =	stream.indirect.scatter.add.f32 [tilespmem:s16], [sflag:$0x3], $0x80, s26, s15, $0xb8;
	[tilespmem:$0x1D000] =	vst v63  }
0x31: {  	s0 =	simm.s32 $0x80  }
0x32: {  	[tilespmem:s19], [sflag:$0x2] =	stream.indirect.gather [hbm4b:s4+s15], $0x80, s0, s15, $0xb8;
	[tilespmem:$0x1D000] =	vst v63  }
0x33: {  	_ =	swait.ge [sflag:s20], $0x3E80  }
0x34: {  	[sflag:s20] =	ssyncset.done $0x0  }
0x35: {  	s21 =	simm.s32 $0x880;
	[sflag:s20] =	ssyncadd.s32 $0xFFFFC180  }
0x36: {  	[spmem:s2] =	stream.indirect.scatter.add.f32 [tilespmem:s19], [sflag:$0x4], $0x80, s21, s15, $0xb8;
	[tilespmem:$0x1D000] =	vst v63  }
0x37: {  	_ =	swait.ge [sflag:s22], $0x3E80  }
0x38: {  	s28 =	simm.s32 $0x200;
	s29 =	simm.s32 $0x4;
	[sflag:s22] =	ssyncset.done $0x0  }
0x39: {  	s30 =	smov.u32 s12;
	s31 =	smov.u32 s11;
	[sflag:s22] =	ssyncadd.s32 $0xFFFFC180  }
0x3a: {  	[tilespmem:s16], [sflag:$0x1] =	stream.indirect.gather [hbm4b:s4+s15], $0x80, s23, s15, $0xb8;
	[tilespmem:$0x1D000] =	vst v63  }
.LBB2_2:
0x3b: {  	s0 =	sadd.s32 $0xFFFFFC00, s26  }
0x3c: {  	s1 =	sand.u32 $0x1000, s0  }
0x3d: {  	_ =	swait.ge [sflag:s17], $0x3E80;
	s0 =	sand.u32 $0xC00, s0;
	s1 =	sshrl.u32 s1, $0x2  }
0x3e: {  	[sflag:s17] =	ssyncset.done $0x0;
	s21 =	sshrl.u32 s0, $0x2;
	s18 =	sor.u32 $0x800, s1  }
0x3f: {  	[sflag:s17] =	ssyncadd.s32 $0xFFFFC180;
	s21 =	sor.u32 s21, s18  }
0x40: {  	[spmem:s2] =	stream.indirect.scatter.add.f32 [tilespmem:s16], [sflag:$0x3], $0x80, s21, s15, $0xb8;
	[tilespmem:$0x1D000] =	vst v63  }
0x41: {  	s0 =	sor.u32 $0x200, s0;
	_ =	swait.ge [sflag:s24], $0x3E80  }
0x42: {  	s0 =	sshrl.u32 s0, $0x2;
	[sflag:s24] =	ssyncset.done $0x0  }
0x43: {  	p0 =	seq.s32 s29, $0x50;
	s1 =	sor.u32 s0, s1;
	[sflag:s24] =	ssyncadd.s32 $0xFFFFC180  }
0x44: {  	[tilespmem:s19], [sflag:$0x2] =	stream.indirect.gather [hbm4b:s4+s15], $0x80, s1, s15, $0xb8;
	[tilespmem:$0x1D000] =	vst v63  }
.Ltmp2:
0x45: {  	_ = 	snop;
	(pc) =	sbr.rel @p0 .LBB2_4-.Ltmp2, $4  }
0x46: {  	_ =	swait.ge [sflag:s20], $0x3E80  }
0x47: {  	[sflag:s20] =	ssyncset.done $0x0  }
0x48: {  	s0 =	sor.u32 s0, s18;
	[sflag:s20] =	ssyncadd.s32 $0xFFFFC180  }
0x49: {  	[spmem:s2] =	stream.indirect.scatter.add.f32 [tilespmem:s19], [sflag:$0x4], $0x80, s0, s15, $0xb8;
	[tilespmem:$0x1D000] =	vst v63  }
0x4a: {  	s0 =	sand.u32 $0x6, s29  }
0x4b: {  	p0 =	sne.s32 s0, $0x0  }
0x4c: {  	s1 =	sand.u32 @!p0 $0x400, s28;
	s18 =	simm.s32 @!p0 $0x0;
	s21 =	simm.s32 @!p0 $0x5  }
0x4d: {  	[tilespmem:s1], [sflag:$0x5] =	stream.linear.gather @!p0 [hbm4b:s30+s18], $0x400, $0x38;
	[tilespmem:$0x1D000] =	vst v63  }
0x4e: {  	_ =	swait.ge @!p0 [sflag:s21], $0x400  }
0x4f: {  	[sflag:s21] =	ssyncset.done @!p0 $0x0  }
0x50: {  	s1 =	sor.u32 @!p0 $0x800, s1;
	[sflag:s21] =	ssyncadd.s32 @!p0 $0xFFFFFC00  }
0x51: {  	[tilespmem:s1], [sflag:$0x5] =	stream.linear.gather @!p0 [hbm4b:s31+s18], $0x400, $0x38;
	[tilespmem:$0x1D000] =	vst v63  }
0x52: {  	_ =	swait.ge @!p0 [sflag:s21], $0x400  }
0x53: {  	s29 =	sadd.s32 $0x2, s29;
	s0 =	sshll.u32 s0, $0x7;
	[sflag:s21] =	ssyncset.done @!p0 $0x0  }
.Ltmp3:
0x54: {  	s28 =	sadd.s32 $0x100, s28;
	[sflag:s21] =	ssyncadd.s32 @!p0 $0xFFFFFC00;
	(pc) =	sbr.rel .LBB2_2-.Ltmp3, $4  }
0x55: {  	s30 =	sadd.s32 $0x20, s30;
	s21 =	sand.u32 $0x1000, s26;
	_ =	swait.ge [sflag:s22], $0x3E80  }
0x56: {  	s31 =	sadd.s32 $0x20, s31;
	s1 =	sshrl.u32 s21, $0x2;
	[sflag:s22] =	ssyncset.done $0x0  }
0x57: {  	s26 =	sadd.s32 $0x400, s26;
	s0 =	sor.u32 s0, s1;
	[sflag:s22] =	ssyncadd.s32 $0xFFFFC180  }
0x58: {  	[tilespmem:s16], [sflag:$0x1] =	stream.indirect.gather [hbm4b:s4+s15], $0x80, s0, s15, $0xb8;
	[tilespmem:$0x1D000] =	vst v63  }
.LBB2_5:
0x59: {  	_ =	sfence.sel $0x180000  }
0x5a: {  	[bflag:$0x0] =	sbarrier.arrive $0xFFFF  }
0x5b: {  	_ =	strace $0x9000004A  }
0x5c: {  	s0 =	stileid.u32;
	[bflag:$0x2] =	sbarrier.arrive $0xFFFF  }
0x5d: {  	p0 =	sne.s32 s0, $0x0;
	s0 =	rddreg [dreg:$0x2]  }
0x5e: {  	s0 =	sadd.s32 @!p0 $0x100000, s0  }
0x5f: {  	[sflag:s0] =	ssyncadd.tile.s32 @!p0 $0x1;
	_ =	shalt  }
.Lfunc_end2:
_tile_overlayer_lowered:
.L_overlay_start_2:
0x60: {  	(tag) =	ssettag $0x2  }
0x61: {  	s0 =	rddreg [dreg:$0x0];
	s2 =	stileid.u32  }
0x62: {  	s1 =	rddreg [dreg:$0x1];
	p0 =	sne.s32 s2, $0x0  }
0x63: {  	s3 =	rddreg [dreg:$0x2];
	[bflag:$0x3] =	sbarrier.arrive $0xFFFF;
	s2 =	simm.s32 @!p0 $0x1C05  }
0x64: {  	[timem:s3], [sflag:s2] =	dma.local @!p0 [hbm:s0], s1  }
0x65: {  	s0 =	simm.s32 @!p0 $0x5  }
0x66: {  	_ =	swait.ge @!p0 [sflag:s0], s1  }
0x67: {  	s1 =	ssub.s32 @!p0 $0x0, s1;
	[sflag:s0] =	ssyncset.done @!p0 $0x0  }
0x68: {  	[sflag:s0] =	ssyncadd.s32 @!p0 s1  }
0x69: {  	[bflag:$0x3] =	sbarrier.arrive $0xFFFF  }
0x6a: {  	_ =	shalt  }

// kernel: kernel.16.cloned.1.call-start
scs
__scs_entry_jumppad:
0x0: {  	(pc) =	sbr.rel $0x88, $3  }
0x1: {  	(tag) =	ssettag $0x0;
	lr =	simm.s32 $0x1  }
0x2: {  	[smem:$0x3F9A] =	sst lr;
	_ =	strace $0xD0000000  }
0x3: {  	_ = 	snop  }
0x4: {  	_ = 	snop  }
0x5: {  	_ = 	snop  }
0x6: {  	_ = 	snop  }
0x7: {  	_ = 	snop  }
__scs_overlays_trampoline_lowered:
0x8: {  	[smem:$0x3FA9] =	sst s0  }
0x9: {  	[smem:$0x3FAA] =	sst s1  }
0xa: {  	[smem:$0x3FAB] =	sst s2  }
0xb: {  	[smem:$0x3FAC] =	sst s3  }
0xc: {  	[smem:$0x3FAD] =	sst s4  }
0xd: {  	[smem:$0x3FAE] =	sst s5  }
0xe: {  	[smem:$0x3FAF] =	sst s6  }
0xf: {  	[smem:$0x3FB0] =	sst s7  }
0x10: {  	[smem:$0x3FB1] =	sst s8  }
0x11: {  	[smem:$0x3FB2] =	sst s9;
	s0 =	simm.s32 @!p0 $0x0  }
0x12: {  	s1 =	sld [smem:$0x3F98];
	s0 =	simm.s32 @p0 $0x1  }
0x13: {  	[smem:$0x3FB3] =	sst s0;
	s0 =	simm.s32 @!p1 $0x0  }
0x14: {  	s2 =	sld [smem:$0x3F97];
	s0 =	simm.s32 @p1 $0x1  }
0x15: {  	[smem:$0x3FB4] =	sst s0;
	s0 =	simm.s32 @!p2 $0x0  }
0x16: {  	s3 =	sld [smem:$0x3FDB];
	s0 =	simm.s32 @p2 $0x1  }
0x17: {  	s4 =	simm.s32 $0x1BF5;
	[smem:$0x3FB6] =	sst s0  }
0x18: {  	s0 =	sld [smem:$0x3F99];
	_ =	swait.ge [sflag:s4], $0x0  }
0x19: {  	s7 =	sld [smem:$0x3F9A]  }
0x1a: {  	s8 =	sadd.s32 $0xFFFFE003, lr  }
0x1b: {  	s9 =	sadd.s32 $0xFFFFFEF7, lr;
	s5 =	simm.s32 $0xFFFFFFFF;
	p2 =	slt.u32 s8, $0xFFFFF086  }
0x1c: {  	p1 =	slt.u32 s9, $0xF7A;
	s5 =	simm.s32 @!p2 $0x0  }
0x1d: {  	s5 =	simm.s32 @p1 $0x1;
	p0 =	seq.s32 s7, s2  }
0x1e: {  	s7 =	smul.u32 @!p0 $0xF7A, s2;
	p2 =	seq.s32 @!p0 s5, $0x0  }
0x1f: {  	s9 =	smul.u32 $0xF7A, s1;
	s8 =	simm.s32 @!p0 $0x1BF5;
	p2 =	por !p2, p0  }
0x20: {  	[sflag:s8] =	ssyncset.s32 @!p0 $0xFFFFF086;
	s6 =	sadd.s32 @!p0 s3, s7;
	s7 =	simm.s32 @!p0 $0x108  }
0x21: {  	s3 =	sadd.s32 s3, s9;
	s6 =	sadd.s32 @!p0 $0x88, s6;
	s7 =	simm.s32 @p2 $0x1082  }
0x22: {  	[simem:s7], [sflag:s8] =	dma.local @!p0 [hbm:s6], $0xF7A  }
0x23: {  	s9 =	sor.u32 $0xD0000000, s2;
	s6 =	simm.s32 $0x108;
	_ =	swait.ge @!p0 [sflag:s8], $0x0  }
0x24: {  	s3 =	sadd.s32 $0x88, s3;
	s6 =	simm.s32 @!p1 $0x1082;
	[sflag:s4] =	ssyncset.s32 $0xFFFFF086  }
0x25: {  	[simem:s6], [sflag:s4] =	dma.local [hbm:s3], $0xF7A  }
0x26: {  	[smem:$0x3F9A] =	sst s1;
	(tag) =	ssettag s2;
	_ =	strace s9  }
0x27: {  	s1 =	sld [smem:$0x3FAA]  }
0x28: {  	s2 =	sld [smem:$0x3FAB]  }
0x29: {  	s4 =	sld [smem:$0x3FAD]  }
0x2a: {  	p0 =	seq.s32 s5, $0x0;
	s5 =	sld [smem:$0x3FAE]  }
0x2b: {  	s6 =	sld [smem:$0x3FAF]  }
0x2c: {  	s7 =	sld [smem:$0x3FB0]  }
0x2d: {  	s3 =	simm.s32 $0x108;
	s8 =	sld [smem:$0x3FB1]  }
0x2e: {  	s3 =	simm.s32 @!p0 $0x1082;
	s9 =	sld [smem:$0x3FB2]  }
0x2f: {  	lr =	sadd.s32 s0, s3;
	s0 =	sld [smem:$0x3FA9]  }
0x30: {  	s3 =	sld [smem:$0x3FAC]  }
0x31: {  	[smem:$0x3FB5] =	sst s10  }
0x32: {  	s10 =	sld [smem:$0x3FB3];
	_ =	sdelay $0x3  }
0x33: {  	p0 =	seq.s32 s10, $0x1;
	s10 =	sld [smem:$0x3FB5];
	_ =	sdelay $0x3  }
0x34: {  	[smem:$0x3FB5] =	sst s10  }
0x35: {  	s10 =	sld [smem:$0x3FB4];
	_ =	sdelay $0x3  }
0x36: {  	p1 =	seq.s32 s10, $0x1;
	s10 =	sld [smem:$0x3FB5];
	_ =	sdelay $0x3  }
0x37: {  	[smem:$0x3FB5] =	sst s10  }
0x38: {  	s10 =	sld [smem:$0x3FB6]  }
0x39: {  	_ = 	snop;
	(pc) =	sbr.ind lr, $3  }
0x3a: {  	_ = 	snop  }
0x3b: {  	_ = 	snop  }
0x3c: {  	p2 =	seq.s32 s10, $0x1;
	s10 =	sld [smem:$0x3FB5]  }
0x3d: {  	_ =	shalt  }
0x3e: {  	_ =	shalt  }
0x3f: {  	_ =	shalt  }
0x40: {  	_ =	shalt  }
0x41: {  	_ =	shalt  }
0x42: {  	_ =	shalt  }
0x43: {  	_ =	shalt  }
0x44: {  	_ =	shalt  }
0x45: {  	_ =	shalt  }
0x46: {  	_ =	shalt  }
0x47: {  	_ =	shalt  }
0x48: {  	_ =	shalt  }
0x49: {  	_ =	shalt  }
0x4a: {  	_ =	shalt  }
0x4b: {  	_ =	shalt  }
0x4c: {  	_ =	shalt  }
0x4d: {  	_ =	shalt  }
0x4e: {  	_ =	shalt  }
0x4f: {  	_ =	shalt  }
0x50: {  	_ =	shalt  }
0x51: {  	_ =	shalt  }
0x52: {  	_ =	shalt  }
0x53: {  	_ =	shalt  }
0x54: {  	_ =	shalt  }
0x55: {  	_ =	shalt  }
0x56: {  	_ =	shalt  }
0x57: {  	_ =	shalt  }
0x58: {  	_ =	shalt  }
0x59: {  	_ =	shalt  }
0x5a: {  	_ =	shalt  }
0x5b: {  	_ =	shalt  }
0x5c: {  	_ =	shalt  }
0x5d: {  	_ =	shalt  }
0x5e: {  	_ =	shalt  }
0x5f: {  	_ =	shalt  }
0x60: {  	_ =	shalt  }
0x61: {  	_ =	shalt  }
0x62: {  	_ =	shalt  }
0x63: {  	_ =	shalt  }
0x64: {  	_ =	shalt  }
0x65: {  	_ =	shalt  }
0x66: {  	_ =	shalt  }
0x67: {  	_ =	shalt  }
0x68: {  	_ =	shalt  }
0x69: {  	_ =	shalt  }
0x6a: {  	_ =	shalt  }
0x6b: {  	_ =	shalt  }
0x6c: {  	_ =	shalt  }
0x6d: {  	_ =	shalt  }
0x6e: {  	_ =	shalt  }
0x6f: {  	_ =	shalt  }
0x70: {  	_ =	shalt  }
0x71: {  	_ =	shalt  }
0x72: {  	_ =	shalt  }
0x73: {  	_ =	shalt  }
0x74: {  	_ =	shalt  }
0x75: {  	_ =	shalt  }
0x76: {  	_ =	shalt  }
0x77: {  	_ =	shalt  }
0x78: {  	_ =	shalt  }
0x79: {  	_ =	shalt  }
0x7a: {  	_ =	shalt  }
0x7b: {  	_ =	shalt  }
0x7c: {  	_ =	shalt  }
0x7d: {  	_ =	shalt  }
0x7e: {  	_ =	shalt  }
0x7f: {  	_ =	shalt  }
0x80: {  	_ =	shalt  }
0x81: {  	_ =	shalt  }
0x82: {  	_ =	shalt  }
0x83: {  	_ =	shalt  }
0x84: {  	_ =	shalt  }
0x85: {  	_ =	shalt  }
0x86: {  	_ =	shalt  }
0x87: {  	_ =	shalt  }
.Lfunc_end0:
.L_simem_size_0:
called_computation.2_lowered:
.L_overlay_start_0:
0x88: {  	s2 =	sld [smem:$0x3FD9]  }
0x89: {  	s3 =	sld [smem:$0x3FFE];
	_ =	sdelay $0x1  }
0x8a: {  	s1 =	srdreg.scid  }
0x8b: {  	s0 =	sand.u32 $0x1, s1  }
0x8c: {  	s16 =	sshll.u32 s0, $0xA;
	s2 =	sadd.s32 s3, s2  }
0x8d: {  	s2 =	sadd.s32 s2, s16  }
0x8e: {  	[smem:$0x3FC1] =	sst s2  }
0x8f: {  	_ = 	snop  }
0x90: {  	(tm) =	ssettm $0x1  }
0x91: {  	s17 =	sld [smem:$0x3FFB];
	_ =	sdelay $0x3  }
0x92: {  	_ =	strace s17  }
0x93: {  	s2 =	sld [smem:$0x3FFC];
	_ =	sdelay $0x3  }
0x94: {  	_ =	strace s2  }
0x95: {  	s2 =	sld [smem:$0x3FFD];
	_ =	sdelay $0x3  }
0x96: {  	_ =	strace s2  }
0x97: {  	_ =	strace $0x8FFFFFFF  }
0x98: {  	s18 =	sld [smem:$0x3FDB];
	_ =	sdelay $0x1  }
0x99: {  	s19 =	simm.s32 $_scs_section_size  }
0x9a: {  	s4 =	simm.s32 $_size__tile_overlayer_lowered;
	s5 =	simm.s32 $_tile_overlayer_lowered  }
0x9b: {  	s22 =	simm.s32 $0x1BFF;
	s21 =	sshll.u32 s5, $0x1;
	s2 =	sadd.s32 s19, s18  }
0x9c: {  	s6 =	simm.s32 $0x0;
	s20 =	sshll.u32 s4, $0x1;
	s4 =	sadd.s32 s21, s2  }
0x9d: {  	[timem:s6], [sflag:s22] =	dma.local [hbm:s4], s20  }
0x9e: {  	_ =	swait.ge [sflag:s22], s20  }
0x9f: {  	s3 =	ssub.s32 $0x0, s20;
	[sflag:s22] =	ssyncset.done $0x0  }
0xa0: {  	[sflag:s22] =	ssyncadd.s32 s3;
	_ =	sdelay $0x1  }
0xa1: {  	s23 =	simm.s32 $0x1B8B  }
0xa2: {  	_ =	swait.ge [sflag:s23], $0x1  }
0xa3: {  	[sflag:s23] =	ssyncset.done $0x0  }
0xa4: {  	s25 =	simm.s32 $0x1B8E;
	s24 =	sld [smem:$0x3FFE];
	[sflag:s23] =	ssyncadd.s32 $0xFFFFFFFF  }
0xa5: {  	s26 =	simm.s32 $execute0_lowered;
	[smem:$0x3FD2] =	sst s25  }
0xa6: {  	s4 =	sshll.u32 s26, $0x1;
	_ =	strace $0x8000004C;
	[dreg:$0x1] =	wrdreg $0xFFFFFFFF  }
0xa7: {  	s28 =	simm.s32 $_size_execute0_lowered;
	s2 =	sadd.s32 s2, s4;
	[dreg:$0x0] =	wrdreg $0x0  }
0xa8: {  	s4 =	sshll.u32 s28, $0x1;
	[dreg:$0x2] =	wrdreg s2  }
0xa9: {  	[dreg:$0x3] =	wrdreg s4  }
0xaa: {  	[dreg:$0x4] =	wrdreg $0xC0  }
0xab: {  	_ =	task [dreg:s6], $0x5FFFF  }
0xac: {  	[dreg:$0x1] =	wrdreg $0xFFFFFFFF  }
0xad: {  	[dreg:$0x0] =	wrdreg $0x60  }
0xae: {  	[dreg:$0x2] =	wrdreg s24  }
0xaf: {  	[dreg:$0x3] =	wrdreg $0x90000  }
0xb0: {  	[dreg:$0x4] =	wrdreg $0x9  }
0xb1: {  	_ =	task.clear_ibuf [dreg:s6], $0x5FFFF;
	_ =	strace $0x9000004C  }
0xb2: {  	s29 =	simm.s32 $0x9;
	_ =	strace $0x8000004E  }
0xb3: {  	_ =	swait.ge [sflag:s29], $0x1  }
0xb4: {  	[sflag:s29] =	ssyncadd.s32 $0xFFFFFFFF  }
0xb5: {  	_ =	strace $0x9000004E  }
0xb6: {  	_ =	sfence  }
0xb7: {  	s30 =	sld [smem:$0x0];
	_ =	sdelay $0x2  }
0xb8: {  	s31 =	sshll.u32 s1, $0xD;
	s1 =	sshrl.u32 s1, $0x2  }
0xb9: {  	s3 =	sand.u32 $0x4000, s31;
	s1 =	sadd.s32 s1, s30  }
0xba: {  	s0 =	sor.u32 s3, s0;
	s1 =	sshll.u32 s1, $0x11  }
0xbb: {  	s0 =	sor.u32 s1, s0  }
0xbc: {  	s0 =	sadd.s32 $0x8F2B, s0  }
0xbd: {  	[sflag:s0] =	ssyncadd.remote.s32 $0x1  }
0xbe: {  	_ =	sfence.sel $0xFFFF  }
0xbf: {  	[dreg:$0x0] =	wrdreg $0xFFFFFFFF;
	(pc) =	sbr.abs _section_cstart, $3  }
0xc0: {  	[dreg:$0x1] =	wrdreg $0xFFFFFFFF  }
0xc1: {  	_ =	task.clear_ibuf [dreg:s6], $0x2FFFF;
	_ =	strace $0x9FFFFFFF  }
0xc2: {  	(tm) =	ssettm $0x7FFFFFFF  }
0xc3: {  	_ =	shalt  }
tec
execute0_lowered:
.L_overlay_start_1:
0x0: {  	(tag) =	ssettag $0x1  }
0x1: {  	s5 =	rddreg [dreg:$0x0]  }
0x2: {  	s2 =	rddreg [dreg:$0x1];
	s3 =	simm.s32 $0x0  }
0x3: {  	s0 =	stileid.u32;
	s7 =	srdreg.scid;
	s17 =	simm.s32 $0x1  }
0x4: {  	s19 =	simm.s32 $0x5000;
	s20 =	simm.s32 $0x2;
	s22 =	simm.s32 $0x3  }
0x5: {  	s23 =	simm.s32 $0x100;
	[smem:$0x7FF] =	sst s3;
	s6 =	smul.u32 $0x14000, s0  }
0x6: {  	s4 =	sadd.s32 $0x1F800, s5;
	s7 =	sand.u32 $0x1, s7;
	s24 =	smul.u32 $0x50000, s0  }
0x7: {  	s12 =	sadd.s32 $0x15800, s5;
	s11 =	sadd.s32 $0xB800, s5;
	s15 =	smul.u32 $0x5000, s0  }
0x8: {  	s10 =	sshll.u32 s0, $0x1;
	s28 =	sshll.u32 s0, $0x6;
	s9 =	smul.u32 $0x140000, s7  }
0x9: {  	s10 =	sor.u32 s7, s10;
	s13 =	ssub.s32 $0x2, s7;
	s7 =	smul.u32 $0x2800, s7  }
0xa: {  	_ =	strace $0x8000004D;
	s8 =	sshrl.u32 s6, $0x3;
	s10 =	smul.u32 $0x2800, s10  }
0xb: {  	s25 =	sshrl.u32 s13, $0x1;
	s26 =	sshrl.u32 s24, $0x2;
	s24 =	simm.s32 $0x4  }
0xc: {  	s8 =	sadd.s32 s8, s5;
	s6 =	sadd.s32 s6, s9;
	s13 =	ssub.s32 s13, s25  }
0xd: {  	s16 =	sadd.s32 s26, s2;
	s30 =	sadd.s32 s7, s15;
	s25 =	simm.s32 $0x0  }
0xe: {  	s6 =	sshrl.u32 s6, $0x3;
	s29 =	sshrl.u32 s10, $0x3;
	s15 =	sor.u32 $0x200, s30  }
.Ltmp0:
0xf: {  	s10 =	smax.u32 s13, $0x1;
	s13 =	sshrl.u32 s16, $0x3;
	(pc) =	sbr.rel .LBB2_1-.Ltmp0, $4  }
0x10: {  	s16 =	simm.s32 $0x1000;
	s14 =	sadd.s32 s6, s5;
	s5 =	sadd.s32 $0x46A00, s8  }
0x11: {  	s6 =	sor.u32 $0x1C05, s28;
	s7 =	sadd.s32 s12, s29;
	s8 =	sadd.s32 s11, s29  }
0x12: {  	s31 =	sshrl.u32 s15, $0x3;
	s15 =	simm.s32 $0x7D;
	s9 =	sadd.s32 $0x6EA00, s14  }
0x13: {  	s11 =	sadd.s32 s31, s11;
	s12 =	sadd.s32 s31, s12;
	s14 =	simm.s32 $0x5  }
.LBB2_4:
0x14: {  	_ =	swait.ge [sflag:s22], $0x3E80  }
0x15: {  	[sflag:s22] =	ssyncset.done $0x0  }
0x16: {  	[sflag:s22] =	ssyncadd.s32 $0xFFFFC180  }
0x17: {  	_ =	swait.ge [sflag:s24], $0x3E80  }
0x18: {  	s25 =	sadd.s32 $0x1, s25;
	[sflag:s24] =	ssyncset.done $0x0  }
0x19: {  	p0 =	sne.s32 s25, s10;
	[sflag:s24] =	ssyncadd.s32 $0xFFFFC180  }
.Ltmp1:
0x1a: {  	[bflag:$0x0] =	sbarrier.arrive $0xFFFF;
	(pc) =	sbr.rel @!p0 .LBB2_5-.Ltmp1, $4  }
0x1b: {  	[hbm:s9], [sflag:s6] =	dma.local [spmem:s13], $0x2800  }
0x1c: {  	_ =	swait.ge [sflag:s14], $0x2800  }
0x1d: {  	[sflag:s14] =	ssyncset.done $0x0  }
0x1e: {  	[sflag:s14] =	ssyncadd.s32 $0xFFFFD800  }
.LBB2_1:
0x1f: {  	[spmem:s13], [sflag:s6] =	dma.local [hbm:s5], $0x2800  }
0x20: {  	_ =	swait.ge [sflag:s14], $0x2800  }
0x21: {  	[sflag:s14] =	ssyncset.done $0x0  }
0x22: {  	[sflag:s14] =	ssyncadd.s32 $0xFFFFD800  }
0x23: {  	[bflag:$0x0] =	sbarrier.arrive $0xFFFF  }
0x24: {  	[tilespmem:s3], [sflag:$0x5] =	stream.linear.gather [hbm4b:s7+s3], $0x400, $0x38;
	[tilespmem:$0x1D000] =	vst v63  }
0x25: {  	_ =	swait.ge [sflag:s14], $0x400  }
0x26: {  	[sflag:s14] =	ssyncset.done $0x0  }
0x27: {  	s26 =	simm.s32 $0x800;
	[sflag:s14] =	ssyncadd.s32 $0xFFFFFC00  }
0x28: {  	[tilespmem:s26], [sflag:$0x5] =	stream.linear.gather [hbm4b:s8+s3], $0x400, $0x38;
	[tilespmem:$0x1D000] =	vst v63  }
0x29: {  	_ =	swait.ge [sflag:s14], $0x400  }
0x2a: {  	[sflag:s14] =	ssyncset.done $0x0  }
0x2b: {  	[sflag:s14] =	ssyncadd.s32 $0xFFFFFC00  }
0x2c: {  	[tilespmem:s16], [sflag:$0x1] =	stream.indirect.gather [hbm4b:s4+s15], $0x80, s3, s15, $0xb8;
	[tilespmem:$0x1D000] =	vst v63  }
0x2d: {  	_ =	swait.ge [sflag:s17], $0x3E80  }
0x2e: {  	[sflag:s17] =	ssyncset.done $0x0  }
0x2f: {  	[sflag:s17] =	ssyncadd.s32 $0xFFFFC180  }
0x30: {  	[spmem:s2] =	stream.indirect.scatter.add.f32 [tilespmem:s16], [sflag:$0x3], $0x80, s26, s15, $0xb8;
	[tilespmem:$0x1D000] =	vst v63  }
0x31: {  	s0 =	simm.s32 $0x80  }
0x32: {  	[tilespmem:s19], [sflag:$0x2] =	stream.indirect.gather [hbm4b:s4+s15], $0x80, s0, s15, $0xb8;
	[tilespmem:$0x1D000] =	vst v63  }
0x33: {  	_ =	swait.ge [sflag:s20], $0x3E80  }
0x34: {  	[sflag:s20] =	ssyncset.done $0x0  }
0x35: {  	s21 =	simm.s32 $0x880;
	[sflag:s20] =	ssyncadd.s32 $0xFFFFC180  }
0x36: {  	[spmem:s2] =	stream.indirect.scatter.add.f32 [tilespmem:s19], [sflag:$0x4], $0x80, s21, s15, $0xb8;
	[tilespmem:$0x1D000] =	vst v63  }
0x37: {  	_ =	swait.ge [sflag:s22], $0x3E80  }
0x38: {  	s28 =	simm.s32 $0x200;
	s29 =	simm.s32 $0x4;
	[sflag:s22] =	ssyncset.done $0x0  }
0x39: {  	s30 =	smov.u32 s12;
	s31 =	smov.u32 s11;
	[sflag:s22] =	ssyncadd.s32 $0xFFFFC180  }
0x3a: {  	[tilespmem:s16], [sflag:$0x1] =	stream.indirect.gather [hbm4b:s4+s15], $0x80, s23, s15, $0xb8;
	[tilespmem:$0x1D000] =	vst v63  }
.LBB2_2:
0x3b: {  	s0 =	sadd.s32 $0xFFFFFC00, s26  }
0x3c: {  	s1 =	sand.u32 $0x1000, s0  }
0x3d: {  	_ =	swait.ge [sflag:s17], $0x3E80;
	s0 =	sand.u32 $0xC00, s0;
	s1 =	sshrl.u32 s1, $0x2  }
0x3e: {  	[sflag:s17] =	ssyncset.done $0x0;
	s21 =	sshrl.u32 s0, $0x2;
	s18 =	sor.u32 $0x800, s1  }
0x3f: {  	[sflag:s17] =	ssyncadd.s32 $0xFFFFC180;
	s21 =	sor.u32 s21, s18  }
0x40: {  	[spmem:s2] =	stream.indirect.scatter.add.f32 [tilespmem:s16], [sflag:$0x3], $0x80, s21, s15, $0xb8;
	[tilespmem:$0x1D000] =	vst v63  }
0x41: {  	s0 =	sor.u32 $0x200, s0;
	_ =	swait.ge [sflag:s24], $0x3E80  }
0x42: {  	s0 =	sshrl.u32 s0, $0x2;
	[sflag:s24] =	ssyncset.done $0x0  }
0x43: {  	p0 =	seq.s32 s29, $0x50;
	s1 =	sor.u32 s0, s1;
	[sflag:s24] =	ssyncadd.s32 $0xFFFFC180  }
0x44: {  	[tilespmem:s19], [sflag:$0x2] =	stream.indirect.gather [hbm4b:s4+s15], $0x80, s1, s15, $0xb8;
	[tilespmem:$0x1D000] =	vst v63  }
.Ltmp2:
0x45: {  	_ = 	snop;
	(pc) =	sbr.rel @p0 .LBB2_4-.Ltmp2, $4  }
0x46: {  	_ =	swait.ge [sflag:s20], $0x3E80  }
0x47: {  	[sflag:s20] =	ssyncset.done $0x0  }
0x48: {  	s0 =	sor.u32 s0, s18;
	[sflag:s20] =	ssyncadd.s32 $0xFFFFC180  }
0x49: {  	[spmem:s2] =	stream.indirect.scatter.add.f32 [tilespmem:s19], [sflag:$0x4], $0x80, s0, s15, $0xb8;
	[tilespmem:$0x1D000] =	vst v63  }
0x4a: {  	s0 =	sand.u32 $0x6, s29  }
0x4b: {  	p0 =	sne.s32 s0, $0x0  }
0x4c: {  	s1 =	sand.u32 @!p0 $0x400, s28;
	s18 =	simm.s32 @!p0 $0x0;
	s21 =	simm.s32 @!p0 $0x5  }
0x4d: {  	[tilespmem:s1], [sflag:$0x5] =	stream.linear.gather @!p0 [hbm4b:s30+s18], $0x400, $0x38;
	[tilespmem:$0x1D000] =	vst v63  }
0x4e: {  	_ =	swait.ge @!p0 [sflag:s21], $0x400  }
0x4f: {  	[sflag:s21] =	ssyncset.done @!p0 $0x0  }
0x50: {  	s1 =	sor.u32 @!p0 $0x800, s1;
	[sflag:s21] =	ssyncadd.s32 @!p0 $0xFFFFFC00  }
0x51: {  	[tilespmem:s1], [sflag:$0x5] =	stream.linear.gather @!p0 [hbm4b:s31+s18], $0x400, $0x38;
	[tilespmem:$0x1D000] =	vst v63  }
0x52: {  	_ =	swait.ge @!p0 [sflag:s21], $0x400  }
0x53: {  	s29 =	sadd.s32 $0x2, s29;
	s0 =	sshll.u32 s0, $0x7;
	[sflag:s21] =	ssyncset.done @!p0 $0x0  }
.Ltmp3:
0x54: {  	s28 =	sadd.s32 $0x100, s28;
	[sflag:s21] =	ssyncadd.s32 @!p0 $0xFFFFFC00;
	(pc) =	sbr.rel .LBB2_2-.Ltmp3, $4  }
0x55: {  	s30 =	sadd.s32 $0x20, s30;
	s21 =	sand.u32 $0x1000, s26;
	_ =	swait.ge [sflag:s22], $0x3E80  }
0x56: {  	s31 =	sadd.s32 $0x20, s31;
	s1 =	sshrl.u32 s21, $0x2;
	[sflag:s22] =	ssyncset.done $0x0  }
0x57: {  	s26 =	sadd.s32 $0x400, s26;
	s0 =	sor.u32 s0, s1;
	[sflag:s22] =	ssyncadd.s32 $0xFFFFC180  }
0x58: {  	[tilespmem:s16], [sflag:$0x1] =	stream.indirect.gather [hbm4b:s4+s15], $0x80, s0, s15, $0xb8;
	[tilespmem:$0x1D000] =	vst v63  }
.LBB2_5:
0x59: {  	_ =	sfence.sel $0x180000  }
0x5a: {  	[bflag:$0x0] =	sbarrier.arrive $0xFFFF  }
0x5b: {  	_ =	strace $0x9000004D  }
0x5c: {  	s0 =	stileid.u32;
	[bflag:$0x2] =	sbarrier.arrive $0xFFFF  }
0x5d: {  	p0 =	sne.s32 s0, $0x0;
	s0 =	rddreg [dreg:$0x2]  }
0x5e: {  	s0 =	sadd.s32 @!p0 $0x100000, s0  }
0x5f: {  	[sflag:s0] =	ssyncadd.tile.s32 @!p0 $0x1;
	_ =	shalt  }
.Lfunc_end2:
_tile_overlayer_lowered:
.L_overlay_start_2:
0x60: {  	(tag) =	ssettag $0x2  }
0x61: {  	s0 =	rddreg [dreg:$0x0];
	s2 =	stileid.u32  }
0x62: {  	s1 =	rddreg [dreg:$0x1];
	p0 =	sne.s32 s2, $0x0  }
0x63: {  	s3 =	rddreg [dreg:$0x2];
	[bflag:$0x3] =	sbarrier.arrive $0xFFFF;
	s2 =	simm.s32 @!p0 $0x1C05  }
0x64: {  	[timem:s3], [sflag:s2] =	dma.local @!p0 [hbm:s0], s1  }
0x65: {  	s0 =	simm.s32 @!p0 $0x5  }
0x66: {  	_ =	swait.ge @!p0 [sflag:s0], s1  }
0x67: {  	s1 =	ssub.s32 @!p0 $0x0, s1;
	[sflag:s0] =	ssyncset.done @!p0 $0x0  }
0x68: {  	[sflag:s0] =	ssyncadd.s32 @!p0 s1  }
0x69: {  	[bflag:$0x3] =	sbarrier.arrive $0xFFFF  }
0x6a: {  	_ =	shalt  }

// kernel: kernel.19.cloned.1.call-start
scs
__scs_entry_jumppad:
0x0: {  	(pc) =	sbr.rel $0x88, $3  }
0x1: {  	(tag) =	ssettag $0x0;
	lr =	simm.s32 $0x1  }
0x2: {  	[smem:$0x3F9A] =	sst lr;
	_ =	strace $0xD0000000  }
0x3: {  	_ = 	snop  }
0x4: {  	_ = 	snop  }
0x5: {  	_ = 	snop  }
0x6: {  	_ = 	snop  }
0x7: {  	_ = 	snop  }
__scs_overlays_trampoline_lowered:
0x8: {  	[smem:$0x3FA9] =	sst s0  }
0x9: {  	[smem:$0x3FAA] =	sst s1  }
0xa: {  	[smem:$0x3FAB] =	sst s2  }
0xb: {  	[smem:$0x3FAC] =	sst s3  }
0xc: {  	[smem:$0x3FAD] =	sst s4  }
0xd: {  	[smem:$0x3FAE] =	sst s5  }
0xe: {  	[smem:$0x3FAF] =	sst s6  }
0xf: {  	[smem:$0x3FB0] =	sst s7  }
0x10: {  	[smem:$0x3FB1] =	sst s8  }
0x11: {  	[smem:$0x3FB2] =	sst s9;
	s0 =	simm.s32 @!p0 $0x0  }
0x12: {  	s1 =	sld [smem:$0x3F98];
	s0 =	simm.s32 @p0 $0x1  }
0x13: {  	[smem:$0x3FB3] =	sst s0;
	s0 =	simm.s32 @!p1 $0x0  }
0x14: {  	s2 =	sld [smem:$0x3F97];
	s0 =	simm.s32 @p1 $0x1  }
0x15: {  	[smem:$0x3FB4] =	sst s0;
	s0 =	simm.s32 @!p2 $0x0  }
0x16: {  	s3 =	sld [smem:$0x3FDB];
	s0 =	simm.s32 @p2 $0x1  }
0x17: {  	s4 =	simm.s32 $0x1BF5;
	[smem:$0x3FB6] =	sst s0  }
0x18: {  	s0 =	sld [smem:$0x3F99];
	_ =	swait.ge [sflag:s4], $0x0  }
0x19: {  	s7 =	sld [smem:$0x3F9A]  }
0x1a: {  	s8 =	sadd.s32 $0xFFFFE003, lr  }
0x1b: {  	s9 =	sadd.s32 $0xFFFFFEF7, lr;
	s5 =	simm.s32 $0xFFFFFFFF;
	p2 =	slt.u32 s8, $0xFFFFF086  }
0x1c: {  	p1 =	slt.u32 s9, $0xF7A;
	s5 =	simm.s32 @!p2 $0x0  }
0x1d: {  	s5 =	simm.s32 @p1 $0x1;
	p0 =	seq.s32 s7, s2  }
0x1e: {  	s7 =	smul.u32 @!p0 $0xF7A, s2;
	p2 =	seq.s32 @!p0 s5, $0x0  }
0x1f: {  	s9 =	smul.u32 $0xF7A, s1;
	s8 =	simm.s32 @!p0 $0x1BF5;
	p2 =	por !p2, p0  }
0x20: {  	[sflag:s8] =	ssyncset.s32 @!p0 $0xFFFFF086;
	s6 =	sadd.s32 @!p0 s3, s7;
	s7 =	simm.s32 @!p0 $0x108  }
0x21: {  	s3 =	sadd.s32 s3, s9;
	s6 =	sadd.s32 @!p0 $0x88, s6;
	s7 =	simm.s32 @p2 $0x1082  }
0x22: {  	[simem:s7], [sflag:s8] =	dma.local @!p0 [hbm:s6], $0xF7A  }
0x23: {  	s9 =	sor.u32 $0xD0000000, s2;
	s6 =	simm.s32 $0x108;
	_ =	swait.ge @!p0 [sflag:s8], $0x0  }
0x24: {  	s3 =	sadd.s32 $0x88, s3;
	s6 =	simm.s32 @!p1 $0x1082;
	[sflag:s4] =	ssyncset.s32 $0xFFFFF086  }
0x25: {  	[simem:s6], [sflag:s4] =	dma.local [hbm:s3], $0xF7A  }
0x26: {  	[smem:$0x3F9A] =	sst s1;
	(tag) =	ssettag s2;
	_ =	strace s9  }
0x27: {  	s1 =	sld [smem:$0x3FAA]  }
0x28: {  	s2 =	sld [smem:$0x3FAB]  }
0x29: {  	s4 =	sld [smem:$0x3FAD]  }
0x2a: {  	p0 =	seq.s32 s5, $0x0;
	s5 =	sld [smem:$0x3FAE]  }
0x2b: {  	s6 =	sld [smem:$0x3FAF]  }
0x2c: {  	s7 =	sld [smem:$0x3FB0]  }
0x2d: {  	s3 =	simm.s32 $0x108;
	s8 =	sld [smem:$0x3FB1]  }
0x2e: {  	s3 =	simm.s32 @!p0 $0x1082;
	s9 =	sld [smem:$0x3FB2]  }
0x2f: {  	lr =	sadd.s32 s0, s3;
	s0 =	sld [smem:$0x3FA9]  }
0x30: {  	s3 =	sld [smem:$0x3FAC]  }
0x31: {  	[smem:$0x3FB5] =	sst s10  }
0x32: {  	s10 =	sld [smem:$0x3FB3];
	_ =	sdelay $0x3  }
0x33: {  	p0 =	seq.s32 s10, $0x1;
	s10 =	sld [smem:$0x3FB5];
	_ =	sdelay $0x3  }
0x34: {  	[smem:$0x3FB5] =	sst s10  }
0x35: {  	s10 =	sld [smem:$0x3FB4];
	_ =	sdelay $0x3  }
0x36: {  	p1 =	seq.s32 s10, $0x1;
	s10 =	sld [smem:$0x3FB5];
	_ =	sdelay $0x3  }
0x37: {  	[smem:$0x3FB5] =	sst s10  }
0x38: {  	s10 =	sld [smem:$0x3FB6]  }
0x39: {  	_ = 	snop;
	(pc) =	sbr.ind lr, $3  }
0x3a: {  	_ = 	snop  }
0x3b: {  	_ = 	snop  }
0x3c: {  	p2 =	seq.s32 s10, $0x1;
	s10 =	sld [smem:$0x3FB5]  }
0x3d: {  	_ =	shalt  }
0x3e: {  	_ =	shalt  }
0x3f: {  	_ =	shalt  }
0x40: {  	_ =	shalt  }
0x41: {  	_ =	shalt  }
0x42: {  	_ =	shalt  }
0x43: {  	_ =	shalt  }
0x44: {  	_ =	shalt  }
0x45: {  	_ =	shalt  }
0x46: {  	_ =	shalt  }
0x47: {  	_ =	shalt  }
0x48: {  	_ =	shalt  }
0x49: {  	_ =	shalt  }
0x4a: {  	_ =	shalt  }
0x4b: {  	_ =	shalt  }
0x4c: {  	_ =	shalt  }
0x4d: {  	_ =	shalt  }
0x4e: {  	_ =	shalt  }
0x4f: {  	_ =	shalt  }
0x50: {  	_ =	shalt  }
0x51: {  	_ =	shalt  }
0x52: {  	_ =	shalt  }
0x53: {  	_ =	shalt  }
0x54: {  	_ =	shalt  }
0x55: {  	_ =	shalt  }
0x56: {  	_ =	shalt  }
0x57: {  	_ =	shalt  }
0x58: {  	_ =	shalt  }
0x59: {  	_ =	shalt  }
0x5a: {  	_ =	shalt  }
0x5b: {  	_ =	shalt  }
0x5c: {  	_ =	shalt  }
0x5d: {  	_ =	shalt  }
0x5e: {  	_ =	shalt  }
0x5f: {  	_ =	shalt  }
0x60: {  	_ =	shalt  }
0x61: {  	_ =	shalt  }
0x62: {  	_ =	shalt  }
0x63: {  	_ =	shalt  }
0x64: {  	_ =	shalt  }
0x65: {  	_ =	shalt  }
0x66: {  	_ =	shalt  }
0x67: {  	_ =	shalt  }
0x68: {  	_ =	shalt  }
0x69: {  	_ =	shalt  }
0x6a: {  	_ =	shalt  }
0x6b: {  	_ =	shalt  }
0x6c: {  	_ =	shalt  }
0x6d: {  	_ =	shalt  }
0x6e: {  	_ =	shalt  }
0x6f: {  	_ =	shalt  }
0x70: {  	_ =	shalt  }
0x71: {  	_ =	shalt  }
0x72: {  	_ =	shalt  }
0x73: {  	_ =	shalt  }
0x74: {  	_ =	shalt  }
0x75: {  	_ =	shalt  }
0x76: {  	_ =	shalt  }
0x77: {  	_ =	shalt  }
0x78: {  	_ =	shalt  }
0x79: {  	_ =	shalt  }
0x7a: {  	_ =	shalt  }
0x7b: {  	_ =	shalt  }
0x7c: {  	_ =	shalt  }
0x7d: {  	_ =	shalt  }
0x7e: {  	_ =	shalt  }
0x7f: {  	_ =	shalt  }
0x80: {  	_ =	shalt  }
0x81: {  	_ =	shalt  }
0x82: {  	_ =	shalt  }
0x83: {  	_ =	shalt  }
0x84: {  	_ =	shalt  }
0x85: {  	_ =	shalt  }
0x86: {  	_ =	shalt  }
0x87: {  	_ =	shalt  }
.Lfunc_end0:
.L_simem_size_0:
called_computation.3_lowered:
.L_overlay_start_0:
0x88: {  	s2 =	sld [smem:$0x3FD9]  }
0x89: {  	s3 =	sld [smem:$0x3FFE];
	_ =	sdelay $0x1  }
0x8a: {  	s1 =	srdreg.scid  }
0x8b: {  	s0 =	sand.u32 $0x1, s1  }
0x8c: {  	s16 =	sshll.u32 s0, $0xA;
	s2 =	sadd.s32 s3, s2  }
0x8d: {  	s2 =	sadd.s32 s2, s16  }
0x8e: {  	[smem:$0x3FC1] =	sst s2  }
0x8f: {  	_ = 	snop  }
0x90: {  	(tm) =	ssettm $0x1  }
0x91: {  	s17 =	sld [smem:$0x3FFB];
	_ =	sdelay $0x3  }
0x92: {  	_ =	strace s17  }
0x93: {  	s2 =	sld [smem:$0x3FFC];
	_ =	sdelay $0x3  }
0x94: {  	_ =	strace s2  }
0x95: {  	s2 =	sld [smem:$0x3FFD];
	_ =	sdelay $0x3  }
0x96: {  	_ =	strace s2  }
0x97: {  	_ =	strace $0x8FFFFFFF  }
0x98: {  	s18 =	sld [smem:$0x3FDB];
	_ =	sdelay $0x1  }
0x99: {  	s19 =	simm.s32 $_scs_section_size  }
0x9a: {  	s4 =	simm.s32 $_size__tile_overlayer_lowered;
	s5 =	simm.s32 $_tile_overlayer_lowered  }
0x9b: {  	s22 =	simm.s32 $0x1BFF;
	s21 =	sshll.u32 s5, $0x1;
	s2 =	sadd.s32 s19, s18  }
0x9c: {  	s6 =	simm.s32 $0x0;
	s20 =	sshll.u32 s4, $0x1;
	s4 =	sadd.s32 s21, s2  }
0x9d: {  	[timem:s6], [sflag:s22] =	dma.local [hbm:s4], s20  }
0x9e: {  	_ =	swait.ge [sflag:s22], s20  }
0x9f: {  	s3 =	ssub.s32 $0x0, s20;
	[sflag:s22] =	ssyncset.done $0x0  }
0xa0: {  	[sflag:s22] =	ssyncadd.s32 s3;
	_ =	sdelay $0x1  }
0xa1: {  	s23 =	simm.s32 $0x1B8B  }
0xa2: {  	_ =	swait.ge [sflag:s23], $0x1  }
0xa3: {  	[sflag:s23] =	ssyncset.done $0x0  }
0xa4: {  	s25 =	simm.s32 $0x1B8E;
	s24 =	sld [smem:$0x3FFE];
	[sflag:s23] =	ssyncadd.s32 $0xFFFFFFFF  }
0xa5: {  	s26 =	simm.s32 $execute0_lowered;
	[smem:$0x3FD2] =	sst s25  }
0xa6: {  	s4 =	sshll.u32 s26, $0x1;
	_ =	strace $0x8000004F;
	[dreg:$0x1] =	wrdreg $0xFFFFFFFF  }
0xa7: {  	s28 =	simm.s32 $_size_execute0_lowered;
	s2 =	sadd.s32 s2, s4;
	[dreg:$0x0] =	wrdreg $0x0  }
0xa8: {  	s4 =	sshll.u32 s28, $0x1;
	[dreg:$0x2] =	wrdreg s2  }
0xa9: {  	[dreg:$0x3] =	wrdreg s4  }
0xaa: {  	[dreg:$0x4] =	wrdreg $0xC0  }
0xab: {  	_ =	task [dreg:s6], $0x5FFFF  }
0xac: {  	[dreg:$0x1] =	wrdreg $0xFFFFFFFF  }
0xad: {  	[dreg:$0x0] =	wrdreg $0x60  }
0xae: {  	[dreg:$0x2] =	wrdreg s24  }
0xaf: {  	[dreg:$0x3] =	wrdreg $0x9  }
0xb0: {  	_ =	task.clear_ibuf [dreg:s6], $0x4FFFF;
	_ =	strace $0x9000004F  }
0xb1: {  	s29 =	simm.s32 $0x9;
	_ =	strace $0x80000051  }
0xb2: {  	_ =	swait.ge [sflag:s29], $0x1  }
0xb3: {  	[sflag:s29] =	ssyncadd.s32 $0xFFFFFFFF  }
0xb4: {  	_ =	strace $0x90000051  }
0xb5: {  	_ =	sfence  }
0xb6: {  	s30 =	sld [smem:$0x0];
	_ =	sdelay $0x2  }
0xb7: {  	s31 =	sshll.u32 s1, $0xD;
	s1 =	sshrl.u32 s1, $0x2  }
0xb8: {  	s3 =	sand.u32 $0x4000, s31;
	s1 =	sadd.s32 s1, s30  }
0xb9: {  	s0 =	sor.u32 s3, s0;
	s1 =	sshll.u32 s1, $0x11  }
0xba: {  	s0 =	sor.u32 s1, s0  }
0xbb: {  	s0 =	sadd.s32 $0x8F2B, s0  }
0xbc: {  	[sflag:s0] =	ssyncadd.remote.s32 $0x1  }
0xbd: {  	_ =	sfence.sel $0xFFFF  }
0xbe: {  	[dreg:$0x0] =	wrdreg $0xFFFFFFFF;
	(pc) =	sbr.abs _section_cstart, $3  }
0xbf: {  	[dreg:$0x1] =	wrdreg $0xFFFFFFFF  }
0xc0: {  	_ =	task.clear_ibuf [dreg:s6], $0x2FFFF;
	_ =	strace $0x9FFFFFFF  }
0xc1: {  	(tm) =	ssettm $0x7FFFFFFF  }
tec
execute0_lowered:
.L_overlay_start_1:
0x0: {  	(tag) =	ssettag $0x1  }
0x1: {  	s6 =	rddreg [dreg:$0x0];
	s2 =	simm.s32 $0x0;
	s0 =	stileid.u32  }
0x2: {  	s5 =	srdreg.scid;
	s14 =	simm.s32 $0x100;
	s15 =	simm.s32 $0x50  }
0x3: {  	s18 =	simm.s32 $0x0;
	[smem:$0x7FF] =	sst s2;
	s3 =	sadd.s32 $0x3A00, s6  }
0x4: {  	s4 =	sadd.s32 $0x1A00, s6;
	s7 =	smul.u32 $0xA00, s0;
	s8 =	sand.u32 $0x1, s5  }
0x5: {  	s5 =	sadd.s32 $0x2A00, s6;
	s10 =	sshll.u32 s0, $0x1;
	s9 =	ssub.s32 $0x2, s8  }
0x6: {  	s12 =	smul.u32 $0x500, s8;
	s11 =	sadd.s32 s7, s6;
	s6 =	sor.u32 s8, s10  }
0x7: {  	_ =	strace $0x80000050;
	s30 =	sshrl.u32 s9, $0x1;
	s10 =	sshll.u32 s6, $0x4  }
0x8: {  	s9 =	ssub.s32 s9, s30;
	s12 =	sadd.s32 s12, s11;
	s31 =	sadd.s32 s4, s10  }
0x9: {  	s8 =	sadd.s32 s5, s10;
	s13 =	sand.u32 $0x70, s10;
	s9 =	smax.u32 s9, $0x1  }
0xa: {  	s10 =	sor.u32 $0x200, s10;
	s11 =	sadd.s32 $0x2AC00, s12;
	[dreg:$0x3] =	wrdreg s31  }
0xb: {  	s12 =	sadd.s32 $0x78E00, s12;
	[dreg:$0x2] =	wrdreg s13;
	s13 =	simm.s32 $0x3  }
.LBB2_1:
0xc: {  	s0 =	rddreg [dreg:$0x3]  }
0xd: {  	[tilespmem:s2], [sflag:$0x3] =	stream.linear.gather [hbm4b:s0+s2], $0x80, $0x38;
	[tilespmem:$0xA200] =	vst v63  }
0xe: {  	_ =	swait.ge [sflag:s13], $0x80  }
0xf: {  	[sflag:s13] =	ssyncset.done $0x0  }
0x10: {  	s30 =	simm.s32 $0x200;
	s19 =	sadd.s32 $0x0, s6;
	[sflag:s13] =	ssyncadd.s32 $0xFFFFFF80  }
0x11: {  	[tilespmem:s14], [sflag:$0x3] =	stream.linear.gather [hbm4b:s8+s2], $0x80, $0x38;
	[tilespmem:$0xA200] =	vst v63  }
0x12: {  	s31 =	simm.s32 $0x5200;
	s20 =	sadd.s32 $0x20, s19;
	_ =	swait.ge [sflag:s13], $0x80  }
0x13: {  	p1 =	sgt.u32 s20, $0xF9;
	s20 =	sand.u32 $0x1, s2;
	[sflag:s13] =	ssyncset.done $0x0  }
0x14: {  	s22 =	sand.u32 @!p1 $0xF80, s10;
	s21 =	rddreg [dreg:$0x2];
	[sflag:s13] =	ssyncadd.s32 $0xFFFFFF80  }
0x15: {  	[tilespmem:s30], [sflag:$0x1] =	stream.indirect.gather [hbm4b:s3+s15], $0x80, s2, s15, $0xb8;
	[tilespmem:$0xA200] =	vst v63  }
0x16: {  	s23 =	sxor.u32 @!p1 $0x1, s20;
	s26 =	simm.s32 @!p1 $0x0;
	s21 =	sor.u32 @!p1 s21, s22  }
0x17: {  	[tilespmem:s31], [sflag:$0x1] =	stream.indirect.gather [hbm4b:s3+s15], $0x80, s14, s15, $0xb8;
	[tilespmem:$0xA200] =	vst v63  }
0x18: {  	s24 =	sshll.u32 @!p1 s23, $0x7;
	s22 =	simm.s32 @!p1 $0x4;
	s25 =	sadd.s32 @!p1 s4, s21  }
0x19: {  	[tilespmem:s24], [sflag:$0x4] =	stream.linear.gather @!p1 [hbm4b:s25+s26], $0x80, $0x38;
	[tilespmem:$0xA200] =	vst v63  }
0x1a: {  	_ =	swait.ge @!p1 [sflag:s22], $0x80  }
0x1b: {  	s28 =	sor.u32 @!p1 $0x100, s24;
	[sflag:s22] =	ssyncset.done @!p1 $0x0  }
0x1c: {  	s21 =	sadd.s32 @!p1 s5, s21;
	s25 =	smul.u32 @!p1 $0x2800, s23;
	[sflag:s22] =	ssyncadd.s32 @!p1 $0xFFFFFF80  }
0x1d: {  	[tilespmem:s28], [sflag:$0x4] =	stream.linear.gather @!p1 [hbm4b:s21+s26], $0x80, $0x38;
	[tilespmem:$0xA200] =	vst v63  }
0x1e: {  	_ =	swait.ge @!p1 [sflag:s22], $0x80  }
0x1f: {  	p0 =	sgt.u32 s19, $0xF9;
	s21 =	sor.u32 @!p1 $0x200, s25;
	[sflag:s22] =	ssyncset.done @!p1 $0x0  }
0x20: {  	[sflag:s22] =	ssyncadd.s32 @!p1 $0xFFFFFF80;
	s22 =	sadd.s32 @!p1 $0x1, s23;
	s23 =	simm.s32 @!p1 $0x50  }
0x21: {  	[tilespmem:s21], [sflag:s22] =	stream.indirect.gather @!p1 [hbm4b:s3+s23], $0x80, s24, s23, $0xb8;
	[tilespmem:$0xA200] =	vst v63  }
0x22: {  	s19 =	sadd.s32 @!p0 $0x1, s20;
	s21 =	sadd.s32 @!p1 $0x5200, s25  }
0x23: {  	[tilespmem:s21], [sflag:s22] =	stream.indirect.gather @!p1 [hbm4b:s3+s23], $0x80, s28, s23, $0xb8;
	[tilespmem:$0xA200] =	vst v63  }
0x24: {  	_ =	swait.ge @!p0 [sflag:s19], $0x2800  }
0x25: {  	[sflag:s19] =	ssyncset.done @!p0 $0x0  }
0x26: {  	s20 =	smul.u32 @!p0 $0x2800, s20;
	[sflag:s19] =	ssyncadd.s32 @!p0 $0xFFFFD800  }
0x27: {  	_ =	swait.ge @!p0 [sflag:s19], $0x2800  }
0x28: {  	s21 =	sor.u32 @!p0 $0x200, s20;
	[sflag:s19] =	ssyncset.done @!p0 $0x0  }
0x29: {  	s22 =	simm.s32 @!p0 $0x0;
	s23 =	simm.s32 @!p0 $0x4;
	[sflag:s19] =	ssyncadd.s32 @!p0 $0xFFFFD800  }
0x2a: {  	[hbm4b:s11+s22] =	stream.linear.scatter @!p0 [tilespmem:s21], [sflag:$0x4], $0x2800, $0x38;
	[tilespmem:$0xA200] =	vst v63  }
0x2b: {  	s24 =	sadd.s32 $0x20, s6;
	s20 =	sadd.s32 @!p0 $0x5200, s20;
	_ =	swait.ge @!p0 [sflag:s23], $0x2800  }
0x2c: {  	s28 =	simm.s32 @!p0 $0x3;
	s19 =	sadd.s32 $0xA000, s12;
	[sflag:s23] =	ssyncset.done @!p0 $0x0  }
0x2d: {  	s21 =	simm.s32 $0x40;
	[sflag:s23] =	ssyncadd.s32 @!p0 $0xFFFFD800;
	s23 =	sadd.s32 $0x200, s10  }
0x2e: {  	[hbm4b:s12+s22] =	stream.linear.scatter @!p0 [tilespmem:s20], [sflag:$0x3], $0x2800, $0x38;
	[tilespmem:$0xA200] =	vst v63  }
0x2f: {  	s22 =	simm.s32 $0x1;
	s20 =	sadd.s32 $0xA000, s11;
	_ =	swait.ge @!p0 [sflag:s28], $0x2800  }
.LBB2_2:
0x30: {  	s29 =	sadd.s32 $0x20, s24  }
0x31: {  	s30 =	rddreg [dreg:$0x2];
	[sflag:s28] =	ssyncset.done @!p0 $0x0;
	p2 =	sgt.u32 s29, $0xF9  }
0x32: {  	s31 =	sand.u32 $0x1, s22;
	[sflag:s28] =	ssyncadd.s32 @!p0 $0xFFFFD800;
	s29 =	sand.u32 @!p2 $0xF80, s23  }
0x33: {  	s28 =	sxor.u32 @!p2 $0x1, s31;
	s17 =	simm.s32 @!p2 $0x0;
	s29 =	sor.u32 @!p2 s30, s29  }
0x34: {  	s30 =	simm.s32 @!p2 $0x4;
	s1 =	sshll.u32 @!p2 s28, $0x7;
	s16 =	sadd.s32 @!p2 s4, s29  }
0x35: {  	[tilespmem:s1], [sflag:$0x4] =	stream.linear.gather @!p2 [hbm4b:s16+s17], $0x80, $0x38;
	[tilespmem:$0xA200] =	vst v63  }
0x36: {  	_ =	swait.ge @!p2 [sflag:s30], $0x80  }
0x37: {  	s0 =	smul.u32 @!p2 $0x2800, s28;
	[sflag:s30] =	ssyncset.done @!p2 $0x0  }
0x38: {  	s7 =	sor.u32 @!p2 $0x100, s1;
	s16 =	sadd.s32 @!p2 s5, s29;
	[sflag:s30] =	ssyncadd.s32 @!p2 $0xFFFFFF80  }
0x39: {  	[tilespmem:s7], [sflag:$0x4] =	stream.linear.gather @!p2 [hbm4b:s16+s17], $0x80, $0x38;
	[tilespmem:$0xA200] =	vst v63  }
0x3a: {  	_ =	swait.ge @!p2 [sflag:s30], $0x80  }
0x3b: {  	s29 =	sor.u32 @!p2 $0x200, s0;
	[sflag:s30] =	ssyncset.done @!p2 $0x0  }
0x3c: {  	s16 =	sadd.s32 @!p2 $0x1, s28;
	s17 =	simm.s32 @!p2 $0x50;
	[sflag:s30] =	ssyncadd.s32 @!p2 $0xFFFFFF80  }
0x3d: {  	[tilespmem:s29], [sflag:s16] =	stream.indirect.gather @!p2 [hbm4b:s3+s17], $0x80, s1, s17, $0xb8;
	[tilespmem:$0xA200] =	vst v63  }
0x3e: {  	p0 =	sgt.u32 s24, $0xF9;
	s0 =	sadd.s32 @!p2 $0x5200, s0  }
0x3f: {  	[tilespmem:s0], [sflag:s16] =	stream.indirect.gather @!p2 [hbm4b:s3+s17], $0x80, s7, s17, $0xb8;
	[tilespmem:$0xA200] =	vst v63  }
0x40: {  	s0 =	sadd.s32 @!p0 $0x1, s31  }
0x41: {  	_ =	swait.ge @!p0 [sflag:s0], $0x2800  }
0x42: {  	s25 =	smov.u32 s21;
	[sflag:s0] =	ssyncset.done @!p0 $0x0  }
0x43: {  	s21 =	sadd.s32 $0x20, s21;
	s1 =	smul.u32 @!p0 $0x2800, s31;
	[sflag:s0] =	ssyncadd.s32 @!p0 $0xFFFFD800  }
0x44: {  	p1 =	sne.s32 s21, $0x100;
	_ =	swait.ge @!p0 [sflag:s0], $0x2800  }
0x45: {  	s7 =	sadd.s32 @!p0 $0x5200, s1;
	s1 =	sor.u32 @!p0 $0x200, s1;
	[sflag:s0] =	ssyncset.done @!p0 $0x0  }
0x46: {  	s16 =	simm.s32 @!p0 $0x0;
	[sflag:s0] =	ssyncadd.s32 @!p0 $0xFFFFD800;
	s0 =	simm.s32 @!p0 $0x4  }
0x47: {  	[hbm4b:s20+s16] =	stream.linear.scatter @!p0 [tilespmem:s1], [sflag:$0x4], $0x2800, $0x38;
	[tilespmem:$0xA200] =	vst v63  }
.Ltmp0:
0x48: {  	s26 =	smov.u32 s19;
	_ =	swait.ge @!p0 [sflag:s0], $0x2800;
	(pc) =	sbr.rel @p1 .LBB2_2-.Ltmp0, $4  }
0x49: {  	s19 =	sadd.s32 $0xA000, s19;
	s22 =	sadd.s32 $0x1, s22;
	[sflag:s0] =	ssyncset.done @!p0 $0x0  }
0x4a: {  	s24 =	sadd.s32 s25, s6;
	s28 =	simm.s32 @!p0 $0x3;
	[sflag:s0] =	ssyncadd.s32 @!p0 $0xFFFFD800  }
0x4b: {  	[hbm4b:s26+s16] =	stream.linear.scatter @!p0 [tilespmem:s7], [sflag:$0x3], $0x2800, $0x38;
	[tilespmem:$0xA200] =	vst v63  }
0x4c: {  	s23 =	sadd.s32 $0x200, s23;
	s20 =	sadd.s32 $0xA000, s20;
	_ =	swait.ge @!p0 [sflag:s28], $0x2800  }
0x4d: {  	s0 =	sadd.s32 $0x20, s24  }
0x4e: {  	s1 =	rddreg [dreg:$0x2];
	[sflag:s28] =	ssyncset.done @!p0 $0x0;
	p1 =	sgt.u32 s0, $0xF9  }
0x4f: {  	s0 =	sand.u32 $0x1, s22;
	[sflag:s28] =	ssyncadd.s32 @!p0 $0xFFFFD800;
	s7 =	sand.u32 @!p1 $0xF80, s23  }
0x50: {  	s16 =	sxor.u32 @!p1 $0x1, s0;
	s22 =	simm.s32 @!p1 $0x0;
	s1 =	sor.u32 @!p1 s1, s7  }
0x51: {  	s7 =	simm.s32 @!p1 $0x4;
	s17 =	sshll.u32 @!p1 s16, $0x7;
	s21 =	sadd.s32 @!p1 s4, s1  }
0x52: {  	[tilespmem:s17], [sflag:$0x4] =	stream.linear.gather @!p1 [hbm4b:s21+s22], $0x80, $0x38;
	[tilespmem:$0xA200] =	vst v63  }
0x53: {  	_ =	swait.ge @!p1 [sflag:s7], $0x80  }
0x54: {  	s1 =	sadd.s32 @!p1 s5, s1;
	[sflag:s7] =	ssyncset.done @!p1 $0x0  }
0x55: {  	s23 =	sor.u32 @!p1 $0x100, s17;
	s21 =	smul.u32 @!p1 $0x2800, s16;
	[sflag:s7] =	ssyncadd.s32 @!p1 $0xFFFFFF80  }
0x56: {  	[tilespmem:s23], [sflag:$0x4] =	stream.linear.gather @!p1 [hbm4b:s1+s22], $0x80, $0x38;
	[tilespmem:$0xA200] =	vst v63  }
0x57: {  	_ =	swait.ge @!p1 [sflag:s7], $0x80  }
0x58: {  	s1 =	sor.u32 @!p1 $0x200, s21;
	[sflag:s7] =	ssyncset.done @!p1 $0x0  }
0x59: {  	[sflag:s7] =	ssyncadd.s32 @!p1 $0xFFFFFF80;
	s7 =	sadd.s32 @!p1 $0x1, s16;
	s16 =	simm.s32 @!p1 $0x50  }
0x5a: {  	[tilespmem:s1], [sflag:s7] =	stream.indirect.gather @!p1 [hbm4b:s3+s16], $0x80, s17, s16, $0xb8;
	[tilespmem:$0xA200] =	vst v63  }
0x5b: {  	p0 =	sgt.u32 s24, $0xF9;
	s1 =	sadd.s32 @!p1 $0x5200, s21  }
0x5c: {  	[tilespmem:s1], [sflag:s7] =	stream.indirect.gather @!p1 [hbm4b:s3+s16], $0x80, s23, s16, $0xb8;
	[tilespmem:$0xA200] =	vst v63  }
0x5d: {  	s1 =	sadd.s32 @!p0 $0x1, s0  }
0x5e: {  	_ =	swait.ge @!p0 [sflag:s1], $0x2800  }
0x5f: {  	[sflag:s1] =	ssyncset.done @!p0 $0x0  }
0x60: {  	[sflag:s1] =	ssyncadd.s32 @!p0 $0xFFFFD800  }
0x61: {  	s0 =	smul.u32 @!p0 $0x2800, s0;
	_ =	swait.ge @!p0 [sflag:s1], $0x2800  }
0x62: {  	s16 =	simm.s32 @!p0 $0x0;
	[sflag:s1] =	ssyncset.done @!p0 $0x0  }
0x63: {  	s7 =	sor.u32 @!p0 $0x200, s0;
	[sflag:s1] =	ssyncadd.s32 @!p0 $0xFFFFD800;
	s1 =	simm.s32 @!p0 $0x4  }
0x64: {  	[hbm4b:s20+s16] =	stream.linear.scatter @!p0 [tilespmem:s7], [sflag:$0x4], $0x2800, $0x38;
	[tilespmem:$0xA200] =	vst v63  }
0x65: {  	s18 =	sadd.s32 $0x1, s18;
	_ =	swait.ge @!p0 [sflag:s1], $0x2800  }
0x66: {  	p1 =	sne.s32 s18, s9;
	s0 =	sadd.s32 @!p0 $0x5200, s0;
	[sflag:s1] =	ssyncset.done @!p0 $0x0  }
.Ltmp1:
0x67: {  	[sflag:s1] =	ssyncadd.s32 @!p0 $0xFFFFD800;
	s1 =	simm.s32 @!p0 $0x3;
	(pc) =	sbr.rel @p1 .LBB2_1-.Ltmp1, $4  }
0x68: {  	[hbm4b:s19+s16] =	stream.linear.scatter @!p0 [tilespmem:s0], [sflag:$0x3], $0x2800, $0x38;
	[tilespmem:$0xA200] =	vst v63  }
0x69: {  	_ =	swait.ge @!p0 [sflag:s1], $0x2800  }
0x6a: {  	[sflag:s1] =	ssyncset.done @!p0 $0x0  }
0x6b: {  	[sflag:s1] =	ssyncadd.s32 @!p0 $0xFFFFD800  }
0x6c: {  	_ =	sfence.sel $0x180000  }
0x6d: {  	[bflag:$0x0] =	sbarrier.arrive $0xFFFF  }
0x6e: {  	_ =	strace $0x90000050  }
0x6f: {  	s0 =	stileid.u32;
	[bflag:$0x2] =	sbarrier.arrive $0xFFFF  }
0x70: {  	p0 =	sne.s32 s0, $0x0;
	s0 =	rddreg [dreg:$0x1]  }
0x71: {  	s0 =	sadd.s32 @!p0 $0x100000, s0  }
0x72: {  	[sflag:s0] =	ssyncadd.tile.s32 @!p0 $0x1;
	_ =	shalt  }
.Lfunc_end2:
_tile_overlayer_lowered:
.L_overlay_start_2:
0x73: {  	(tag) =	ssettag $0x2  }
0x74: {  	s0 =	rddreg [dreg:$0x0];
	s2 =	stileid.u32  }
0x75: {  	s1 =	rddreg [dreg:$0x1];
	p0 =	sne.s32 s2, $0x0  }
0x76: {  	s3 =	rddreg [dreg:$0x2];
	[bflag:$0x3] =	sbarrier.arrive $0xFFFF;
	s2 =	simm.s32 @!p0 $0x1C03  }
0x77: {  	[timem:s3], [sflag:s2] =	dma.local @!p0 [hbm:s0], s1  }
0x78: {  	s0 =	simm.s32 @!p0 $0x3  }
0x79: {  	_ =	swait.ge @!p0 [sflag:s0], s1  }
0x7a: {  	s1 =	ssub.s32 @!p0 $0x0, s1;
	[sflag:s0] =	ssyncset.done @!p0 $0x0  }
0x7b: {  	[sflag:s0] =	ssyncadd.s32 @!p0 s1  }
0x7c: {  	[bflag:$0x3] =	sbarrier.arrive $0xFFFF  }
0x7d: {  	_ =	shalt  }

</sc_bundles>
